<compile_context>
chip_gen: v7x
topology: tpu7x:2x2x1
jax: 0.10.2.dev20260603
libtpu: 0.0.44.dev20260713+nightly
codegen_flags: <defaults>
</compile_context>

<pallas_src>
import jax
import jax.numpy as jnp
from jax import lax
from jax.experimental import pallas as pl
from jax.experimental.pallas import tpu as pltpu
from jax.experimental.pallas import tpu_sc as plsc

NTOKEN = 1000
BATCH, SEQ = 1024, 50
ROWS = BATCH * SEQ
NUM_CORES, NUM_SUBCORES, LANES = 2, 16, 16
NW = NUM_CORES * NUM_SUBCORES
ROWS_PER_W = ROWS // NW
TB = 32
NB = ROWS_PER_W // TB


def _sc_body(x_hbm, out_hbm, xv_ref, bufa_ref, bufb_ref, sema, semb):
    cid = lax.axis_index("c")
    sid = lax.axis_index("s")
    wid = sid * NUM_CORES + cid
    row_base = pl.multiple_of(wid * ROWS_PER_W, ROWS_PER_W)

    pltpu.sync_copy(x_hbm.at[pl.ds(row_base, ROWS_PER_W)], xv_ref)

    bufs = (bufa_ref, bufb_ref)
    sems = (sema, semb)

    zeros16 = jnp.zeros((LANES,), jnp.float32)

    def zrow(r, carry):
        for buf in bufs:
            for o in range(62):
                buf[r, pl.ds(o * LANES, LANES)] = zeros16
            buf[r, pl.ds(NTOKEN - LANES, LANES)] = zeros16
        return carry

    lax.fori_loop(0, TB, zrow, 0)

    lane = lax.iota(jnp.int32, LANES)

    def put(buf, b, value):
        for g in range(TB // LANES):
            c16 = xv_ref[pl.ds(b * TB + g * LANES, LANES)]
            col = jnp.clip(c16, 0, NTOKEN - 1)
            for j in range(LANES):
                cj = col[j]
                raw = c16[j]
                win = pl.multiple_of((cj >> 4) << 4, LANES)
                sel = (cj & 15) | ((raw >> 31) & 16)
                one16 = jnp.where(
                    lane == sel, jnp.float32(value), jnp.float32(0.0))
                buf[g * LANES + j, pl.ds(win, LANES)] = one16

    def block_dma(buf, b, sem):
        dst = out_hbm.at[pl.ds(row_base + pl.multiple_of(b * TB, TB), TB), :]
        return pltpu.make_async_copy(buf, dst, sem)

    @pl.loop(0, NB, step=2)
    def body(b0):
        for k in range(2):
            b = b0 + k
            buf, sem = bufs[k], sems[k]

            @pl.when(b0 > 0)
            def _():
                block_dma(buf, b, sem).wait()
                put(buf, b - 2, 0.0)

            put(buf, b, 1.0)
            block_dma(buf, b, sem).start()

    for k in range(2):
        block_dma(bufs[k], NB - 2 + k, sems[k]).wait()


@jax.jit
def _indicator(x):
    run = pl.kernel(
        _sc_body,
        out_type=jax.ShapeDtypeStruct((ROWS, NTOKEN), jnp.float32),
        mesh=plsc.VectorSubcoreMesh(core_axis_name="c", subcore_axis_name="s"),
        scratch_types=[
            pltpu.VMEM((ROWS_PER_W,), jnp.int32),
            pltpu.VMEM((TB, NTOKEN), jnp.float32),
            pltpu.VMEM((TB, NTOKEN), jnp.float32),
            pltpu.SemaphoreType.DMA,
            pltpu.SemaphoreType.DMA,
        ],
    )
    out2d = run(x.reshape(ROWS))
    return out2d.reshape(BATCH, SEQ, NTOKEN)


def kernel(x):
    return _indicator(x)

# --- scband reference (transcript-rebuilt; emitter-appended) ---
"""Pipeline reference for scband-indicator-25520695673053 (READ-ONLY COPY).

The authoritative reference and input builder live on the scoring server;
editing this copy changes nothing except your own understanding.
"""

import jax, jax.numpy as jnp
import numpy as np

NTOKEN = 1000
PADDING = -1


def setup_inputs(seed: int = 0) -> dict:
    key = jax.random.key(seed)
    x = jax.random.randint(key, (1024, 50), 0, NTOKEN)
    return {"x": x}


def reference(x):
    # Indicator (one-hot) encoding: out[b, l, v] = 1 iff x[b, l] == v,
    # with positions equal to the padding index mapped to all zeros.
    out = jax.nn.one_hot(x, NTOKEN, dtype=jnp.float32)
    ignore = (x == PADDING)[..., None]
    out = jnp.where(ignore, 0.0, out)
    return out

if __name__ == "__main__":
    import jax
    _d = setup_inputs()
    print(jax.jit(kernel)(*tuple(_d.values())))

</pallas_src>

<mosaic_0001>
#map = affine_map<(d0, d1) -> (0)>
#map1 = affine_map<(d0, d1) -> (0, 0)>
module attributes {stable_mosaic.version = 14 : i64} {
  func.func @_sc_body(%arg0: i32, %arg1: i32, %arg2: memref<51200xi32, #tpu.memory_space<hbm>>, %arg3: memref<51200x1000xf32, #tpu.memory_space<hbm>>, %arg4: memref<1600xi32, #tpu.memory_space<vmem>>, %arg5: memref<32x1000xf32, #tpu.memory_space<vmem>>, %arg6: memref<32x1000xf32, #tpu.memory_space<vmem>>, %arg7: memref<!tpu.dma_semaphore, #tpu.memory_space<semaphore_mem>>, %arg8: memref<!tpu.dma_semaphore, #tpu.memory_space<semaphore_mem>>) attributes {dimension_semantics = [#tpu.dimension_semantics<core_parallel>, #tpu.dimension_semantics<subcore_parallel>], iteration_bounds = array<i64: 2, 16>, scalar_prefetch = 0 : i64, scratch_operands = 5 : i64, tpu.core_type = #tpu.core_type<sc_vector_subcore>, window_params = [{transform_indices = #map}, {transform_indices = #map1}]} {
    %mul3A = arith.constant 2 : i32
    %mul3A_0 = arith.muli %arg1, %mul3A : i32
    %add3A = arith.addi %mul3A_0, %arg0 : i32
    %mul3A_1 = arith.constant 1600 : i32
    %mul3A_2 = arith.muli %add3A, %mul3A_1 : i32
    %multiple_of3A = tpu.assume_multiple %mul3A_2, 1600 : i32
    "tpu.region"() ({
      %run_scoped3A = tpu.sem_alloc : memref<!tpu.dma_semaphore, #tpu.memory_space<semaphore_mem>>
      %dma_start3A = tpu.memref_slice %arg2[%multiple_of3A] : memref<51200xi32, #tpu.memory_space<hbm>> -> memref<1600xi32, #tpu.memory_space<hbm>>
      %dma_start3A_27 = tpu.memref_slice %arg2[%multiple_of3A] : memref<51200xi32, #tpu.memory_space<hbm>> -> memref<1600xi32, #tpu.memory_space<hbm>>
      tpu.enqueue_dma source(%dma_start3A_27 : memref<1600xi32, #tpu.memory_space<hbm>>) target(%arg4 : memref<1600xi32, #tpu.memory_space<vmem>>) target_semaphore(%run_scoped3A : memref<!tpu.dma_semaphore, #tpu.memory_space<semaphore_mem>>)
      %dma_wait3A_28 = tpu.memref_slice %arg2[%multiple_of3A] : memref<51200xi32, #tpu.memory_space<hbm>> -> memref<1600xi32, #tpu.memory_space<hbm>>
      %dma_wait3A_29 = tpu.memref_slice %arg2[%multiple_of3A] : memref<51200xi32, #tpu.memory_space<hbm>> -> memref<1600xi32, #tpu.memory_space<hbm>>
      tpu.wait_dma2 semaphore(%run_scoped3A : memref<!tpu.dma_semaphore, #tpu.memory_space<semaphore_mem>>) src(%dma_wait3A_29 : memref<1600xi32, #tpu.memory_space<hbm>>) dst(%arg4 : memref<1600xi32, #tpu.memory_space<vmem>>)
      tpu.yield
    }) : () -> ()
    %broadcast_in_dim3A = arith.constant 0.000000e+00 : f32
    %broadcast_in_dim3A_3 = vector.broadcast %broadcast_in_dim3A : f32 to vector<16xf32>
    %scan3A = arith.constant 0 : i32
    %scan3A_4 = arith.constant 0 : i32
    %scan3A_5 = arith.constant 32 : i32
    %scan3A_6 = arith.addi %scan3A_4, %scan3A_5 : i32
    %scan3A_7 = arith.constant 1 : i32
    scf.for %scan3A_27 = %scan3A_4 to %scan3A_6 step %scan3A_7  : i32 {
      %swap3A = arith.index_cast %scan3A_27 : i32 to index
      %swap3A_28 = arith.constant 0 : index
      %swap3A_29 = tpu.vector_load %arg5[%swap3A, %swap3A_28] {strides = array<i32>} : memref<32x1000xf32, #tpu.memory_space<vmem>>, vector<1x16xf32>,
      %swap3A_30 = vector.shape_cast %swap3A_29 : vector<1x16xf32> to vector<16xf32>
      %swap3A_31 = vector.shape_cast %broadcast_in_dim3A_3 : vector<16xf32> to vector<1x16xf32>
      tpu.vector_store %arg5[%swap3A, %swap3A_28], %swap3A_31 {strides = array<i32>} : memref<32x1000xf32, #tpu.memory_space<vmem>>, vector<1x16xf32>,
      %swap3A_32 = arith.index_cast %scan3A_27 : i32 to index
      %swap3A_33 = arith.constant 16 : index
      %swap3A_34 = tpu.vector_load %arg5[%swap3A_32, %swap3A_33] {strides = array<i32>} : memref<32x1000xf32, #tpu.memory_space<vmem>>, vector<1x16xf32>,
      %swap3A_35 = vector.shape_cast %swap3A_34 : vector<1x16xf32> to vector<16xf32>
      %swap3A_36 = vector.shape_cast %broadcast_in_dim3A_3 : vector<16xf32> to vector<1x16xf32>
      tpu.vector_store %arg5[%swap3A_32, %swap3A_33], %swap3A_36 {strides = array<i32>} : memref<32x1000xf32, #tpu.memory_space<vmem>>, vector<1x16xf32>,
      %swap3A_37 = arith.index_cast %scan3A_27 : i32 to index
      %swap3A_38 = arith.constant 32 : index
      %swap3A_39 = tpu.vector_load %arg5[%swap3A_37, %swap3A_38] {strides = array<i32>} : memref<32x1000xf32, #tpu.memory_space<vmem>>, vector<1x16xf32>,
      %swap3A_40 = vector.shape_cast %swap3A_39 : vector<1x16xf32> to vector<16xf32>
      %swap3A_41 = vector.shape_cast %broadcast_in_dim3A_3 : vector<16xf32> to vector<1x16xf32>
      tpu.vector_store %arg5[%swap3A_37, %swap3A_38], %swap3A_41 {strides = array<i32>} : memref<32x1000xf32, #tpu.memory_space<vmem>>, vector<1x16xf32>,
      %swap3A_42 = arith.index_cast %scan3A_27 : i32 to index
      %swap3A_43 = arith.constant 48 : index
      %swap3A_44 = tpu.vector_load %arg5[%swap3A_42, %swap3A_43] {strides = array<i32>} : memref<32x1000xf32, #tpu.memory_space<vmem>>, vector<1x16xf32>,
      %swap3A_45 = vector.shape_cast %swap3A_44 : vector<1x16xf32> to vector<16xf32>
      %swap3A_46 = vector.shape_cast %broadcast_in_dim3A_3 : vector<16xf32> to vector<1x16xf32>
      tpu.vector_store %arg5[%swap3A_42, %swap3A_43], %swap3A_46 {strides = array<i32>} : memref<32x1000xf32, #tpu.memory_space<vmem>>, vector<1x16xf32>,
      %swap3A_47 = arith.index_cast %scan3A_27 : i32 to index
      %swap3A_48 = arith.constant 64 : index
      %swap3A_49 = tpu.vector_load %arg5[%swap3A_47, %swap3A_48] {strides = array<i32>} : memref<32x1000xf32, #tpu.memory_space<vmem>>, vector<1x16xf32>,
      %swap3A_50 = vector.shape_cast %swap3A_49 : vector<1x16xf32> to vector<16xf32>
      %swap3A_51 = vector.shape_cast %broadcast_in_dim3A_3 : vector<16xf32> to vector<1x16xf32>
      tpu.vector_store %arg5[%swap3A_47, %swap3A_48], %swap3A_51 {strides = array<i32>} : memref<32x1000xf32, #tpu.memory_space<vmem>>, vector<1x16xf32>,
      %swap3A_52 = arith.index_cast %scan3A_27 : i32 to index
      %swap3A_53 = arith.constant 80 : index
      %swap3A_54 = tpu.vector_load %arg5[%swap3A_52, %swap3A_53] {strides = array<i32>} : memref<32x1000xf32, #tpu.memory_space<vmem>>, vector<1x16xf32>,
      %swap3A_55 = vector.shape_cast %swap3A_54 : vector<1x16xf32> to vector<16xf32>
      %swap3A_56 = vector.shape_cast %broadcast_in_dim3A_3 : vector<16xf32> to vector<1x16xf32>
      tpu.vector_store %arg5[%swap3A_52, %swap3A_53], %swap3A_56 {strides = array<i32>} : memref<32x1000xf32, #tpu.memory_space<vmem>>, vector<1x16xf32>,
      %swap3A_57 = arith.index_cast %scan3A_27 : i32 to index
      %swap3A_58 = arith.constant 96 : index
      %swap3A_59 = tpu.vector_load %arg5[%swap3A_57, %swap3A_58] {strides = array<i32>} : memref<32x1000xf32, #tpu.memory_space<vmem>>, vector<1x16xf32>,
      %swap3A_60 = vector.shape_cast %swap3A_59 : vector<1x16xf32> to vector<16xf32>
      %swap3A_61 = vector.shape_cast %broadcast_in_dim3A_3 : vector<16xf32> to vector<1x16xf32>
      tpu.vector_store %arg5[%swap3A_57, %swap3A_58], %swap3A_61 {strides = array<i32>} : memref<32x1000xf32, #tpu.memory_space<vmem>>, vector<1x16xf32>,
      %swap3A_62 = arith.index_cast %scan3A_27 : i32 to index
      %swap3A_63 = arith.constant 112 : index
      %swap3A_64 = tpu.vector_load %arg5[%swap3A_62, %swap3A_63] {strides = array<i32>} : memref<32x1000xf32, #tpu.memory_space<vmem>>, vector<1x16xf32>,
      %swap3A_65 = vector.shape_cast %swap3A_64 : vector<1x16xf32> to vector<16xf32>
      %swap3A_66 = vector.shape_cast %broadcast_in_dim3A_3 : vector<16xf32> to vector<1x16xf32>
      tpu.vector_store %arg5[%swap3A_62, %swap3A_63], %swap3A_66 {strides = array<i32>} : memref<32x1000xf32, #tpu.memory_space<vmem>>, vector<1x16xf32>,
      %swap3A_67 = arith.index_cast %scan3A_27 : i32 to index
      %swap3A_68 = arith.constant 128 : index
      %swap3A_69 = tpu.vector_load %arg5[%swap3A_67, %swap3A_68] {strides = array<i32>} : memref<32x1000xf32, #tpu.memory_space<vmem>>, vector<1x16xf32>,
      %swap3A_70 = vector.shape_cast %swap3A_69 : vector<1x16xf32> to vector<16xf32>
      %swap3A_71 = vector.shape_cast %broadcast_in_dim3A_3 : vector<16xf32> to vector<1x16xf32>
      tpu.vector_store %arg5[%swap3A_67, %swap3A_68], %swap3A_71 {strides = array<i32>} : memref<32x1000xf32, #tpu.memory_space<vmem>>, vector<1x16xf32>,
      %swap3A_72 = arith.index_cast %scan3A_27 : i32 to index
      %swap3A_73 = arith.constant 144 : index
      %swap3A_74 = tpu.vector_load %arg5[%swap3A_72, %swap3A_73] {strides = array<i32>} : memref<32x1000xf32, #tpu.memory_space<vmem>>, vector<1x16xf32>,
      %swap3A_75 = vector.shape_cast %swap3A_74 : vector<1x16xf32> to vector<16xf32>
      %swap3A_76 = vector.shape_cast %broadcast_in_dim3A_3 : vector<16xf32> to vector<1x16xf32>
      tpu.vector_store %arg5[%swap3A_72, %swap3A_73], %swap3A_76 {strides = array<i32>} : memref<32x1000xf32, #tpu.memory_space<vmem>>, vector<1x16xf32>,
      %swap3A_77 = arith.index_cast %scan3A_27 : i32 to index
      %swap3A_78 = arith.constant 160 : index
      %swap3A_79 = tpu.vector_load %arg5[%swap3A_77, %swap3A_78] {strides = array<i32>} : memref<32x1000xf32, #tpu.memory_space<vmem>>, vector<1x16xf32>,
      %swap3A_80 = vector.shape_cast %swap3A_79 : vector<1x16xf32> to vector<16xf32>
      %swap3A_81 = vector.shape_cast %broadcast_in_dim3A_3 : vector<16xf32> to vector<1x16xf32>
      tpu.vector_store %arg5[%swap3A_77, %swap3A_78], %swap3A_81 {strides = array<i32>} : memref<32x1000xf32, #tpu.memory_space<vmem>>, vector<1x16xf32>,
      %swap3A_82 = arith.index_cast %scan3A_27 : i32 to index
      %swap3A_83 = arith.constant 176 : index
      %swap3A_84 = tpu.vector_load %arg5[%swap3A_82, %swap3A_83] {strides = array<i32>} : memref<32x1000xf32, #tpu.memory_space<vmem>>, vector<1x16xf32>,
      %swap3A_85 = vector.shape_cast %swap3A_84 : vector<1x16xf32> to vector<16xf32>
      %swap3A_86 = vector.shape_cast %broadcast_in_dim3A_3 : vector<16xf32> to vector<1x16xf32>
      tpu.vector_store %arg5[%swap3A_82, %swap3A_83], %swap3A_86 {strides = array<i32>} : memref<32x1000xf32, #tpu.memory_space<vmem>>, vector<1x16xf32>,
      %swap3A_87 = arith.index_cast %scan3A_27 : i32 to index
      %swap3A_88 = arith.constant 192 : index
      %swap3A_89 = tpu.vector_load %arg5[%swap3A_87, %swap3A_88] {strides = array<i32>} : memref<32x1000xf32, #tpu.memory_space<vmem>>, vector<1x16xf32>,
      %swap3A_90 = vector.shape_cast %swap3A_89 : vector<1x16xf32> to vector<16xf32>
      %swap3A_91 = vector.shape_cast %broadcast_in_dim3A_3 : vector<16xf32> to vector<1x16xf32>
      tpu.vector_store %arg5[%swap3A_87, %swap3A_88], %swap3A_91 {strides = array<i32>} : memref<32x1000xf32, #tpu.memory_space<vmem>>, vector<1x16xf32>,
      %swap3A_92 = arith.index_cast %scan3A_27 : i32 to index
      %swap3A_93 = arith.constant 208 : index
      %swap3A_94 = tpu.vector_load %arg5[%swap3A_92, %swap3A_93] {strides = array<i32>} : memref<32x1000xf32, #tpu.memory_space<vmem>>, vector<1x16xf32>,
      %swap3A_95 = vector.shape_cast %swap3A_94 : vector<1x16xf32> to vector<16xf32>
      %swap3A_96 = vector.shape_cast %broadcast_in_dim3A_3 : vector<16xf32> to vector<1x16xf32>
      tpu.vector_store %arg5[%swap3A_92, %swap3A_93], %swap3A_96 {strides = array<i32>} : memref<32x1000xf32, #tpu.memory_space<vmem>>, vector<1x16xf32>,
      %swap3A_97 = arith.index_cast %scan3A_27 : i32 to index
      %swap3A_98 = arith.constant 224 : index
      %swap3A_99 = tpu.vector_load %arg5[%swap3A_97, %swap3A_98] {strides = array<i32>} : memref<32x1000xf32, #tpu.memory_space<vmem>>, vector<1x16xf32>,
      %swap3A_100 = vector.shape_cast %swap3A_99 : vector<1x16xf32> to vector<16xf32>
      %swap3A_101 = vector.shape_cast %broadcast_in_dim3A_3 : vector<16xf32> to vector<1x16xf32>
      tpu.vector_store %arg5[%swap3A_97, %swap3A_98], %swap3A_101 {strides = array<i32>} : memref<32x1000xf32, #tpu.memory_space<vmem>>, vector<1x16xf32>,
      %swap3A_102 = arith.index_cast %scan3A_27 : i32 to index
      %swap3A_103 = arith.constant 240 : index
      %swap3A_104 = tpu.vector_load %arg5[%swap3A_102, %swap3A_103] {strides = array<i32>} : memref<32x1000xf32, #tpu.memory_space<vmem>>, vector<1x16xf32>,
      %swap3A_105 = vector.shape_cast %swap3A_104 : vector<1x16xf32> to vector<16xf32>
      %swap3A_106 = vector.shape_cast %broadcast_in_dim3A_3 : vector<16xf32> to vector<1x16xf32>
      tpu.vector_store %arg5[%swap3A_102, %swap3A_103], %swap3A_106 {strides = array<i32>} : memref<32x1000xf32, #tpu.memory_space<vmem>>, vector<1x16xf32>,
      %swap3A_107 = arith.index_cast %scan3A_27 : i32 to index
      %swap3A_108 = arith.constant 256 : index
      %swap3A_109 = tpu.vector_load %arg5[%swap3A_107, %swap3A_108] {strides = array<i32>} : memref<32x1000xf32, #tpu.memory_space<vmem>>, vector<1x16xf32>,
      %swap3A_110 = vector.shape_cast %swap3A_109 : vector<1x16xf32> to vector<16xf32>
      %swap3A_111 = vector.shape_cast %broadcast_in_dim3A_3 : vector<16xf32> to vector<1x16xf32>
      tpu.vector_store %arg5[%swap3A_107, %swap3A_108], %swap3A_111 {strides = array<i32>} : memref<32x1000xf32, #tpu.memory_space<vmem>>, vector<1x16xf32>,
      %swap3A_112 = arith.index_cast %scan3A_27 : i32 to index
      %swap3A_113 = arith.constant 272 : index
      %swap3A_114 = tpu.vector_load %arg5[%swap3A_112, %swap3A_113] {strides = array<i32>} : memref<32x1000xf32, #tpu.memory_space<vmem>>, vector<1x16xf32>,
      %swap3A_115 = vector.shape_cast %swap3A_114 : vector<1x16xf32> to vector<16xf32>
      %swap3A_116 = vector.shape_cast %broadcast_in_dim3A_3 : vector<16xf32> to vector<1x16xf32>
      tpu.vector_store %arg5[%swap3A_112, %swap3A_113], %swap3A_116 {strides = array<i32>} : memref<32x1000xf32, #tpu.memory_space<vmem>>, vector<1x16xf32>,
      %swap3A_117 = arith.index_cast %scan3A_27 : i32 to index
      %swap3A_118 = arith.constant 288 : index
      %swap3A_119 = tpu.vector_load %arg5[%swap3A_117, %swap3A_118] {strides = array<i32>} : memref<32x1000xf32, #tpu.memory_space<vmem>>, vector<1x16xf32>,
      %swap3A_120 = vector.shape_cast %swap3A_119 : vector<1x16xf32> to vector<16xf32>
      %swap3A_121 = vector.shape_cast %broadcast_in_dim3A_3 : vector<16xf32> to vector<1x16xf32>
      tpu.vector_store %arg5[%swap3A_117, %swap3A_118], %swap3A_121 {strides = array<i32>} : memref<32x1000xf32, #tpu.memory_space<vmem>>, vector<1x16xf32>,
      %swap3A_122 = arith.index_cast %scan3A_27 : i32 to index
      %swap3A_123 = arith.constant 304 : index
      %swap3A_124 = tpu.vector_load %arg5[%swap3A_122, %swap3A_123] {strides = array<i32>} : memref<32x1000xf32, #tpu.memory_space<vmem>>, vector<1x16xf32>,
      %swap3A_125 = vector.shape_cast %swap3A_124 : vector<1x16xf32> to vector<16xf32>
      %swap3A_126 = vector.shape_cast %broadcast_in_dim3A_3 : vector<16xf32> to vector<1x16xf32>
      tpu.vector_store %arg5[%swap3A_122, %swap3A_123], %swap3A_126 {strides = array<i32>} : memref<32x1000xf32, #tpu.memory_space<vmem>>, vector<1x16xf32>,
      %swap3A_127 = arith.index_cast %scan3A_27 : i32 to index
      %swap3A_128 = arith.constant 320 : index
      %swap3A_129 = tpu.vector_load %arg5[%swap3A_127, %swap3A_128] {strides = array<i32>} : memref<32x1000xf32, #tpu.memory_space<vmem>>, vector<1x16xf32>,
      %swap3A_130 = vector.shape_cast %swap3A_129 : vector<1x16xf32> to vector<16xf32>
      %swap3A_131 = vector.shape_cast %broadcast_in_dim3A_3 : vector<16xf32> to vector<1x16xf32>
      tpu.vector_store %arg5[%swap3A_127, %swap3A_128], %swap3A_131 {strides = array<i32>} : memref<32x1000xf32, #tpu.memory_space<vmem>>, vector<1x16xf32>,
      %swap3A_132 = arith.index_cast %scan3A_27 : i32 to index
      %swap3A_133 = arith.constant 336 : index
      %swap3A_134 = tpu.vector_load %arg5[%swap3A_132, %swap3A_133] {strides = array<i32>} : memref<32x1000xf32, #tpu.memory_space<vmem>>, vector<1x16xf32>,
      %swap3A_135 = vector.shape_cast %swap3A_134 : vector<1x16xf32> to vector<16xf32>
      %swap3A_136 = vector.shape_cast %broadcast_in_dim3A_3 : vector<16xf32> to vector<1x16xf32>
      tpu.vector_store %arg5[%swap3A_132, %swap3A_133], %swap3A_136 {strides = array<i32>} : memref<32x1000xf32, #tpu.memory_space<vmem>>, vector<1x16xf32>,
      %swap3A_137 = arith.index_cast %scan3A_27 : i32 to index
      %swap3A_138 = arith.constant 352 : index
      %swap3A_139 = tpu.vector_load %arg5[%swap3A_137, %swap3A_138] {strides = array<i32>} : memref<32x1000xf32, #tpu.memory_space<vmem>>, vector<1x16xf32>,
      %swap3A_140 = vector.shape_cast %swap3A_139 : vector<1x16xf32> to vector<16xf32>
      %swap3A_141 = vector.shape_cast %broadcast_in_dim3A_3 : vector<16xf32> to vector<1x16xf32>
      tpu.vector_store %arg5[%swap3A_137, %swap3A_138], %swap3A_141 {strides = array<i32>} : memref<32x1000xf32, #tpu.memory_space<vmem>>, vector<1x16xf32>,
      %swap3A_142 = arith.index_cast %scan3A_27 : i32 to index
      %swap3A_143 = arith.constant 368 : index
      %swap3A_144 = tpu.vector_load %arg5[%swap3A_142, %swap3A_143] {strides = array<i32>} : memref<32x1000xf32, #tpu.memory_space<vmem>>, vector<1x16xf32>,
      %swap3A_145 = vector.shape_cast %swap3A_144 : vector<1x16xf32> to vector<16xf32>
      %swap3A_146 = vector.shape_cast %broadcast_in_dim3A_3 : vector<16xf32> to vector<1x16xf32>
      tpu.vector_store %arg5[%swap3A_142, %swap3A_143], %swap3A_146 {strides = array<i32>} : memref<32x1000xf32, #tpu.memory_space<vmem>>, vector<1x16xf32>,
      %swap3A_147 = arith.index_cast %scan3A_27 : i32 to index
      %swap3A_148 = arith.constant 384 : index
      %swap3A_149 = tpu.vector_load %arg5[%swap3A_147, %swap3A_148] {strides = array<i32>} : memref<32x1000xf32, #tpu.memory_space<vmem>>, vector<1x16xf32>,
      %swap3A_150 = vector.shape_cast %swap3A_149 : vector<1x16xf32> to vector<16xf32>
      %swap3A_151 = vector.shape_cast %broadcast_in_dim3A_3 : vector<16xf32> to vector<1x16xf32>
      tpu.vector_store %arg5[%swap3A_147, %swap3A_148], %swap3A_151 {strides = array<i32>} : memref<32x1000xf32, #tpu.memory_space<vmem>>, vector<1x16xf32>,
      %swap3A_152 = arith.index_cast %scan3A_27 : i32 to index
      %swap3A_153 = arith.constant 400 : index
      %swap3A_154 = tpu.vector_load %arg5[%swap3A_152, %swap3A_153] {strides = array<i32>} : memref<32x1000xf32, #tpu.memory_space<vmem>>, vector<1x16xf32>,
      %swap3A_155 = vector.shape_cast %swap3A_154 : vector<1x16xf32> to vector<16xf32>
      %swap3A_156 = vector.shape_cast %broadcast_in_dim3A_3 : vector<16xf32> to vector<1x16xf32>
      tpu.vector_store %arg5[%swap3A_152, %swap3A_153], %swap3A_156 {strides = array<i32>} : memref<32x1000xf32, #tpu.memory_space<vmem>>, vector<1x16xf32>,
      %swap3A_157 = arith.index_cast %scan3A_27 : i32 to index
      %swap3A_158 = arith.constant 416 : index
      %swap3A_159 = tpu.vector_load %arg5[%swap3A_157, %swap3A_158] {strides = array<i32>} : memref<32x1000xf32, #tpu.memory_space<vmem>>, vector<1x16xf32>,
      %swap3A_160 = vector.shape_cast %swap3A_159 : vector<1x16xf32> to vector<16xf32>
      %swap3A_161 = vector.shape_cast %broadcast_in_dim3A_3 : vector<16xf32> to vector<1x16xf32>
      tpu.vector_store %arg5[%swap3A_157, %swap3A_158], %swap3A_161 {strides = array<i32>} : memref<32x1000xf32, #tpu.memory_space<vmem>>, vector<1x16xf32>,
      %swap3A_162 = arith.index_cast %scan3A_27 : i32 to index
      %swap3A_163 = arith.constant 432 : index
      %swap3A_164 = tpu.vector_load %arg5[%swap3A_162, %swap3A_163] {strides = array<i32>} : memref<32x1000xf32, #tpu.memory_space<vmem>>, vector<1x16xf32>,
      %swap3A_165 = vector.shape_cast %swap3A_164 : vector<1x16xf32> to vector<16xf32>
      %swap3A_166 = vector.shape_cast %broadcast_in_dim3A_3 : vector<16xf32> to vector<1x16xf32>
      tpu.vector_store %arg5[%swap3A_162, %swap3A_163], %swap3A_166 {strides = array<i32>} : memref<32x1000xf32, #tpu.memory_space<vmem>>, vector<1x16xf32>,
      %swap3A_167 = arith.index_cast %scan3A_27 : i32 to index
      %swap3A_168 = arith.constant 448 : index
      %swap3A_169 = tpu.vector_load %arg5[%swap3A_167, %swap3A_168] {strides = array<i32>} : memref<32x1000xf32, #tpu.memory_space<vmem>>, vector<1x16xf32>,
      %swap3A_170 = vector.shape_cast %swap3A_169 : vector<1x16xf32> to vector<16xf32>
      %swap3A_171 = vector.shape_cast %broadcast_in_dim3A_3 : vector<16xf32> to vector<1x16xf32>
      tpu.vector_store %arg5[%swap3A_167, %swap3A_168], %swap3A_171 {strides = array<i32>} : memref<32x1000xf32, #tpu.memory_space<vmem>>, vector<1x16xf32>,
      %swap3A_172 = arith.index_cast %scan3A_27 : i32 to index
      %swap3A_173 = arith.constant 464 : index
      %swap3A_174 = tpu.vector_load %arg5[%swap3A_172, %swap3A_173] {strides = array<i32>} : memref<32x1000xf32, #tpu.memory_space<vmem>>, vector<1x16xf32>,
      %swap3A_175 = vector.shape_cast %swap3A_174 : vector<1x16xf32> to vector<16xf32>
      %swap3A_176 = vector.shape_cast %broadcast_in_dim3A_3 : vector<16xf32> to vector<1x16xf32>
      tpu.vector_store %arg5[%swap3A_172, %swap3A_173], %swap3A_176 {strides = array<i32>} : memref<32x1000xf32, #tpu.memory_space<vmem>>, vector<1x16xf32>,
      %swap3A_177 = arith.index_cast %scan3A_27 : i32 to index
      %swap3A_178 = arith.constant 480 : index
      %swap3A_179 = tpu.vector_load %arg5[%swap3A_177, %swap3A_178] {strides = array<i32>} : memref<32x1000xf32, #tpu.memory_space<vmem>>, vector<1x16xf32>,
      %swap3A_180 = vector.shape_cast %swap3A_179 : vector<1x16xf32> to vector<16xf32>
      %swap3A_181 = vector.shape_cast %broadcast_in_dim3A_3 : vector<16xf32> to vector<1x16xf32>
      tpu.vector_store %arg5[%swap3A_177, %swap3A_178], %swap3A_181 {strides = array<i32>} : memref<32x1000xf32, #tpu.memory_space<vmem>>, vector<1x16xf32>,
      %swap3A_182 = arith.index_cast %scan3A_27 : i32 to index
      %swap3A_183 = arith.constant 496 : index
      %swap3A_184 = tpu.vector_load %arg5[%swap3A_182, %swap3A_183] {strides = array<i32>} : memref<32x1000xf32, #tpu.memory_space<vmem>>, vector<1x16xf32>,
      %swap3A_185 = vector.shape_cast %swap3A_184 : vector<1x16xf32> to vector<16xf32>
      %swap3A_186 = vector.shape_cast %broadcast_in_dim3A_3 : vector<16xf32> to vector<1x16xf32>
      tpu.vector_store %arg5[%swap3A_182, %swap3A_183], %swap3A_186 {strides = array<i32>} : memref<32x1000xf32, #tpu.memory_space<vmem>>, vector<1x16xf32>,
      %swap3A_187 = arith.index_cast %scan3A_27 : i32 to index
      %swap3A_188 = arith.constant 512 : index
      %swap3A_189 = tpu.vector_load %arg5[%swap3A_187, %swap3A_188] {strides = array<i32>} : memref<32x1000xf32, #tpu.memory_space<vmem>>, vector<1x16xf32>,
      %swap3A_190 = vector.shape_cast %swap3A_189 : vector<1x16xf32> to vector<16xf32>
      %swap3A_191 = vector.shape_cast %broadcast_in_dim3A_3 : vector<16xf32> to vector<1x16xf32>
      tpu.vector_store %arg5[%swap3A_187, %swap3A_188], %swap3A_191 {strides = array<i32>} : memref<32x1000xf32, #tpu.memory_space<vmem>>, vector<1x16xf32>,
      %swap3A_192 = arith.index_cast %scan3A_27 : i32 to index
      %swap3A_193 = arith.constant 528 : index
      %swap3A_194 = tpu.vector_load %arg5[%swap3A_192, %swap3A_193] {strides = array<i32>} : memref<32x1000xf32, #tpu.memory_space<vmem>>, vector<1x16xf32>,
      %swap3A_195 = vector.shape_cast %swap3A_194 : vector<1x16xf32> to vector<16xf32>
      %swap3A_196 = vector.shape_cast %broadcast_in_dim3A_3 : vector<16xf32> to vector<1x16xf32>
      tpu.vector_store %arg5[%swap3A_192, %swap3A_193], %swap3A_196 {strides = array<i32>} : memref<32x1000xf32, #tpu.memory_space<vmem>>, vector<1x16xf32>,
      %swap3A_197 = arith.index_cast %scan3A_27 : i32 to index
      %swap3A_198 = arith.constant 544 : index
      %swap3A_199 = tpu.vector_load %arg5[%swap3A_197, %swap3A_198] {strides = array<i32>} : memref<32x1000xf32, #tpu.memory_space<vmem>>, vector<1x16xf32>,
      %swap3A_200 = vector.shape_cast %swap3A_199 : vector<1x16xf32> to vector<16xf32>
      %swap3A_201 = vector.shape_cast %broadcast_in_dim3A_3 : vector<16xf32> to vector<1x16xf32>
      tpu.vector_store %arg5[%swap3A_197, %swap3A_198], %swap3A_201 {strides = array<i32>} : memref<32x1000xf32, #tpu.memory_space<vmem>>, vector<1x16xf32>,
      %swap3A_202 = arith.index_cast %scan3A_27 : i32 to index
      %swap3A_203 = arith.constant 560 : index
      %swap3A_204 = tpu.vector_load %arg5[%swap3A_202, %swap3A_203] {strides = array<i32>} : memref<32x1000xf32, #tpu.memory_space<vmem>>, vector<1x16xf32>,
      %swap3A_205 = vector.shape_cast %swap3A_204 : vector<1x16xf32> to vector<16xf32>
      %swap3A_206 = vector.shape_cast %broadcast_in_dim3A_3 : vector<16xf32> to vector<1x16xf32>
      tpu.vector_store %arg5[%swap3A_202, %swap3A_203], %swap3A_206 {strides = array<i32>} : memref<32x1000xf32, #tpu.memory_space<vmem>>, vector<1x16xf32>,
      %swap3A_207 = arith.index_cast %scan3A_27 : i32 to index
      %swap3A_208 = arith.constant 576 : index
      %swap3A_209 = tpu.vector_load %arg5[%swap3A_207, %swap3A_208] {strides = array<i32>} : memref<32x1000xf32, #tpu.memory_space<vmem>>, vector<1x16xf32>,
      %swap3A_210 = vector.shape_cast %swap3A_209 : vector<1x16xf32> to vector<16xf32>
      %swap3A_211 = vector.shape_cast %broadcast_in_dim3A_3 : vector<16xf32> to vector<1x16xf32>
      tpu.vector_store %arg5[%swap3A_207, %swap3A_208], %swap3A_211 {strides = array<i32>} : memref<32x1000xf32, #tpu.memory_space<vmem>>, vector<1x16xf32>,
      %swap3A_212 = arith.index_cast %scan3A_27 : i32 to index
      %swap3A_213 = arith.constant 592 : index
      %swap3A_214 = tpu.vector_load %arg5[%swap3A_212, %swap3A_213] {strides = array<i32>} : memref<32x1000xf32, #tpu.memory_space<vmem>>, vector<1x16xf32>,
      %swap3A_215 = vector.shape_cast %swap3A_214 : vector<1x16xf32> to vector<16xf32>
      %swap3A_216 = vector.shape_cast %broadcast_in_dim3A_3 : vector<16xf32> to vector<1x16xf32>
      tpu.vector_store %arg5[%swap3A_212, %swap3A_213], %swap3A_216 {strides = array<i32>} : memref<32x1000xf32, #tpu.memory_space<vmem>>, vector<1x16xf32>,
      %swap3A_217 = arith.index_cast %scan3A_27 : i32 to index
      %swap3A_218 = arith.constant 608 : index
      %swap3A_219 = tpu.vector_load %arg5[%swap3A_217, %swap3A_218] {strides = array<i32>} : memref<32x1000xf32, #tpu.memory_space<vmem>>, vector<1x16xf32>,
      %swap3A_220 = vector.shape_cast %swap3A_219 : vector<1x16xf32> to vector<16xf32>
      %swap3A_221 = vector.shape_cast %broadcast_in_dim3A_3 : vector<16xf32> to vector<1x16xf32>
      tpu.vector_store %arg5[%swap3A_217, %swap3A_218], %swap3A_221 {strides = array<i32>} : memref<32x1000xf32, #tpu.memory_space<vmem>>, vector<1x16xf32>,
      %swap3A_222 = arith.index_cast %scan3A_27 : i32 to index
      %swap3A_223 = arith.constant 624 : index
      %swap3A_224 = tpu.vector_load %arg5[%swap3A_222, %swap3A_223] {strides = array<i32>} : memref<32x1000xf32, #tpu.memory_space<vmem>>, vector<1x16xf32>,
      %swap3A_225 = vector.shape_cast %swap3A_224 : vector<1x16xf32> to vector<16xf32>
      %swap3A_226 = vector.shape_cast %broadcast_in_dim3A_3 : vector<16xf32> to vector<1x16xf32>
      tpu.vector_store %arg5[%swap3A_222, %swap3A_223], %swap3A_226 {strides = array<i32>} : memref<32x1000xf32, #tpu.memory_space<vmem>>, vector<1x16xf32>,
      %swap3A_227 = arith.index_cast %scan3A_27 : i32 to index
      %swap3A_228 = arith.constant 640 : index
      %swap3A_229 = tpu.vector_load %arg5[%swap3A_227, %swap3A_228] {strides = array<i32>} : memref<32x1000xf32, #tpu.memory_space<vmem>>, vector<1x16xf32>,
      %swap3A_230 = vector.shape_cast %swap3A_229 : vector<1x16xf32> to vector<16xf32>
      %swap3A_231 = vector.shape_cast %broadcast_in_dim3A_3 : vector<16xf32> to vector<1x16xf32>
      tpu.vector_store %arg5[%swap3A_227, %swap3A_228], %swap3A_231 {strides = array<i32>} : memref<32x1000xf32, #tpu.memory_space<vmem>>, vector<1x16xf32>,
      %swap3A_232 = arith.index_cast %scan3A_27 : i32 to index
      %swap3A_233 = arith.constant 656 : index
      %swap3A_234 = tpu.vector_load %arg5[%swap3A_232, %swap3A_233] {strides = array<i32>} : memref<32x1000xf32, #tpu.memory_space<vmem>>, vector<1x16xf32>,
      %swap3A_235 = vector.shape_cast %swap3A_234 : vector<1x16xf32> to vector<16xf32>
      %swap3A_236 = vector.shape_cast %broadcast_in_dim3A_3 : vector<16xf32> to vector<1x16xf32>
      tpu.vector_store %arg5[%swap3A_232, %swap3A_233], %swap3A_236 {strides = array<i32>} : memref<32x1000xf32, #tpu.memory_space<vmem>>, vector<1x16xf32>,
      %swap3A_237 = arith.index_cast %scan3A_27 : i32 to index
      %swap3A_238 = arith.constant 672 : index
      %swap3A_239 = tpu.vector_load %arg5[%swap3A_237, %swap3A_238] {strides = array<i32>} : memref<32x1000xf32, #tpu.memory_space<vmem>>, vector<1x16xf32>,
      %swap3A_240 = vector.shape_cast %swap3A_239 : vector<1x16xf32> to vector<16xf32>
      %swap3A_241 = vector.shape_cast %broadcast_in_dim3A_3 : vector<16xf32> to vector<1x16xf32>
      tpu.vector_store %arg5[%swap3A_237, %swap3A_238], %swap3A_241 {strides = array<i32>} : memref<32x1000xf32, #tpu.memory_space<vmem>>, vector<1x16xf32>,
      %swap3A_242 = arith.index_cast %scan3A_27 : i32 to index
      %swap3A_243 = arith.constant 688 : index
      %swap3A_244 = tpu.vector_load %arg5[%swap3A_242, %swap3A_243] {strides = array<i32>} : memref<32x1000xf32, #tpu.memory_space<vmem>>, vector<1x16xf32>,
      %swap3A_245 = vector.shape_cast %swap3A_244 : vector<1x16xf32> to vector<16xf32>
      %swap3A_246 = vector.shape_cast %broadcast_in_dim3A_3 : vector<16xf32> to vector<1x16xf32>
      tpu.vector_store %arg5[%swap3A_242, %swap3A_243], %swap3A_246 {strides = array<i32>} : memref<32x1000xf32, #tpu.memory_space<vmem>>, vector<1x16xf32>,
      %swap3A_247 = arith.index_cast %scan3A_27 : i32 to index
      %swap3A_248 = arith.constant 704 : index
      %swap3A_249 = tpu.vector_load %arg5[%swap3A_247, %swap3A_248] {strides = array<i32>} : memref<32x1000xf32, #tpu.memory_space<vmem>>, vector<1x16xf32>,
      %swap3A_250 = vector.shape_cast %swap3A_249 : vector<1x16xf32> to vector<16xf32>
      %swap3A_251 = vector.shape_cast %broadcast_in_dim3A_3 : vector<16xf32> to vector<1x16xf32>
      tpu.vector_store %arg5[%swap3A_247, %swap3A_248], %swap3A_251 {strides = array<i32>} : memref<32x1000xf32, #tpu.memory_space<vmem>>, vector<1x16xf32>,
      %swap3A_252 = arith.index_cast %scan3A_27 : i32 to index
      %swap3A_253 = arith.constant 720 : index
      %swap3A_254 = tpu.vector_load %arg5[%swap3A_252, %swap3A_253] {strides = array<i32>} : memref<32x1000xf32, #tpu.memory_space<vmem>>, vector<1x16xf32>,
      %swap3A_255 = vector.shape_cast %swap3A_254 : vector<1x16xf32> to vector<16xf32>
      %swap3A_256 = vector.shape_cast %broadcast_in_dim3A_3 : vector<16xf32> to vector<1x16xf32>
      tpu.vector_store %arg5[%swap3A_252, %swap3A_253], %swap3A_256 {strides = array<i32>} : memref<32x1000xf32, #tpu.memory_space<vmem>>, vector<1x16xf32>,
      %swap3A_257 = arith.index_cast %scan3A_27 : i32 to index
      %swap3A_258 = arith.constant 736 : index
      %swap3A_259 = tpu.vector_load %arg5[%swap3A_257, %swap3A_258] {strides = array<i32>} : memref<32x1000xf32, #tpu.memory_space<vmem>>, vector<1x16xf32>,
      %swap3A_260 = vector.shape_cast %swap3A_259 : vector<1x16xf32> to vector<16xf32>
      %swap3A_261 = vector.shape_cast %broadcast_in_dim3A_3 : vector<16xf32> to vector<1x16xf32>
      tpu.vector_store %arg5[%swap3A_257, %swap3A_258], %swap3A_261 {strides = array<i32>} : memref<32x1000xf32, #tpu.memory_space<vmem>>, vector<1x16xf32>,
      %swap3A_262 = arith.index_cast %scan3A_27 : i32 to index
      %swap3A_263 = arith.constant 752 : index
      %swap3A_264 = tpu.vector_load %arg5[%swap3A_262, %swap3A_263] {strides = array<i32>} : memref<32x1000xf32, #tpu.memory_space<vmem>>, vector<1x16xf32>,
      %swap3A_265 = vector.shape_cast %swap3A_264 : vector<1x16xf32> to vector<16xf32>
      %swap3A_266 = vector.shape_cast %broadcast_in_dim3A_3 : vector<16xf32> to vector<1x16xf32>
      tpu.vector_store %arg5[%swap3A_262, %swap3A_263], %swap3A_266 {strides = array<i32>} : memref<32x1000xf32, #tpu.memory_space<vmem>>, vector<1x16xf32>,
      %swap3A_267 = arith.index_cast %scan3A_27 : i32 to index
      %swap3A_268 = arith.constant 768 : index
      %swap3A_269 = tpu.vector_load %arg5[%swap3A_267, %swap3A_268] {strides = array<i32>} : memref<32x1000xf32, #tpu.memory_space<vmem>>, vector<1x16xf32>,
      %swap3A_270 = vector.shape_cast %swap3A_269 : vector<1x16xf32> to vector<16xf32>
      %swap3A_271 = vector.shape_cast %broadcast_in_dim3A_3 : vector<16xf32> to vector<1x16xf32>
      tpu.vector_store %arg5[%swap3A_267, %swap3A_268], %swap3A_271 {strides = array<i32>} : memref<32x1000xf32, #tpu.memory_space<vmem>>, vector<1x16xf32>,
      %swap3A_272 = arith.index_cast %scan3A_27 : i32 to index
      %swap3A_273 = arith.constant 784 : index
      %swap3A_274 = tpu.vector_load %arg5[%swap3A_272, %swap3A_273] {strides = array<i32>} : memref<32x1000xf32, #tpu.memory_space<vmem>>, vector<1x16xf32>,
      %swap3A_275 = vector.shape_cast %swap3A_274 : vector<1x16xf32> to vector<16xf32>
      %swap3A_276 = vector.shape_cast %broadcast_in_dim3A_3 : vector<16xf32> to vector<1x16xf32>
      tpu.vector_store %arg5[%swap3A_272, %swap3A_273], %swap3A_276 {strides = array<i32>} : memref<32x1000xf32, #tpu.memory_space<vmem>>, vector<1x16xf32>,
      %swap3A_277 = arith.index_cast %scan3A_27 : i32 to index
      %swap3A_278 = arith.constant 800 : index
      %swap3A_279 = tpu.vector_load %arg5[%swap3A_277, %swap3A_278] {strides = array<i32>} : memref<32x1000xf32, #tpu.memory_space<vmem>>, vector<1x16xf32>,
      %swap3A_280 = vector.shape_cast %swap3A_279 : vector<1x16xf32> to vector<16xf32>
      %swap3A_281 = vector.shape_cast %broadcast_in_dim3A_3 : vector<16xf32> to vector<1x16xf32>
      tpu.vector_store %arg5[%swap3A_277, %swap3A_278], %swap3A_281 {strides = array<i32>} : memref<32x1000xf32, #tpu.memory_space<vmem>>, vector<1x16xf32>,
      %swap3A_282 = arith.index_cast %scan3A_27 : i32 to index
      %swap3A_283 = arith.constant 816 : index
      %swap3A_284 = tpu.vector_load %arg5[%swap3A_282, %swap3A_283] {strides = array<i32>} : memref<32x1000xf32, #tpu.memory_space<vmem>>, vector<1x16xf32>,
      %swap3A_285 = vector.shape_cast %swap3A_284 : vector<1x16xf32> to vector<16xf32>
      %swap3A_286 = vector.shape_cast %broadcast_in_dim3A_3 : vector<16xf32> to vector<1x16xf32>
      tpu.vector_store %arg5[%swap3A_282, %swap3A_283], %swap3A_286 {strides = array<i32>} : memref<32x1000xf32, #tpu.memory_space<vmem>>, vector<1x16xf32>,
      %swap3A_287 = arith.index_cast %scan3A_27 : i32 to index
      %swap3A_288 = arith.constant 832 : index
      %swap3A_289 = tpu.vector_load %arg5[%swap3A_287, %swap3A_288] {strides = array<i32>} : memref<32x1000xf32, #tpu.memory_space<vmem>>, vector<1x16xf32>,
      %swap3A_290 = vector.shape_cast %swap3A_289 : vector<1x16xf32> to vector<16xf32>
      %swap3A_291 = vector.shape_cast %broadcast_in_dim3A_3 : vector<16xf32> to vector<1x16xf32>
      tpu.vector_store %arg5[%swap3A_287, %swap3A_288], %swap3A_291 {strides = array<i32>} : memref<32x1000xf32, #tpu.memory_space<vmem>>, vector<1x16xf32>,
      %swap3A_292 = arith.index_cast %scan3A_27 : i32 to index
      %swap3A_293 = arith.constant 848 : index
      %swap3A_294 = tpu.vector_load %arg5[%swap3A_292, %swap3A_293] {strides = array<i32>} : memref<32x1000xf32, #tpu.memory_space<vmem>>, vector<1x16xf32>,
      %swap3A_295 = vector.shape_cast %swap3A_294 : vector<1x16xf32> to vector<16xf32>
      %swap3A_296 = vector.shape_cast %broadcast_in_dim3A_3 : vector<16xf32> to vector<1x16xf32>
      tpu.vector_store %arg5[%swap3A_292, %swap3A_293], %swap3A_296 {strides = array<i32>} : memref<32x1000xf32, #tpu.memory_space<vmem>>, vector<1x16xf32>,
      %swap3A_297 = arith.index_cast %scan3A_27 : i32 to index
      %swap3A_298 = arith.constant 864 : index
      %swap3A_299 = tpu.vector_load %arg5[%swap3A_297, %swap3A_298] {strides = array<i32>} : memref<32x1000xf32, #tpu.memory_space<vmem>>, vector<1x16xf32>,
      %swap3A_300 = vector.shape_cast %swap3A_299 : vector<1x16xf32> to vector<16xf32>
      %swap3A_301 = vector.shape_cast %broadcast_in_dim3A_3 : vector<16xf32> to vector<1x16xf32>
      tpu.vector_store %arg5[%swap3A_297, %swap3A_298], %swap3A_301 {strides = array<i32>} : memref<32x1000xf32, #tpu.memory_space<vmem>>, vector<1x16xf32>,
      %swap3A_302 = arith.index_cast %scan3A_27 : i32 to index
      %swap3A_303 = arith.constant 880 : index
      %swap3A_304 = tpu.vector_load %arg5[%swap3A_302, %swap3A_303] {strides = array<i32>} : memref<32x1000xf32, #tpu.memory_space<vmem>>, vector<1x16xf32>,
      %swap3A_305 = vector.shape_cast %swap3A_304 : vector<1x16xf32> to vector<16xf32>
      %swap3A_306 = vector.shape_cast %broadcast_in_dim3A_3 : vector<16xf32> to vector<1x16xf32>
      tpu.vector_store %arg5[%swap3A_302, %swap3A_303], %swap3A_306 {strides = array<i32>} : memref<32x1000xf32, #tpu.memory_space<vmem>>, vector<1x16xf32>,
      %swap3A_307 = arith.index_cast %scan3A_27 : i32 to index
      %swap3A_308 = arith.constant 896 : index
      %swap3A_309 = tpu.vector_load %arg5[%swap3A_307, %swap3A_308] {strides = array<i32>} : memref<32x1000xf32, #tpu.memory_space<vmem>>, vector<1x16xf32>,
      %swap3A_310 = vector.shape_cast %swap3A_309 : vector<1x16xf32> to vector<16xf32>
      %swap3A_311 = vector.shape_cast %broadcast_in_dim3A_3 : vector<16xf32> to vector<1x16xf32>
      tpu.vector_store %arg5[%swap3A_307, %swap3A_308], %swap3A_311 {strides = array<i32>} : memref<32x1000xf32, #tpu.memory_space<vmem>>, vector<1x16xf32>,
      %swap3A_312 = arith.index_cast %scan3A_27 : i32 to index
      %swap3A_313 = arith.constant 912 : index
      %swap3A_314 = tpu.vector_load %arg5[%swap3A_312, %swap3A_313] {strides = array<i32>} : memref<32x1000xf32, #tpu.memory_space<vmem>>, vector<1x16xf32>,
      %swap3A_315 = vector.shape_cast %swap3A_314 : vector<1x16xf32> to vector<16xf32>
      %swap3A_316 = vector.shape_cast %broadcast_in_dim3A_3 : vector<16xf32> to vector<1x16xf32>
      tpu.vector_store %arg5[%swap3A_312, %swap3A_313], %swap3A_316 {strides = array<i32>} : memref<32x1000xf32, #tpu.memory_space<vmem>>, vector<1x16xf32>,
      %swap3A_317 = arith.index_cast %scan3A_27 : i32 to index
      %swap3A_318 = arith.constant 928 : index
      %swap3A_319 = tpu.vector_load %arg5[%swap3A_317, %swap3A_318] {strides = array<i32>} : memref<32x1000xf32, #tpu.memory_space<vmem>>, vector<1x16xf32>,
      %swap3A_320 = vector.shape_cast %swap3A_319 : vector<1x16xf32> to vector<16xf32>
      %swap3A_321 = vector.shape_cast %broadcast_in_dim3A_3 : vector<16xf32> to vector<1x16xf32>
      tpu.vector_store %arg5[%swap3A_317, %swap3A_318], %swap3A_321 {strides = array<i32>} : memref<32x1000xf32, #tpu.memory_space<vmem>>, vector<1x16xf32>,
      %swap3A_322 = arith.index_cast %scan3A_27 : i32 to index
      %swap3A_323 = arith.constant 944 : index
      %swap3A_324 = tpu.vector_load %arg5[%swap3A_322, %swap3A_323] {strides = array<i32>} : memref<32x1000xf32, #tpu.memory_space<vmem>>, vector<1x16xf32>,
      %swap3A_325 = vector.shape_cast %swap3A_324 : vector<1x16xf32> to vector<16xf32>
      %swap3A_326 = vector.shape_cast %broadcast_in_dim3A_3 : vector<16xf32> to vector<1x16xf32>
      tpu.vector_store %arg5[%swap3A_322, %swap3A_323], %swap3A_326 {strides = array<i32>} : memref<32x1000xf32, #tpu.memory_space<vmem>>, vector<1x16xf32>,
      %swap3A_327 = arith.index_cast %scan3A_27 : i32 to index
      %swap3A_328 = arith.constant 960 : index
      %swap3A_329 = tpu.vector_load %arg5[%swap3A_327, %swap3A_328] {strides = array<i32>} : memref<32x1000xf32, #tpu.memory_space<vmem>>, vector<1x16xf32>,
      %swap3A_330 = vector.shape_cast %swap3A_329 : vector<1x16xf32> to vector<16xf32>
      %swap3A_331 = vector.shape_cast %broadcast_in_dim3A_3 : vector<16xf32> to vector<1x16xf32>
      tpu.vector_store %arg5[%swap3A_327, %swap3A_328], %swap3A_331 {strides = array<i32>} : memref<32x1000xf32, #tpu.memory_space<vmem>>, vector<1x16xf32>,
      %swap3A_332 = arith.index_cast %scan3A_27 : i32 to index
      %swap3A_333 = arith.constant 976 : index
      %swap3A_334 = tpu.vector_load %arg5[%swap3A_332, %swap3A_333] {strides = array<i32>} : memref<32x1000xf32, #tpu.memory_space<vmem>>, vector<1x16xf32>,
      %swap3A_335 = vector.shape_cast %swap3A_334 : vector<1x16xf32> to vector<16xf32>
      %swap3A_336 = vector.shape_cast %broadcast_in_dim3A_3 : vector<16xf32> to vector<1x16xf32>
      tpu.vector_store %arg5[%swap3A_332, %swap3A_333], %swap3A_336 {strides = array<i32>} : memref<32x1000xf32, #tpu.memory_space<vmem>>, vector<1x16xf32>,
      %swap3A_337 = arith.index_cast %scan3A_27 : i32 to index
      %swap3A_338 = arith.constant 984 : index
      %swap3A_339 = tpu.vector_load %arg5[%swap3A_337, %swap3A_338] {strides = array<i32>} : memref<32x1000xf32, #tpu.memory_space<vmem>>, vector<1x16xf32>,
      %swap3A_340 = vector.shape_cast %swap3A_339 : vector<1x16xf32> to vector<16xf32>
      %swap3A_341 = vector.shape_cast %broadcast_in_dim3A_3 : vector<16xf32> to vector<1x16xf32>
      tpu.vector_store %arg5[%swap3A_337, %swap3A_338], %swap3A_341 {strides = array<i32>} : memref<32x1000xf32, #tpu.memory_space<vmem>>, vector<1x16xf32>,
      %swap3A_342 = arith.index_cast %scan3A_27 : i32 to index
      %swap3A_343 = arith.constant 0 : index
      %swap3A_344 = tpu.vector_load %arg6[%swap3A_342, %swap3A_343] {strides = array<i32>} : memref<32x1000xf32, #tpu.memory_space<vmem>>, vector<1x16xf32>,
      %swap3A_345 = vector.shape_cast %swap3A_344 : vector<1x16xf32> to vector<16xf32>
      %swap3A_346 = vector.shape_cast %broadcast_in_dim3A_3 : vector<16xf32> to vector<1x16xf32>
      tpu.vector_store %arg6[%swap3A_342, %swap3A_343], %swap3A_346 {strides = array<i32>} : memref<32x1000xf32, #tpu.memory_space<vmem>>, vector<1x16xf32>,
      %swap3A_347 = arith.index_cast %scan3A_27 : i32 to index
      %swap3A_348 = arith.constant 16 : index
      %swap3A_349 = tpu.vector_load %arg6[%swap3A_347, %swap3A_348] {strides = array<i32>} : memref<32x1000xf32, #tpu.memory_space<vmem>>, vector<1x16xf32>,
      %swap3A_350 = vector.shape_cast %swap3A_349 : vector<1x16xf32> to vector<16xf32>
      %swap3A_351 = vector.shape_cast %broadcast_in_dim3A_3 : vector<16xf32> to vector<1x16xf32>
      tpu.vector_store %arg6[%swap3A_347, %swap3A_348], %swap3A_351 {strides = array<i32>} : memref<32x1000xf32, #tpu.memory_space<vmem>>, vector<1x16xf32>,
      %swap3A_352 = arith.index_cast %scan3A_27 : i32 to index
      %swap3A_353 = arith.constant 32 : index
      %swap3A_354 = tpu.vector_load %arg6[%swap3A_352, %swap3A_353] {strides = array<i32>} : memref<32x1000xf32, #tpu.memory_space<vmem>>, vector<1x16xf32>,
      %swap3A_355 = vector.shape_cast %swap3A_354 : vector<1x16xf32> to vector<16xf32>
      %swap3A_356 = vector.shape_cast %broadcast_in_dim3A_3 : vector<16xf32> to vector<1x16xf32>
      tpu.vector_store %arg6[%swap3A_352, %swap3A_353], %swap3A_356 {strides = array<i32>} : memref<32x1000xf32, #tpu.memory_space<vmem>>, vector<1x16xf32>,
      %swap3A_357 = arith.index_cast %scan3A_27 : i32 to index
      %swap3A_358 = arith.constant 48 : index
      %swap3A_359 = tpu.vector_load %arg6[%swap3A_357, %swap3A_358] {strides = array<i32>} : memref<32x1000xf32, #tpu.memory_space<vmem>>, vector<1x16xf32>,
      %swap3A_360 = vector.shape_cast %swap3A_359 : vector<1x16xf32> to vector<16xf32>
      %swap3A_361 = vector.shape_cast %broadcast_in_dim3A_3 : vector<16xf32> to vector<1x16xf32>
      tpu.vector_store %arg6[%swap3A_357, %swap3A_358], %swap3A_361 {strides = array<i32>} : memref<32x1000xf32, #tpu.memory_space<vmem>>, vector<1x16xf32>,
      %swap3A_362 = arith.index_cast %scan3A_27 : i32 to index
      %swap3A_363 = arith.constant 64 : index
      %swap3A_364 = tpu.vector_load %arg6[%swap3A_362, %swap3A_363] {strides = array<i32>} : memref<32x1000xf32, #tpu.memory_space<vmem>>, vector<1x16xf32>,
      %swap3A_365 = vector.shape_cast %swap3A_364 : vector<1x16xf32> to vector<16xf32>
      %swap3A_366 = vector.shape_cast %broadcast_in_dim3A_3 : vector<16xf32> to vector<1x16xf32>
      tpu.vector_store %arg6[%swap3A_362, %swap3A_363], %swap3A_366 {strides = array<i32>} : memref<32x1000xf32, #tpu.memory_space<vmem>>, vector<1x16xf32>,
      %swap3A_367 = arith.index_cast %scan3A_27 : i32 to index
      %swap3A_368 = arith.constant 80 : index
      %swap3A_369 = tpu.vector_load %arg6[%swap3A_367, %swap3A_368] {strides = array<i32>} : memref<32x1000xf32, #tpu.memory_space<vmem>>, vector<1x16xf32>,
      %swap3A_370 = vector.shape_cast %swap3A_369 : vector<1x16xf32> to vector<16xf32>
      %swap3A_371 = vector.shape_cast %broadcast_in_dim3A_3 : vector<16xf32> to vector<1x16xf32>
      tpu.vector_store %arg6[%swap3A_367, %swap3A_368], %swap3A_371 {strides = array<i32>} : memref<32x1000xf32, #tpu.memory_space<vmem>>, vector<1x16xf32>,
      %swap3A_372 = arith.index_cast %scan3A_27 : i32 to index
      %swap3A_373 = arith.constant 96 : index
      %swap3A_374 = tpu.vector_load %arg6[%swap3A_372, %swap3A_373] {strides = array<i32>} : memref<32x1000xf32, #tpu.memory_space<vmem>>, vector<1x16xf32>,
      %swap3A_375 = vector.shape_cast %swap3A_374 : vector<1x16xf32> to vector<16xf32>
      %swap3A_376 = vector.shape_cast %broadcast_in_dim3A_3 : vector<16xf32> to vector<1x16xf32>
      tpu.vector_store %arg6[%swap3A_372, %swap3A_373], %swap3A_376 {strides = array<i32>} : memref<32x1000xf32, #tpu.memory_space<vmem>>, vector<1x16xf32>,
      %swap3A_377 = arith.index_cast %scan3A_27 : i32 to index
      %swap3A_378 = arith.constant 112 : index
      %swap3A_379 = tpu.vector_load %arg6[%swap3A_377, %swap3A_378] {strides = array<i32>} : memref<32x1000xf32, #tpu.memory_space<vmem>>, vector<1x16xf32>,
      %swap3A_380 = vector.shape_cast %swap3A_379 : vector<1x16xf32> to vector<16xf32>
      %swap3A_381 = vector.shape_cast %broadcast_in_dim3A_3 : vector<16xf32> to vector<1x16xf32>
      tpu.vector_store %arg6[%swap3A_377, %swap3A_378], %swap3A_381 {strides = array<i32>} : memref<32x1000xf32, #tpu.memory_space<vmem>>, vector<1x16xf32>,
      %swap3A_382 = arith.index_cast %scan3A_27 : i32 to index
      %swap3A_383 = arith.constant 128 : index
      %swap3A_384 = tpu.vector_load %arg6[%swap3A_382, %swap3A_383] {strides = array<i32>} : memref<32x1000xf32, #tpu.memory_space<vmem>>, vector<1x16xf32>,
      %swap3A_385 = vector.shape_cast %swap3A_384 : vector<1x16xf32> to vector<16xf32>
      %swap3A_386 = vector.shape_cast %broadcast_in_dim3A_3 : vector<16xf32> to vector<1x16xf32>
      tpu.vector_store %arg6[%swap3A_382, %swap3A_383], %swap3A_386 {strides = array<i32>} : memref<32x1000xf32, #tpu.memory_space<vmem>>, vector<1x16xf32>,
      %swap3A_387 = arith.index_cast %scan3A_27 : i32 to index
      %swap3A_388 = arith.constant 144 : index
      %swap3A_389 = tpu.vector_load %arg6[%swap3A_387, %swap3A_388] {strides = array<i32>} : memref<32x1000xf32, #tpu.memory_space<vmem>>, vector<1x16xf32>,
      %swap3A_390 = vector.shape_cast %swap3A_389 : vector<1x16xf32> to vector<16xf32>
      %swap3A_391 = vector.shape_cast %broadcast_in_dim3A_3 : vector<16xf32> to vector<1x16xf32>
      tpu.vector_store %arg6[%swap3A_387, %swap3A_388], %swap3A_391 {strides = array<i32>} : memref<32x1000xf32, #tpu.memory_space<vmem>>, vector<1x16xf32>,
      %swap3A_392 = arith.index_cast %scan3A_27 : i32 to index
      %swap3A_393 = arith.constant 160 : index
      %swap3A_394 = tpu.vector_load %arg6[%swap3A_392, %swap3A_393] {strides = array<i32>} : memref<32x1000xf32, #tpu.memory_space<vmem>>, vector<1x16xf32>,
      %swap3A_395 = vector.shape_cast %swap3A_394 : vector<1x16xf32> to vector<16xf32>
      %swap3A_396 = vector.shape_cast %broadcast_in_dim3A_3 : vector<16xf32> to vector<1x16xf32>
      tpu.vector_store %arg6[%swap3A_392, %swap3A_393], %swap3A_396 {strides = array<i32>} : memref<32x1000xf32, #tpu.memory_space<vmem>>, vector<1x16xf32>,
      %swap3A_397 = arith.index_cast %scan3A_27 : i32 to index
      %swap3A_398 = arith.constant 176 : index
      %swap3A_399 = tpu.vector_load %arg6[%swap3A_397, %swap3A_398] {strides = array<i32>} : memref<32x1000xf32, #tpu.memory_space<vmem>>, vector<1x16xf32>,
      %swap3A_400 = vector.shape_cast %swap3A_399 : vector<1x16xf32> to vector<16xf32>
      %swap3A_401 = vector.shape_cast %broadcast_in_dim3A_3 : vector<16xf32> to vector<1x16xf32>
      tpu.vector_store %arg6[%swap3A_397, %swap3A_398], %swap3A_401 {strides = array<i32>} : memref<32x1000xf32, #tpu.memory_space<vmem>>, vector<1x16xf32>,
      %swap3A_402 = arith.index_cast %scan3A_27 : i32 to index
      %swap3A_403 = arith.constant 192 : index
      %swap3A_404 = tpu.vector_load %arg6[%swap3A_402, %swap3A_403] {strides = array<i32>} : memref<32x1000xf32, #tpu.memory_space<vmem>>, vector<1x16xf32>,
      %swap3A_405 = vector.shape_cast %swap3A_404 : vector<1x16xf32> to vector<16xf32>
      %swap3A_406 = vector.shape_cast %broadcast_in_dim3A_3 : vector<16xf32> to vector<1x16xf32>
      tpu.vector_store %arg6[%swap3A_402, %swap3A_403], %swap3A_406 {strides = array<i32>} : memref<32x1000xf32, #tpu.memory_space<vmem>>, vector<1x16xf32>,
      %swap3A_407 = arith.index_cast %scan3A_27 : i32 to index
      %swap3A_408 = arith.constant 208 : index
      %swap3A_409 = tpu.vector_load %arg6[%swap3A_407, %swap3A_408] {strides = array<i32>} : memref<32x1000xf32, #tpu.memory_space<vmem>>, vector<1x16xf32>,
      %swap3A_410 = vector.shape_cast %swap3A_409 : vector<1x16xf32> to vector<16xf32>
      %swap3A_411 = vector.shape_cast %broadcast_in_dim3A_3 : vector<16xf32> to vector<1x16xf32>
      tpu.vector_store %arg6[%swap3A_407, %swap3A_408], %swap3A_411 {strides = array<i32>} : memref<32x1000xf32, #tpu.memory_space<vmem>>, vector<1x16xf32>,
      %swap3A_412 = arith.index_cast %scan3A_27 : i32 to index
      %swap3A_413 = arith.constant 224 : index
      %swap3A_414 = tpu.vector_load %arg6[%swap3A_412, %swap3A_413] {strides = array<i32>} : memref<32x1000xf32, #tpu.memory_space<vmem>>, vector<1x16xf32>,
      %swap3A_415 = vector.shape_cast %swap3A_414 : vector<1x16xf32> to vector<16xf32>
      %swap3A_416 = vector.shape_cast %broadcast_in_dim3A_3 : vector<16xf32> to vector<1x16xf32>
      tpu.vector_store %arg6[%swap3A_412, %swap3A_413], %swap3A_416 {strides = array<i32>} : memref<32x1000xf32, #tpu.memory_space<vmem>>, vector<1x16xf32>,
      %swap3A_417 = arith.index_cast %scan3A_27 : i32 to index
      %swap3A_418 = arith.constant 240 : index
      %swap3A_419 = tpu.vector_load %arg6[%swap3A_417, %swap3A_418] {strides = array<i32>} : memref<32x1000xf32, #tpu.memory_space<vmem>>, vector<1x16xf32>,
      %swap3A_420 = vector.shape_cast %swap3A_419 : vector<1x16xf32> to vector<16xf32>
      %swap3A_421 = vector.shape_cast %broadcast_in_dim3A_3 : vector<16xf32> to vector<1x16xf32>
      tpu.vector_store %arg6[%swap3A_417, %swap3A_418], %swap3A_421 {strides = array<i32>} : memref<32x1000xf32, #tpu.memory_space<vmem>>, vector<1x16xf32>,
      %swap3A_422 = arith.index_cast %scan3A_27 : i32 to index
      %swap3A_423 = arith.constant 256 : index
      %swap3A_424 = tpu.vector_load %arg6[%swap3A_422, %swap3A_423] {strides = array<i32>} : memref<32x1000xf32, #tpu.memory_space<vmem>>, vector<1x16xf32>,
      %swap3A_425 = vector.shape_cast %swap3A_424 : vector<1x16xf32> to vector<16xf32>
      %swap3A_426 = vector.shape_cast %broadcast_in_dim3A_3 : vector<16xf32> to vector<1x16xf32>
      tpu.vector_store %arg6[%swap3A_422, %swap3A_423], %swap3A_426 {strides = array<i32>} : memref<32x1000xf32, #tpu.memory_space<vmem>>, vector<1x16xf32>,
      %swap3A_427 = arith.index_cast %scan3A_27 : i32 to index
      %swap3A_428 = arith.constant 272 : index
      %swap3A_429 = tpu.vector_load %arg6[%swap3A_427, %swap3A_428] {strides = array<i32>} : memref<32x1000xf32, #tpu.memory_space<vmem>>, vector<1x16xf32>,
      %swap3A_430 = vector.shape_cast %swap3A_429 : vector<1x16xf32> to vector<16xf32>
      %swap3A_431 = vector.shape_cast %broadcast_in_dim3A_3 : vector<16xf32> to vector<1x16xf32>
      tpu.vector_store %arg6[%swap3A_427, %swap3A_428], %swap3A_431 {strides = array<i32>} : memref<32x1000xf32, #tpu.memory_space<vmem>>, vector<1x16xf32>,
      %swap3A_432 = arith.index_cast %scan3A_27 : i32 to index
      %swap3A_433 = arith.constant 288 : index
      %swap3A_434 = tpu.vector_load %arg6[%swap3A_432, %swap3A_433] {strides = array<i32>} : memref<32x1000xf32, #tpu.memory_space<vmem>>, vector<1x16xf32>,
      %swap3A_435 = vector.shape_cast %swap3A_434 : vector<1x16xf32> to vector<16xf32>
      %swap3A_436 = vector.shape_cast %broadcast_in_dim3A_3 : vector<16xf32> to vector<1x16xf32>
      tpu.vector_store %arg6[%swap3A_432, %swap3A_433], %swap3A_436 {strides = array<i32>} : memref<32x1000xf32, #tpu.memory_space<vmem>>, vector<1x16xf32>,
      %swap3A_437 = arith.index_cast %scan3A_27 : i32 to index
      %swap3A_438 = arith.constant 304 : index
      %swap3A_439 = tpu.vector_load %arg6[%swap3A_437, %swap3A_438] {strides = array<i32>} : memref<32x1000xf32, #tpu.memory_space<vmem>>, vector<1x16xf32>,
      %swap3A_440 = vector.shape_cast %swap3A_439 : vector<1x16xf32> to vector<16xf32>
      %swap3A_441 = vector.shape_cast %broadcast_in_dim3A_3 : vector<16xf32> to vector<1x16xf32>
      tpu.vector_store %arg6[%swap3A_437, %swap3A_438], %swap3A_441 {strides = array<i32>} : memref<32x1000xf32, #tpu.memory_space<vmem>>, vector<1x16xf32>,
      %swap3A_442 = arith.index_cast %scan3A_27 : i32 to index
      %swap3A_443 = arith.constant 320 : index
      %swap3A_444 = tpu.vector_load %arg6[%swap3A_442, %swap3A_443] {strides = array<i32>} : memref<32x1000xf32, #tpu.memory_space<vmem>>, vector<1x16xf32>,
      %swap3A_445 = vector.shape_cast %swap3A_444 : vector<1x16xf32> to vector<16xf32>
      %swap3A_446 = vector.shape_cast %broadcast_in_dim3A_3 : vector<16xf32> to vector<1x16xf32>
      tpu.vector_store %arg6[%swap3A_442, %swap3A_443], %swap3A_446 {strides = array<i32>} : memref<32x1000xf32, #tpu.memory_space<vmem>>, vector<1x16xf32>,
      %swap3A_447 = arith.index_cast %scan3A_27 : i32 to index
      %swap3A_448 = arith.constant 336 : index
      %swap3A_449 = tpu.vector_load %arg6[%swap3A_447, %swap3A_448] {strides = array<i32>} : memref<32x1000xf32, #tpu.memory_space<vmem>>, vector<1x16xf32>,
      %swap3A_450 = vector.shape_cast %swap3A_449 : vector<1x16xf32> to vector<16xf32>
      %swap3A_451 = vector.shape_cast %broadcast_in_dim3A_3 : vector<16xf32> to vector<1x16xf32>
      tpu.vector_store %arg6[%swap3A_447, %swap3A_448], %swap3A_451 {strides = array<i32>} : memref<32x1000xf32, #tpu.memory_space<vmem>>, vector<1x16xf32>,
      %swap3A_452 = arith.index_cast %scan3A_27 : i32 to index
      %swap3A_453 = arith.constant 352 : index
      %swap3A_454 = tpu.vector_load %arg6[%swap3A_452, %swap3A_453] {strides = array<i32>} : memref<32x1000xf32, #tpu.memory_space<vmem>>, vector<1x16xf32>,
      %swap3A_455 = vector.shape_cast %swap3A_454 : vector<1x16xf32> to vector<16xf32>
      %swap3A_456 = vector.shape_cast %broadcast_in_dim3A_3 : vector<16xf32> to vector<1x16xf32>
      tpu.vector_store %arg6[%swap3A_452, %swap3A_453], %swap3A_456 {strides = array<i32>} : memref<32x1000xf32, #tpu.memory_space<vmem>>, vector<1x16xf32>,
      %swap3A_457 = arith.index_cast %scan3A_27 : i32 to index
      %swap3A_458 = arith.constant 368 : index
      %swap3A_459 = tpu.vector_load %arg6[%swap3A_457, %swap3A_458] {strides = array<i32>} : memref<32x1000xf32, #tpu.memory_space<vmem>>, vector<1x16xf32>,
      %swap3A_460 = vector.shape_cast %swap3A_459 : vector<1x16xf32> to vector<16xf32>
      %swap3A_461 = vector.shape_cast %broadcast_in_dim3A_3 : vector<16xf32> to vector<1x16xf32>
      tpu.vector_store %arg6[%swap3A_457, %swap3A_458], %swap3A_461 {strides = array<i32>} : memref<32x1000xf32, #tpu.memory_space<vmem>>, vector<1x16xf32>,
      %swap3A_462 = arith.index_cast %scan3A_27 : i32 to index
      %swap3A_463 = arith.constant 384 : index
      %swap3A_464 = tpu.vector_load %arg6[%swap3A_462, %swap3A_463] {strides = array<i32>} : memref<32x1000xf32, #tpu.memory_space<vmem>>, vector<1x16xf32>,
      %swap3A_465 = vector.shape_cast %swap3A_464 : vector<1x16xf32> to vector<16xf32>
      %swap3A_466 = vector.shape_cast %broadcast_in_dim3A_3 : vector<16xf32> to vector<1x16xf32>
      tpu.vector_store %arg6[%swap3A_462, %swap3A_463], %swap3A_466 {strides = array<i32>} : memref<32x1000xf32, #tpu.memory_space<vmem>>, vector<1x16xf32>,
      %swap3A_467 = arith.index_cast %scan3A_27 : i32 to index
      %swap3A_468 = arith.constant 400 : index
      %swap3A_469 = tpu.vector_load %arg6[%swap3A_467, %swap3A_468] {strides = array<i32>} : memref<32x1000xf32, #tpu.memory_space<vmem>>, vector<1x16xf32>,
      %swap3A_470 = vector.shape_cast %swap3A_469 : vector<1x16xf32> to vector<16xf32>
      %swap3A_471 = vector.shape_cast %broadcast_in_dim3A_3 : vector<16xf32> to vector<1x16xf32>
      tpu.vector_store %arg6[%swap3A_467, %swap3A_468], %swap3A_471 {strides = array<i32>} : memref<32x1000xf32, #tpu.memory_space<vmem>>, vector<1x16xf32>,
      %swap3A_472 = arith.index_cast %scan3A_27 : i32 to index
      %swap3A_473 = arith.constant 416 : index
      %swap3A_474 = tpu.vector_load %arg6[%swap3A_472, %swap3A_473] {strides = array<i32>} : memref<32x1000xf32, #tpu.memory_space<vmem>>, vector<1x16xf32>,
      %swap3A_475 = vector.shape_cast %swap3A_474 : vector<1x16xf32> to vector<16xf32>
      %swap3A_476 = vector.shape_cast %broadcast_in_dim3A_3 : vector<16xf32> to vector<1x16xf32>
      tpu.vector_store %arg6[%swap3A_472, %swap3A_473], %swap3A_476 {strides = array<i32>} : memref<32x1000xf32, #tpu.memory_space<vmem>>, vector<1x16xf32>,
      %swap3A_477 = arith.index_cast %scan3A_27 : i32 to index
      %swap3A_478 = arith.constant 432 : index
      %swap3A_479 = tpu.vector_load %arg6[%swap3A_477, %swap3A_478] {strides = array<i32>} : memref<32x1000xf32, #tpu.memory_space<vmem>>, vector<1x16xf32>,
      %swap3A_480 = vector.shape_cast %swap3A_479 : vector<1x16xf32> to vector<16xf32>
      %swap3A_481 = vector.shape_cast %broadcast_in_dim3A_3 : vector<16xf32> to vector<1x16xf32>
      tpu.vector_store %arg6[%swap3A_477, %swap3A_478], %swap3A_481 {strides = array<i32>} : memref<32x1000xf32, #tpu.memory_space<vmem>>, vector<1x16xf32>,
      %swap3A_482 = arith.index_cast %scan3A_27 : i32 to index
      %swap3A_483 = arith.constant 448 : index
      %swap3A_484 = tpu.vector_load %arg6[%swap3A_482, %swap3A_483] {strides = array<i32>} : memref<32x1000xf32, #tpu.memory_space<vmem>>, vector<1x16xf32>,
      %swap3A_485 = vector.shape_cast %swap3A_484 : vector<1x16xf32> to vector<16xf32>
      %swap3A_486 = vector.shape_cast %broadcast_in_dim3A_3 : vector<16xf32> to vector<1x16xf32>
      tpu.vector_store %arg6[%swap3A_482, %swap3A_483], %swap3A_486 {strides = array<i32>} : memref<32x1000xf32, #tpu.memory_space<vmem>>, vector<1x16xf32>,
      %swap3A_487 = arith.index_cast %scan3A_27 : i32 to index
      %swap3A_488 = arith.constant 464 : index
      %swap3A_489 = tpu.vector_load %arg6[%swap3A_487, %swap3A_488] {strides = array<i32>} : memref<32x1000xf32, #tpu.memory_space<vmem>>, vector<1x16xf32>,
      %swap3A_490 = vector.shape_cast %swap3A_489 : vector<1x16xf32> to vector<16xf32>
      %swap3A_491 = vector.shape_cast %broadcast_in_dim3A_3 : vector<16xf32> to vector<1x16xf32>
      tpu.vector_store %arg6[%swap3A_487, %swap3A_488], %swap3A_491 {strides = array<i32>} : memref<32x1000xf32, #tpu.memory_space<vmem>>, vector<1x16xf32>,
      %swap3A_492 = arith.index_cast %scan3A_27 : i32 to index
      %swap3A_493 = arith.constant 480 : index
      %swap3A_494 = tpu.vector_load %arg6[%swap3A_492, %swap3A_493] {strides = array<i32>} : memref<32x1000xf32, #tpu.memory_space<vmem>>, vector<1x16xf32>,
      %swap3A_495 = vector.shape_cast %swap3A_494 : vector<1x16xf32> to vector<16xf32>
      %swap3A_496 = vector.shape_cast %broadcast_in_dim3A_3 : vector<16xf32> to vector<1x16xf32>
      tpu.vector_store %arg6[%swap3A_492, %swap3A_493], %swap3A_496 {strides = array<i32>} : memref<32x1000xf32, #tpu.memory_space<vmem>>, vector<1x16xf32>,
      %swap3A_497 = arith.index_cast %scan3A_27 : i32 to index
      %swap3A_498 = arith.constant 496 : index
      %swap3A_499 = tpu.vector_load %arg6[%swap3A_497, %swap3A_498] {strides = array<i32>} : memref<32x1000xf32, #tpu.memory_space<vmem>>, vector<1x16xf32>,
      %swap3A_500 = vector.shape_cast %swap3A_499 : vector<1x16xf32> to vector<16xf32>
      %swap3A_501 = vector.shape_cast %broadcast_in_dim3A_3 : vector<16xf32> to vector<1x16xf32>
      tpu.vector_store %arg6[%swap3A_497, %swap3A_498], %swap3A_501 {strides = array<i32>} : memref<32x1000xf32, #tpu.memory_space<vmem>>, vector<1x16xf32>,
      %swap3A_502 = arith.index_cast %scan3A_27 : i32 to index
      %swap3A_503 = arith.constant 512 : index
      %swap3A_504 = tpu.vector_load %arg6[%swap3A_502, %swap3A_503] {strides = array<i32>} : memref<32x1000xf32, #tpu.memory_space<vmem>>, vector<1x16xf32>,
      %swap3A_505 = vector.shape_cast %swap3A_504 : vector<1x16xf32> to vector<16xf32>
      %swap3A_506 = vector.shape_cast %broadcast_in_dim3A_3 : vector<16xf32> to vector<1x16xf32>
      tpu.vector_store %arg6[%swap3A_502, %swap3A_503], %swap3A_506 {strides = array<i32>} : memref<32x1000xf32, #tpu.memory_space<vmem>>, vector<1x16xf32>,
      %swap3A_507 = arith.index_cast %scan3A_27 : i32 to index
      %swap3A_508 = arith.constant 528 : index
      %swap3A_509 = tpu.vector_load %arg6[%swap3A_507, %swap3A_508] {strides = array<i32>} : memref<32x1000xf32, #tpu.memory_space<vmem>>, vector<1x16xf32>,
      %swap3A_510 = vector.shape_cast %swap3A_509 : vector<1x16xf32> to vector<16xf32>
      %swap3A_511 = vector.shape_cast %broadcast_in_dim3A_3 : vector<16xf32> to vector<1x16xf32>
      tpu.vector_store %arg6[%swap3A_507, %swap3A_508], %swap3A_511 {strides = array<i32>} : memref<32x1000xf32, #tpu.memory_space<vmem>>, vector<1x16xf32>,
      %swap3A_512 = arith.index_cast %scan3A_27 : i32 to index
      %swap3A_513 = arith.constant 544 : index
      %swap3A_514 = tpu.vector_load %arg6[%swap3A_512, %swap3A_513] {strides = array<i32>} : memref<32x1000xf32, #tpu.memory_space<vmem>>, vector<1x16xf32>,
      %swap3A_515 = vector.shape_cast %swap3A_514 : vector<1x16xf32> to vector<16xf32>
      %swap3A_516 = vector.shape_cast %broadcast_in_dim3A_3 : vector<16xf32> to vector<1x16xf32>
      tpu.vector_store %arg6[%swap3A_512, %swap3A_513], %swap3A_516 {strides = array<i32>} : memref<32x1000xf32, #tpu.memory_space<vmem>>, vector<1x16xf32>,
      %swap3A_517 = arith.index_cast %scan3A_27 : i32 to index
      %swap3A_518 = arith.constant 560 : index
      %swap3A_519 = tpu.vector_load %arg6[%swap3A_517, %swap3A_518] {strides = array<i32>} : memref<32x1000xf32, #tpu.memory_space<vmem>>, vector<1x16xf32>,
      %swap3A_520 = vector.shape_cast %swap3A_519 : vector<1x16xf32> to vector<16xf32>
      %swap3A_521 = vector.shape_cast %broadcast_in_dim3A_3 : vector<16xf32> to vector<1x16xf32>
      tpu.vector_store %arg6[%swap3A_517, %swap3A_518], %swap3A_521 {strides = array<i32>} : memref<32x1000xf32, #tpu.memory_space<vmem>>, vector<1x16xf32>,
      %swap3A_522 = arith.index_cast %scan3A_27 : i32 to index
      %swap3A_523 = arith.constant 576 : index
      %swap3A_524 = tpu.vector_load %arg6[%swap3A_522, %swap3A_523] {strides = array<i32>} : memref<32x1000xf32, #tpu.memory_space<vmem>>, vector<1x16xf32>,
      %swap3A_525 = vector.shape_cast %swap3A_524 : vector<1x16xf32> to vector<16xf32>
      %swap3A_526 = vector.shape_cast %broadcast_in_dim3A_3 : vector<16xf32> to vector<1x16xf32>
      tpu.vector_store %arg6[%swap3A_522, %swap3A_523], %swap3A_526 {strides = array<i32>} : memref<32x1000xf32, #tpu.memory_space<vmem>>, vector<1x16xf32>,
      %swap3A_527 = arith.index_cast %scan3A_27 : i32 to index
      %swap3A_528 = arith.constant 592 : index
      %swap3A_529 = tpu.vector_load %arg6[%swap3A_527, %swap3A_528] {strides = array<i32>} : memref<32x1000xf32, #tpu.memory_space<vmem>>, vector<1x16xf32>,
      %swap3A_530 = vector.shape_cast %swap3A_529 : vector<1x16xf32> to vector<16xf32>
      %swap3A_531 = vector.shape_cast %broadcast_in_dim3A_3 : vector<16xf32> to vector<1x16xf32>
      tpu.vector_store %arg6[%swap3A_527, %swap3A_528], %swap3A_531 {strides = array<i32>} : memref<32x1000xf32, #tpu.memory_space<vmem>>, vector<1x16xf32>,
      %swap3A_532 = arith.index_cast %scan3A_27 : i32 to index
      %swap3A_533 = arith.constant 608 : index
      %swap3A_534 = tpu.vector_load %arg6[%swap3A_532, %swap3A_533] {strides = array<i32>} : memref<32x1000xf32, #tpu.memory_space<vmem>>, vector<1x16xf32>,
      %swap3A_535 = vector.shape_cast %swap3A_534 : vector<1x16xf32> to vector<16xf32>
      %swap3A_536 = vector.shape_cast %broadcast_in_dim3A_3 : vector<16xf32> to vector<1x16xf32>
      tpu.vector_store %arg6[%swap3A_532, %swap3A_533], %swap3A_536 {strides = array<i32>} : memref<32x1000xf32, #tpu.memory_space<vmem>>, vector<1x16xf32>,
      %swap3A_537 = arith.index_cast %scan3A_27 : i32 to index
      %swap3A_538 = arith.constant 624 : index
      %swap3A_539 = tpu.vector_load %arg6[%swap3A_537, %swap3A_538] {strides = array<i32>} : memref<32x1000xf32, #tpu.memory_space<vmem>>, vector<1x16xf32>,
      %swap3A_540 = vector.shape_cast %swap3A_539 : vector<1x16xf32> to vector<16xf32>
      %swap3A_541 = vector.shape_cast %broadcast_in_dim3A_3 : vector<16xf32> to vector<1x16xf32>
      tpu.vector_store %arg6[%swap3A_537, %swap3A_538], %swap3A_541 {strides = array<i32>} : memref<32x1000xf32, #tpu.memory_space<vmem>>, vector<1x16xf32>,
      %swap3A_542 = arith.index_cast %scan3A_27 : i32 to index
      %swap3A_543 = arith.constant 640 : index
      %swap3A_544 = tpu.vector_load %arg6[%swap3A_542, %swap3A_543] {strides = array<i32>} : memref<32x1000xf32, #tpu.memory_space<vmem>>, vector<1x16xf32>,
      %swap3A_545 = vector.shape_cast %swap3A_544 : vector<1x16xf32> to vector<16xf32>
      %swap3A_546 = vector.shape_cast %broadcast_in_dim3A_3 : vector<16xf32> to vector<1x16xf32>
      tpu.vector_store %arg6[%swap3A_542, %swap3A_543], %swap3A_546 {strides = array<i32>} : memref<32x1000xf32, #tpu.memory_space<vmem>>, vector<1x16xf32>,
      %swap3A_547 = arith.index_cast %scan3A_27 : i32 to index
      %swap3A_548 = arith.constant 656 : index
      %swap3A_549 = tpu.vector_load %arg6[%swap3A_547, %swap3A_548] {strides = array<i32>} : memref<32x1000xf32, #tpu.memory_space<vmem>>, vector<1x16xf32>,
      %swap3A_550 = vector.shape_cast %swap3A_549 : vector<1x16xf32> to vector<16xf32>
      %swap3A_551 = vector.shape_cast %broadcast_in_dim3A_3 : vector<16xf32> to vector<1x16xf32>
      tpu.vector_store %arg6[%swap3A_547, %swap3A_548], %swap3A_551 {strides = array<i32>} : memref<32x1000xf32, #tpu.memory_space<vmem>>, vector<1x16xf32>,
      %swap3A_552 = arith.index_cast %scan3A_27 : i32 to index
      %swap3A_553 = arith.constant 672 : index
      %swap3A_554 = tpu.vector_load %arg6[%swap3A_552, %swap3A_553] {strides = array<i32>} : memref<32x1000xf32, #tpu.memory_space<vmem>>, vector<1x16xf32>,
      %swap3A_555 = vector.shape_cast %swap3A_554 : vector<1x16xf32> to vector<16xf32>
      %swap3A_556 = vector.shape_cast %broadcast_in_dim3A_3 : vector<16xf32> to vector<1x16xf32>
      tpu.vector_store %arg6[%swap3A_552, %swap3A_553], %swap3A_556 {strides = array<i32>} : memref<32x1000xf32, #tpu.memory_space<vmem>>, vector<1x16xf32>,
      %swap3A_557 = arith.index_cast %scan3A_27 : i32 to index
      %swap3A_558 = arith.constant 688 : index
      %swap3A_559 = tpu.vector_load %arg6[%swap3A_557, %swap3A_558] {strides = array<i32>} : memref<32x1000xf32, #tpu.memory_space<vmem>>, vector<1x16xf32>,
      %swap3A_560 = vector.shape_cast %swap3A_559 : vector<1x16xf32> to vector<16xf32>
      %swap3A_561 = vector.shape_cast %broadcast_in_dim3A_3 : vector<16xf32> to vector<1x16xf32>
      tpu.vector_store %arg6[%swap3A_557, %swap3A_558], %swap3A_561 {strides = array<i32>} : memref<32x1000xf32, #tpu.memory_space<vmem>>, vector<1x16xf32>,
      %swap3A_562 = arith.index_cast %scan3A_27 : i32 to index
      %swap3A_563 = arith.constant 704 : index
      %swap3A_564 = tpu.vector_load %arg6[%swap3A_562, %swap3A_563] {strides = array<i32>} : memref<32x1000xf32, #tpu.memory_space<vmem>>, vector<1x16xf32>,
      %swap3A_565 = vector.shape_cast %swap3A_564 : vector<1x16xf32> to vector<16xf32>
      %swap3A_566 = vector.shape_cast %broadcast_in_dim3A_3 : vector<16xf32> to vector<1x16xf32>
      tpu.vector_store %arg6[%swap3A_562, %swap3A_563], %swap3A_566 {strides = array<i32>} : memref<32x1000xf32, #tpu.memory_space<vmem>>, vector<1x16xf32>,
      %swap3A_567 = arith.index_cast %scan3A_27 : i32 to index
      %swap3A_568 = arith.constant 720 : index
      %swap3A_569 = tpu.vector_load %arg6[%swap3A_567, %swap3A_568] {strides = array<i32>} : memref<32x1000xf32, #tpu.memory_space<vmem>>, vector<1x16xf32>,
      %swap3A_570 = vector.shape_cast %swap3A_569 : vector<1x16xf32> to vector<16xf32>
      %swap3A_571 = vector.shape_cast %broadcast_in_dim3A_3 : vector<16xf32> to vector<1x16xf32>
      tpu.vector_store %arg6[%swap3A_567, %swap3A_568], %swap3A_571 {strides = array<i32>} : memref<32x1000xf32, #tpu.memory_space<vmem>>, vector<1x16xf32>,
      %swap3A_572 = arith.index_cast %scan3A_27 : i32 to index
      %swap3A_573 = arith.constant 736 : index
      %swap3A_574 = tpu.vector_load %arg6[%swap3A_572, %swap3A_573] {strides = array<i32>} : memref<32x1000xf32, #tpu.memory_space<vmem>>, vector<1x16xf32>,
      %swap3A_575 = vector.shape_cast %swap3A_574 : vector<1x16xf32> to vector<16xf32>
      %swap3A_576 = vector.shape_cast %broadcast_in_dim3A_3 : vector<16xf32> to vector<1x16xf32>
      tpu.vector_store %arg6[%swap3A_572, %swap3A_573], %swap3A_576 {strides = array<i32>} : memref<32x1000xf32, #tpu.memory_space<vmem>>, vector<1x16xf32>,
      %swap3A_577 = arith.index_cast %scan3A_27 : i32 to index
      %swap3A_578 = arith.constant 752 : index
      %swap3A_579 = tpu.vector_load %arg6[%swap3A_577, %swap3A_578] {strides = array<i32>} : memref<32x1000xf32, #tpu.memory_space<vmem>>, vector<1x16xf32>,
      %swap3A_580 = vector.shape_cast %swap3A_579 : vector<1x16xf32> to vector<16xf32>
      %swap3A_581 = vector.shape_cast %broadcast_in_dim3A_3 : vector<16xf32> to vector<1x16xf32>
      tpu.vector_store %arg6[%swap3A_577, %swap3A_578], %swap3A_581 {strides = array<i32>} : memref<32x1000xf32, #tpu.memory_space<vmem>>, vector<1x16xf32>,
      %swap3A_582 = arith.index_cast %scan3A_27 : i32 to index
      %swap3A_583 = arith.constant 768 : index
      %swap3A_584 = tpu.vector_load %arg6[%swap3A_582, %swap3A_583] {strides = array<i32>} : memref<32x1000xf32, #tpu.memory_space<vmem>>, vector<1x16xf32>,
      %swap3A_585 = vector.shape_cast %swap3A_584 : vector<1x16xf32> to vector<16xf32>
      %swap3A_586 = vector.shape_cast %broadcast_in_dim3A_3 : vector<16xf32> to vector<1x16xf32>
      tpu.vector_store %arg6[%swap3A_582, %swap3A_583], %swap3A_586 {strides = array<i32>} : memref<32x1000xf32, #tpu.memory_space<vmem>>, vector<1x16xf32>,
      %swap3A_587 = arith.index_cast %scan3A_27 : i32 to index
      %swap3A_588 = arith.constant 784 : index
      %swap3A_589 = tpu.vector_load %arg6[%swap3A_587, %swap3A_588] {strides = array<i32>} : memref<32x1000xf32, #tpu.memory_space<vmem>>, vector<1x16xf32>,
      %swap3A_590 = vector.shape_cast %swap3A_589 : vector<1x16xf32> to vector<16xf32>
      %swap3A_591 = vector.shape_cast %broadcast_in_dim3A_3 : vector<16xf32> to vector<1x16xf32>
      tpu.vector_store %arg6[%swap3A_587, %swap3A_588], %swap3A_591 {strides = array<i32>} : memref<32x1000xf32, #tpu.memory_space<vmem>>, vector<1x16xf32>,
      %swap3A_592 = arith.index_cast %scan3A_27 : i32 to index
      %swap3A_593 = arith.constant 800 : index
      %swap3A_594 = tpu.vector_load %arg6[%swap3A_592, %swap3A_593] {strides = array<i32>} : memref<32x1000xf32, #tpu.memory_space<vmem>>, vector<1x16xf32>,
      %swap3A_595 = vector.shape_cast %swap3A_594 : vector<1x16xf32> to vector<16xf32>
      %swap3A_596 = vector.shape_cast %broadcast_in_dim3A_3 : vector<16xf32> to vector<1x16xf32>
      tpu.vector_store %arg6[%swap3A_592, %swap3A_593], %swap3A_596 {strides = array<i32>} : memref<32x1000xf32, #tpu.memory_space<vmem>>, vector<1x16xf32>,
      %swap3A_597 = arith.index_cast %scan3A_27 : i32 to index
      %swap3A_598 = arith.constant 816 : index
      %swap3A_599 = tpu.vector_load %arg6[%swap3A_597, %swap3A_598] {strides = array<i32>} : memref<32x1000xf32, #tpu.memory_space<vmem>>, vector<1x16xf32>,
      %swap3A_600 = vector.shape_cast %swap3A_599 : vector<1x16xf32> to vector<16xf32>
      %swap3A_601 = vector.shape_cast %broadcast_in_dim3A_3 : vector<16xf32> to vector<1x16xf32>
      tpu.vector_store %arg6[%swap3A_597, %swap3A_598], %swap3A_601 {strides = array<i32>} : memref<32x1000xf32, #tpu.memory_space<vmem>>, vector<1x16xf32>,
      %swap3A_602 = arith.index_cast %scan3A_27 : i32 to index
      %swap3A_603 = arith.constant 832 : index
      %swap3A_604 = tpu.vector_load %arg6[%swap3A_602, %swap3A_603] {strides = array<i32>} : memref<32x1000xf32, #tpu.memory_space<vmem>>, vector<1x16xf32>,
      %swap3A_605 = vector.shape_cast %swap3A_604 : vector<1x16xf32> to vector<16xf32>
      %swap3A_606 = vector.shape_cast %broadcast_in_dim3A_3 : vector<16xf32> to vector<1x16xf32>
      tpu.vector_store %arg6[%swap3A_602, %swap3A_603], %swap3A_606 {strides = array<i32>} : memref<32x1000xf32, #tpu.memory_space<vmem>>, vector<1x16xf32>,
      %swap3A_607 = arith.index_cast %scan3A_27 : i32 to index
      %swap3A_608 = arith.constant 848 : index
      %swap3A_609 = tpu.vector_load %arg6[%swap3A_607, %swap3A_608] {strides = array<i32>} : memref<32x1000xf32, #tpu.memory_space<vmem>>, vector<1x16xf32>,
      %swap3A_610 = vector.shape_cast %swap3A_609 : vector<1x16xf32> to vector<16xf32>
      %swap3A_611 = vector.shape_cast %broadcast_in_dim3A_3 : vector<16xf32> to vector<1x16xf32>
      tpu.vector_store %arg6[%swap3A_607, %swap3A_608], %swap3A_611 {strides = array<i32>} : memref<32x1000xf32, #tpu.memory_space<vmem>>, vector<1x16xf32>,
      %swap3A_612 = arith.index_cast %scan3A_27 : i32 to index
      %swap3A_613 = arith.constant 864 : index
      %swap3A_614 = tpu.vector_load %arg6[%swap3A_612, %swap3A_613] {strides = array<i32>} : memref<32x1000xf32, #tpu.memory_space<vmem>>, vector<1x16xf32>,
      %swap3A_615 = vector.shape_cast %swap3A_614 : vector<1x16xf32> to vector<16xf32>
      %swap3A_616 = vector.shape_cast %broadcast_in_dim3A_3 : vector<16xf32> to vector<1x16xf32>
      tpu.vector_store %arg6[%swap3A_612, %swap3A_613], %swap3A_616 {strides = array<i32>} : memref<32x1000xf32, #tpu.memory_space<vmem>>, vector<1x16xf32>,
      %swap3A_617 = arith.index_cast %scan3A_27 : i32 to index
      %swap3A_618 = arith.constant 880 : index
      %swap3A_619 = tpu.vector_load %arg6[%swap3A_617, %swap3A_618] {strides = array<i32>} : memref<32x1000xf32, #tpu.memory_space<vmem>>, vector<1x16xf32>,
      %swap3A_620 = vector.shape_cast %swap3A_619 : vector<1x16xf32> to vector<16xf32>
      %swap3A_621 = vector.shape_cast %broadcast_in_dim3A_3 : vector<16xf32> to vector<1x16xf32>
      tpu.vector_store %arg6[%swap3A_617, %swap3A_618], %swap3A_621 {strides = array<i32>} : memref<32x1000xf32, #tpu.memory_space<vmem>>, vector<1x16xf32>,
      %swap3A_622 = arith.index_cast %scan3A_27 : i32 to index
      %swap3A_623 = arith.constant 896 : index
      %swap3A_624 = tpu.vector_load %arg6[%swap3A_622, %swap3A_623] {strides = array<i32>} : memref<32x1000xf32, #tpu.memory_space<vmem>>, vector<1x16xf32>,
      %swap3A_625 = vector.shape_cast %swap3A_624 : vector<1x16xf32> to vector<16xf32>
      %swap3A_626 = vector.shape_cast %broadcast_in_dim3A_3 : vector<16xf32> to vector<1x16xf32>
      tpu.vector_store %arg6[%swap3A_622, %swap3A_623], %swap3A_626 {strides = array<i32>} : memref<32x1000xf32, #tpu.memory_space<vmem>>, vector<1x16xf32>,
      %swap3A_627 = arith.index_cast %scan3A_27 : i32 to index
      %swap3A_628 = arith.constant 912 : index
      %swap3A_629 = tpu.vector_load %arg6[%swap3A_627, %swap3A_628] {strides = array<i32>} : memref<32x1000xf32, #tpu.memory_space<vmem>>, vector<1x16xf32>,
      %swap3A_630 = vector.shape_cast %swap3A_629 : vector<1x16xf32> to vector<16xf32>
      %swap3A_631 = vector.shape_cast %broadcast_in_dim3A_3 : vector<16xf32> to vector<1x16xf32>
      tpu.vector_store %arg6[%swap3A_627, %swap3A_628], %swap3A_631 {strides = array<i32>} : memref<32x1000xf32, #tpu.memory_space<vmem>>, vector<1x16xf32>,
      %swap3A_632 = arith.index_cast %scan3A_27 : i32 to index
      %swap3A_633 = arith.constant 928 : index
      %swap3A_634 = tpu.vector_load %arg6[%swap3A_632, %swap3A_633] {strides = array<i32>} : memref<32x1000xf32, #tpu.memory_space<vmem>>, vector<1x16xf32>,
      %swap3A_635 = vector.shape_cast %swap3A_634 : vector<1x16xf32> to vector<16xf32>
      %swap3A_636 = vector.shape_cast %broadcast_in_dim3A_3 : vector<16xf32> to vector<1x16xf32>
      tpu.vector_store %arg6[%swap3A_632, %swap3A_633], %swap3A_636 {strides = array<i32>} : memref<32x1000xf32, #tpu.memory_space<vmem>>, vector<1x16xf32>,
      %swap3A_637 = arith.index_cast %scan3A_27 : i32 to index
      %swap3A_638 = arith.constant 944 : index
      %swap3A_639 = tpu.vector_load %arg6[%swap3A_637, %swap3A_638] {strides = array<i32>} : memref<32x1000xf32, #tpu.memory_space<vmem>>, vector<1x16xf32>,
      %swap3A_640 = vector.shape_cast %swap3A_639 : vector<1x16xf32> to vector<16xf32>
      %swap3A_641 = vector.shape_cast %broadcast_in_dim3A_3 : vector<16xf32> to vector<1x16xf32>
      tpu.vector_store %arg6[%swap3A_637, %swap3A_638], %swap3A_641 {strides = array<i32>} : memref<32x1000xf32, #tpu.memory_space<vmem>>, vector<1x16xf32>,
      %swap3A_642 = arith.index_cast %scan3A_27 : i32 to index
      %swap3A_643 = arith.constant 960 : index
      %swap3A_644 = tpu.vector_load %arg6[%swap3A_642, %swap3A_643] {strides = array<i32>} : memref<32x1000xf32, #tpu.memory_space<vmem>>, vector<1x16xf32>,
      %swap3A_645 = vector.shape_cast %swap3A_644 : vector<1x16xf32> to vector<16xf32>
      %swap3A_646 = vector.shape_cast %broadcast_in_dim3A_3 : vector<16xf32> to vector<1x16xf32>
      tpu.vector_store %arg6[%swap3A_642, %swap3A_643], %swap3A_646 {strides = array<i32>} : memref<32x1000xf32, #tpu.memory_space<vmem>>, vector<1x16xf32>,
      %swap3A_647 = arith.index_cast %scan3A_27 : i32 to index
      %swap3A_648 = arith.constant 976 : index
      %swap3A_649 = tpu.vector_load %arg6[%swap3A_647, %swap3A_648] {strides = array<i32>} : memref<32x1000xf32, #tpu.memory_space<vmem>>, vector<1x16xf32>,
      %swap3A_650 = vector.shape_cast %swap3A_649 : vector<1x16xf32> to vector<16xf32>
      %swap3A_651 = vector.shape_cast %broadcast_in_dim3A_3 : vector<16xf32> to vector<1x16xf32>
      tpu.vector_store %arg6[%swap3A_647, %swap3A_648], %swap3A_651 {strides = array<i32>} : memref<32x1000xf32, #tpu.memory_space<vmem>>, vector<1x16xf32>,
      %swap3A_652 = arith.index_cast %scan3A_27 : i32 to index
      %swap3A_653 = arith.constant 984 : index
      %swap3A_654 = tpu.vector_load %arg6[%swap3A_652, %swap3A_653] {strides = array<i32>} : memref<32x1000xf32, #tpu.memory_space<vmem>>, vector<1x16xf32>,
      %swap3A_655 = vector.shape_cast %swap3A_654 : vector<1x16xf32> to vector<16xf32>
      %swap3A_656 = vector.shape_cast %broadcast_in_dim3A_3 : vector<16xf32> to vector<1x16xf32>
      tpu.vector_store %arg6[%swap3A_652, %swap3A_653], %swap3A_656 {strides = array<i32>} : memref<32x1000xf32, #tpu.memory_space<vmem>>, vector<1x16xf32>,
    }
    %scan3A_8 = arith.constant 32 : i32
    %iota3A = tpu.iota {dimensions = array<i32: 0>} : vector<16xi32>
    %scan3A_9 = arith.constant 0 : i32
    %scan3A_10 = arith.constant 25 : i32
    %scan3A_11 = arith.addi %scan3A_9, %scan3A_10 : i32
    %scan3A_12 = arith.constant 1 : i32
    scf.for %scan3A_27 = %scan3A_9 to %scan3A_11 step %scan3A_12  : i32 {
      %mul3A_28 = arith.constant 2 : i32
      %mul3A_29 = arith.muli %scan3A_27, %mul3A_28 : i32
      %add3A_30 = arith.constant 0 : i32
      %add3A_31 = arith.addi %add3A_30, %mul3A_29 : i32
      %add3A_32 = arith.constant 0 : i32
      %add3A_33 = arith.addi %add3A_31, %add3A_32 : i32
      %gt3A = arith.constant 0 : i32
      %gt3A_34 = arith.cmpi sgt, %add3A_31, %gt3A : i32
      %convert_element_type3A = arith.extui %gt3A_34 : i1 to i32
      %cond3A = arith.constant 0 : i32
      %cond3A_35 = arith.cmpi ne, %convert_element_type3A, %cond3A : i32
      scf.if %cond3A_35 {
        %mul3A_1953 = arith.constant 32 : i32
        %mul3A_1954 = arith.muli %add3A_33, %mul3A_1953 : i32
        %multiple_of3A_1955 = tpu.assume_multiple %mul3A_1954, 32 : i32
        %add3A_1956 = arith.addi %multiple_of3A, %multiple_of3A_1955 : i32
        %dma_wait3A_1957 = arith.constant 0 : i32
        %dma_wait3A_1958 = tpu.memref_slice %arg3[%add3A_1956, %dma_wait3A_1957] : memref<51200x1000xf32, #tpu.memory_space<hbm>> -> memref<32x1000xf32, #tpu.memory_space<hbm>>
        %dma_wait3A_1959 = arith.constant 0 : i32
        %dma_wait3A_1960 = tpu.memref_slice %arg3[%add3A_1956, %dma_wait3A_1959] : memref<51200x1000xf32, #tpu.memory_space<hbm>> -> memref<32x1000xf32, #tpu.memory_space<hbm>>
        tpu.wait_dma2 semaphore(%arg7 : memref<!tpu.dma_semaphore, #tpu.memory_space<semaphore_mem>>) src(%arg5 : memref<32x1000xf32, #tpu.memory_space<vmem>>) dst(%dma_wait3A_1960 : memref<32x1000xf32, #tpu.memory_space<hbm>>)
        %sub3A = arith.constant 2 : i32
        %sub3A_1961 = arith.subi %add3A_33, %sub3A : i32
        %mul3A_1962 = arith.constant 32 : i32
        %mul3A_1963 = arith.muli %sub3A_1961, %mul3A_1962 : i32
        %add3A_1964 = arith.constant 0 : i32
        %add3A_1965 = arith.addi %mul3A_1963, %add3A_1964 : i32
        %get3A_1966 = arith.index_cast %add3A_1965 : i32 to index
        %get3A_1967 = tpu.vector_load %arg4[%get3A_1966] {strides = array<i32>} : memref<1600xi32, #tpu.memory_space<vmem>>, vector<16xi32>,
        %get3A_1968 = vector.shape_cast %get3A_1967 : vector<16xi32> to vector<16xi32>
        %jit3A_1969 = arith.constant 0 : i32
        %jit3A_1970 = arith.constant 999 : i32
        %max3A_1971 = vector.broadcast %jit3A_1969 : i32 to vector<16xi32>
        %max3A_1972 = arith.maxsi %max3A_1971, %get3A_1968 : vector<16xi32>
        %min3A_1973 = vector.broadcast %jit3A_1970 : i32 to vector<16xi32>
        %min3A_1974 = arith.minsi %min3A_1973, %max3A_1972 : vector<16xi32>
        %slice3A_1975 = vector.extract_strided_slice %min3A_1974 {offsets = [0], sizes = [1], strides = [1]} : vector<16xi32> to vector<1xi32>
        %squeeze3A_1976 = vector.extract %slice3A_1975[0] : i32 from vector<1xi32>
        %slice3A_1977 = vector.extract_strided_slice %get3A_1968 {offsets = [0], sizes = [1], strides = [1]} : vector<16xi32> to vector<1xi32>
        %squeeze3A_1978 = vector.extract %slice3A_1977[0] : i32 from vector<1xi32>
        %shift_right_arithmetic3A_1979 = arith.constant 4 : i32
        %shift_right_arithmetic3A_1980 = arith.shrsi %squeeze3A_1976, %shift_right_arithmetic3A_1979 : i32
        %shift_left3A_1981 = arith.constant 4 : i32
        %shift_left3A_1982 = arith.shli %shift_right_arithmetic3A_1980, %shift_left3A_1981 : i32
        %multiple_of3A_1983 = tpu.assume_multiple %shift_left3A_1982, 16 : i32
        %and3A_1984 = arith.constant 15 : i32
        %and3A_1985 = arith.andi %squeeze3A_1976, %and3A_1984 : i32
        %shift_right_arithmetic3A_1986 = arith.constant 31 : i32
        %shift_right_arithmetic3A_1987 = arith.shrsi %squeeze3A_1978, %shift_right_arithmetic3A_1986 : i32
        %and3A_1988 = arith.constant 16 : i32
        %and3A_1989 = arith.andi %shift_right_arithmetic3A_1987, %and3A_1988 : i32
        %or3A_1990 = arith.ori %and3A_1985, %and3A_1989 : i32
        %eq3A_1991 = vector.broadcast %or3A_1990 : i32 to vector<16xi32>
        %eq3A_1992 = arith.cmpi eq, %iota3A, %eq3A_1991 : vector<16xi32>
        %jit3A_1993 = arith.constant 0.000000e+00 : f32
        %jit3A_1994 = arith.constant 0.000000e+00 : f32
        %broadcast_in_dim3A_1995 = vector.broadcast %jit3A_1993 : f32 to vector<16xf32>
        %broadcast_in_dim3A_1996 = vector.broadcast %jit3A_1994 : f32 to vector<16xf32>
        %select_n3A_1997 = arith.select %eq3A_1992, %broadcast_in_dim3A_1995, %broadcast_in_dim3A_1996 : vector<16xi1>, vector<16xf32>
        %swap3A_1998 = arith.constant 0 : i32
        %swap3A_1999 = arith.index_cast %swap3A_1998 : i32 to index
        %swap3A_2000 = arith.index_cast %multiple_of3A_1983 : i32 to index
        %swap3A_2001 = tpu.vector_load %arg5[%swap3A_1999, %swap3A_2000] {strides = array<i32>} : memref<32x1000xf32, #tpu.memory_space<vmem>>, vector<1x16xf32>,
        %swap3A_2002 = vector.shape_cast %swap3A_2001 : vector<1x16xf32> to vector<16xf32>
        %swap3A_2003 = vector.shape_cast %select_n3A_1997 : vector<16xf32> to vector<1x16xf32>
        tpu.vector_store %arg5[%swap3A_1999, %swap3A_2000], %swap3A_2003 {strides = array<i32>} : memref<32x1000xf32, #tpu.memory_space<vmem>>, vector<1x16xf32>,
        %slice3A_2004 = vector.extract_strided_slice %min3A_1974 {offsets = [1], sizes = [1], strides = [1]} : vector<16xi32> to vector<1xi32>
        %squeeze3A_2005 = vector.extract %slice3A_2004[0] : i32 from vector<1xi32>
        %slice3A_2006 = vector.extract_strided_slice %get3A_1968 {offsets = [1], sizes = [1], strides = [1]} : vector<16xi32> to vector<1xi32>
        %squeeze3A_2007 = vector.extract %slice3A_2006[0] : i32 from vector<1xi32>
        %shift_right_arithmetic3A_2008 = arith.constant 4 : i32
        %shift_right_arithmetic3A_2009 = arith.shrsi %squeeze3A_2005, %shift_right_arithmetic3A_2008 : i32
        %shift_left3A_2010 = arith.constant 4 : i32
        %shift_left3A_2011 = arith.shli %shift_right_arithmetic3A_2009, %shift_left3A_2010 : i32
        %multiple_of3A_2012 = tpu.assume_multiple %shift_left3A_2011, 16 : i32
        %and3A_2013 = arith.constant 15 : i32
        %and3A_2014 = arith.andi %squeeze3A_2005, %and3A_2013 : i32
        %shift_right_arithmetic3A_2015 = arith.constant 31 : i32
        %shift_right_arithmetic3A_2016 = arith.shrsi %squeeze3A_2007, %shift_right_arithmetic3A_2015 : i32
        %and3A_2017 = arith.constant 16 : i32
        %and3A_2018 = arith.andi %shift_right_arithmetic3A_2016, %and3A_2017 : i32
        %or3A_2019 = arith.ori %and3A_2014, %and3A_2018 : i32
        %eq3A_2020 = vector.broadcast %or3A_2019 : i32 to vector<16xi32>
        %eq3A_2021 = arith.cmpi eq, %iota3A, %eq3A_2020 : vector<16xi32>
        %jit3A_2022 = arith.constant 0.000000e+00 : f32
        %jit3A_2023 = arith.constant 0.000000e+00 : f32
        %broadcast_in_dim3A_2024 = vector.broadcast %jit3A_2022 : f32 to vector<16xf32>
        %broadcast_in_dim3A_2025 = vector.broadcast %jit3A_2023 : f32 to vector<16xf32>
        %select_n3A_2026 = arith.select %eq3A_2021, %broadcast_in_dim3A_2024, %broadcast_in_dim3A_2025 : vector<16xi1>, vector<16xf32>
        %swap3A_2027 = arith.constant 1 : i32
        %swap3A_2028 = arith.index_cast %swap3A_2027 : i32 to index
        %swap3A_2029 = arith.index_cast %multiple_of3A_2012 : i32 to index
        %swap3A_2030 = tpu.vector_load %arg5[%swap3A_2028, %swap3A_2029] {strides = array<i32>} : memref<32x1000xf32, #tpu.memory_space<vmem>>, vector<1x16xf32>,
        %swap3A_2031 = vector.shape_cast %swap3A_2030 : vector<1x16xf32> to vector<16xf32>
        %swap3A_2032 = vector.shape_cast %select_n3A_2026 : vector<16xf32> to vector<1x16xf32>
        tpu.vector_store %arg5[%swap3A_2028, %swap3A_2029], %swap3A_2032 {strides = array<i32>} : memref<32x1000xf32, #tpu.memory_space<vmem>>, vector<1x16xf32>,
        %slice3A_2033 = vector.extract_strided_slice %min3A_1974 {offsets = [2], sizes = [1], strides = [1]} : vector<16xi32> to vector<1xi32>
        %squeeze3A_2034 = vector.extract %slice3A_2033[0] : i32 from vector<1xi32>
        %slice3A_2035 = vector.extract_strided_slice %get3A_1968 {offsets = [2], sizes = [1], strides = [1]} : vector<16xi32> to vector<1xi32>
        %squeeze3A_2036 = vector.extract %slice3A_2035[0] : i32 from vector<1xi32>
        %shift_right_arithmetic3A_2037 = arith.constant 4 : i32
        %shift_right_arithmetic3A_2038 = arith.shrsi %squeeze3A_2034, %shift_right_arithmetic3A_2037 : i32
        %shift_left3A_2039 = arith.constant 4 : i32
        %shift_left3A_2040 = arith.shli %shift_right_arithmetic3A_2038, %shift_left3A_2039 : i32
        %multiple_of3A_2041 = tpu.assume_multiple %shift_left3A_2040, 16 : i32
        %and3A_2042 = arith.constant 15 : i32
        %and3A_2043 = arith.andi %squeeze3A_2034, %and3A_2042 : i32
        %shift_right_arithmetic3A_2044 = arith.constant 31 : i32
        %shift_right_arithmetic3A_2045 = arith.shrsi %squeeze3A_2036, %shift_right_arithmetic3A_2044 : i32
        %and3A_2046 = arith.constant 16 : i32
        %and3A_2047 = arith.andi %shift_right_arithmetic3A_2045, %and3A_2046 : i32
        %or3A_2048 = arith.ori %and3A_2043, %and3A_2047 : i32
        %eq3A_2049 = vector.broadcast %or3A_2048 : i32 to vector<16xi32>
        %eq3A_2050 = arith.cmpi eq, %iota3A, %eq3A_2049 : vector<16xi32>
        %jit3A_2051 = arith.constant 0.000000e+00 : f32
        %jit3A_2052 = arith.constant 0.000000e+00 : f32
        %broadcast_in_dim3A_2053 = vector.broadcast %jit3A_2051 : f32 to vector<16xf32>
        %broadcast_in_dim3A_2054 = vector.broadcast %jit3A_2052 : f32 to vector<16xf32>
        %select_n3A_2055 = arith.select %eq3A_2050, %broadcast_in_dim3A_2053, %broadcast_in_dim3A_2054 : vector<16xi1>, vector<16xf32>
        %swap3A_2056 = arith.constant 2 : i32
        %swap3A_2057 = arith.index_cast %swap3A_2056 : i32 to index
        %swap3A_2058 = arith.index_cast %multiple_of3A_2041 : i32 to index
        %swap3A_2059 = tpu.vector_load %arg5[%swap3A_2057, %swap3A_2058] {strides = array<i32>} : memref<32x1000xf32, #tpu.memory_space<vmem>>, vector<1x16xf32>,
        %swap3A_2060 = vector.shape_cast %swap3A_2059 : vector<1x16xf32> to vector<16xf32>
        %swap3A_2061 = vector.shape_cast %select_n3A_2055 : vector<16xf32> to vector<1x16xf32>
        tpu.vector_store %arg5[%swap3A_2057, %swap3A_2058], %swap3A_2061 {strides = array<i32>} : memref<32x1000xf32, #tpu.memory_space<vmem>>, vector<1x16xf32>,
        %slice3A_2062 = vector.extract_strided_slice %min3A_1974 {offsets = [3], sizes = [1], strides = [1]} : vector<16xi32> to vector<1xi32>
        %squeeze3A_2063 = vector.extract %slice3A_2062[0] : i32 from vector<1xi32>
        %slice3A_2064 = vector.extract_strided_slice %get3A_1968 {offsets = [3], sizes = [1], strides = [1]} : vector<16xi32> to vector<1xi32>
        %squeeze3A_2065 = vector.extract %slice3A_2064[0] : i32 from vector<1xi32>
        %shift_right_arithmetic3A_2066 = arith.constant 4 : i32
        %shift_right_arithmetic3A_2067 = arith.shrsi %squeeze3A_2063, %shift_right_arithmetic3A_2066 : i32
        %shift_left3A_2068 = arith.constant 4 : i32
        %shift_left3A_2069 = arith.shli %shift_right_arithmetic3A_2067, %shift_left3A_2068 : i32
        %multiple_of3A_2070 = tpu.assume_multiple %shift_left3A_2069, 16 : i32
        %and3A_2071 = arith.constant 15 : i32
        %and3A_2072 = arith.andi %squeeze3A_2063, %and3A_2071 : i32
        %shift_right_arithmetic3A_2073 = arith.constant 31 : i32
        %shift_right_arithmetic3A_2074 = arith.shrsi %squeeze3A_2065, %shift_right_arithmetic3A_2073 : i32
        %and3A_2075 = arith.constant 16 : i32
        %and3A_2076 = arith.andi %shift_right_arithmetic3A_2074, %and3A_2075 : i32
        %or3A_2077 = arith.ori %and3A_2072, %and3A_2076 : i32
        %eq3A_2078 = vector.broadcast %or3A_2077 : i32 to vector<16xi32>
        %eq3A_2079 = arith.cmpi eq, %iota3A, %eq3A_2078 : vector<16xi32>
        %jit3A_2080 = arith.constant 0.000000e+00 : f32
        %jit3A_2081 = arith.constant 0.000000e+00 : f32
        %broadcast_in_dim3A_2082 = vector.broadcast %jit3A_2080 : f32 to vector<16xf32>
        %broadcast_in_dim3A_2083 = vector.broadcast %jit3A_2081 : f32 to vector<16xf32>
        %select_n3A_2084 = arith.select %eq3A_2079, %broadcast_in_dim3A_2082, %broadcast_in_dim3A_2083 : vector<16xi1>, vector<16xf32>
        %swap3A_2085 = arith.constant 3 : i32
        %swap3A_2086 = arith.index_cast %swap3A_2085 : i32 to index
        %swap3A_2087 = arith.index_cast %multiple_of3A_2070 : i32 to index
        %swap3A_2088 = tpu.vector_load %arg5[%swap3A_2086, %swap3A_2087] {strides = array<i32>} : memref<32x1000xf32, #tpu.memory_space<vmem>>, vector<1x16xf32>,
        %swap3A_2089 = vector.shape_cast %swap3A_2088 : vector<1x16xf32> to vector<16xf32>
        %swap3A_2090 = vector.shape_cast %select_n3A_2084 : vector<16xf32> to vector<1x16xf32>
        tpu.vector_store %arg5[%swap3A_2086, %swap3A_2087], %swap3A_2090 {strides = array<i32>} : memref<32x1000xf32, #tpu.memory_space<vmem>>, vector<1x16xf32>,
        %slice3A_2091 = vector.extract_strided_slice %min3A_1974 {offsets = [4], sizes = [1], strides = [1]} : vector<16xi32> to vector<1xi32>
        %squeeze3A_2092 = vector.extract %slice3A_2091[0] : i32 from vector<1xi32>
        %slice3A_2093 = vector.extract_strided_slice %get3A_1968 {offsets = [4], sizes = [1], strides = [1]} : vector<16xi32> to vector<1xi32>
        %squeeze3A_2094 = vector.extract %slice3A_2093[0] : i32 from vector<1xi32>
        %shift_right_arithmetic3A_2095 = arith.constant 4 : i32
        %shift_right_arithmetic3A_2096 = arith.shrsi %squeeze3A_2092, %shift_right_arithmetic3A_2095 : i32
        %shift_left3A_2097 = arith.constant 4 : i32
        %shift_left3A_2098 = arith.shli %shift_right_arithmetic3A_2096, %shift_left3A_2097 : i32
        %multiple_of3A_2099 = tpu.assume_multiple %shift_left3A_2098, 16 : i32
        %and3A_2100 = arith.constant 15 : i32
        %and3A_2101 = arith.andi %squeeze3A_2092, %and3A_2100 : i32
        %shift_right_arithmetic3A_2102 = arith.constant 31 : i32
        %shift_right_arithmetic3A_2103 = arith.shrsi %squeeze3A_2094, %shift_right_arithmetic3A_2102 : i32
        %and3A_2104 = arith.constant 16 : i32
        %and3A_2105 = arith.andi %shift_right_arithmetic3A_2103, %and3A_2104 : i32
        %or3A_2106 = arith.ori %and3A_2101, %and3A_2105 : i32
        %eq3A_2107 = vector.broadcast %or3A_2106 : i32 to vector<16xi32>
        %eq3A_2108 = arith.cmpi eq, %iota3A, %eq3A_2107 : vector<16xi32>
        %jit3A_2109 = arith.constant 0.000000e+00 : f32
        %jit3A_2110 = arith.constant 0.000000e+00 : f32
        %broadcast_in_dim3A_2111 = vector.broadcast %jit3A_2109 : f32 to vector<16xf32>
        %broadcast_in_dim3A_2112 = vector.broadcast %jit3A_2110 : f32 to vector<16xf32>
        %select_n3A_2113 = arith.select %eq3A_2108, %broadcast_in_dim3A_2111, %broadcast_in_dim3A_2112 : vector<16xi1>, vector<16xf32>
        %swap3A_2114 = arith.constant 4 : i32
        %swap3A_2115 = arith.index_cast %swap3A_2114 : i32 to index
        %swap3A_2116 = arith.index_cast %multiple_of3A_2099 : i32 to index
        %swap3A_2117 = tpu.vector_load %arg5[%swap3A_2115, %swap3A_2116] {strides = array<i32>} : memref<32x1000xf32, #tpu.memory_space<vmem>>, vector<1x16xf32>,
        %swap3A_2118 = vector.shape_cast %swap3A_2117 : vector<1x16xf32> to vector<16xf32>
        %swap3A_2119 = vector.shape_cast %select_n3A_2113 : vector<16xf32> to vector<1x16xf32>
        tpu.vector_store %arg5[%swap3A_2115, %swap3A_2116], %swap3A_2119 {strides = array<i32>} : memref<32x1000xf32, #tpu.memory_space<vmem>>, vector<1x16xf32>,
        %slice3A_2120 = vector.extract_strided_slice %min3A_1974 {offsets = [5], sizes = [1], strides = [1]} : vector<16xi32> to vector<1xi32>
        %squeeze3A_2121 = vector.extract %slice3A_2120[0] : i32 from vector<1xi32>
        %slice3A_2122 = vector.extract_strided_slice %get3A_1968 {offsets = [5], sizes = [1], strides = [1]} : vector<16xi32> to vector<1xi32>
        %squeeze3A_2123 = vector.extract %slice3A_2122[0] : i32 from vector<1xi32>
        %shift_right_arithmetic3A_2124 = arith.constant 4 : i32
        %shift_right_arithmetic3A_2125 = arith.shrsi %squeeze3A_2121, %shift_right_arithmetic3A_2124 : i32
        %shift_left3A_2126 = arith.constant 4 : i32
        %shift_left3A_2127 = arith.shli %shift_right_arithmetic3A_2125, %shift_left3A_2126 : i32
        %multiple_of3A_2128 = tpu.assume_multiple %shift_left3A_2127, 16 : i32
        %and3A_2129 = arith.constant 15 : i32
        %and3A_2130 = arith.andi %squeeze3A_2121, %and3A_2129 : i32
        %shift_right_arithmetic3A_2131 = arith.constant 31 : i32
        %shift_right_arithmetic3A_2132 = arith.shrsi %squeeze3A_2123, %shift_right_arithmetic3A_2131 : i32
        %and3A_2133 = arith.constant 16 : i32
        %and3A_2134 = arith.andi %shift_right_arithmetic3A_2132, %and3A_2133 : i32
        %or3A_2135 = arith.ori %and3A_2130, %and3A_2134 : i32
        %eq3A_2136 = vector.broadcast %or3A_2135 : i32 to vector<16xi32>
        %eq3A_2137 = arith.cmpi eq, %iota3A, %eq3A_2136 : vector<16xi32>
        %jit3A_2138 = arith.constant 0.000000e+00 : f32
        %jit3A_2139 = arith.constant 0.000000e+00 : f32
        %broadcast_in_dim3A_2140 = vector.broadcast %jit3A_2138 : f32 to vector<16xf32>
        %broadcast_in_dim3A_2141 = vector.broadcast %jit3A_2139 : f32 to vector<16xf32>
        %select_n3A_2142 = arith.select %eq3A_2137, %broadcast_in_dim3A_2140, %broadcast_in_dim3A_2141 : vector<16xi1>, vector<16xf32>
        %swap3A_2143 = arith.constant 5 : i32
        %swap3A_2144 = arith.index_cast %swap3A_2143 : i32 to index
        %swap3A_2145 = arith.index_cast %multiple_of3A_2128 : i32 to index
        %swap3A_2146 = tpu.vector_load %arg5[%swap3A_2144, %swap3A_2145] {strides = array<i32>} : memref<32x1000xf32, #tpu.memory_space<vmem>>, vector<1x16xf32>,
        %swap3A_2147 = vector.shape_cast %swap3A_2146 : vector<1x16xf32> to vector<16xf32>
        %swap3A_2148 = vector.shape_cast %select_n3A_2142 : vector<16xf32> to vector<1x16xf32>
        tpu.vector_store %arg5[%swap3A_2144, %swap3A_2145], %swap3A_2148 {strides = array<i32>} : memref<32x1000xf32, #tpu.memory_space<vmem>>, vector<1x16xf32>,
        %slice3A_2149 = vector.extract_strided_slice %min3A_1974 {offsets = [6], sizes = [1], strides = [1]} : vector<16xi32> to vector<1xi32>
        %squeeze3A_2150 = vector.extract %slice3A_2149[0] : i32 from vector<1xi32>
        %slice3A_2151 = vector.extract_strided_slice %get3A_1968 {offsets = [6], sizes = [1], strides = [1]} : vector<16xi32> to vector<1xi32>
        %squeeze3A_2152 = vector.extract %slice3A_2151[0] : i32 from vector<1xi32>
        %shift_right_arithmetic3A_2153 = arith.constant 4 : i32
        %shift_right_arithmetic3A_2154 = arith.shrsi %squeeze3A_2150, %shift_right_arithmetic3A_2153 : i32
        %shift_left3A_2155 = arith.constant 4 : i32
        %shift_left3A_2156 = arith.shli %shift_right_arithmetic3A_2154, %shift_left3A_2155 : i32
        %multiple_of3A_2157 = tpu.assume_multiple %shift_left3A_2156, 16 : i32
        %and3A_2158 = arith.constant 15 : i32
        %and3A_2159 = arith.andi %squeeze3A_2150, %and3A_2158 : i32
        %shift_right_arithmetic3A_2160 = arith.constant 31 : i32
        %shift_right_arithmetic3A_2161 = arith.shrsi %squeeze3A_2152, %shift_right_arithmetic3A_2160 : i32
        %and3A_2162 = arith.constant 16 : i32
        %and3A_2163 = arith.andi %shift_right_arithmetic3A_2161, %and3A_2162 : i32
        %or3A_2164 = arith.ori %and3A_2159, %and3A_2163 : i32
        %eq3A_2165 = vector.broadcast %or3A_2164 : i32 to vector<16xi32>
        %eq3A_2166 = arith.cmpi eq, %iota3A, %eq3A_2165 : vector<16xi32>
        %jit3A_2167 = arith.constant 0.000000e+00 : f32
        %jit3A_2168 = arith.constant 0.000000e+00 : f32
        %broadcast_in_dim3A_2169 = vector.broadcast %jit3A_2167 : f32 to vector<16xf32>
        %broadcast_in_dim3A_2170 = vector.broadcast %jit3A_2168 : f32 to vector<16xf32>
        %select_n3A_2171 = arith.select %eq3A_2166, %broadcast_in_dim3A_2169, %broadcast_in_dim3A_2170 : vector<16xi1>, vector<16xf32>
        %swap3A_2172 = arith.constant 6 : i32
        %swap3A_2173 = arith.index_cast %swap3A_2172 : i32 to index
        %swap3A_2174 = arith.index_cast %multiple_of3A_2157 : i32 to index
        %swap3A_2175 = tpu.vector_load %arg5[%swap3A_2173, %swap3A_2174] {strides = array<i32>} : memref<32x1000xf32, #tpu.memory_space<vmem>>, vector<1x16xf32>,
        %swap3A_2176 = vector.shape_cast %swap3A_2175 : vector<1x16xf32> to vector<16xf32>
        %swap3A_2177 = vector.shape_cast %select_n3A_2171 : vector<16xf32> to vector<1x16xf32>
        tpu.vector_store %arg5[%swap3A_2173, %swap3A_2174], %swap3A_2177 {strides = array<i32>} : memref<32x1000xf32, #tpu.memory_space<vmem>>, vector<1x16xf32>,
        %slice3A_2178 = vector.extract_strided_slice %min3A_1974 {offsets = [7], sizes = [1], strides = [1]} : vector<16xi32> to vector<1xi32>
        %squeeze3A_2179 = vector.extract %slice3A_2178[0] : i32 from vector<1xi32>
        %slice3A_2180 = vector.extract_strided_slice %get3A_1968 {offsets = [7], sizes = [1], strides = [1]} : vector<16xi32> to vector<1xi32>
        %squeeze3A_2181 = vector.extract %slice3A_2180[0] : i32 from vector<1xi32>
        %shift_right_arithmetic3A_2182 = arith.constant 4 : i32
        %shift_right_arithmetic3A_2183 = arith.shrsi %squeeze3A_2179, %shift_right_arithmetic3A_2182 : i32
        %shift_left3A_2184 = arith.constant 4 : i32
        %shift_left3A_2185 = arith.shli %shift_right_arithmetic3A_2183, %shift_left3A_2184 : i32
        %multiple_of3A_2186 = tpu.assume_multiple %shift_left3A_2185, 16 : i32
        %and3A_2187 = arith.constant 15 : i32
        %and3A_2188 = arith.andi %squeeze3A_2179, %and3A_2187 : i32
        %shift_right_arithmetic3A_2189 = arith.constant 31 : i32
        %shift_right_arithmetic3A_2190 = arith.shrsi %squeeze3A_2181, %shift_right_arithmetic3A_2189 : i32
        %and3A_2191 = arith.constant 16 : i32
        %and3A_2192 = arith.andi %shift_right_arithmetic3A_2190, %and3A_2191 : i32
        %or3A_2193 = arith.ori %and3A_2188, %and3A_2192 : i32
        %eq3A_2194 = vector.broadcast %or3A_2193 : i32 to vector<16xi32>
        %eq3A_2195 = arith.cmpi eq, %iota3A, %eq3A_2194 : vector<16xi32>
        %jit3A_2196 = arith.constant 0.000000e+00 : f32
        %jit3A_2197 = arith.constant 0.000000e+00 : f32
        %broadcast_in_dim3A_2198 = vector.broadcast %jit3A_2196 : f32 to vector<16xf32>
        %broadcast_in_dim3A_2199 = vector.broadcast %jit3A_2197 : f32 to vector<16xf32>
        %select_n3A_2200 = arith.select %eq3A_2195, %broadcast_in_dim3A_2198, %broadcast_in_dim3A_2199 : vector<16xi1>, vector<16xf32>
        %swap3A_2201 = arith.constant 7 : i32
        %swap3A_2202 = arith.index_cast %swap3A_2201 : i32 to index
        %swap3A_2203 = arith.index_cast %multiple_of3A_2186 : i32 to index
        %swap3A_2204 = tpu.vector_load %arg5[%swap3A_2202, %swap3A_2203] {strides = array<i32>} : memref<32x1000xf32, #tpu.memory_space<vmem>>, vector<1x16xf32>,
        %swap3A_2205 = vector.shape_cast %swap3A_2204 : vector<1x16xf32> to vector<16xf32>
        %swap3A_2206 = vector.shape_cast %select_n3A_2200 : vector<16xf32> to vector<1x16xf32>
        tpu.vector_store %arg5[%swap3A_2202, %swap3A_2203], %swap3A_2206 {strides = array<i32>} : memref<32x1000xf32, #tpu.memory_space<vmem>>, vector<1x16xf32>,
        %slice3A_2207 = vector.extract_strided_slice %min3A_1974 {offsets = [8], sizes = [1], strides = [1]} : vector<16xi32> to vector<1xi32>
        %squeeze3A_2208 = vector.extract %slice3A_2207[0] : i32 from vector<1xi32>
        %slice3A_2209 = vector.extract_strided_slice %get3A_1968 {offsets = [8], sizes = [1], strides = [1]} : vector<16xi32> to vector<1xi32>
        %squeeze3A_2210 = vector.extract %slice3A_2209[0] : i32 from vector<1xi32>
        %shift_right_arithmetic3A_2211 = arith.constant 4 : i32
        %shift_right_arithmetic3A_2212 = arith.shrsi %squeeze3A_2208, %shift_right_arithmetic3A_2211 : i32
        %shift_left3A_2213 = arith.constant 4 : i32
        %shift_left3A_2214 = arith.shli %shift_right_arithmetic3A_2212, %shift_left3A_2213 : i32
        %multiple_of3A_2215 = tpu.assume_multiple %shift_left3A_2214, 16 : i32
        %and3A_2216 = arith.constant 15 : i32
        %and3A_2217 = arith.andi %squeeze3A_2208, %and3A_2216 : i32
        %shift_right_arithmetic3A_2218 = arith.constant 31 : i32
        %shift_right_arithmetic3A_2219 = arith.shrsi %squeeze3A_2210, %shift_right_arithmetic3A_2218 : i32
        %and3A_2220 = arith.constant 16 : i32
        %and3A_2221 = arith.andi %shift_right_arithmetic3A_2219, %and3A_2220 : i32
        %or3A_2222 = arith.ori %and3A_2217, %and3A_2221 : i32
        %eq3A_2223 = vector.broadcast %or3A_2222 : i32 to vector<16xi32>
        %eq3A_2224 = arith.cmpi eq, %iota3A, %eq3A_2223 : vector<16xi32>
        %jit3A_2225 = arith.constant 0.000000e+00 : f32
        %jit3A_2226 = arith.constant 0.000000e+00 : f32
        %broadcast_in_dim3A_2227 = vector.broadcast %jit3A_2225 : f32 to vector<16xf32>
        %broadcast_in_dim3A_2228 = vector.broadcast %jit3A_2226 : f32 to vector<16xf32>
        %select_n3A_2229 = arith.select %eq3A_2224, %broadcast_in_dim3A_2227, %broadcast_in_dim3A_2228 : vector<16xi1>, vector<16xf32>
        %swap3A_2230 = arith.constant 8 : i32
        %swap3A_2231 = arith.index_cast %swap3A_2230 : i32 to index
        %swap3A_2232 = arith.index_cast %multiple_of3A_2215 : i32 to index
        %swap3A_2233 = tpu.vector_load %arg5[%swap3A_2231, %swap3A_2232] {strides = array<i32>} : memref<32x1000xf32, #tpu.memory_space<vmem>>, vector<1x16xf32>,
        %swap3A_2234 = vector.shape_cast %swap3A_2233 : vector<1x16xf32> to vector<16xf32>
        %swap3A_2235 = vector.shape_cast %select_n3A_2229 : vector<16xf32> to vector<1x16xf32>
        tpu.vector_store %arg5[%swap3A_2231, %swap3A_2232], %swap3A_2235 {strides = array<i32>} : memref<32x1000xf32, #tpu.memory_space<vmem>>, vector<1x16xf32>,
        %slice3A_2236 = vector.extract_strided_slice %min3A_1974 {offsets = [9], sizes = [1], strides = [1]} : vector<16xi32> to vector<1xi32>
        %squeeze3A_2237 = vector.extract %slice3A_2236[0] : i32 from vector<1xi32>
        %slice3A_2238 = vector.extract_strided_slice %get3A_1968 {offsets = [9], sizes = [1], strides = [1]} : vector<16xi32> to vector<1xi32>
        %squeeze3A_2239 = vector.extract %slice3A_2238[0] : i32 from vector<1xi32>
        %shift_right_arithmetic3A_2240 = arith.constant 4 : i32
        %shift_right_arithmetic3A_2241 = arith.shrsi %squeeze3A_2237, %shift_right_arithmetic3A_2240 : i32
        %shift_left3A_2242 = arith.constant 4 : i32
        %shift_left3A_2243 = arith.shli %shift_right_arithmetic3A_2241, %shift_left3A_2242 : i32
        %multiple_of3A_2244 = tpu.assume_multiple %shift_left3A_2243, 16 : i32
        %and3A_2245 = arith.constant 15 : i32
        %and3A_2246 = arith.andi %squeeze3A_2237, %and3A_2245 : i32
        %shift_right_arithmetic3A_2247 = arith.constant 31 : i32
        %shift_right_arithmetic3A_2248 = arith.shrsi %squeeze3A_2239, %shift_right_arithmetic3A_2247 : i32
        %and3A_2249 = arith.constant 16 : i32
        %and3A_2250 = arith.andi %shift_right_arithmetic3A_2248, %and3A_2249 : i32
        %or3A_2251 = arith.ori %and3A_2246, %and3A_2250 : i32
        %eq3A_2252 = vector.broadcast %or3A_2251 : i32 to vector<16xi32>
        %eq3A_2253 = arith.cmpi eq, %iota3A, %eq3A_2252 : vector<16xi32>
        %jit3A_2254 = arith.constant 0.000000e+00 : f32
        %jit3A_2255 = arith.constant 0.000000e+00 : f32
        %broadcast_in_dim3A_2256 = vector.broadcast %jit3A_2254 : f32 to vector<16xf32>
        %broadcast_in_dim3A_2257 = vector.broadcast %jit3A_2255 : f32 to vector<16xf32>
        %select_n3A_2258 = arith.select %eq3A_2253, %broadcast_in_dim3A_2256, %broadcast_in_dim3A_2257 : vector<16xi1>, vector<16xf32>
        %swap3A_2259 = arith.constant 9 : i32
        %swap3A_2260 = arith.index_cast %swap3A_2259 : i32 to index
        %swap3A_2261 = arith.index_cast %multiple_of3A_2244 : i32 to index
        %swap3A_2262 = tpu.vector_load %arg5[%swap3A_2260, %swap3A_2261] {strides = array<i32>} : memref<32x1000xf32, #tpu.memory_space<vmem>>, vector<1x16xf32>,
        %swap3A_2263 = vector.shape_cast %swap3A_2262 : vector<1x16xf32> to vector<16xf32>
        %swap3A_2264 = vector.shape_cast %select_n3A_2258 : vector<16xf32> to vector<1x16xf32>
        tpu.vector_store %arg5[%swap3A_2260, %swap3A_2261], %swap3A_2264 {strides = array<i32>} : memref<32x1000xf32, #tpu.memory_space<vmem>>, vector<1x16xf32>,
        %slice3A_2265 = vector.extract_strided_slice %min3A_1974 {offsets = [10], sizes = [1], strides = [1]} : vector<16xi32> to vector<1xi32>
        %squeeze3A_2266 = vector.extract %slice3A_2265[0] : i32 from vector<1xi32>
        %slice3A_2267 = vector.extract_strided_slice %get3A_1968 {offsets = [10], sizes = [1], strides = [1]} : vector<16xi32> to vector<1xi32>
        %squeeze3A_2268 = vector.extract %slice3A_2267[0] : i32 from vector<1xi32>
        %shift_right_arithmetic3A_2269 = arith.constant 4 : i32
        %shift_right_arithmetic3A_2270 = arith.shrsi %squeeze3A_2266, %shift_right_arithmetic3A_2269 : i32
        %shift_left3A_2271 = arith.constant 4 : i32
        %shift_left3A_2272 = arith.shli %shift_right_arithmetic3A_2270, %shift_left3A_2271 : i32
        %multiple_of3A_2273 = tpu.assume_multiple %shift_left3A_2272, 16 : i32
        %and3A_2274 = arith.constant 15 : i32
        %and3A_2275 = arith.andi %squeeze3A_2266, %and3A_2274 : i32
        %shift_right_arithmetic3A_2276 = arith.constant 31 : i32
        %shift_right_arithmetic3A_2277 = arith.shrsi %squeeze3A_2268, %shift_right_arithmetic3A_2276 : i32
        %and3A_2278 = arith.constant 16 : i32
        %and3A_2279 = arith.andi %shift_right_arithmetic3A_2277, %and3A_2278 : i32
        %or3A_2280 = arith.ori %and3A_2275, %and3A_2279 : i32
        %eq3A_2281 = vector.broadcast %or3A_2280 : i32 to vector<16xi32>
        %eq3A_2282 = arith.cmpi eq, %iota3A, %eq3A_2281 : vector<16xi32>
        %jit3A_2283 = arith.constant 0.000000e+00 : f32
        %jit3A_2284 = arith.constant 0.000000e+00 : f32
        %broadcast_in_dim3A_2285 = vector.broadcast %jit3A_2283 : f32 to vector<16xf32>
        %broadcast_in_dim3A_2286 = vector.broadcast %jit3A_2284 : f32 to vector<16xf32>
        %select_n3A_2287 = arith.select %eq3A_2282, %broadcast_in_dim3A_2285, %broadcast_in_dim3A_2286 : vector<16xi1>, vector<16xf32>
        %swap3A_2288 = arith.constant 10 : i32
        %swap3A_2289 = arith.index_cast %swap3A_2288 : i32 to index
        %swap3A_2290 = arith.index_cast %multiple_of3A_2273 : i32 to index
        %swap3A_2291 = tpu.vector_load %arg5[%swap3A_2289, %swap3A_2290] {strides = array<i32>} : memref<32x1000xf32, #tpu.memory_space<vmem>>, vector<1x16xf32>,
        %swap3A_2292 = vector.shape_cast %swap3A_2291 : vector<1x16xf32> to vector<16xf32>
        %swap3A_2293 = vector.shape_cast %select_n3A_2287 : vector<16xf32> to vector<1x16xf32>
        tpu.vector_store %arg5[%swap3A_2289, %swap3A_2290], %swap3A_2293 {strides = array<i32>} : memref<32x1000xf32, #tpu.memory_space<vmem>>, vector<1x16xf32>,
        %slice3A_2294 = vector.extract_strided_slice %min3A_1974 {offsets = [11], sizes = [1], strides = [1]} : vector<16xi32> to vector<1xi32>
        %squeeze3A_2295 = vector.extract %slice3A_2294[0] : i32 from vector<1xi32>
        %slice3A_2296 = vector.extract_strided_slice %get3A_1968 {offsets = [11], sizes = [1], strides = [1]} : vector<16xi32> to vector<1xi32>
        %squeeze3A_2297 = vector.extract %slice3A_2296[0] : i32 from vector<1xi32>
        %shift_right_arithmetic3A_2298 = arith.constant 4 : i32
        %shift_right_arithmetic3A_2299 = arith.shrsi %squeeze3A_2295, %shift_right_arithmetic3A_2298 : i32
        %shift_left3A_2300 = arith.constant 4 : i32
        %shift_left3A_2301 = arith.shli %shift_right_arithmetic3A_2299, %shift_left3A_2300 : i32
        %multiple_of3A_2302 = tpu.assume_multiple %shift_left3A_2301, 16 : i32
        %and3A_2303 = arith.constant 15 : i32
        %and3A_2304 = arith.andi %squeeze3A_2295, %and3A_2303 : i32
        %shift_right_arithmetic3A_2305 = arith.constant 31 : i32
        %shift_right_arithmetic3A_2306 = arith.shrsi %squeeze3A_2297, %shift_right_arithmetic3A_2305 : i32
        %and3A_2307 = arith.constant 16 : i32
        %and3A_2308 = arith.andi %shift_right_arithmetic3A_2306, %and3A_2307 : i32
        %or3A_2309 = arith.ori %and3A_2304, %and3A_2308 : i32
        %eq3A_2310 = vector.broadcast %or3A_2309 : i32 to vector<16xi32>
        %eq3A_2311 = arith.cmpi eq, %iota3A, %eq3A_2310 : vector<16xi32>
        %jit3A_2312 = arith.constant 0.000000e+00 : f32
        %jit3A_2313 = arith.constant 0.000000e+00 : f32
        %broadcast_in_dim3A_2314 = vector.broadcast %jit3A_2312 : f32 to vector<16xf32>
        %broadcast_in_dim3A_2315 = vector.broadcast %jit3A_2313 : f32 to vector<16xf32>
        %select_n3A_2316 = arith.select %eq3A_2311, %broadcast_in_dim3A_2314, %broadcast_in_dim3A_2315 : vector<16xi1>, vector<16xf32>
        %swap3A_2317 = arith.constant 11 : i32
        %swap3A_2318 = arith.index_cast %swap3A_2317 : i32 to index
        %swap3A_2319 = arith.index_cast %multiple_of3A_2302 : i32 to index
        %swap3A_2320 = tpu.vector_load %arg5[%swap3A_2318, %swap3A_2319] {strides = array<i32>} : memref<32x1000xf32, #tpu.memory_space<vmem>>, vector<1x16xf32>,
        %swap3A_2321 = vector.shape_cast %swap3A_2320 : vector<1x16xf32> to vector<16xf32>
        %swap3A_2322 = vector.shape_cast %select_n3A_2316 : vector<16xf32> to vector<1x16xf32>
        tpu.vector_store %arg5[%swap3A_2318, %swap3A_2319], %swap3A_2322 {strides = array<i32>} : memref<32x1000xf32, #tpu.memory_space<vmem>>, vector<1x16xf32>,
        %slice3A_2323 = vector.extract_strided_slice %min3A_1974 {offsets = [12], sizes = [1], strides = [1]} : vector<16xi32> to vector<1xi32>
        %squeeze3A_2324 = vector.extract %slice3A_2323[0] : i32 from vector<1xi32>
        %slice3A_2325 = vector.extract_strided_slice %get3A_1968 {offsets = [12], sizes = [1], strides = [1]} : vector<16xi32> to vector<1xi32>
        %squeeze3A_2326 = vector.extract %slice3A_2325[0] : i32 from vector<1xi32>
        %shift_right_arithmetic3A_2327 = arith.constant 4 : i32
        %shift_right_arithmetic3A_2328 = arith.shrsi %squeeze3A_2324, %shift_right_arithmetic3A_2327 : i32
        %shift_left3A_2329 = arith.constant 4 : i32
        %shift_left3A_2330 = arith.shli %shift_right_arithmetic3A_2328, %shift_left3A_2329 : i32
        %multiple_of3A_2331 = tpu.assume_multiple %shift_left3A_2330, 16 : i32
        %and3A_2332 = arith.constant 15 : i32
        %and3A_2333 = arith.andi %squeeze3A_2324, %and3A_2332 : i32
        %shift_right_arithmetic3A_2334 = arith.constant 31 : i32
        %shift_right_arithmetic3A_2335 = arith.shrsi %squeeze3A_2326, %shift_right_arithmetic3A_2334 : i32
        %and3A_2336 = arith.constant 16 : i32
        %and3A_2337 = arith.andi %shift_right_arithmetic3A_2335, %and3A_2336 : i32
        %or3A_2338 = arith.ori %and3A_2333, %and3A_2337 : i32
        %eq3A_2339 = vector.broadcast %or3A_2338 : i32 to vector<16xi32>
        %eq3A_2340 = arith.cmpi eq, %iota3A, %eq3A_2339 : vector<16xi32>
        %jit3A_2341 = arith.constant 0.000000e+00 : f32
        %jit3A_2342 = arith.constant 0.000000e+00 : f32
        %broadcast_in_dim3A_2343 = vector.broadcast %jit3A_2341 : f32 to vector<16xf32>
        %broadcast_in_dim3A_2344 = vector.broadcast %jit3A_2342 : f32 to vector<16xf32>
        %select_n3A_2345 = arith.select %eq3A_2340, %broadcast_in_dim3A_2343, %broadcast_in_dim3A_2344 : vector<16xi1>, vector<16xf32>
        %swap3A_2346 = arith.constant 12 : i32
        %swap3A_2347 = arith.index_cast %swap3A_2346 : i32 to index
        %swap3A_2348 = arith.index_cast %multiple_of3A_2331 : i32 to index
        %swap3A_2349 = tpu.vector_load %arg5[%swap3A_2347, %swap3A_2348] {strides = array<i32>} : memref<32x1000xf32, #tpu.memory_space<vmem>>, vector<1x16xf32>,
        %swap3A_2350 = vector.shape_cast %swap3A_2349 : vector<1x16xf32> to vector<16xf32>
        %swap3A_2351 = vector.shape_cast %select_n3A_2345 : vector<16xf32> to vector<1x16xf32>
        tpu.vector_store %arg5[%swap3A_2347, %swap3A_2348], %swap3A_2351 {strides = array<i32>} : memref<32x1000xf32, #tpu.memory_space<vmem>>, vector<1x16xf32>,
        %slice3A_2352 = vector.extract_strided_slice %min3A_1974 {offsets = [13], sizes = [1], strides = [1]} : vector<16xi32> to vector<1xi32>
        %squeeze3A_2353 = vector.extract %slice3A_2352[0] : i32 from vector<1xi32>
        %slice3A_2354 = vector.extract_strided_slice %get3A_1968 {offsets = [13], sizes = [1], strides = [1]} : vector<16xi32> to vector<1xi32>
        %squeeze3A_2355 = vector.extract %slice3A_2354[0] : i32 from vector<1xi32>
        %shift_right_arithmetic3A_2356 = arith.constant 4 : i32
        %shift_right_arithmetic3A_2357 = arith.shrsi %squeeze3A_2353, %shift_right_arithmetic3A_2356 : i32
        %shift_left3A_2358 = arith.constant 4 : i32
        %shift_left3A_2359 = arith.shli %shift_right_arithmetic3A_2357, %shift_left3A_2358 : i32
        %multiple_of3A_2360 = tpu.assume_multiple %shift_left3A_2359, 16 : i32
        %and3A_2361 = arith.constant 15 : i32
        %and3A_2362 = arith.andi %squeeze3A_2353, %and3A_2361 : i32
        %shift_right_arithmetic3A_2363 = arith.constant 31 : i32
        %shift_right_arithmetic3A_2364 = arith.shrsi %squeeze3A_2355, %shift_right_arithmetic3A_2363 : i32
        %and3A_2365 = arith.constant 16 : i32
        %and3A_2366 = arith.andi %shift_right_arithmetic3A_2364, %and3A_2365 : i32
        %or3A_2367 = arith.ori %and3A_2362, %and3A_2366 : i32
        %eq3A_2368 = vector.broadcast %or3A_2367 : i32 to vector<16xi32>
        %eq3A_2369 = arith.cmpi eq, %iota3A, %eq3A_2368 : vector<16xi32>
        %jit3A_2370 = arith.constant 0.000000e+00 : f32
        %jit3A_2371 = arith.constant 0.000000e+00 : f32
        %broadcast_in_dim3A_2372 = vector.broadcast %jit3A_2370 : f32 to vector<16xf32>
        %broadcast_in_dim3A_2373 = vector.broadcast %jit3A_2371 : f32 to vector<16xf32>
        %select_n3A_2374 = arith.select %eq3A_2369, %broadcast_in_dim3A_2372, %broadcast_in_dim3A_2373 : vector<16xi1>, vector<16xf32>
        %swap3A_2375 = arith.constant 13 : i32
        %swap3A_2376 = arith.index_cast %swap3A_2375 : i32 to index
        %swap3A_2377 = arith.index_cast %multiple_of3A_2360 : i32 to index
        %swap3A_2378 = tpu.vector_load %arg5[%swap3A_2376, %swap3A_2377] {strides = array<i32>} : memref<32x1000xf32, #tpu.memory_space<vmem>>, vector<1x16xf32>,
        %swap3A_2379 = vector.shape_cast %swap3A_2378 : vector<1x16xf32> to vector<16xf32>
        %swap3A_2380 = vector.shape_cast %select_n3A_2374 : vector<16xf32> to vector<1x16xf32>
        tpu.vector_store %arg5[%swap3A_2376, %swap3A_2377], %swap3A_2380 {strides = array<i32>} : memref<32x1000xf32, #tpu.memory_space<vmem>>, vector<1x16xf32>,
        %slice3A_2381 = vector.extract_strided_slice %min3A_1974 {offsets = [14], sizes = [1], strides = [1]} : vector<16xi32> to vector<1xi32>
        %squeeze3A_2382 = vector.extract %slice3A_2381[0] : i32 from vector<1xi32>
        %slice3A_2383 = vector.extract_strided_slice %get3A_1968 {offsets = [14], sizes = [1], strides = [1]} : vector<16xi32> to vector<1xi32>
        %squeeze3A_2384 = vector.extract %slice3A_2383[0] : i32 from vector<1xi32>
        %shift_right_arithmetic3A_2385 = arith.constant 4 : i32
        %shift_right_arithmetic3A_2386 = arith.shrsi %squeeze3A_2382, %shift_right_arithmetic3A_2385 : i32
        %shift_left3A_2387 = arith.constant 4 : i32
        %shift_left3A_2388 = arith.shli %shift_right_arithmetic3A_2386, %shift_left3A_2387 : i32
        %multiple_of3A_2389 = tpu.assume_multiple %shift_left3A_2388, 16 : i32
        %and3A_2390 = arith.constant 15 : i32
        %and3A_2391 = arith.andi %squeeze3A_2382, %and3A_2390 : i32
        %shift_right_arithmetic3A_2392 = arith.constant 31 : i32
        %shift_right_arithmetic3A_2393 = arith.shrsi %squeeze3A_2384, %shift_right_arithmetic3A_2392 : i32
        %and3A_2394 = arith.constant 16 : i32
        %and3A_2395 = arith.andi %shift_right_arithmetic3A_2393, %and3A_2394 : i32
        %or3A_2396 = arith.ori %and3A_2391, %and3A_2395 : i32
        %eq3A_2397 = vector.broadcast %or3A_2396 : i32 to vector<16xi32>
        %eq3A_2398 = arith.cmpi eq, %iota3A, %eq3A_2397 : vector<16xi32>
        %jit3A_2399 = arith.constant 0.000000e+00 : f32
        %jit3A_2400 = arith.constant 0.000000e+00 : f32
        %broadcast_in_dim3A_2401 = vector.broadcast %jit3A_2399 : f32 to vector<16xf32>
        %broadcast_in_dim3A_2402 = vector.broadcast %jit3A_2400 : f32 to vector<16xf32>
        %select_n3A_2403 = arith.select %eq3A_2398, %broadcast_in_dim3A_2401, %broadcast_in_dim3A_2402 : vector<16xi1>, vector<16xf32>
        %swap3A_2404 = arith.constant 14 : i32
        %swap3A_2405 = arith.index_cast %swap3A_2404 : i32 to index
        %swap3A_2406 = arith.index_cast %multiple_of3A_2389 : i32 to index
        %swap3A_2407 = tpu.vector_load %arg5[%swap3A_2405, %swap3A_2406] {strides = array<i32>} : memref<32x1000xf32, #tpu.memory_space<vmem>>, vector<1x16xf32>,
        %swap3A_2408 = vector.shape_cast %swap3A_2407 : vector<1x16xf32> to vector<16xf32>
        %swap3A_2409 = vector.shape_cast %select_n3A_2403 : vector<16xf32> to vector<1x16xf32>
        tpu.vector_store %arg5[%swap3A_2405, %swap3A_2406], %swap3A_2409 {strides = array<i32>} : memref<32x1000xf32, #tpu.memory_space<vmem>>, vector<1x16xf32>,
        %slice3A_2410 = vector.extract_strided_slice %min3A_1974 {offsets = [15], sizes = [1], strides = [1]} : vector<16xi32> to vector<1xi32>
        %squeeze3A_2411 = vector.extract %slice3A_2410[0] : i32 from vector<1xi32>
        %slice3A_2412 = vector.extract_strided_slice %get3A_1968 {offsets = [15], sizes = [1], strides = [1]} : vector<16xi32> to vector<1xi32>
        %squeeze3A_2413 = vector.extract %slice3A_2412[0] : i32 from vector<1xi32>
        %shift_right_arithmetic3A_2414 = arith.constant 4 : i32
        %shift_right_arithmetic3A_2415 = arith.shrsi %squeeze3A_2411, %shift_right_arithmetic3A_2414 : i32
        %shift_left3A_2416 = arith.constant 4 : i32
        %shift_left3A_2417 = arith.shli %shift_right_arithmetic3A_2415, %shift_left3A_2416 : i32
        %multiple_of3A_2418 = tpu.assume_multiple %shift_left3A_2417, 16 : i32
        %and3A_2419 = arith.constant 15 : i32
        %and3A_2420 = arith.andi %squeeze3A_2411, %and3A_2419 : i32
        %shift_right_arithmetic3A_2421 = arith.constant 31 : i32
        %shift_right_arithmetic3A_2422 = arith.shrsi %squeeze3A_2413, %shift_right_arithmetic3A_2421 : i32
        %and3A_2423 = arith.constant 16 : i32
        %and3A_2424 = arith.andi %shift_right_arithmetic3A_2422, %and3A_2423 : i32
        %or3A_2425 = arith.ori %and3A_2420, %and3A_2424 : i32
        %eq3A_2426 = vector.broadcast %or3A_2425 : i32 to vector<16xi32>
        %eq3A_2427 = arith.cmpi eq, %iota3A, %eq3A_2426 : vector<16xi32>
        %jit3A_2428 = arith.constant 0.000000e+00 : f32
        %jit3A_2429 = arith.constant 0.000000e+00 : f32
        %broadcast_in_dim3A_2430 = vector.broadcast %jit3A_2428 : f32 to vector<16xf32>
        %broadcast_in_dim3A_2431 = vector.broadcast %jit3A_2429 : f32 to vector<16xf32>
        %select_n3A_2432 = arith.select %eq3A_2427, %broadcast_in_dim3A_2430, %broadcast_in_dim3A_2431 : vector<16xi1>, vector<16xf32>
        %swap3A_2433 = arith.constant 15 : i32
        %swap3A_2434 = arith.index_cast %swap3A_2433 : i32 to index
        %swap3A_2435 = arith.index_cast %multiple_of3A_2418 : i32 to index
        %swap3A_2436 = tpu.vector_load %arg5[%swap3A_2434, %swap3A_2435] {strides = array<i32>} : memref<32x1000xf32, #tpu.memory_space<vmem>>, vector<1x16xf32>,
        %swap3A_2437 = vector.shape_cast %swap3A_2436 : vector<1x16xf32> to vector<16xf32>
        %swap3A_2438 = vector.shape_cast %select_n3A_2432 : vector<16xf32> to vector<1x16xf32>
        tpu.vector_store %arg5[%swap3A_2434, %swap3A_2435], %swap3A_2438 {strides = array<i32>} : memref<32x1000xf32, #tpu.memory_space<vmem>>, vector<1x16xf32>,
        %mul3A_2439 = arith.constant 32 : i32
        %mul3A_2440 = arith.muli %sub3A_1961, %mul3A_2439 : i32
        %add3A_2441 = arith.constant 16 : i32
        %add3A_2442 = arith.addi %mul3A_2440, %add3A_2441 : i32
        %get3A_2443 = arith.index_cast %add3A_2442 : i32 to index
        %get3A_2444 = tpu.vector_load %arg4[%get3A_2443] {strides = array<i32>} : memref<1600xi32, #tpu.memory_space<vmem>>, vector<16xi32>,
        %get3A_2445 = vector.shape_cast %get3A_2444 : vector<16xi32> to vector<16xi32>
        %jit3A_2446 = arith.constant 0 : i32
        %jit3A_2447 = arith.constant 999 : i32
        %max3A_2448 = vector.broadcast %jit3A_2446 : i32 to vector<16xi32>
        %max3A_2449 = arith.maxsi %max3A_2448, %get3A_2445 : vector<16xi32>
        %min3A_2450 = vector.broadcast %jit3A_2447 : i32 to vector<16xi32>
        %min3A_2451 = arith.minsi %min3A_2450, %max3A_2449 : vector<16xi32>
        %slice3A_2452 = vector.extract_strided_slice %min3A_2451 {offsets = [0], sizes = [1], strides = [1]} : vector<16xi32> to vector<1xi32>
        %squeeze3A_2453 = vector.extract %slice3A_2452[0] : i32 from vector<1xi32>
        %slice3A_2454 = vector.extract_strided_slice %get3A_2445 {offsets = [0], sizes = [1], strides = [1]} : vector<16xi32> to vector<1xi32>
        %squeeze3A_2455 = vector.extract %slice3A_2454[0] : i32 from vector<1xi32>
        %shift_right_arithmetic3A_2456 = arith.constant 4 : i32
        %shift_right_arithmetic3A_2457 = arith.shrsi %squeeze3A_2453, %shift_right_arithmetic3A_2456 : i32
        %shift_left3A_2458 = arith.constant 4 : i32
        %shift_left3A_2459 = arith.shli %shift_right_arithmetic3A_2457, %shift_left3A_2458 : i32
        %multiple_of3A_2460 = tpu.assume_multiple %shift_left3A_2459, 16 : i32
        %and3A_2461 = arith.constant 15 : i32
        %and3A_2462 = arith.andi %squeeze3A_2453, %and3A_2461 : i32
        %shift_right_arithmetic3A_2463 = arith.constant 31 : i32
        %shift_right_arithmetic3A_2464 = arith.shrsi %squeeze3A_2455, %shift_right_arithmetic3A_2463 : i32
        %and3A_2465 = arith.constant 16 : i32
        %and3A_2466 = arith.andi %shift_right_arithmetic3A_2464, %and3A_2465 : i32
        %or3A_2467 = arith.ori %and3A_2462, %and3A_2466 : i32
        %eq3A_2468 = vector.broadcast %or3A_2467 : i32 to vector<16xi32>
        %eq3A_2469 = arith.cmpi eq, %iota3A, %eq3A_2468 : vector<16xi32>
        %jit3A_2470 = arith.constant 0.000000e+00 : f32
        %jit3A_2471 = arith.constant 0.000000e+00 : f32
        %broadcast_in_dim3A_2472 = vector.broadcast %jit3A_2470 : f32 to vector<16xf32>
        %broadcast_in_dim3A_2473 = vector.broadcast %jit3A_2471 : f32 to vector<16xf32>
        %select_n3A_2474 = arith.select %eq3A_2469, %broadcast_in_dim3A_2472, %broadcast_in_dim3A_2473 : vector<16xi1>, vector<16xf32>
        %swap3A_2475 = arith.constant 16 : i32
        %swap3A_2476 = arith.index_cast %swap3A_2475 : i32 to index
        %swap3A_2477 = arith.index_cast %multiple_of3A_2460 : i32 to index
        %swap3A_2478 = tpu.vector_load %arg5[%swap3A_2476, %swap3A_2477] {strides = array<i32>} : memref<32x1000xf32, #tpu.memory_space<vmem>>, vector<1x16xf32>,
        %swap3A_2479 = vector.shape_cast %swap3A_2478 : vector<1x16xf32> to vector<16xf32>
        %swap3A_2480 = vector.shape_cast %select_n3A_2474 : vector<16xf32> to vector<1x16xf32>
        tpu.vector_store %arg5[%swap3A_2476, %swap3A_2477], %swap3A_2480 {strides = array<i32>} : memref<32x1000xf32, #tpu.memory_space<vmem>>, vector<1x16xf32>,
        %slice3A_2481 = vector.extract_strided_slice %min3A_2451 {offsets = [1], sizes = [1], strides = [1]} : vector<16xi32> to vector<1xi32>
        %squeeze3A_2482 = vector.extract %slice3A_2481[0] : i32 from vector<1xi32>
        %slice3A_2483 = vector.extract_strided_slice %get3A_2445 {offsets = [1], sizes = [1], strides = [1]} : vector<16xi32> to vector<1xi32>
        %squeeze3A_2484 = vector.extract %slice3A_2483[0] : i32 from vector<1xi32>
        %shift_right_arithmetic3A_2485 = arith.constant 4 : i32
        %shift_right_arithmetic3A_2486 = arith.shrsi %squeeze3A_2482, %shift_right_arithmetic3A_2485 : i32
        %shift_left3A_2487 = arith.constant 4 : i32
        %shift_left3A_2488 = arith.shli %shift_right_arithmetic3A_2486, %shift_left3A_2487 : i32
        %multiple_of3A_2489 = tpu.assume_multiple %shift_left3A_2488, 16 : i32
        %and3A_2490 = arith.constant 15 : i32
        %and3A_2491 = arith.andi %squeeze3A_2482, %and3A_2490 : i32
        %shift_right_arithmetic3A_2492 = arith.constant 31 : i32
        %shift_right_arithmetic3A_2493 = arith.shrsi %squeeze3A_2484, %shift_right_arithmetic3A_2492 : i32
        %and3A_2494 = arith.constant 16 : i32
        %and3A_2495 = arith.andi %shift_right_arithmetic3A_2493, %and3A_2494 : i32
        %or3A_2496 = arith.ori %and3A_2491, %and3A_2495 : i32
        %eq3A_2497 = vector.broadcast %or3A_2496 : i32 to vector<16xi32>
        %eq3A_2498 = arith.cmpi eq, %iota3A, %eq3A_2497 : vector<16xi32>
        %jit3A_2499 = arith.constant 0.000000e+00 : f32
        %jit3A_2500 = arith.constant 0.000000e+00 : f32
        %broadcast_in_dim3A_2501 = vector.broadcast %jit3A_2499 : f32 to vector<16xf32>
        %broadcast_in_dim3A_2502 = vector.broadcast %jit3A_2500 : f32 to vector<16xf32>
        %select_n3A_2503 = arith.select %eq3A_2498, %broadcast_in_dim3A_2501, %broadcast_in_dim3A_2502 : vector<16xi1>, vector<16xf32>
        %swap3A_2504 = arith.constant 17 : i32
        %swap3A_2505 = arith.index_cast %swap3A_2504 : i32 to index
        %swap3A_2506 = arith.index_cast %multiple_of3A_2489 : i32 to index
        %swap3A_2507 = tpu.vector_load %arg5[%swap3A_2505, %swap3A_2506] {strides = array<i32>} : memref<32x1000xf32, #tpu.memory_space<vmem>>, vector<1x16xf32>,
        %swap3A_2508 = vector.shape_cast %swap3A_2507 : vector<1x16xf32> to vector<16xf32>
        %swap3A_2509 = vector.shape_cast %select_n3A_2503 : vector<16xf32> to vector<1x16xf32>
        tpu.vector_store %arg5[%swap3A_2505, %swap3A_2506], %swap3A_2509 {strides = array<i32>} : memref<32x1000xf32, #tpu.memory_space<vmem>>, vector<1x16xf32>,
        %slice3A_2510 = vector.extract_strided_slice %min3A_2451 {offsets = [2], sizes = [1], strides = [1]} : vector<16xi32> to vector<1xi32>
        %squeeze3A_2511 = vector.extract %slice3A_2510[0] : i32 from vector<1xi32>
        %slice3A_2512 = vector.extract_strided_slice %get3A_2445 {offsets = [2], sizes = [1], strides = [1]} : vector<16xi32> to vector<1xi32>
        %squeeze3A_2513 = vector.extract %slice3A_2512[0] : i32 from vector<1xi32>
        %shift_right_arithmetic3A_2514 = arith.constant 4 : i32
        %shift_right_arithmetic3A_2515 = arith.shrsi %squeeze3A_2511, %shift_right_arithmetic3A_2514 : i32
        %shift_left3A_2516 = arith.constant 4 : i32
        %shift_left3A_2517 = arith.shli %shift_right_arithmetic3A_2515, %shift_left3A_2516 : i32
        %multiple_of3A_2518 = tpu.assume_multiple %shift_left3A_2517, 16 : i32
        %and3A_2519 = arith.constant 15 : i32
        %and3A_2520 = arith.andi %squeeze3A_2511, %and3A_2519 : i32
        %shift_right_arithmetic3A_2521 = arith.constant 31 : i32
        %shift_right_arithmetic3A_2522 = arith.shrsi %squeeze3A_2513, %shift_right_arithmetic3A_2521 : i32
        %and3A_2523 = arith.constant 16 : i32
        %and3A_2524 = arith.andi %shift_right_arithmetic3A_2522, %and3A_2523 : i32
        %or3A_2525 = arith.ori %and3A_2520, %and3A_2524 : i32
        %eq3A_2526 = vector.broadcast %or3A_2525 : i32 to vector<16xi32>
        %eq3A_2527 = arith.cmpi eq, %iota3A, %eq3A_2526 : vector<16xi32>
        %jit3A_2528 = arith.constant 0.000000e+00 : f32
        %jit3A_2529 = arith.constant 0.000000e+00 : f32
        %broadcast_in_dim3A_2530 = vector.broadcast %jit3A_2528 : f32 to vector<16xf32>
        %broadcast_in_dim3A_2531 = vector.broadcast %jit3A_2529 : f32 to vector<16xf32>
        %select_n3A_2532 = arith.select %eq3A_2527, %broadcast_in_dim3A_2530, %broadcast_in_dim3A_2531 : vector<16xi1>, vector<16xf32>
        %swap3A_2533 = arith.constant 18 : i32
        %swap3A_2534 = arith.index_cast %swap3A_2533 : i32 to index
        %swap3A_2535 = arith.index_cast %multiple_of3A_2518 : i32 to index
        %swap3A_2536 = tpu.vector_load %arg5[%swap3A_2534, %swap3A_2535] {strides = array<i32>} : memref<32x1000xf32, #tpu.memory_space<vmem>>, vector<1x16xf32>,
        %swap3A_2537 = vector.shape_cast %swap3A_2536 : vector<1x16xf32> to vector<16xf32>
        %swap3A_2538 = vector.shape_cast %select_n3A_2532 : vector<16xf32> to vector<1x16xf32>
        tpu.vector_store %arg5[%swap3A_2534, %swap3A_2535], %swap3A_2538 {strides = array<i32>} : memref<32x1000xf32, #tpu.memory_space<vmem>>, vector<1x16xf32>,
        %slice3A_2539 = vector.extract_strided_slice %min3A_2451 {offsets = [3], sizes = [1], strides = [1]} : vector<16xi32> to vector<1xi32>
        %squeeze3A_2540 = vector.extract %slice3A_2539[0] : i32 from vector<1xi32>
        %slice3A_2541 = vector.extract_strided_slice %get3A_2445 {offsets = [3], sizes = [1], strides = [1]} : vector<16xi32> to vector<1xi32>
        %squeeze3A_2542 = vector.extract %slice3A_2541[0] : i32 from vector<1xi32>
        %shift_right_arithmetic3A_2543 = arith.constant 4 : i32
        %shift_right_arithmetic3A_2544 = arith.shrsi %squeeze3A_2540, %shift_right_arithmetic3A_2543 : i32
        %shift_left3A_2545 = arith.constant 4 : i32
        %shift_left3A_2546 = arith.shli %shift_right_arithmetic3A_2544, %shift_left3A_2545 : i32
        %multiple_of3A_2547 = tpu.assume_multiple %shift_left3A_2546, 16 : i32
        %and3A_2548 = arith.constant 15 : i32
        %and3A_2549 = arith.andi %squeeze3A_2540, %and3A_2548 : i32
        %shift_right_arithmetic3A_2550 = arith.constant 31 : i32
        %shift_right_arithmetic3A_2551 = arith.shrsi %squeeze3A_2542, %shift_right_arithmetic3A_2550 : i32
        %and3A_2552 = arith.constant 16 : i32
        %and3A_2553 = arith.andi %shift_right_arithmetic3A_2551, %and3A_2552 : i32
        %or3A_2554 = arith.ori %and3A_2549, %and3A_2553 : i32
        %eq3A_2555 = vector.broadcast %or3A_2554 : i32 to vector<16xi32>
        %eq3A_2556 = arith.cmpi eq, %iota3A, %eq3A_2555 : vector<16xi32>
        %jit3A_2557 = arith.constant 0.000000e+00 : f32
        %jit3A_2558 = arith.constant 0.000000e+00 : f32
        %broadcast_in_dim3A_2559 = vector.broadcast %jit3A_2557 : f32 to vector<16xf32>
        %broadcast_in_dim3A_2560 = vector.broadcast %jit3A_2558 : f32 to vector<16xf32>
        %select_n3A_2561 = arith.select %eq3A_2556, %broadcast_in_dim3A_2559, %broadcast_in_dim3A_2560 : vector<16xi1>, vector<16xf32>
        %swap3A_2562 = arith.constant 19 : i32
        %swap3A_2563 = arith.index_cast %swap3A_2562 : i32 to index
        %swap3A_2564 = arith.index_cast %multiple_of3A_2547 : i32 to index
        %swap3A_2565 = tpu.vector_load %arg5[%swap3A_2563, %swap3A_2564] {strides = array<i32>} : memref<32x1000xf32, #tpu.memory_space<vmem>>, vector<1x16xf32>,
        %swap3A_2566 = vector.shape_cast %swap3A_2565 : vector<1x16xf32> to vector<16xf32>
        %swap3A_2567 = vector.shape_cast %select_n3A_2561 : vector<16xf32> to vector<1x16xf32>
        tpu.vector_store %arg5[%swap3A_2563, %swap3A_2564], %swap3A_2567 {strides = array<i32>} : memref<32x1000xf32, #tpu.memory_space<vmem>>, vector<1x16xf32>,
        %slice3A_2568 = vector.extract_strided_slice %min3A_2451 {offsets = [4], sizes = [1], strides = [1]} : vector<16xi32> to vector<1xi32>
        %squeeze3A_2569 = vector.extract %slice3A_2568[0] : i32 from vector<1xi32>
        %slice3A_2570 = vector.extract_strided_slice %get3A_2445 {offsets = [4], sizes = [1], strides = [1]} : vector<16xi32> to vector<1xi32>
        %squeeze3A_2571 = vector.extract %slice3A_2570[0] : i32 from vector<1xi32>
        %shift_right_arithmetic3A_2572 = arith.constant 4 : i32
        %shift_right_arithmetic3A_2573 = arith.shrsi %squeeze3A_2569, %shift_right_arithmetic3A_2572 : i32
        %shift_left3A_2574 = arith.constant 4 : i32
        %shift_left3A_2575 = arith.shli %shift_right_arithmetic3A_2573, %shift_left3A_2574 : i32
        %multiple_of3A_2576 = tpu.assume_multiple %shift_left3A_2575, 16 : i32
        %and3A_2577 = arith.constant 15 : i32
        %and3A_2578 = arith.andi %squeeze3A_2569, %and3A_2577 : i32
        %shift_right_arithmetic3A_2579 = arith.constant 31 : i32
        %shift_right_arithmetic3A_2580 = arith.shrsi %squeeze3A_2571, %shift_right_arithmetic3A_2579 : i32
        %and3A_2581 = arith.constant 16 : i32
        %and3A_2582 = arith.andi %shift_right_arithmetic3A_2580, %and3A_2581 : i32
        %or3A_2583 = arith.ori %and3A_2578, %and3A_2582 : i32
        %eq3A_2584 = vector.broadcast %or3A_2583 : i32 to vector<16xi32>
        %eq3A_2585 = arith.cmpi eq, %iota3A, %eq3A_2584 : vector<16xi32>
        %jit3A_2586 = arith.constant 0.000000e+00 : f32
        %jit3A_2587 = arith.constant 0.000000e+00 : f32
        %broadcast_in_dim3A_2588 = vector.broadcast %jit3A_2586 : f32 to vector<16xf32>
        %broadcast_in_dim3A_2589 = vector.broadcast %jit3A_2587 : f32 to vector<16xf32>
        %select_n3A_2590 = arith.select %eq3A_2585, %broadcast_in_dim3A_2588, %broadcast_in_dim3A_2589 : vector<16xi1>, vector<16xf32>
        %swap3A_2591 = arith.constant 20 : i32
        %swap3A_2592 = arith.index_cast %swap3A_2591 : i32 to index
        %swap3A_2593 = arith.index_cast %multiple_of3A_2576 : i32 to index
        %swap3A_2594 = tpu.vector_load %arg5[%swap3A_2592, %swap3A_2593] {strides = array<i32>} : memref<32x1000xf32, #tpu.memory_space<vmem>>, vector<1x16xf32>,
        %swap3A_2595 = vector.shape_cast %swap3A_2594 : vector<1x16xf32> to vector<16xf32>
        %swap3A_2596 = vector.shape_cast %select_n3A_2590 : vector<16xf32> to vector<1x16xf32>
        tpu.vector_store %arg5[%swap3A_2592, %swap3A_2593], %swap3A_2596 {strides = array<i32>} : memref<32x1000xf32, #tpu.memory_space<vmem>>, vector<1x16xf32>,
        %slice3A_2597 = vector.extract_strided_slice %min3A_2451 {offsets = [5], sizes = [1], strides = [1]} : vector<16xi32> to vector<1xi32>
        %squeeze3A_2598 = vector.extract %slice3A_2597[0] : i32 from vector<1xi32>
        %slice3A_2599 = vector.extract_strided_slice %get3A_2445 {offsets = [5], sizes = [1], strides = [1]} : vector<16xi32> to vector<1xi32>
        %squeeze3A_2600 = vector.extract %slice3A_2599[0] : i32 from vector<1xi32>
        %shift_right_arithmetic3A_2601 = arith.constant 4 : i32
        %shift_right_arithmetic3A_2602 = arith.shrsi %squeeze3A_2598, %shift_right_arithmetic3A_2601 : i32
        %shift_left3A_2603 = arith.constant 4 : i32
        %shift_left3A_2604 = arith.shli %shift_right_arithmetic3A_2602, %shift_left3A_2603 : i32
        %multiple_of3A_2605 = tpu.assume_multiple %shift_left3A_2604, 16 : i32
        %and3A_2606 = arith.constant 15 : i32
        %and3A_2607 = arith.andi %squeeze3A_2598, %and3A_2606 : i32
        %shift_right_arithmetic3A_2608 = arith.constant 31 : i32
        %shift_right_arithmetic3A_2609 = arith.shrsi %squeeze3A_2600, %shift_right_arithmetic3A_2608 : i32
        %and3A_2610 = arith.constant 16 : i32
        %and3A_2611 = arith.andi %shift_right_arithmetic3A_2609, %and3A_2610 : i32
        %or3A_2612 = arith.ori %and3A_2607, %and3A_2611 : i32
        %eq3A_2613 = vector.broadcast %or3A_2612 : i32 to vector<16xi32>
        %eq3A_2614 = arith.cmpi eq, %iota3A, %eq3A_2613 : vector<16xi32>
        %jit3A_2615 = arith.constant 0.000000e+00 : f32
        %jit3A_2616 = arith.constant 0.000000e+00 : f32
        %broadcast_in_dim3A_2617 = vector.broadcast %jit3A_2615 : f32 to vector<16xf32>
        %broadcast_in_dim3A_2618 = vector.broadcast %jit3A_2616 : f32 to vector<16xf32>
        %select_n3A_2619 = arith.select %eq3A_2614, %broadcast_in_dim3A_2617, %broadcast_in_dim3A_2618 : vector<16xi1>, vector<16xf32>
        %swap3A_2620 = arith.constant 21 : i32
        %swap3A_2621 = arith.index_cast %swap3A_2620 : i32 to index
        %swap3A_2622 = arith.index_cast %multiple_of3A_2605 : i32 to index
        %swap3A_2623 = tpu.vector_load %arg5[%swap3A_2621, %swap3A_2622] {strides = array<i32>} : memref<32x1000xf32, #tpu.memory_space<vmem>>, vector<1x16xf32>,
        %swap3A_2624 = vector.shape_cast %swap3A_2623 : vector<1x16xf32> to vector<16xf32>
        %swap3A_2625 = vector.shape_cast %select_n3A_2619 : vector<16xf32> to vector<1x16xf32>
        tpu.vector_store %arg5[%swap3A_2621, %swap3A_2622], %swap3A_2625 {strides = array<i32>} : memref<32x1000xf32, #tpu.memory_space<vmem>>, vector<1x16xf32>,
        %slice3A_2626 = vector.extract_strided_slice %min3A_2451 {offsets = [6], sizes = [1], strides = [1]} : vector<16xi32> to vector<1xi32>
        %squeeze3A_2627 = vector.extract %slice3A_2626[0] : i32 from vector<1xi32>
        %slice3A_2628 = vector.extract_strided_slice %get3A_2445 {offsets = [6], sizes = [1], strides = [1]} : vector<16xi32> to vector<1xi32>
        %squeeze3A_2629 = vector.extract %slice3A_2628[0] : i32 from vector<1xi32>
        %shift_right_arithmetic3A_2630 = arith.constant 4 : i32
        %shift_right_arithmetic3A_2631 = arith.shrsi %squeeze3A_2627, %shift_right_arithmetic3A_2630 : i32
        %shift_left3A_2632 = arith.constant 4 : i32
        %shift_left3A_2633 = arith.shli %shift_right_arithmetic3A_2631, %shift_left3A_2632 : i32
        %multiple_of3A_2634 = tpu.assume_multiple %shift_left3A_2633, 16 : i32
        %and3A_2635 = arith.constant 15 : i32
        %and3A_2636 = arith.andi %squeeze3A_2627, %and3A_2635 : i32
        %shift_right_arithmetic3A_2637 = arith.constant 31 : i32
        %shift_right_arithmetic3A_2638 = arith.shrsi %squeeze3A_2629, %shift_right_arithmetic3A_2637 : i32
        %and3A_2639 = arith.constant 16 : i32
        %and3A_2640 = arith.andi %shift_right_arithmetic3A_2638, %and3A_2639 : i32
        %or3A_2641 = arith.ori %and3A_2636, %and3A_2640 : i32
        %eq3A_2642 = vector.broadcast %or3A_2641 : i32 to vector<16xi32>
        %eq3A_2643 = arith.cmpi eq, %iota3A, %eq3A_2642 : vector<16xi32>
        %jit3A_2644 = arith.constant 0.000000e+00 : f32
        %jit3A_2645 = arith.constant 0.000000e+00 : f32
        %broadcast_in_dim3A_2646 = vector.broadcast %jit3A_2644 : f32 to vector<16xf32>
        %broadcast_in_dim3A_2647 = vector.broadcast %jit3A_2645 : f32 to vector<16xf32>
        %select_n3A_2648 = arith.select %eq3A_2643, %broadcast_in_dim3A_2646, %broadcast_in_dim3A_2647 : vector<16xi1>, vector<16xf32>
        %swap3A_2649 = arith.constant 22 : i32
        %swap3A_2650 = arith.index_cast %swap3A_2649 : i32 to index
        %swap3A_2651 = arith.index_cast %multiple_of3A_2634 : i32 to index
        %swap3A_2652 = tpu.vector_load %arg5[%swap3A_2650, %swap3A_2651] {strides = array<i32>} : memref<32x1000xf32, #tpu.memory_space<vmem>>, vector<1x16xf32>,
        %swap3A_2653 = vector.shape_cast %swap3A_2652 : vector<1x16xf32> to vector<16xf32>
        %swap3A_2654 = vector.shape_cast %select_n3A_2648 : vector<16xf32> to vector<1x16xf32>
        tpu.vector_store %arg5[%swap3A_2650, %swap3A_2651], %swap3A_2654 {strides = array<i32>} : memref<32x1000xf32, #tpu.memory_space<vmem>>, vector<1x16xf32>,
        %slice3A_2655 = vector.extract_strided_slice %min3A_2451 {offsets = [7], sizes = [1], strides = [1]} : vector<16xi32> to vector<1xi32>
        %squeeze3A_2656 = vector.extract %slice3A_2655[0] : i32 from vector<1xi32>
        %slice3A_2657 = vector.extract_strided_slice %get3A_2445 {offsets = [7], sizes = [1], strides = [1]} : vector<16xi32> to vector<1xi32>
        %squeeze3A_2658 = vector.extract %slice3A_2657[0] : i32 from vector<1xi32>
        %shift_right_arithmetic3A_2659 = arith.constant 4 : i32
        %shift_right_arithmetic3A_2660 = arith.shrsi %squeeze3A_2656, %shift_right_arithmetic3A_2659 : i32
        %shift_left3A_2661 = arith.constant 4 : i32
        %shift_left3A_2662 = arith.shli %shift_right_arithmetic3A_2660, %shift_left3A_2661 : i32
        %multiple_of3A_2663 = tpu.assume_multiple %shift_left3A_2662, 16 : i32
        %and3A_2664 = arith.constant 15 : i32
        %and3A_2665 = arith.andi %squeeze3A_2656, %and3A_2664 : i32
        %shift_right_arithmetic3A_2666 = arith.constant 31 : i32
        %shift_right_arithmetic3A_2667 = arith.shrsi %squeeze3A_2658, %shift_right_arithmetic3A_2666 : i32
        %and3A_2668 = arith.constant 16 : i32
        %and3A_2669 = arith.andi %shift_right_arithmetic3A_2667, %and3A_2668 : i32
        %or3A_2670 = arith.ori %and3A_2665, %and3A_2669 : i32
        %eq3A_2671 = vector.broadcast %or3A_2670 : i32 to vector<16xi32>
        %eq3A_2672 = arith.cmpi eq, %iota3A, %eq3A_2671 : vector<16xi32>
        %jit3A_2673 = arith.constant 0.000000e+00 : f32
        %jit3A_2674 = arith.constant 0.000000e+00 : f32
        %broadcast_in_dim3A_2675 = vector.broadcast %jit3A_2673 : f32 to vector<16xf32>
        %broadcast_in_dim3A_2676 = vector.broadcast %jit3A_2674 : f32 to vector<16xf32>
        %select_n3A_2677 = arith.select %eq3A_2672, %broadcast_in_dim3A_2675, %broadcast_in_dim3A_2676 : vector<16xi1>, vector<16xf32>
        %swap3A_2678 = arith.constant 23 : i32
        %swap3A_2679 = arith.index_cast %swap3A_2678 : i32 to index
        %swap3A_2680 = arith.index_cast %multiple_of3A_2663 : i32 to index
        %swap3A_2681 = tpu.vector_load %arg5[%swap3A_2679, %swap3A_2680] {strides = array<i32>} : memref<32x1000xf32, #tpu.memory_space<vmem>>, vector<1x16xf32>,
        %swap3A_2682 = vector.shape_cast %swap3A_2681 : vector<1x16xf32> to vector<16xf32>
        %swap3A_2683 = vector.shape_cast %select_n3A_2677 : vector<16xf32> to vector<1x16xf32>
        tpu.vector_store %arg5[%swap3A_2679, %swap3A_2680], %swap3A_2683 {strides = array<i32>} : memref<32x1000xf32, #tpu.memory_space<vmem>>, vector<1x16xf32>,
        %slice3A_2684 = vector.extract_strided_slice %min3A_2451 {offsets = [8], sizes = [1], strides = [1]} : vector<16xi32> to vector<1xi32>
        %squeeze3A_2685 = vector.extract %slice3A_2684[0] : i32 from vector<1xi32>
        %slice3A_2686 = vector.extract_strided_slice %get3A_2445 {offsets = [8], sizes = [1], strides = [1]} : vector<16xi32> to vector<1xi32>
        %squeeze3A_2687 = vector.extract %slice3A_2686[0] : i32 from vector<1xi32>
        %shift_right_arithmetic3A_2688 = arith.constant 4 : i32
        %shift_right_arithmetic3A_2689 = arith.shrsi %squeeze3A_2685, %shift_right_arithmetic3A_2688 : i32
        %shift_left3A_2690 = arith.constant 4 : i32
        %shift_left3A_2691 = arith.shli %shift_right_arithmetic3A_2689, %shift_left3A_2690 : i32
        %multiple_of3A_2692 = tpu.assume_multiple %shift_left3A_2691, 16 : i32
        %and3A_2693 = arith.constant 15 : i32
        %and3A_2694 = arith.andi %squeeze3A_2685, %and3A_2693 : i32
        %shift_right_arithmetic3A_2695 = arith.constant 31 : i32
        %shift_right_arithmetic3A_2696 = arith.shrsi %squeeze3A_2687, %shift_right_arithmetic3A_2695 : i32
        %and3A_2697 = arith.constant 16 : i32
        %and3A_2698 = arith.andi %shift_right_arithmetic3A_2696, %and3A_2697 : i32
        %or3A_2699 = arith.ori %and3A_2694, %and3A_2698 : i32
        %eq3A_2700 = vector.broadcast %or3A_2699 : i32 to vector<16xi32>
        %eq3A_2701 = arith.cmpi eq, %iota3A, %eq3A_2700 : vector<16xi32>
        %jit3A_2702 = arith.constant 0.000000e+00 : f32
        %jit3A_2703 = arith.constant 0.000000e+00 : f32
        %broadcast_in_dim3A_2704 = vector.broadcast %jit3A_2702 : f32 to vector<16xf32>
        %broadcast_in_dim3A_2705 = vector.broadcast %jit3A_2703 : f32 to vector<16xf32>
        %select_n3A_2706 = arith.select %eq3A_2701, %broadcast_in_dim3A_2704, %broadcast_in_dim3A_2705 : vector<16xi1>, vector<16xf32>
        %swap3A_2707 = arith.constant 24 : i32
        %swap3A_2708 = arith.index_cast %swap3A_2707 : i32 to index
        %swap3A_2709 = arith.index_cast %multiple_of3A_2692 : i32 to index
        %swap3A_2710 = tpu.vector_load %arg5[%swap3A_2708, %swap3A_2709] {strides = array<i32>} : memref<32x1000xf32, #tpu.memory_space<vmem>>, vector<1x16xf32>,
        %swap3A_2711 = vector.shape_cast %swap3A_2710 : vector<1x16xf32> to vector<16xf32>
        %swap3A_2712 = vector.shape_cast %select_n3A_2706 : vector<16xf32> to vector<1x16xf32>
        tpu.vector_store %arg5[%swap3A_2708, %swap3A_2709], %swap3A_2712 {strides = array<i32>} : memref<32x1000xf32, #tpu.memory_space<vmem>>, vector<1x16xf32>,
        %slice3A_2713 = vector.extract_strided_slice %min3A_2451 {offsets = [9], sizes = [1], strides = [1]} : vector<16xi32> to vector<1xi32>
        %squeeze3A_2714 = vector.extract %slice3A_2713[0] : i32 from vector<1xi32>
        %slice3A_2715 = vector.extract_strided_slice %get3A_2445 {offsets = [9], sizes = [1], strides = [1]} : vector<16xi32> to vector<1xi32>
        %squeeze3A_2716 = vector.extract %slice3A_2715[0] : i32 from vector<1xi32>
        %shift_right_arithmetic3A_2717 = arith.constant 4 : i32
        %shift_right_arithmetic3A_2718 = arith.shrsi %squeeze3A_2714, %shift_right_arithmetic3A_2717 : i32
        %shift_left3A_2719 = arith.constant 4 : i32
        %shift_left3A_2720 = arith.shli %shift_right_arithmetic3A_2718, %shift_left3A_2719 : i32
        %multiple_of3A_2721 = tpu.assume_multiple %shift_left3A_2720, 16 : i32
        %and3A_2722 = arith.constant 15 : i32
        %and3A_2723 = arith.andi %squeeze3A_2714, %and3A_2722 : i32
        %shift_right_arithmetic3A_2724 = arith.constant 31 : i32
        %shift_right_arithmetic3A_2725 = arith.shrsi %squeeze3A_2716, %shift_right_arithmetic3A_2724 : i32
        %and3A_2726 = arith.constant 16 : i32
        %and3A_2727 = arith.andi %shift_right_arithmetic3A_2725, %and3A_2726 : i32
        %or3A_2728 = arith.ori %and3A_2723, %and3A_2727 : i32
        %eq3A_2729 = vector.broadcast %or3A_2728 : i32 to vector<16xi32>
        %eq3A_2730 = arith.cmpi eq, %iota3A, %eq3A_2729 : vector<16xi32>
        %jit3A_2731 = arith.constant 0.000000e+00 : f32
        %jit3A_2732 = arith.constant 0.000000e+00 : f32
        %broadcast_in_dim3A_2733 = vector.broadcast %jit3A_2731 : f32 to vector<16xf32>
        %broadcast_in_dim3A_2734 = vector.broadcast %jit3A_2732 : f32 to vector<16xf32>
        %select_n3A_2735 = arith.select %eq3A_2730, %broadcast_in_dim3A_2733, %broadcast_in_dim3A_2734 : vector<16xi1>, vector<16xf32>
        %swap3A_2736 = arith.constant 25 : i32
        %swap3A_2737 = arith.index_cast %swap3A_2736 : i32 to index
        %swap3A_2738 = arith.index_cast %multiple_of3A_2721 : i32 to index
        %swap3A_2739 = tpu.vector_load %arg5[%swap3A_2737, %swap3A_2738] {strides = array<i32>} : memref<32x1000xf32, #tpu.memory_space<vmem>>, vector<1x16xf32>,
        %swap3A_2740 = vector.shape_cast %swap3A_2739 : vector<1x16xf32> to vector<16xf32>
        %swap3A_2741 = vector.shape_cast %select_n3A_2735 : vector<16xf32> to vector<1x16xf32>
        tpu.vector_store %arg5[%swap3A_2737, %swap3A_2738], %swap3A_2741 {strides = array<i32>} : memref<32x1000xf32, #tpu.memory_space<vmem>>, vector<1x16xf32>,
        %slice3A_2742 = vector.extract_strided_slice %min3A_2451 {offsets = [10], sizes = [1], strides = [1]} : vector<16xi32> to vector<1xi32>
        %squeeze3A_2743 = vector.extract %slice3A_2742[0] : i32 from vector<1xi32>
        %slice3A_2744 = vector.extract_strided_slice %get3A_2445 {offsets = [10], sizes = [1], strides = [1]} : vector<16xi32> to vector<1xi32>
        %squeeze3A_2745 = vector.extract %slice3A_2744[0] : i32 from vector<1xi32>
        %shift_right_arithmetic3A_2746 = arith.constant 4 : i32
        %shift_right_arithmetic3A_2747 = arith.shrsi %squeeze3A_2743, %shift_right_arithmetic3A_2746 : i32
        %shift_left3A_2748 = arith.constant 4 : i32
        %shift_left3A_2749 = arith.shli %shift_right_arithmetic3A_2747, %shift_left3A_2748 : i32
        %multiple_of3A_2750 = tpu.assume_multiple %shift_left3A_2749, 16 : i32
        %and3A_2751 = arith.constant 15 : i32
        %and3A_2752 = arith.andi %squeeze3A_2743, %and3A_2751 : i32
        %shift_right_arithmetic3A_2753 = arith.constant 31 : i32
        %shift_right_arithmetic3A_2754 = arith.shrsi %squeeze3A_2745, %shift_right_arithmetic3A_2753 : i32
        %and3A_2755 = arith.constant 16 : i32
        %and3A_2756 = arith.andi %shift_right_arithmetic3A_2754, %and3A_2755 : i32
        %or3A_2757 = arith.ori %and3A_2752, %and3A_2756 : i32
        %eq3A_2758 = vector.broadcast %or3A_2757 : i32 to vector<16xi32>
        %eq3A_2759 = arith.cmpi eq, %iota3A, %eq3A_2758 : vector<16xi32>
        %jit3A_2760 = arith.constant 0.000000e+00 : f32
        %jit3A_2761 = arith.constant 0.000000e+00 : f32
        %broadcast_in_dim3A_2762 = vector.broadcast %jit3A_2760 : f32 to vector<16xf32>
        %broadcast_in_dim3A_2763 = vector.broadcast %jit3A_2761 : f32 to vector<16xf32>
        %select_n3A_2764 = arith.select %eq3A_2759, %broadcast_in_dim3A_2762, %broadcast_in_dim3A_2763 : vector<16xi1>, vector<16xf32>
        %swap3A_2765 = arith.constant 26 : i32
        %swap3A_2766 = arith.index_cast %swap3A_2765 : i32 to index
        %swap3A_2767 = arith.index_cast %multiple_of3A_2750 : i32 to index
        %swap3A_2768 = tpu.vector_load %arg5[%swap3A_2766, %swap3A_2767] {strides = array<i32>} : memref<32x1000xf32, #tpu.memory_space<vmem>>, vector<1x16xf32>,
        %swap3A_2769 = vector.shape_cast %swap3A_2768 : vector<1x16xf32> to vector<16xf32>
        %swap3A_2770 = vector.shape_cast %select_n3A_2764 : vector<16xf32> to vector<1x16xf32>
        tpu.vector_store %arg5[%swap3A_2766, %swap3A_2767], %swap3A_2770 {strides = array<i32>} : memref<32x1000xf32, #tpu.memory_space<vmem>>, vector<1x16xf32>,
        %slice3A_2771 = vector.extract_strided_slice %min3A_2451 {offsets = [11], sizes = [1], strides = [1]} : vector<16xi32> to vector<1xi32>
        %squeeze3A_2772 = vector.extract %slice3A_2771[0] : i32 from vector<1xi32>
        %slice3A_2773 = vector.extract_strided_slice %get3A_2445 {offsets = [11], sizes = [1], strides = [1]} : vector<16xi32> to vector<1xi32>
        %squeeze3A_2774 = vector.extract %slice3A_2773[0] : i32 from vector<1xi32>
        %shift_right_arithmetic3A_2775 = arith.constant 4 : i32
        %shift_right_arithmetic3A_2776 = arith.shrsi %squeeze3A_2772, %shift_right_arithmetic3A_2775 : i32
        %shift_left3A_2777 = arith.constant 4 : i32
        %shift_left3A_2778 = arith.shli %shift_right_arithmetic3A_2776, %shift_left3A_2777 : i32
        %multiple_of3A_2779 = tpu.assume_multiple %shift_left3A_2778, 16 : i32
        %and3A_2780 = arith.constant 15 : i32
        %and3A_2781 = arith.andi %squeeze3A_2772, %and3A_2780 : i32
        %shift_right_arithmetic3A_2782 = arith.constant 31 : i32
        %shift_right_arithmetic3A_2783 = arith.shrsi %squeeze3A_2774, %shift_right_arithmetic3A_2782 : i32
        %and3A_2784 = arith.constant 16 : i32
        %and3A_2785 = arith.andi %shift_right_arithmetic3A_2783, %and3A_2784 : i32
        %or3A_2786 = arith.ori %and3A_2781, %and3A_2785 : i32
        %eq3A_2787 = vector.broadcast %or3A_2786 : i32 to vector<16xi32>
        %eq3A_2788 = arith.cmpi eq, %iota3A, %eq3A_2787 : vector<16xi32>
        %jit3A_2789 = arith.constant 0.000000e+00 : f32
        %jit3A_2790 = arith.constant 0.000000e+00 : f32
        %broadcast_in_dim3A_2791 = vector.broadcast %jit3A_2789 : f32 to vector<16xf32>
        %broadcast_in_dim3A_2792 = vector.broadcast %jit3A_2790 : f32 to vector<16xf32>
        %select_n3A_2793 = arith.select %eq3A_2788, %broadcast_in_dim3A_2791, %broadcast_in_dim3A_2792 : vector<16xi1>, vector<16xf32>
        %swap3A_2794 = arith.constant 27 : i32
        %swap3A_2795 = arith.index_cast %swap3A_2794 : i32 to index
        %swap3A_2796 = arith.index_cast %multiple_of3A_2779 : i32 to index
        %swap3A_2797 = tpu.vector_load %arg5[%swap3A_2795, %swap3A_2796] {strides = array<i32>} : memref<32x1000xf32, #tpu.memory_space<vmem>>, vector<1x16xf32>,
        %swap3A_2798 = vector.shape_cast %swap3A_2797 : vector<1x16xf32> to vector<16xf32>
        %swap3A_2799 = vector.shape_cast %select_n3A_2793 : vector<16xf32> to vector<1x16xf32>
        tpu.vector_store %arg5[%swap3A_2795, %swap3A_2796], %swap3A_2799 {strides = array<i32>} : memref<32x1000xf32, #tpu.memory_space<vmem>>, vector<1x16xf32>,
        %slice3A_2800 = vector.extract_strided_slice %min3A_2451 {offsets = [12], sizes = [1], strides = [1]} : vector<16xi32> to vector<1xi32>
        %squeeze3A_2801 = vector.extract %slice3A_2800[0] : i32 from vector<1xi32>
        %slice3A_2802 = vector.extract_strided_slice %get3A_2445 {offsets = [12], sizes = [1], strides = [1]} : vector<16xi32> to vector<1xi32>
        %squeeze3A_2803 = vector.extract %slice3A_2802[0] : i32 from vector<1xi32>
        %shift_right_arithmetic3A_2804 = arith.constant 4 : i32
        %shift_right_arithmetic3A_2805 = arith.shrsi %squeeze3A_2801, %shift_right_arithmetic3A_2804 : i32
        %shift_left3A_2806 = arith.constant 4 : i32
        %shift_left3A_2807 = arith.shli %shift_right_arithmetic3A_2805, %shift_left3A_2806 : i32
        %multiple_of3A_2808 = tpu.assume_multiple %shift_left3A_2807, 16 : i32
        %and3A_2809 = arith.constant 15 : i32
        %and3A_2810 = arith.andi %squeeze3A_2801, %and3A_2809 : i32
        %shift_right_arithmetic3A_2811 = arith.constant 31 : i32
        %shift_right_arithmetic3A_2812 = arith.shrsi %squeeze3A_2803, %shift_right_arithmetic3A_2811 : i32
        %and3A_2813 = arith.constant 16 : i32
        %and3A_2814 = arith.andi %shift_right_arithmetic3A_2812, %and3A_2813 : i32
        %or3A_2815 = arith.ori %and3A_2810, %and3A_2814 : i32
        %eq3A_2816 = vector.broadcast %or3A_2815 : i32 to vector<16xi32>
        %eq3A_2817 = arith.cmpi eq, %iota3A, %eq3A_2816 : vector<16xi32>
        %jit3A_2818 = arith.constant 0.000000e+00 : f32
        %jit3A_2819 = arith.constant 0.000000e+00 : f32
        %broadcast_in_dim3A_2820 = vector.broadcast %jit3A_2818 : f32 to vector<16xf32>
        %broadcast_in_dim3A_2821 = vector.broadcast %jit3A_2819 : f32 to vector<16xf32>
        %select_n3A_2822 = arith.select %eq3A_2817, %broadcast_in_dim3A_2820, %broadcast_in_dim3A_2821 : vector<16xi1>, vector<16xf32>
        %swap3A_2823 = arith.constant 28 : i32
        %swap3A_2824 = arith.index_cast %swap3A_2823 : i32 to index
        %swap3A_2825 = arith.index_cast %multiple_of3A_2808 : i32 to index
        %swap3A_2826 = tpu.vector_load %arg5[%swap3A_2824, %swap3A_2825] {strides = array<i32>} : memref<32x1000xf32, #tpu.memory_space<vmem>>, vector<1x16xf32>,
        %swap3A_2827 = vector.shape_cast %swap3A_2826 : vector<1x16xf32> to vector<16xf32>
        %swap3A_2828 = vector.shape_cast %select_n3A_2822 : vector<16xf32> to vector<1x16xf32>
        tpu.vector_store %arg5[%swap3A_2824, %swap3A_2825], %swap3A_2828 {strides = array<i32>} : memref<32x1000xf32, #tpu.memory_space<vmem>>, vector<1x16xf32>,
        %slice3A_2829 = vector.extract_strided_slice %min3A_2451 {offsets = [13], sizes = [1], strides = [1]} : vector<16xi32> to vector<1xi32>
        %squeeze3A_2830 = vector.extract %slice3A_2829[0] : i32 from vector<1xi32>
        %slice3A_2831 = vector.extract_strided_slice %get3A_2445 {offsets = [13], sizes = [1], strides = [1]} : vector<16xi32> to vector<1xi32>
        %squeeze3A_2832 = vector.extract %slice3A_2831[0] : i32 from vector<1xi32>
        %shift_right_arithmetic3A_2833 = arith.constant 4 : i32
        %shift_right_arithmetic3A_2834 = arith.shrsi %squeeze3A_2830, %shift_right_arithmetic3A_2833 : i32
        %shift_left3A_2835 = arith.constant 4 : i32
        %shift_left3A_2836 = arith.shli %shift_right_arithmetic3A_2834, %shift_left3A_2835 : i32
        %multiple_of3A_2837 = tpu.assume_multiple %shift_left3A_2836, 16 : i32
        %and3A_2838 = arith.constant 15 : i32
        %and3A_2839 = arith.andi %squeeze3A_2830, %and3A_2838 : i32
        %shift_right_arithmetic3A_2840 = arith.constant 31 : i32
        %shift_right_arithmetic3A_2841 = arith.shrsi %squeeze3A_2832, %shift_right_arithmetic3A_2840 : i32
        %and3A_2842 = arith.constant 16 : i32
        %and3A_2843 = arith.andi %shift_right_arithmetic3A_2841, %and3A_2842 : i32
        %or3A_2844 = arith.ori %and3A_2839, %and3A_2843 : i32
        %eq3A_2845 = vector.broadcast %or3A_2844 : i32 to vector<16xi32>
        %eq3A_2846 = arith.cmpi eq, %iota3A, %eq3A_2845 : vector<16xi32>
        %jit3A_2847 = arith.constant 0.000000e+00 : f32
        %jit3A_2848 = arith.constant 0.000000e+00 : f32
        %broadcast_in_dim3A_2849 = vector.broadcast %jit3A_2847 : f32 to vector<16xf32>
        %broadcast_in_dim3A_2850 = vector.broadcast %jit3A_2848 : f32 to vector<16xf32>
        %select_n3A_2851 = arith.select %eq3A_2846, %broadcast_in_dim3A_2849, %broadcast_in_dim3A_2850 : vector<16xi1>, vector<16xf32>
        %swap3A_2852 = arith.constant 29 : i32
        %swap3A_2853 = arith.index_cast %swap3A_2852 : i32 to index
        %swap3A_2854 = arith.index_cast %multiple_of3A_2837 : i32 to index
        %swap3A_2855 = tpu.vector_load %arg5[%swap3A_2853, %swap3A_2854] {strides = array<i32>} : memref<32x1000xf32, #tpu.memory_space<vmem>>, vector<1x16xf32>,
        %swap3A_2856 = vector.shape_cast %swap3A_2855 : vector<1x16xf32> to vector<16xf32>
        %swap3A_2857 = vector.shape_cast %select_n3A_2851 : vector<16xf32> to vector<1x16xf32>
        tpu.vector_store %arg5[%swap3A_2853, %swap3A_2854], %swap3A_2857 {strides = array<i32>} : memref<32x1000xf32, #tpu.memory_space<vmem>>, vector<1x16xf32>,
        %slice3A_2858 = vector.extract_strided_slice %min3A_2451 {offsets = [14], sizes = [1], strides = [1]} : vector<16xi32> to vector<1xi32>
        %squeeze3A_2859 = vector.extract %slice3A_2858[0] : i32 from vector<1xi32>
        %slice3A_2860 = vector.extract_strided_slice %get3A_2445 {offsets = [14], sizes = [1], strides = [1]} : vector<16xi32> to vector<1xi32>
        %squeeze3A_2861 = vector.extract %slice3A_2860[0] : i32 from vector<1xi32>
        %shift_right_arithmetic3A_2862 = arith.constant 4 : i32
        %shift_right_arithmetic3A_2863 = arith.shrsi %squeeze3A_2859, %shift_right_arithmetic3A_2862 : i32
        %shift_left3A_2864 = arith.constant 4 : i32
        %shift_left3A_2865 = arith.shli %shift_right_arithmetic3A_2863, %shift_left3A_2864 : i32
        %multiple_of3A_2866 = tpu.assume_multiple %shift_left3A_2865, 16 : i32
        %and3A_2867 = arith.constant 15 : i32
        %and3A_2868 = arith.andi %squeeze3A_2859, %and3A_2867 : i32
        %shift_right_arithmetic3A_2869 = arith.constant 31 : i32
        %shift_right_arithmetic3A_2870 = arith.shrsi %squeeze3A_2861, %shift_right_arithmetic3A_2869 : i32
        %and3A_2871 = arith.constant 16 : i32
        %and3A_2872 = arith.andi %shift_right_arithmetic3A_2870, %and3A_2871 : i32
        %or3A_2873 = arith.ori %and3A_2868, %and3A_2872 : i32
        %eq3A_2874 = vector.broadcast %or3A_2873 : i32 to vector<16xi32>
        %eq3A_2875 = arith.cmpi eq, %iota3A, %eq3A_2874 : vector<16xi32>
        %jit3A_2876 = arith.constant 0.000000e+00 : f32
        %jit3A_2877 = arith.constant 0.000000e+00 : f32
        %broadcast_in_dim3A_2878 = vector.broadcast %jit3A_2876 : f32 to vector<16xf32>
        %broadcast_in_dim3A_2879 = vector.broadcast %jit3A_2877 : f32 to vector<16xf32>
        %select_n3A_2880 = arith.select %eq3A_2875, %broadcast_in_dim3A_2878, %broadcast_in_dim3A_2879 : vector<16xi1>, vector<16xf32>
        %swap3A_2881 = arith.constant 30 : i32
        %swap3A_2882 = arith.index_cast %swap3A_2881 : i32 to index
        %swap3A_2883 = arith.index_cast %multiple_of3A_2866 : i32 to index
        %swap3A_2884 = tpu.vector_load %arg5[%swap3A_2882, %swap3A_2883] {strides = array<i32>} : memref<32x1000xf32, #tpu.memory_space<vmem>>, vector<1x16xf32>,
        %swap3A_2885 = vector.shape_cast %swap3A_2884 : vector<1x16xf32> to vector<16xf32>
        %swap3A_2886 = vector.shape_cast %select_n3A_2880 : vector<16xf32> to vector<1x16xf32>
        tpu.vector_store %arg5[%swap3A_2882, %swap3A_2883], %swap3A_2886 {strides = array<i32>} : memref<32x1000xf32, #tpu.memory_space<vmem>>, vector<1x16xf32>,
        %slice3A_2887 = vector.extract_strided_slice %min3A_2451 {offsets = [15], sizes = [1], strides = [1]} : vector<16xi32> to vector<1xi32>
        %squeeze3A_2888 = vector.extract %slice3A_2887[0] : i32 from vector<1xi32>
        %slice3A_2889 = vector.extract_strided_slice %get3A_2445 {offsets = [15], sizes = [1], strides = [1]} : vector<16xi32> to vector<1xi32>
        %squeeze3A_2890 = vector.extract %slice3A_2889[0] : i32 from vector<1xi32>
        %shift_right_arithmetic3A_2891 = arith.constant 4 : i32
        %shift_right_arithmetic3A_2892 = arith.shrsi %squeeze3A_2888, %shift_right_arithmetic3A_2891 : i32
        %shift_left3A_2893 = arith.constant 4 : i32
        %shift_left3A_2894 = arith.shli %shift_right_arithmetic3A_2892, %shift_left3A_2893 : i32
        %multiple_of3A_2895 = tpu.assume_multiple %shift_left3A_2894, 16 : i32
        %and3A_2896 = arith.constant 15 : i32
        %and3A_2897 = arith.andi %squeeze3A_2888, %and3A_2896 : i32
        %shift_right_arithmetic3A_2898 = arith.constant 31 : i32
        %shift_right_arithmetic3A_2899 = arith.shrsi %squeeze3A_2890, %shift_right_arithmetic3A_2898 : i32
        %and3A_2900 = arith.constant 16 : i32
        %and3A_2901 = arith.andi %shift_right_arithmetic3A_2899, %and3A_2900 : i32
        %or3A_2902 = arith.ori %and3A_2897, %and3A_2901 : i32
        %eq3A_2903 = vector.broadcast %or3A_2902 : i32 to vector<16xi32>
        %eq3A_2904 = arith.cmpi eq, %iota3A, %eq3A_2903 : vector<16xi32>
        %jit3A_2905 = arith.constant 0.000000e+00 : f32
        %jit3A_2906 = arith.constant 0.000000e+00 : f32
        %broadcast_in_dim3A_2907 = vector.broadcast %jit3A_2905 : f32 to vector<16xf32>
        %broadcast_in_dim3A_2908 = vector.broadcast %jit3A_2906 : f32 to vector<16xf32>
        %select_n3A_2909 = arith.select %eq3A_2904, %broadcast_in_dim3A_2907, %broadcast_in_dim3A_2908 : vector<16xi1>, vector<16xf32>
        %swap3A_2910 = arith.constant 31 : i32
        %swap3A_2911 = arith.index_cast %swap3A_2910 : i32 to index
        %swap3A_2912 = arith.index_cast %multiple_of3A_2895 : i32 to index
        %swap3A_2913 = tpu.vector_load %arg5[%swap3A_2911, %swap3A_2912] {strides = array<i32>} : memref<32x1000xf32, #tpu.memory_space<vmem>>, vector<1x16xf32>,
        %swap3A_2914 = vector.shape_cast %swap3A_2913 : vector<1x16xf32> to vector<16xf32>
        %swap3A_2915 = vector.shape_cast %select_n3A_2909 : vector<16xf32> to vector<1x16xf32>
        tpu.vector_store %arg5[%swap3A_2911, %swap3A_2912], %swap3A_2915 {strides = array<i32>} : memref<32x1000xf32, #tpu.memory_space<vmem>>, vector<1x16xf32>,
      } else {
      }
      %mul3A_36 = arith.constant 32 : i32
      %mul3A_37 = arith.muli %add3A_33, %mul3A_36 : i32
      %add3A_38 = arith.constant 0 : i32
      %add3A_39 = arith.addi %mul3A_37, %add3A_38 : i32
      %get3A = arith.index_cast %add3A_39 : i32 to index
      %get3A_40 = tpu.vector_load %arg4[%get3A] {strides = array<i32>} : memref<1600xi32, #tpu.memory_space<vmem>>, vector<16xi32>,
      %get3A_41 = vector.shape_cast %get3A_40 : vector<16xi32> to vector<16xi32>
      %jit3A = arith.constant 0 : i32
      %jit3A_42 = arith.constant 999 : i32
      %max3A = vector.broadcast %jit3A : i32 to vector<16xi32>
      %max3A_43 = arith.maxsi %max3A, %get3A_41 : vector<16xi32>
      %min3A = vector.broadcast %jit3A_42 : i32 to vector<16xi32>
      %min3A_44 = arith.minsi %min3A, %max3A_43 : vector<16xi32>
      %slice3A = vector.extract_strided_slice %min3A_44 {offsets = [0], sizes = [1], strides = [1]} : vector<16xi32> to vector<1xi32>
      %squeeze3A = vector.extract %slice3A[0] : i32 from vector<1xi32>
      %slice3A_45 = vector.extract_strided_slice %get3A_41 {offsets = [0], sizes = [1], strides = [1]} : vector<16xi32> to vector<1xi32>
      %squeeze3A_46 = vector.extract %slice3A_45[0] : i32 from vector<1xi32>
      %shift_right_arithmetic3A = arith.constant 4 : i32
      %shift_right_arithmetic3A_47 = arith.shrsi %squeeze3A, %shift_right_arithmetic3A : i32
      %shift_left3A = arith.constant 4 : i32
      %shift_left3A_48 = arith.shli %shift_right_arithmetic3A_47, %shift_left3A : i32
      %multiple_of3A_49 = tpu.assume_multiple %shift_left3A_48, 16 : i32
      %and3A = arith.constant 15 : i32
      %and3A_50 = arith.andi %squeeze3A, %and3A : i32
      %shift_right_arithmetic3A_51 = arith.constant 31 : i32
      %shift_right_arithmetic3A_52 = arith.shrsi %squeeze3A_46, %shift_right_arithmetic3A_51 : i32
      %and3A_53 = arith.constant 16 : i32
      %and3A_54 = arith.andi %shift_right_arithmetic3A_52, %and3A_53 : i32
      %or3A = arith.ori %and3A_50, %and3A_54 : i32
      %eq3A = vector.broadcast %or3A : i32 to vector<16xi32>
      %eq3A_55 = arith.cmpi eq, %iota3A, %eq3A : vector<16xi32>
      %jit3A_56 = arith.constant 1.000000e+00 : f32
      %jit3A_57 = arith.constant 0.000000e+00 : f32
      %broadcast_in_dim3A_58 = vector.broadcast %jit3A_56 : f32 to vector<16xf32>
      %broadcast_in_dim3A_59 = vector.broadcast %jit3A_57 : f32 to vector<16xf32>
      %select_n3A = arith.select %eq3A_55, %broadcast_in_dim3A_58, %broadcast_in_dim3A_59 : vector<16xi1>, vector<16xf32>
      %swap3A = arith.constant 0 : i32
      %swap3A_60 = arith.index_cast %swap3A : i32 to index
      %swap3A_61 = arith.index_cast %multiple_of3A_49 : i32 to index
      %swap3A_62 = tpu.vector_load %arg5[%swap3A_60, %swap3A_61] {strides = array<i32>} : memref<32x1000xf32, #tpu.memory_space<vmem>>, vector<1x16xf32>,
      %swap3A_63 = vector.shape_cast %swap3A_62 : vector<1x16xf32> to vector<16xf32>
      %swap3A_64 = vector.shape_cast %select_n3A : vector<16xf32> to vector<1x16xf32>
      tpu.vector_store %arg5[%swap3A_60, %swap3A_61], %swap3A_64 {strides = array<i32>} : memref<32x1000xf32, #tpu.memory_space<vmem>>, vector<1x16xf32>,
      %slice3A_65 = vector.extract_strided_slice %min3A_44 {offsets = [1], sizes = [1], strides = [1]} : vector<16xi32> to vector<1xi32>
      %squeeze3A_66 = vector.extract %slice3A_65[0] : i32 from vector<1xi32>
      %slice3A_67 = vector.extract_strided_slice %get3A_41 {offsets = [1], sizes = [1], strides = [1]} : vector<16xi32> to vector<1xi32>
      %squeeze3A_68 = vector.extract %slice3A_67[0] : i32 from vector<1xi32>
      %shift_right_arithmetic3A_69 = arith.constant 4 : i32
      %shift_right_arithmetic3A_70 = arith.shrsi %squeeze3A_66, %shift_right_arithmetic3A_69 : i32
      %shift_left3A_71 = arith.constant 4 : i32
      %shift_left3A_72 = arith.shli %shift_right_arithmetic3A_70, %shift_left3A_71 : i32
      %multiple_of3A_73 = tpu.assume_multiple %shift_left3A_72, 16 : i32
      %and3A_74 = arith.constant 15 : i32
      %and3A_75 = arith.andi %squeeze3A_66, %and3A_74 : i32
      %shift_right_arithmetic3A_76 = arith.constant 31 : i32
      %shift_right_arithmetic3A_77 = arith.shrsi %squeeze3A_68, %shift_right_arithmetic3A_76 : i32
      %and3A_78 = arith.constant 16 : i32
      %and3A_79 = arith.andi %shift_right_arithmetic3A_77, %and3A_78 : i32
      %or3A_80 = arith.ori %and3A_75, %and3A_79 : i32
      %eq3A_81 = vector.broadcast %or3A_80 : i32 to vector<16xi32>
      %eq3A_82 = arith.cmpi eq, %iota3A, %eq3A_81 : vector<16xi32>
      %jit3A_83 = arith.constant 1.000000e+00 : f32
      %jit3A_84 = arith.constant 0.000000e+00 : f32
      %broadcast_in_dim3A_85 = vector.broadcast %jit3A_83 : f32 to vector<16xf32>
      %broadcast_in_dim3A_86 = vector.broadcast %jit3A_84 : f32 to vector<16xf32>
      %select_n3A_87 = arith.select %eq3A_82, %broadcast_in_dim3A_85, %broadcast_in_dim3A_86 : vector<16xi1>, vector<16xf32>
      %swap3A_88 = arith.constant 1 : i32
      %swap3A_89 = arith.index_cast %swap3A_88 : i32 to index
      %swap3A_90 = arith.index_cast %multiple_of3A_73 : i32 to index
      %swap3A_91 = tpu.vector_load %arg5[%swap3A_89, %swap3A_90] {strides = array<i32>} : memref<32x1000xf32, #tpu.memory_space<vmem>>, vector<1x16xf32>,
      %swap3A_92 = vector.shape_cast %swap3A_91 : vector<1x16xf32> to vector<16xf32>
      %swap3A_93 = vector.shape_cast %select_n3A_87 : vector<16xf32> to vector<1x16xf32>
      tpu.vector_store %arg5[%swap3A_89, %swap3A_90], %swap3A_93 {strides = array<i32>} : memref<32x1000xf32, #tpu.memory_space<vmem>>, vector<1x16xf32>,
      %slice3A_94 = vector.extract_strided_slice %min3A_44 {offsets = [2], sizes = [1], strides = [1]} : vector<16xi32> to vector<1xi32>
      %squeeze3A_95 = vector.extract %slice3A_94[0] : i32 from vector<1xi32>
      %slice3A_96 = vector.extract_strided_slice %get3A_41 {offsets = [2], sizes = [1], strides = [1]} : vector<16xi32> to vector<1xi32>
      %squeeze3A_97 = vector.extract %slice3A_96[0] : i32 from vector<1xi32>
      %shift_right_arithmetic3A_98 = arith.constant 4 : i32
      %shift_right_arithmetic3A_99 = arith.shrsi %squeeze3A_95, %shift_right_arithmetic3A_98 : i32
      %shift_left3A_100 = arith.constant 4 : i32
      %shift_left3A_101 = arith.shli %shift_right_arithmetic3A_99, %shift_left3A_100 : i32
      %multiple_of3A_102 = tpu.assume_multiple %shift_left3A_101, 16 : i32
      %and3A_103 = arith.constant 15 : i32
      %and3A_104 = arith.andi %squeeze3A_95, %and3A_103 : i32
      %shift_right_arithmetic3A_105 = arith.constant 31 : i32
      %shift_right_arithmetic3A_106 = arith.shrsi %squeeze3A_97, %shift_right_arithmetic3A_105 : i32
      %and3A_107 = arith.constant 16 : i32
      %and3A_108 = arith.andi %shift_right_arithmetic3A_106, %and3A_107 : i32
      %or3A_109 = arith.ori %and3A_104, %and3A_108 : i32
      %eq3A_110 = vector.broadcast %or3A_109 : i32 to vector<16xi32>
      %eq3A_111 = arith.cmpi eq, %iota3A, %eq3A_110 : vector<16xi32>
      %jit3A_112 = arith.constant 1.000000e+00 : f32
      %jit3A_113 = arith.constant 0.000000e+00 : f32
      %broadcast_in_dim3A_114 = vector.broadcast %jit3A_112 : f32 to vector<16xf32>
      %broadcast_in_dim3A_115 = vector.broadcast %jit3A_113 : f32 to vector<16xf32>
      %select_n3A_116 = arith.select %eq3A_111, %broadcast_in_dim3A_114, %broadcast_in_dim3A_115 : vector<16xi1>, vector<16xf32>
      %swap3A_117 = arith.constant 2 : i32
      %swap3A_118 = arith.index_cast %swap3A_117 : i32 to index
      %swap3A_119 = arith.index_cast %multiple_of3A_102 : i32 to index
      %swap3A_120 = tpu.vector_load %arg5[%swap3A_118, %swap3A_119] {strides = array<i32>} : memref<32x1000xf32, #tpu.memory_space<vmem>>, vector<1x16xf32>,
      %swap3A_121 = vector.shape_cast %swap3A_120 : vector<1x16xf32> to vector<16xf32>
      %swap3A_122 = vector.shape_cast %select_n3A_116 : vector<16xf32> to vector<1x16xf32>
      tpu.vector_store %arg5[%swap3A_118, %swap3A_119], %swap3A_122 {strides = array<i32>} : memref<32x1000xf32, #tpu.memory_space<vmem>>, vector<1x16xf32>,
      %slice3A_123 = vector.extract_strided_slice %min3A_44 {offsets = [3], sizes = [1], strides = [1]} : vector<16xi32> to vector<1xi32>
      %squeeze3A_124 = vector.extract %slice3A_123[0] : i32 from vector<1xi32>
      %slice3A_125 = vector.extract_strided_slice %get3A_41 {offsets = [3], sizes = [1], strides = [1]} : vector<16xi32> to vector<1xi32>
      %squeeze3A_126 = vector.extract %slice3A_125[0] : i32 from vector<1xi32>
      %shift_right_arithmetic3A_127 = arith.constant 4 : i32
      %shift_right_arithmetic3A_128 = arith.shrsi %squeeze3A_124, %shift_right_arithmetic3A_127 : i32
      %shift_left3A_129 = arith.constant 4 : i32
      %shift_left3A_130 = arith.shli %shift_right_arithmetic3A_128, %shift_left3A_129 : i32
      %multiple_of3A_131 = tpu.assume_multiple %shift_left3A_130, 16 : i32
      %and3A_132 = arith.constant 15 : i32
      %and3A_133 = arith.andi %squeeze3A_124, %and3A_132 : i32
      %shift_right_arithmetic3A_134 = arith.constant 31 : i32
      %shift_right_arithmetic3A_135 = arith.shrsi %squeeze3A_126, %shift_right_arithmetic3A_134 : i32
      %and3A_136 = arith.constant 16 : i32
      %and3A_137 = arith.andi %shift_right_arithmetic3A_135, %and3A_136 : i32
      %or3A_138 = arith.ori %and3A_133, %and3A_137 : i32
      %eq3A_139 = vector.broadcast %or3A_138 : i32 to vector<16xi32>
      %eq3A_140 = arith.cmpi eq, %iota3A, %eq3A_139 : vector<16xi32>
      %jit3A_141 = arith.constant 1.000000e+00 : f32
      %jit3A_142 = arith.constant 0.000000e+00 : f32
      %broadcast_in_dim3A_143 = vector.broadcast %jit3A_141 : f32 to vector<16xf32>
      %broadcast_in_dim3A_144 = vector.broadcast %jit3A_142 : f32 to vector<16xf32>
      %select_n3A_145 = arith.select %eq3A_140, %broadcast_in_dim3A_143, %broadcast_in_dim3A_144 : vector<16xi1>, vector<16xf32>
      %swap3A_146 = arith.constant 3 : i32
      %swap3A_147 = arith.index_cast %swap3A_146 : i32 to index
      %swap3A_148 = arith.index_cast %multiple_of3A_131 : i32 to index
      %swap3A_149 = tpu.vector_load %arg5[%swap3A_147, %swap3A_148] {strides = array<i32>} : memref<32x1000xf32, #tpu.memory_space<vmem>>, vector<1x16xf32>,
      %swap3A_150 = vector.shape_cast %swap3A_149 : vector<1x16xf32> to vector<16xf32>
      %swap3A_151 = vector.shape_cast %select_n3A_145 : vector<16xf32> to vector<1x16xf32>
      tpu.vector_store %arg5[%swap3A_147, %swap3A_148], %swap3A_151 {strides = array<i32>} : memref<32x1000xf32, #tpu.memory_space<vmem>>, vector<1x16xf32>,
      %slice3A_152 = vector.extract_strided_slice %min3A_44 {offsets = [4], sizes = [1], strides = [1]} : vector<16xi32> to vector<1xi32>
      %squeeze3A_153 = vector.extract %slice3A_152[0] : i32 from vector<1xi32>
      %slice3A_154 = vector.extract_strided_slice %get3A_41 {offsets = [4], sizes = [1], strides = [1]} : vector<16xi32> to vector<1xi32>
      %squeeze3A_155 = vector.extract %slice3A_154[0] : i32 from vector<1xi32>
      %shift_right_arithmetic3A_156 = arith.constant 4 : i32
      %shift_right_arithmetic3A_157 = arith.shrsi %squeeze3A_153, %shift_right_arithmetic3A_156 : i32
      %shift_left3A_158 = arith.constant 4 : i32
      %shift_left3A_159 = arith.shli %shift_right_arithmetic3A_157, %shift_left3A_158 : i32
      %multiple_of3A_160 = tpu.assume_multiple %shift_left3A_159, 16 : i32
      %and3A_161 = arith.constant 15 : i32
      %and3A_162 = arith.andi %squeeze3A_153, %and3A_161 : i32
      %shift_right_arithmetic3A_163 = arith.constant 31 : i32
      %shift_right_arithmetic3A_164 = arith.shrsi %squeeze3A_155, %shift_right_arithmetic3A_163 : i32
      %and3A_165 = arith.constant 16 : i32
      %and3A_166 = arith.andi %shift_right_arithmetic3A_164, %and3A_165 : i32
      %or3A_167 = arith.ori %and3A_162, %and3A_166 : i32
      %eq3A_168 = vector.broadcast %or3A_167 : i32 to vector<16xi32>
      %eq3A_169 = arith.cmpi eq, %iota3A, %eq3A_168 : vector<16xi32>
      %jit3A_170 = arith.constant 1.000000e+00 : f32
      %jit3A_171 = arith.constant 0.000000e+00 : f32
      %broadcast_in_dim3A_172 = vector.broadcast %jit3A_170 : f32 to vector<16xf32>
      %broadcast_in_dim3A_173 = vector.broadcast %jit3A_171 : f32 to vector<16xf32>
      %select_n3A_174 = arith.select %eq3A_169, %broadcast_in_dim3A_172, %broadcast_in_dim3A_173 : vector<16xi1>, vector<16xf32>
      %swap3A_175 = arith.constant 4 : i32
      %swap3A_176 = arith.index_cast %swap3A_175 : i32 to index
      %swap3A_177 = arith.index_cast %multiple_of3A_160 : i32 to index
      %swap3A_178 = tpu.vector_load %arg5[%swap3A_176, %swap3A_177] {strides = array<i32>} : memref<32x1000xf32, #tpu.memory_space<vmem>>, vector<1x16xf32>,
      %swap3A_179 = vector.shape_cast %swap3A_178 : vector<1x16xf32> to vector<16xf32>
      %swap3A_180 = vector.shape_cast %select_n3A_174 : vector<16xf32> to vector<1x16xf32>
      tpu.vector_store %arg5[%swap3A_176, %swap3A_177], %swap3A_180 {strides = array<i32>} : memref<32x1000xf32, #tpu.memory_space<vmem>>, vector<1x16xf32>,
      %slice3A_181 = vector.extract_strided_slice %min3A_44 {offsets = [5], sizes = [1], strides = [1]} : vector<16xi32> to vector<1xi32>
      %squeeze3A_182 = vector.extract %slice3A_181[0] : i32 from vector<1xi32>
      %slice3A_183 = vector.extract_strided_slice %get3A_41 {offsets = [5], sizes = [1], strides = [1]} : vector<16xi32> to vector<1xi32>
      %squeeze3A_184 = vector.extract %slice3A_183[0] : i32 from vector<1xi32>
      %shift_right_arithmetic3A_185 = arith.constant 4 : i32
      %shift_right_arithmetic3A_186 = arith.shrsi %squeeze3A_182, %shift_right_arithmetic3A_185 : i32
      %shift_left3A_187 = arith.constant 4 : i32
      %shift_left3A_188 = arith.shli %shift_right_arithmetic3A_186, %shift_left3A_187 : i32
      %multiple_of3A_189 = tpu.assume_multiple %shift_left3A_188, 16 : i32
      %and3A_190 = arith.constant 15 : i32
      %and3A_191 = arith.andi %squeeze3A_182, %and3A_190 : i32
      %shift_right_arithmetic3A_192 = arith.constant 31 : i32
      %shift_right_arithmetic3A_193 = arith.shrsi %squeeze3A_184, %shift_right_arithmetic3A_192 : i32
      %and3A_194 = arith.constant 16 : i32
      %and3A_195 = arith.andi %shift_right_arithmetic3A_193, %and3A_194 : i32
      %or3A_196 = arith.ori %and3A_191, %and3A_195 : i32
      %eq3A_197 = vector.broadcast %or3A_196 : i32 to vector<16xi32>
      %eq3A_198 = arith.cmpi eq, %iota3A, %eq3A_197 : vector<16xi32>
      %jit3A_199 = arith.constant 1.000000e+00 : f32
      %jit3A_200 = arith.constant 0.000000e+00 : f32
      %broadcast_in_dim3A_201 = vector.broadcast %jit3A_199 : f32 to vector<16xf32>
      %broadcast_in_dim3A_202 = vector.broadcast %jit3A_200 : f32 to vector<16xf32>
      %select_n3A_203 = arith.select %eq3A_198, %broadcast_in_dim3A_201, %broadcast_in_dim3A_202 : vector<16xi1>, vector<16xf32>
      %swap3A_204 = arith.constant 5 : i32
      %swap3A_205 = arith.index_cast %swap3A_204 : i32 to index
      %swap3A_206 = arith.index_cast %multiple_of3A_189 : i32 to index
      %swap3A_207 = tpu.vector_load %arg5[%swap3A_205, %swap3A_206] {strides = array<i32>} : memref<32x1000xf32, #tpu.memory_space<vmem>>, vector<1x16xf32>,
      %swap3A_208 = vector.shape_cast %swap3A_207 : vector<1x16xf32> to vector<16xf32>
      %swap3A_209 = vector.shape_cast %select_n3A_203 : vector<16xf32> to vector<1x16xf32>
      tpu.vector_store %arg5[%swap3A_205, %swap3A_206], %swap3A_209 {strides = array<i32>} : memref<32x1000xf32, #tpu.memory_space<vmem>>, vector<1x16xf32>,
      %slice3A_210 = vector.extract_strided_slice %min3A_44 {offsets = [6], sizes = [1], strides = [1]} : vector<16xi32> to vector<1xi32>
      %squeeze3A_211 = vector.extract %slice3A_210[0] : i32 from vector<1xi32>
      %slice3A_212 = vector.extract_strided_slice %get3A_41 {offsets = [6], sizes = [1], strides = [1]} : vector<16xi32> to vector<1xi32>
      %squeeze3A_213 = vector.extract %slice3A_212[0] : i32 from vector<1xi32>
      %shift_right_arithmetic3A_214 = arith.constant 4 : i32
      %shift_right_arithmetic3A_215 = arith.shrsi %squeeze3A_211, %shift_right_arithmetic3A_214 : i32
      %shift_left3A_216 = arith.constant 4 : i32
      %shift_left3A_217 = arith.shli %shift_right_arithmetic3A_215, %shift_left3A_216 : i32
      %multiple_of3A_218 = tpu.assume_multiple %shift_left3A_217, 16 : i32
      %and3A_219 = arith.constant 15 : i32
      %and3A_220 = arith.andi %squeeze3A_211, %and3A_219 : i32
      %shift_right_arithmetic3A_221 = arith.constant 31 : i32
      %shift_right_arithmetic3A_222 = arith.shrsi %squeeze3A_213, %shift_right_arithmetic3A_221 : i32
      %and3A_223 = arith.constant 16 : i32
      %and3A_224 = arith.andi %shift_right_arithmetic3A_222, %and3A_223 : i32
      %or3A_225 = arith.ori %and3A_220, %and3A_224 : i32
      %eq3A_226 = vector.broadcast %or3A_225 : i32 to vector<16xi32>
      %eq3A_227 = arith.cmpi eq, %iota3A, %eq3A_226 : vector<16xi32>
      %jit3A_228 = arith.constant 1.000000e+00 : f32
      %jit3A_229 = arith.constant 0.000000e+00 : f32
      %broadcast_in_dim3A_230 = vector.broadcast %jit3A_228 : f32 to vector<16xf32>
      %broadcast_in_dim3A_231 = vector.broadcast %jit3A_229 : f32 to vector<16xf32>
      %select_n3A_232 = arith.select %eq3A_227, %broadcast_in_dim3A_230, %broadcast_in_dim3A_231 : vector<16xi1>, vector<16xf32>
      %swap3A_233 = arith.constant 6 : i32
      %swap3A_234 = arith.index_cast %swap3A_233 : i32 to index
      %swap3A_235 = arith.index_cast %multiple_of3A_218 : i32 to index
      %swap3A_236 = tpu.vector_load %arg5[%swap3A_234, %swap3A_235] {strides = array<i32>} : memref<32x1000xf32, #tpu.memory_space<vmem>>, vector<1x16xf32>,
      %swap3A_237 = vector.shape_cast %swap3A_236 : vector<1x16xf32> to vector<16xf32>
      %swap3A_238 = vector.shape_cast %select_n3A_232 : vector<16xf32> to vector<1x16xf32>
      tpu.vector_store %arg5[%swap3A_234, %swap3A_235], %swap3A_238 {strides = array<i32>} : memref<32x1000xf32, #tpu.memory_space<vmem>>, vector<1x16xf32>,
      %slice3A_239 = vector.extract_strided_slice %min3A_44 {offsets = [7], sizes = [1], strides = [1]} : vector<16xi32> to vector<1xi32>
      %squeeze3A_240 = vector.extract %slice3A_239[0] : i32 from vector<1xi32>
      %slice3A_241 = vector.extract_strided_slice %get3A_41 {offsets = [7], sizes = [1], strides = [1]} : vector<16xi32> to vector<1xi32>
      %squeeze3A_242 = vector.extract %slice3A_241[0] : i32 from vector<1xi32>
      %shift_right_arithmetic3A_243 = arith.constant 4 : i32
      %shift_right_arithmetic3A_244 = arith.shrsi %squeeze3A_240, %shift_right_arithmetic3A_243 : i32
      %shift_left3A_245 = arith.constant 4 : i32
      %shift_left3A_246 = arith.shli %shift_right_arithmetic3A_244, %shift_left3A_245 : i32
      %multiple_of3A_247 = tpu.assume_multiple %shift_left3A_246, 16 : i32
      %and3A_248 = arith.constant 15 : i32
      %and3A_249 = arith.andi %squeeze3A_240, %and3A_248 : i32
      %shift_right_arithmetic3A_250 = arith.constant 31 : i32
      %shift_right_arithmetic3A_251 = arith.shrsi %squeeze3A_242, %shift_right_arithmetic3A_250 : i32
      %and3A_252 = arith.constant 16 : i32
      %and3A_253 = arith.andi %shift_right_arithmetic3A_251, %and3A_252 : i32
      %or3A_254 = arith.ori %and3A_249, %and3A_253 : i32
      %eq3A_255 = vector.broadcast %or3A_254 : i32 to vector<16xi32>
      %eq3A_256 = arith.cmpi eq, %iota3A, %eq3A_255 : vector<16xi32>
      %jit3A_257 = arith.constant 1.000000e+00 : f32
      %jit3A_258 = arith.constant 0.000000e+00 : f32
      %broadcast_in_dim3A_259 = vector.broadcast %jit3A_257 : f32 to vector<16xf32>
      %broadcast_in_dim3A_260 = vector.broadcast %jit3A_258 : f32 to vector<16xf32>
      %select_n3A_261 = arith.select %eq3A_256, %broadcast_in_dim3A_259, %broadcast_in_dim3A_260 : vector<16xi1>, vector<16xf32>
      %swap3A_262 = arith.constant 7 : i32
      %swap3A_263 = arith.index_cast %swap3A_262 : i32 to index
      %swap3A_264 = arith.index_cast %multiple_of3A_247 : i32 to index
      %swap3A_265 = tpu.vector_load %arg5[%swap3A_263, %swap3A_264] {strides = array<i32>} : memref<32x1000xf32, #tpu.memory_space<vmem>>, vector<1x16xf32>,
      %swap3A_266 = vector.shape_cast %swap3A_265 : vector<1x16xf32> to vector<16xf32>
      %swap3A_267 = vector.shape_cast %select_n3A_261 : vector<16xf32> to vector<1x16xf32>
      tpu.vector_store %arg5[%swap3A_263, %swap3A_264], %swap3A_267 {strides = array<i32>} : memref<32x1000xf32, #tpu.memory_space<vmem>>, vector<1x16xf32>,
      %slice3A_268 = vector.extract_strided_slice %min3A_44 {offsets = [8], sizes = [1], strides = [1]} : vector<16xi32> to vector<1xi32>
      %squeeze3A_269 = vector.extract %slice3A_268[0] : i32 from vector<1xi32>
      %slice3A_270 = vector.extract_strided_slice %get3A_41 {offsets = [8], sizes = [1], strides = [1]} : vector<16xi32> to vector<1xi32>
      %squeeze3A_271 = vector.extract %slice3A_270[0] : i32 from vector<1xi32>
      %shift_right_arithmetic3A_272 = arith.constant 4 : i32
      %shift_right_arithmetic3A_273 = arith.shrsi %squeeze3A_269, %shift_right_arithmetic3A_272 : i32
      %shift_left3A_274 = arith.constant 4 : i32
      %shift_left3A_275 = arith.shli %shift_right_arithmetic3A_273, %shift_left3A_274 : i32
      %multiple_of3A_276 = tpu.assume_multiple %shift_left3A_275, 16 : i32
      %and3A_277 = arith.constant 15 : i32
      %and3A_278 = arith.andi %squeeze3A_269, %and3A_277 : i32
      %shift_right_arithmetic3A_279 = arith.constant 31 : i32
      %shift_right_arithmetic3A_280 = arith.shrsi %squeeze3A_271, %shift_right_arithmetic3A_279 : i32
      %and3A_281 = arith.constant 16 : i32
      %and3A_282 = arith.andi %shift_right_arithmetic3A_280, %and3A_281 : i32
      %or3A_283 = arith.ori %and3A_278, %and3A_282 : i32
      %eq3A_284 = vector.broadcast %or3A_283 : i32 to vector<16xi32>
      %eq3A_285 = arith.cmpi eq, %iota3A, %eq3A_284 : vector<16xi32>
      %jit3A_286 = arith.constant 1.000000e+00 : f32
      %jit3A_287 = arith.constant 0.000000e+00 : f32
      %broadcast_in_dim3A_288 = vector.broadcast %jit3A_286 : f32 to vector<16xf32>
      %broadcast_in_dim3A_289 = vector.broadcast %jit3A_287 : f32 to vector<16xf32>
      %select_n3A_290 = arith.select %eq3A_285, %broadcast_in_dim3A_288, %broadcast_in_dim3A_289 : vector<16xi1>, vector<16xf32>
      %swap3A_291 = arith.constant 8 : i32
      %swap3A_292 = arith.index_cast %swap3A_291 : i32 to index
      %swap3A_293 = arith.index_cast %multiple_of3A_276 : i32 to index
      %swap3A_294 = tpu.vector_load %arg5[%swap3A_292, %swap3A_293] {strides = array<i32>} : memref<32x1000xf32, #tpu.memory_space<vmem>>, vector<1x16xf32>,
      %swap3A_295 = vector.shape_cast %swap3A_294 : vector<1x16xf32> to vector<16xf32>
      %swap3A_296 = vector.shape_cast %select_n3A_290 : vector<16xf32> to vector<1x16xf32>
      tpu.vector_store %arg5[%swap3A_292, %swap3A_293], %swap3A_296 {strides = array<i32>} : memref<32x1000xf32, #tpu.memory_space<vmem>>, vector<1x16xf32>,
      %slice3A_297 = vector.extract_strided_slice %min3A_44 {offsets = [9], sizes = [1], strides = [1]} : vector<16xi32> to vector<1xi32>
      %squeeze3A_298 = vector.extract %slice3A_297[0] : i32 from vector<1xi32>
      %slice3A_299 = vector.extract_strided_slice %get3A_41 {offsets = [9], sizes = [1], strides = [1]} : vector<16xi32> to vector<1xi32>
      %squeeze3A_300 = vector.extract %slice3A_299[0] : i32 from vector<1xi32>
      %shift_right_arithmetic3A_301 = arith.constant 4 : i32
      %shift_right_arithmetic3A_302 = arith.shrsi %squeeze3A_298, %shift_right_arithmetic3A_301 : i32
      %shift_left3A_303 = arith.constant 4 : i32
      %shift_left3A_304 = arith.shli %shift_right_arithmetic3A_302, %shift_left3A_303 : i32
      %multiple_of3A_305 = tpu.assume_multiple %shift_left3A_304, 16 : i32
      %and3A_306 = arith.constant 15 : i32
      %and3A_307 = arith.andi %squeeze3A_298, %and3A_306 : i32
      %shift_right_arithmetic3A_308 = arith.constant 31 : i32
      %shift_right_arithmetic3A_309 = arith.shrsi %squeeze3A_300, %shift_right_arithmetic3A_308 : i32
      %and3A_310 = arith.constant 16 : i32
      %and3A_311 = arith.andi %shift_right_arithmetic3A_309, %and3A_310 : i32
      %or3A_312 = arith.ori %and3A_307, %and3A_311 : i32
      %eq3A_313 = vector.broadcast %or3A_312 : i32 to vector<16xi32>
      %eq3A_314 = arith.cmpi eq, %iota3A, %eq3A_313 : vector<16xi32>
      %jit3A_315 = arith.constant 1.000000e+00 : f32
      %jit3A_316 = arith.constant 0.000000e+00 : f32
      %broadcast_in_dim3A_317 = vector.broadcast %jit3A_315 : f32 to vector<16xf32>
      %broadcast_in_dim3A_318 = vector.broadcast %jit3A_316 : f32 to vector<16xf32>
      %select_n3A_319 = arith.select %eq3A_314, %broadcast_in_dim3A_317, %broadcast_in_dim3A_318 : vector<16xi1>, vector<16xf32>
      %swap3A_320 = arith.constant 9 : i32
      %swap3A_321 = arith.index_cast %swap3A_320 : i32 to index
      %swap3A_322 = arith.index_cast %multiple_of3A_305 : i32 to index
      %swap3A_323 = tpu.vector_load %arg5[%swap3A_321, %swap3A_322] {strides = array<i32>} : memref<32x1000xf32, #tpu.memory_space<vmem>>, vector<1x16xf32>,
      %swap3A_324 = vector.shape_cast %swap3A_323 : vector<1x16xf32> to vector<16xf32>
      %swap3A_325 = vector.shape_cast %select_n3A_319 : vector<16xf32> to vector<1x16xf32>
      tpu.vector_store %arg5[%swap3A_321, %swap3A_322], %swap3A_325 {strides = array<i32>} : memref<32x1000xf32, #tpu.memory_space<vmem>>, vector<1x16xf32>,
      %slice3A_326 = vector.extract_strided_slice %min3A_44 {offsets = [10], sizes = [1], strides = [1]} : vector<16xi32> to vector<1xi32>
      %squeeze3A_327 = vector.extract %slice3A_326[0] : i32 from vector<1xi32>
      %slice3A_328 = vector.extract_strided_slice %get3A_41 {offsets = [10], sizes = [1], strides = [1]} : vector<16xi32> to vector<1xi32>
      %squeeze3A_329 = vector.extract %slice3A_328[0] : i32 from vector<1xi32>
      %shift_right_arithmetic3A_330 = arith.constant 4 : i32
      %shift_right_arithmetic3A_331 = arith.shrsi %squeeze3A_327, %shift_right_arithmetic3A_330 : i32
      %shift_left3A_332 = arith.constant 4 : i32
      %shift_left3A_333 = arith.shli %shift_right_arithmetic3A_331, %shift_left3A_332 : i32
      %multiple_of3A_334 = tpu.assume_multiple %shift_left3A_333, 16 : i32
      %and3A_335 = arith.constant 15 : i32
      %and3A_336 = arith.andi %squeeze3A_327, %and3A_335 : i32
      %shift_right_arithmetic3A_337 = arith.constant 31 : i32
      %shift_right_arithmetic3A_338 = arith.shrsi %squeeze3A_329, %shift_right_arithmetic3A_337 : i32
      %and3A_339 = arith.constant 16 : i32
      %and3A_340 = arith.andi %shift_right_arithmetic3A_338, %and3A_339 : i32
      %or3A_341 = arith.ori %and3A_336, %and3A_340 : i32
      %eq3A_342 = vector.broadcast %or3A_341 : i32 to vector<16xi32>
      %eq3A_343 = arith.cmpi eq, %iota3A, %eq3A_342 : vector<16xi32>
      %jit3A_344 = arith.constant 1.000000e+00 : f32
      %jit3A_345 = arith.constant 0.000000e+00 : f32
      %broadcast_in_dim3A_346 = vector.broadcast %jit3A_344 : f32 to vector<16xf32>
      %broadcast_in_dim3A_347 = vector.broadcast %jit3A_345 : f32 to vector<16xf32>
      %select_n3A_348 = arith.select %eq3A_343, %broadcast_in_dim3A_346, %broadcast_in_dim3A_347 : vector<16xi1>, vector<16xf32>
      %swap3A_349 = arith.constant 10 : i32
      %swap3A_350 = arith.index_cast %swap3A_349 : i32 to index
      %swap3A_351 = arith.index_cast %multiple_of3A_334 : i32 to index
      %swap3A_352 = tpu.vector_load %arg5[%swap3A_350, %swap3A_351] {strides = array<i32>} : memref<32x1000xf32, #tpu.memory_space<vmem>>, vector<1x16xf32>,
      %swap3A_353 = vector.shape_cast %swap3A_352 : vector<1x16xf32> to vector<16xf32>
      %swap3A_354 = vector.shape_cast %select_n3A_348 : vector<16xf32> to vector<1x16xf32>
      tpu.vector_store %arg5[%swap3A_350, %swap3A_351], %swap3A_354 {strides = array<i32>} : memref<32x1000xf32, #tpu.memory_space<vmem>>, vector<1x16xf32>,
      %slice3A_355 = vector.extract_strided_slice %min3A_44 {offsets = [11], sizes = [1], strides = [1]} : vector<16xi32> to vector<1xi32>
      %squeeze3A_356 = vector.extract %slice3A_355[0] : i32 from vector<1xi32>
      %slice3A_357 = vector.extract_strided_slice %get3A_41 {offsets = [11], sizes = [1], strides = [1]} : vector<16xi32> to vector<1xi32>
      %squeeze3A_358 = vector.extract %slice3A_357[0] : i32 from vector<1xi32>
      %shift_right_arithmetic3A_359 = arith.constant 4 : i32
      %shift_right_arithmetic3A_360 = arith.shrsi %squeeze3A_356, %shift_right_arithmetic3A_359 : i32
      %shift_left3A_361 = arith.constant 4 : i32
      %shift_left3A_362 = arith.shli %shift_right_arithmetic3A_360, %shift_left3A_361 : i32
      %multiple_of3A_363 = tpu.assume_multiple %shift_left3A_362, 16 : i32
      %and3A_364 = arith.constant 15 : i32
      %and3A_365 = arith.andi %squeeze3A_356, %and3A_364 : i32
      %shift_right_arithmetic3A_366 = arith.constant 31 : i32
      %shift_right_arithmetic3A_367 = arith.shrsi %squeeze3A_358, %shift_right_arithmetic3A_366 : i32
      %and3A_368 = arith.constant 16 : i32
      %and3A_369 = arith.andi %shift_right_arithmetic3A_367, %and3A_368 : i32
      %or3A_370 = arith.ori %and3A_365, %and3A_369 : i32
      %eq3A_371 = vector.broadcast %or3A_370 : i32 to vector<16xi32>
      %eq3A_372 = arith.cmpi eq, %iota3A, %eq3A_371 : vector<16xi32>
      %jit3A_373 = arith.constant 1.000000e+00 : f32
      %jit3A_374 = arith.constant 0.000000e+00 : f32
      %broadcast_in_dim3A_375 = vector.broadcast %jit3A_373 : f32 to vector<16xf32>
      %broadcast_in_dim3A_376 = vector.broadcast %jit3A_374 : f32 to vector<16xf32>
      %select_n3A_377 = arith.select %eq3A_372, %broadcast_in_dim3A_375, %broadcast_in_dim3A_376 : vector<16xi1>, vector<16xf32>
      %swap3A_378 = arith.constant 11 : i32
      %swap3A_379 = arith.index_cast %swap3A_378 : i32 to index
      %swap3A_380 = arith.index_cast %multiple_of3A_363 : i32 to index
      %swap3A_381 = tpu.vector_load %arg5[%swap3A_379, %swap3A_380] {strides = array<i32>} : memref<32x1000xf32, #tpu.memory_space<vmem>>, vector<1x16xf32>,
      %swap3A_382 = vector.shape_cast %swap3A_381 : vector<1x16xf32> to vector<16xf32>
      %swap3A_383 = vector.shape_cast %select_n3A_377 : vector<16xf32> to vector<1x16xf32>
      tpu.vector_store %arg5[%swap3A_379, %swap3A_380], %swap3A_383 {strides = array<i32>} : memref<32x1000xf32, #tpu.memory_space<vmem>>, vector<1x16xf32>,
      %slice3A_384 = vector.extract_strided_slice %min3A_44 {offsets = [12], sizes = [1], strides = [1]} : vector<16xi32> to vector<1xi32>
      %squeeze3A_385 = vector.extract %slice3A_384[0] : i32 from vector<1xi32>
      %slice3A_386 = vector.extract_strided_slice %get3A_41 {offsets = [12], sizes = [1], strides = [1]} : vector<16xi32> to vector<1xi32>
      %squeeze3A_387 = vector.extract %slice3A_386[0] : i32 from vector<1xi32>
      %shift_right_arithmetic3A_388 = arith.constant 4 : i32
      %shift_right_arithmetic3A_389 = arith.shrsi %squeeze3A_385, %shift_right_arithmetic3A_388 : i32
      %shift_left3A_390 = arith.constant 4 : i32
      %shift_left3A_391 = arith.shli %shift_right_arithmetic3A_389, %shift_left3A_390 : i32
      %multiple_of3A_392 = tpu.assume_multiple %shift_left3A_391, 16 : i32
      %and3A_393 = arith.constant 15 : i32
      %and3A_394 = arith.andi %squeeze3A_385, %and3A_393 : i32
      %shift_right_arithmetic3A_395 = arith.constant 31 : i32
      %shift_right_arithmetic3A_396 = arith.shrsi %squeeze3A_387, %shift_right_arithmetic3A_395 : i32
      %and3A_397 = arith.constant 16 : i32
      %and3A_398 = arith.andi %shift_right_arithmetic3A_396, %and3A_397 : i32
      %or3A_399 = arith.ori %and3A_394, %and3A_398 : i32
      %eq3A_400 = vector.broadcast %or3A_399 : i32 to vector<16xi32>
      %eq3A_401 = arith.cmpi eq, %iota3A, %eq3A_400 : vector<16xi32>
      %jit3A_402 = arith.constant 1.000000e+00 : f32
      %jit3A_403 = arith.constant 0.000000e+00 : f32
      %broadcast_in_dim3A_404 = vector.broadcast %jit3A_402 : f32 to vector<16xf32>
      %broadcast_in_dim3A_405 = vector.broadcast %jit3A_403 : f32 to vector<16xf32>
      %select_n3A_406 = arith.select %eq3A_401, %broadcast_in_dim3A_404, %broadcast_in_dim3A_405 : vector<16xi1>, vector<16xf32>
      %swap3A_407 = arith.constant 12 : i32
      %swap3A_408 = arith.index_cast %swap3A_407 : i32 to index
      %swap3A_409 = arith.index_cast %multiple_of3A_392 : i32 to index
      %swap3A_410 = tpu.vector_load %arg5[%swap3A_408, %swap3A_409] {strides = array<i32>} : memref<32x1000xf32, #tpu.memory_space<vmem>>, vector<1x16xf32>,
      %swap3A_411 = vector.shape_cast %swap3A_410 : vector<1x16xf32> to vector<16xf32>
      %swap3A_412 = vector.shape_cast %select_n3A_406 : vector<16xf32> to vector<1x16xf32>
      tpu.vector_store %arg5[%swap3A_408, %swap3A_409], %swap3A_412 {strides = array<i32>} : memref<32x1000xf32, #tpu.memory_space<vmem>>, vector<1x16xf32>,
      %slice3A_413 = vector.extract_strided_slice %min3A_44 {offsets = [13], sizes = [1], strides = [1]} : vector<16xi32> to vector<1xi32>
      %squeeze3A_414 = vector.extract %slice3A_413[0] : i32 from vector<1xi32>
      %slice3A_415 = vector.extract_strided_slice %get3A_41 {offsets = [13], sizes = [1], strides = [1]} : vector<16xi32> to vector<1xi32>
      %squeeze3A_416 = vector.extract %slice3A_415[0] : i32 from vector<1xi32>
      %shift_right_arithmetic3A_417 = arith.constant 4 : i32
      %shift_right_arithmetic3A_418 = arith.shrsi %squeeze3A_414, %shift_right_arithmetic3A_417 : i32
      %shift_left3A_419 = arith.constant 4 : i32
      %shift_left3A_420 = arith.shli %shift_right_arithmetic3A_418, %shift_left3A_419 : i32
      %multiple_of3A_421 = tpu.assume_multiple %shift_left3A_420, 16 : i32
      %and3A_422 = arith.constant 15 : i32
      %and3A_423 = arith.andi %squeeze3A_414, %and3A_422 : i32
      %shift_right_arithmetic3A_424 = arith.constant 31 : i32
      %shift_right_arithmetic3A_425 = arith.shrsi %squeeze3A_416, %shift_right_arithmetic3A_424 : i32
      %and3A_426 = arith.constant 16 : i32
      %and3A_427 = arith.andi %shift_right_arithmetic3A_425, %and3A_426 : i32
      %or3A_428 = arith.ori %and3A_423, %and3A_427 : i32
      %eq3A_429 = vector.broadcast %or3A_428 : i32 to vector<16xi32>
      %eq3A_430 = arith.cmpi eq, %iota3A, %eq3A_429 : vector<16xi32>
      %jit3A_431 = arith.constant 1.000000e+00 : f32
      %jit3A_432 = arith.constant 0.000000e+00 : f32
      %broadcast_in_dim3A_433 = vector.broadcast %jit3A_431 : f32 to vector<16xf32>
      %broadcast_in_dim3A_434 = vector.broadcast %jit3A_432 : f32 to vector<16xf32>
      %select_n3A_435 = arith.select %eq3A_430, %broadcast_in_dim3A_433, %broadcast_in_dim3A_434 : vector<16xi1>, vector<16xf32>
      %swap3A_436 = arith.constant 13 : i32
      %swap3A_437 = arith.index_cast %swap3A_436 : i32 to index
      %swap3A_438 = arith.index_cast %multiple_of3A_421 : i32 to index
      %swap3A_439 = tpu.vector_load %arg5[%swap3A_437, %swap3A_438] {strides = array<i32>} : memref<32x1000xf32, #tpu.memory_space<vmem>>, vector<1x16xf32>,
      %swap3A_440 = vector.shape_cast %swap3A_439 : vector<1x16xf32> to vector<16xf32>
      %swap3A_441 = vector.shape_cast %select_n3A_435 : vector<16xf32> to vector<1x16xf32>
      tpu.vector_store %arg5[%swap3A_437, %swap3A_438], %swap3A_441 {strides = array<i32>} : memref<32x1000xf32, #tpu.memory_space<vmem>>, vector<1x16xf32>,
      %slice3A_442 = vector.extract_strided_slice %min3A_44 {offsets = [14], sizes = [1], strides = [1]} : vector<16xi32> to vector<1xi32>
      %squeeze3A_443 = vector.extract %slice3A_442[0] : i32 from vector<1xi32>
      %slice3A_444 = vector.extract_strided_slice %get3A_41 {offsets = [14], sizes = [1], strides = [1]} : vector<16xi32> to vector<1xi32>
      %squeeze3A_445 = vector.extract %slice3A_444[0] : i32 from vector<1xi32>
      %shift_right_arithmetic3A_446 = arith.constant 4 : i32
      %shift_right_arithmetic3A_447 = arith.shrsi %squeeze3A_443, %shift_right_arithmetic3A_446 : i32
      %shift_left3A_448 = arith.constant 4 : i32
      %shift_left3A_449 = arith.shli %shift_right_arithmetic3A_447, %shift_left3A_448 : i32
      %multiple_of3A_450 = tpu.assume_multiple %shift_left3A_449, 16 : i32
      %and3A_451 = arith.constant 15 : i32
      %and3A_452 = arith.andi %squeeze3A_443, %and3A_451 : i32
      %shift_right_arithmetic3A_453 = arith.constant 31 : i32
      %shift_right_arithmetic3A_454 = arith.shrsi %squeeze3A_445, %shift_right_arithmetic3A_453 : i32
      %and3A_455 = arith.constant 16 : i32
      %and3A_456 = arith.andi %shift_right_arithmetic3A_454, %and3A_455 : i32
      %or3A_457 = arith.ori %and3A_452, %and3A_456 : i32
      %eq3A_458 = vector.broadcast %or3A_457 : i32 to vector<16xi32>
      %eq3A_459 = arith.cmpi eq, %iota3A, %eq3A_458 : vector<16xi32>
      %jit3A_460 = arith.constant 1.000000e+00 : f32
      %jit3A_461 = arith.constant 0.000000e+00 : f32
      %broadcast_in_dim3A_462 = vector.broadcast %jit3A_460 : f32 to vector<16xf32>
      %broadcast_in_dim3A_463 = vector.broadcast %jit3A_461 : f32 to vector<16xf32>
      %select_n3A_464 = arith.select %eq3A_459, %broadcast_in_dim3A_462, %broadcast_in_dim3A_463 : vector<16xi1>, vector<16xf32>
      %swap3A_465 = arith.constant 14 : i32
      %swap3A_466 = arith.index_cast %swap3A_465 : i32 to index
      %swap3A_467 = arith.index_cast %multiple_of3A_450 : i32 to index
      %swap3A_468 = tpu.vector_load %arg5[%swap3A_466, %swap3A_467] {strides = array<i32>} : memref<32x1000xf32, #tpu.memory_space<vmem>>, vector<1x16xf32>,
      %swap3A_469 = vector.shape_cast %swap3A_468 : vector<1x16xf32> to vector<16xf32>
      %swap3A_470 = vector.shape_cast %select_n3A_464 : vector<16xf32> to vector<1x16xf32>
      tpu.vector_store %arg5[%swap3A_466, %swap3A_467], %swap3A_470 {strides = array<i32>} : memref<32x1000xf32, #tpu.memory_space<vmem>>, vector<1x16xf32>,
      %slice3A_471 = vector.extract_strided_slice %min3A_44 {offsets = [15], sizes = [1], strides = [1]} : vector<16xi32> to vector<1xi32>
      %squeeze3A_472 = vector.extract %slice3A_471[0] : i32 from vector<1xi32>
      %slice3A_473 = vector.extract_strided_slice %get3A_41 {offsets = [15], sizes = [1], strides = [1]} : vector<16xi32> to vector<1xi32>
      %squeeze3A_474 = vector.extract %slice3A_473[0] : i32 from vector<1xi32>
      %shift_right_arithmetic3A_475 = arith.constant 4 : i32
      %shift_right_arithmetic3A_476 = arith.shrsi %squeeze3A_472, %shift_right_arithmetic3A_475 : i32
      %shift_left3A_477 = arith.constant 4 : i32
      %shift_left3A_478 = arith.shli %shift_right_arithmetic3A_476, %shift_left3A_477 : i32
      %multiple_of3A_479 = tpu.assume_multiple %shift_left3A_478, 16 : i32
      %and3A_480 = arith.constant 15 : i32
      %and3A_481 = arith.andi %squeeze3A_472, %and3A_480 : i32
      %shift_right_arithmetic3A_482 = arith.constant 31 : i32
      %shift_right_arithmetic3A_483 = arith.shrsi %squeeze3A_474, %shift_right_arithmetic3A_482 : i32
      %and3A_484 = arith.constant 16 : i32
      %and3A_485 = arith.andi %shift_right_arithmetic3A_483, %and3A_484 : i32
      %or3A_486 = arith.ori %and3A_481, %and3A_485 : i32
      %eq3A_487 = vector.broadcast %or3A_486 : i32 to vector<16xi32>
      %eq3A_488 = arith.cmpi eq, %iota3A, %eq3A_487 : vector<16xi32>
      %jit3A_489 = arith.constant 1.000000e+00 : f32
      %jit3A_490 = arith.constant 0.000000e+00 : f32
      %broadcast_in_dim3A_491 = vector.broadcast %jit3A_489 : f32 to vector<16xf32>
      %broadcast_in_dim3A_492 = vector.broadcast %jit3A_490 : f32 to vector<16xf32>
      %select_n3A_493 = arith.select %eq3A_488, %broadcast_in_dim3A_491, %broadcast_in_dim3A_492 : vector<16xi1>, vector<16xf32>
      %swap3A_494 = arith.constant 15 : i32
      %swap3A_495 = arith.index_cast %swap3A_494 : i32 to index
      %swap3A_496 = arith.index_cast %multiple_of3A_479 : i32 to index
      %swap3A_497 = tpu.vector_load %arg5[%swap3A_495, %swap3A_496] {strides = array<i32>} : memref<32x1000xf32, #tpu.memory_space<vmem>>, vector<1x16xf32>,
      %swap3A_498 = vector.shape_cast %swap3A_497 : vector<1x16xf32> to vector<16xf32>
      %swap3A_499 = vector.shape_cast %select_n3A_493 : vector<16xf32> to vector<1x16xf32>
      tpu.vector_store %arg5[%swap3A_495, %swap3A_496], %swap3A_499 {strides = array<i32>} : memref<32x1000xf32, #tpu.memory_space<vmem>>, vector<1x16xf32>,
      %mul3A_500 = arith.constant 32 : i32
      %mul3A_501 = arith.muli %add3A_33, %mul3A_500 : i32
      %add3A_502 = arith.constant 16 : i32
      %add3A_503 = arith.addi %mul3A_501, %add3A_502 : i32
      %get3A_504 = arith.index_cast %add3A_503 : i32 to index
      %get3A_505 = tpu.vector_load %arg4[%get3A_504] {strides = array<i32>} : memref<1600xi32, #tpu.memory_space<vmem>>, vector<16xi32>,
      %get3A_506 = vector.shape_cast %get3A_505 : vector<16xi32> to vector<16xi32>
      %jit3A_507 = arith.constant 0 : i32
      %jit3A_508 = arith.constant 999 : i32
      %max3A_509 = vector.broadcast %jit3A_507 : i32 to vector<16xi32>
      %max3A_510 = arith.maxsi %max3A_509, %get3A_506 : vector<16xi32>
      %min3A_511 = vector.broadcast %jit3A_508 : i32 to vector<16xi32>
      %min3A_512 = arith.minsi %min3A_511, %max3A_510 : vector<16xi32>
      %slice3A_513 = vector.extract_strided_slice %min3A_512 {offsets = [0], sizes = [1], strides = [1]} : vector<16xi32> to vector<1xi32>
      %squeeze3A_514 = vector.extract %slice3A_513[0] : i32 from vector<1xi32>
      %slice3A_515 = vector.extract_strided_slice %get3A_506 {offsets = [0], sizes = [1], strides = [1]} : vector<16xi32> to vector<1xi32>
      %squeeze3A_516 = vector.extract %slice3A_515[0] : i32 from vector<1xi32>
      %shift_right_arithmetic3A_517 = arith.constant 4 : i32
      %shift_right_arithmetic3A_518 = arith.shrsi %squeeze3A_514, %shift_right_arithmetic3A_517 : i32
      %shift_left3A_519 = arith.constant 4 : i32
      %shift_left3A_520 = arith.shli %shift_right_arithmetic3A_518, %shift_left3A_519 : i32
      %multiple_of3A_521 = tpu.assume_multiple %shift_left3A_520, 16 : i32
      %and3A_522 = arith.constant 15 : i32
      %and3A_523 = arith.andi %squeeze3A_514, %and3A_522 : i32
      %shift_right_arithmetic3A_524 = arith.constant 31 : i32
      %shift_right_arithmetic3A_525 = arith.shrsi %squeeze3A_516, %shift_right_arithmetic3A_524 : i32
      %and3A_526 = arith.constant 16 : i32
      %and3A_527 = arith.andi %shift_right_arithmetic3A_525, %and3A_526 : i32
      %or3A_528 = arith.ori %and3A_523, %and3A_527 : i32
      %eq3A_529 = vector.broadcast %or3A_528 : i32 to vector<16xi32>
      %eq3A_530 = arith.cmpi eq, %iota3A, %eq3A_529 : vector<16xi32>
      %jit3A_531 = arith.constant 1.000000e+00 : f32
      %jit3A_532 = arith.constant 0.000000e+00 : f32
      %broadcast_in_dim3A_533 = vector.broadcast %jit3A_531 : f32 to vector<16xf32>
      %broadcast_in_dim3A_534 = vector.broadcast %jit3A_532 : f32 to vector<16xf32>
      %select_n3A_535 = arith.select %eq3A_530, %broadcast_in_dim3A_533, %broadcast_in_dim3A_534 : vector<16xi1>, vector<16xf32>
      %swap3A_536 = arith.constant 16 : i32
      %swap3A_537 = arith.index_cast %swap3A_536 : i32 to index
      %swap3A_538 = arith.index_cast %multiple_of3A_521 : i32 to index
      %swap3A_539 = tpu.vector_load %arg5[%swap3A_537, %swap3A_538] {strides = array<i32>} : memref<32x1000xf32, #tpu.memory_space<vmem>>, vector<1x16xf32>,
      %swap3A_540 = vector.shape_cast %swap3A_539 : vector<1x16xf32> to vector<16xf32>
      %swap3A_541 = vector.shape_cast %select_n3A_535 : vector<16xf32> to vector<1x16xf32>
      tpu.vector_store %arg5[%swap3A_537, %swap3A_538], %swap3A_541 {strides = array<i32>} : memref<32x1000xf32, #tpu.memory_space<vmem>>, vector<1x16xf32>,
      %slice3A_542 = vector.extract_strided_slice %min3A_512 {offsets = [1], sizes = [1], strides = [1]} : vector<16xi32> to vector<1xi32>
      %squeeze3A_543 = vector.extract %slice3A_542[0] : i32 from vector<1xi32>
      %slice3A_544 = vector.extract_strided_slice %get3A_506 {offsets = [1], sizes = [1], strides = [1]} : vector<16xi32> to vector<1xi32>
      %squeeze3A_545 = vector.extract %slice3A_544[0] : i32 from vector<1xi32>
      %shift_right_arithmetic3A_546 = arith.constant 4 : i32
      %shift_right_arithmetic3A_547 = arith.shrsi %squeeze3A_543, %shift_right_arithmetic3A_546 : i32
      %shift_left3A_548 = arith.constant 4 : i32
      %shift_left3A_549 = arith.shli %shift_right_arithmetic3A_547, %shift_left3A_548 : i32
      %multiple_of3A_550 = tpu.assume_multiple %shift_left3A_549, 16 : i32
      %and3A_551 = arith.constant 15 : i32
      %and3A_552 = arith.andi %squeeze3A_543, %and3A_551 : i32
      %shift_right_arithmetic3A_553 = arith.constant 31 : i32
      %shift_right_arithmetic3A_554 = arith.shrsi %squeeze3A_545, %shift_right_arithmetic3A_553 : i32
      %and3A_555 = arith.constant 16 : i32
      %and3A_556 = arith.andi %shift_right_arithmetic3A_554, %and3A_555 : i32
      %or3A_557 = arith.ori %and3A_552, %and3A_556 : i32
      %eq3A_558 = vector.broadcast %or3A_557 : i32 to vector<16xi32>
      %eq3A_559 = arith.cmpi eq, %iota3A, %eq3A_558 : vector<16xi32>
      %jit3A_560 = arith.constant 1.000000e+00 : f32
      %jit3A_561 = arith.constant 0.000000e+00 : f32
      %broadcast_in_dim3A_562 = vector.broadcast %jit3A_560 : f32 to vector<16xf32>
      %broadcast_in_dim3A_563 = vector.broadcast %jit3A_561 : f32 to vector<16xf32>
      %select_n3A_564 = arith.select %eq3A_559, %broadcast_in_dim3A_562, %broadcast_in_dim3A_563 : vector<16xi1>, vector<16xf32>
      %swap3A_565 = arith.constant 17 : i32
      %swap3A_566 = arith.index_cast %swap3A_565 : i32 to index
      %swap3A_567 = arith.index_cast %multiple_of3A_550 : i32 to index
      %swap3A_568 = tpu.vector_load %arg5[%swap3A_566, %swap3A_567] {strides = array<i32>} : memref<32x1000xf32, #tpu.memory_space<vmem>>, vector<1x16xf32>,
      %swap3A_569 = vector.shape_cast %swap3A_568 : vector<1x16xf32> to vector<16xf32>
      %swap3A_570 = vector.shape_cast %select_n3A_564 : vector<16xf32> to vector<1x16xf32>
      tpu.vector_store %arg5[%swap3A_566, %swap3A_567], %swap3A_570 {strides = array<i32>} : memref<32x1000xf32, #tpu.memory_space<vmem>>, vector<1x16xf32>,
      %slice3A_571 = vector.extract_strided_slice %min3A_512 {offsets = [2], sizes = [1], strides = [1]} : vector<16xi32> to vector<1xi32>
      %squeeze3A_572 = vector.extract %slice3A_571[0] : i32 from vector<1xi32>
      %slice3A_573 = vector.extract_strided_slice %get3A_506 {offsets = [2], sizes = [1], strides = [1]} : vector<16xi32> to vector<1xi32>
      %squeeze3A_574 = vector.extract %slice3A_573[0] : i32 from vector<1xi32>
      %shift_right_arithmetic3A_575 = arith.constant 4 : i32
      %shift_right_arithmetic3A_576 = arith.shrsi %squeeze3A_572, %shift_right_arithmetic3A_575 : i32
      %shift_left3A_577 = arith.constant 4 : i32
      %shift_left3A_578 = arith.shli %shift_right_arithmetic3A_576, %shift_left3A_577 : i32
      %multiple_of3A_579 = tpu.assume_multiple %shift_left3A_578, 16 : i32
      %and3A_580 = arith.constant 15 : i32
      %and3A_581 = arith.andi %squeeze3A_572, %and3A_580 : i32
      %shift_right_arithmetic3A_582 = arith.constant 31 : i32
      %shift_right_arithmetic3A_583 = arith.shrsi %squeeze3A_574, %shift_right_arithmetic3A_582 : i32
      %and3A_584 = arith.constant 16 : i32
      %and3A_585 = arith.andi %shift_right_arithmetic3A_583, %and3A_584 : i32
      %or3A_586 = arith.ori %and3A_581, %and3A_585 : i32
      %eq3A_587 = vector.broadcast %or3A_586 : i32 to vector<16xi32>
      %eq3A_588 = arith.cmpi eq, %iota3A, %eq3A_587 : vector<16xi32>
      %jit3A_589 = arith.constant 1.000000e+00 : f32
      %jit3A_590 = arith.constant 0.000000e+00 : f32
      %broadcast_in_dim3A_591 = vector.broadcast %jit3A_589 : f32 to vector<16xf32>
      %broadcast_in_dim3A_592 = vector.broadcast %jit3A_590 : f32 to vector<16xf32>
      %select_n3A_593 = arith.select %eq3A_588, %broadcast_in_dim3A_591, %broadcast_in_dim3A_592 : vector<16xi1>, vector<16xf32>
      %swap3A_594 = arith.constant 18 : i32
      %swap3A_595 = arith.index_cast %swap3A_594 : i32 to index
      %swap3A_596 = arith.index_cast %multiple_of3A_579 : i32 to index
      %swap3A_597 = tpu.vector_load %arg5[%swap3A_595, %swap3A_596] {strides = array<i32>} : memref<32x1000xf32, #tpu.memory_space<vmem>>, vector<1x16xf32>,
      %swap3A_598 = vector.shape_cast %swap3A_597 : vector<1x16xf32> to vector<16xf32>
      %swap3A_599 = vector.shape_cast %select_n3A_593 : vector<16xf32> to vector<1x16xf32>
      tpu.vector_store %arg5[%swap3A_595, %swap3A_596], %swap3A_599 {strides = array<i32>} : memref<32x1000xf32, #tpu.memory_space<vmem>>, vector<1x16xf32>,
      %slice3A_600 = vector.extract_strided_slice %min3A_512 {offsets = [3], sizes = [1], strides = [1]} : vector<16xi32> to vector<1xi32>
      %squeeze3A_601 = vector.extract %slice3A_600[0] : i32 from vector<1xi32>
      %slice3A_602 = vector.extract_strided_slice %get3A_506 {offsets = [3], sizes = [1], strides = [1]} : vector<16xi32> to vector<1xi32>
      %squeeze3A_603 = vector.extract %slice3A_602[0] : i32 from vector<1xi32>
      %shift_right_arithmetic3A_604 = arith.constant 4 : i32
      %shift_right_arithmetic3A_605 = arith.shrsi %squeeze3A_601, %shift_right_arithmetic3A_604 : i32
      %shift_left3A_606 = arith.constant 4 : i32
      %shift_left3A_607 = arith.shli %shift_right_arithmetic3A_605, %shift_left3A_606 : i32
      %multiple_of3A_608 = tpu.assume_multiple %shift_left3A_607, 16 : i32
      %and3A_609 = arith.constant 15 : i32
      %and3A_610 = arith.andi %squeeze3A_601, %and3A_609 : i32
      %shift_right_arithmetic3A_611 = arith.constant 31 : i32
      %shift_right_arithmetic3A_612 = arith.shrsi %squeeze3A_603, %shift_right_arithmetic3A_611 : i32
      %and3A_613 = arith.constant 16 : i32
      %and3A_614 = arith.andi %shift_right_arithmetic3A_612, %and3A_613 : i32
      %or3A_615 = arith.ori %and3A_610, %and3A_614 : i32
      %eq3A_616 = vector.broadcast %or3A_615 : i32 to vector<16xi32>
      %eq3A_617 = arith.cmpi eq, %iota3A, %eq3A_616 : vector<16xi32>
      %jit3A_618 = arith.constant 1.000000e+00 : f32
      %jit3A_619 = arith.constant 0.000000e+00 : f32
      %broadcast_in_dim3A_620 = vector.broadcast %jit3A_618 : f32 to vector<16xf32>
      %broadcast_in_dim3A_621 = vector.broadcast %jit3A_619 : f32 to vector<16xf32>
      %select_n3A_622 = arith.select %eq3A_617, %broadcast_in_dim3A_620, %broadcast_in_dim3A_621 : vector<16xi1>, vector<16xf32>
      %swap3A_623 = arith.constant 19 : i32
      %swap3A_624 = arith.index_cast %swap3A_623 : i32 to index
      %swap3A_625 = arith.index_cast %multiple_of3A_608 : i32 to index
      %swap3A_626 = tpu.vector_load %arg5[%swap3A_624, %swap3A_625] {strides = array<i32>} : memref<32x1000xf32, #tpu.memory_space<vmem>>, vector<1x16xf32>,
      %swap3A_627 = vector.shape_cast %swap3A_626 : vector<1x16xf32> to vector<16xf32>
      %swap3A_628 = vector.shape_cast %select_n3A_622 : vector<16xf32> to vector<1x16xf32>
      tpu.vector_store %arg5[%swap3A_624, %swap3A_625], %swap3A_628 {strides = array<i32>} : memref<32x1000xf32, #tpu.memory_space<vmem>>, vector<1x16xf32>,
      %slice3A_629 = vector.extract_strided_slice %min3A_512 {offsets = [4], sizes = [1], strides = [1]} : vector<16xi32> to vector<1xi32>
      %squeeze3A_630 = vector.extract %slice3A_629[0] : i32 from vector<1xi32>
      %slice3A_631 = vector.extract_strided_slice %get3A_506 {offsets = [4], sizes = [1], strides = [1]} : vector<16xi32> to vector<1xi32>
      %squeeze3A_632 = vector.extract %slice3A_631[0] : i32 from vector<1xi32>
      %shift_right_arithmetic3A_633 = arith.constant 4 : i32
      %shift_right_arithmetic3A_634 = arith.shrsi %squeeze3A_630, %shift_right_arithmetic3A_633 : i32
      %shift_left3A_635 = arith.constant 4 : i32
      %shift_left3A_636 = arith.shli %shift_right_arithmetic3A_634, %shift_left3A_635 : i32
      %multiple_of3A_637 = tpu.assume_multiple %shift_left3A_636, 16 : i32
      %and3A_638 = arith.constant 15 : i32
      %and3A_639 = arith.andi %squeeze3A_630, %and3A_638 : i32
      %shift_right_arithmetic3A_640 = arith.constant 31 : i32
      %shift_right_arithmetic3A_641 = arith.shrsi %squeeze3A_632, %shift_right_arithmetic3A_640 : i32
      %and3A_642 = arith.constant 16 : i32
      %and3A_643 = arith.andi %shift_right_arithmetic3A_641, %and3A_642 : i32
      %or3A_644 = arith.ori %and3A_639, %and3A_643 : i32
      %eq3A_645 = vector.broadcast %or3A_644 : i32 to vector<16xi32>
      %eq3A_646 = arith.cmpi eq, %iota3A, %eq3A_645 : vector<16xi32>
      %jit3A_647 = arith.constant 1.000000e+00 : f32
      %jit3A_648 = arith.constant 0.000000e+00 : f32
      %broadcast_in_dim3A_649 = vector.broadcast %jit3A_647 : f32 to vector<16xf32>
      %broadcast_in_dim3A_650 = vector.broadcast %jit3A_648 : f32 to vector<16xf32>
      %select_n3A_651 = arith.select %eq3A_646, %broadcast_in_dim3A_649, %broadcast_in_dim3A_650 : vector<16xi1>, vector<16xf32>
      %swap3A_652 = arith.constant 20 : i32
      %swap3A_653 = arith.index_cast %swap3A_652 : i32 to index
      %swap3A_654 = arith.index_cast %multiple_of3A_637 : i32 to index
      %swap3A_655 = tpu.vector_load %arg5[%swap3A_653, %swap3A_654] {strides = array<i32>} : memref<32x1000xf32, #tpu.memory_space<vmem>>, vector<1x16xf32>,
      %swap3A_656 = vector.shape_cast %swap3A_655 : vector<1x16xf32> to vector<16xf32>
      %swap3A_657 = vector.shape_cast %select_n3A_651 : vector<16xf32> to vector<1x16xf32>
      tpu.vector_store %arg5[%swap3A_653, %swap3A_654], %swap3A_657 {strides = array<i32>} : memref<32x1000xf32, #tpu.memory_space<vmem>>, vector<1x16xf32>,
      %slice3A_658 = vector.extract_strided_slice %min3A_512 {offsets = [5], sizes = [1], strides = [1]} : vector<16xi32> to vector<1xi32>
      %squeeze3A_659 = vector.extract %slice3A_658[0] : i32 from vector<1xi32>
      %slice3A_660 = vector.extract_strided_slice %get3A_506 {offsets = [5], sizes = [1], strides = [1]} : vector<16xi32> to vector<1xi32>
      %squeeze3A_661 = vector.extract %slice3A_660[0] : i32 from vector<1xi32>
      %shift_right_arithmetic3A_662 = arith.constant 4 : i32
      %shift_right_arithmetic3A_663 = arith.shrsi %squeeze3A_659, %shift_right_arithmetic3A_662 : i32
      %shift_left3A_664 = arith.constant 4 : i32
      %shift_left3A_665 = arith.shli %shift_right_arithmetic3A_663, %shift_left3A_664 : i32
      %multiple_of3A_666 = tpu.assume_multiple %shift_left3A_665, 16 : i32
      %and3A_667 = arith.constant 15 : i32
      %and3A_668 = arith.andi %squeeze3A_659, %and3A_667 : i32
      %shift_right_arithmetic3A_669 = arith.constant 31 : i32
      %shift_right_arithmetic3A_670 = arith.shrsi %squeeze3A_661, %shift_right_arithmetic3A_669 : i32
      %and3A_671 = arith.constant 16 : i32
      %and3A_672 = arith.andi %shift_right_arithmetic3A_670, %and3A_671 : i32
      %or3A_673 = arith.ori %and3A_668, %and3A_672 : i32
      %eq3A_674 = vector.broadcast %or3A_673 : i32 to vector<16xi32>
      %eq3A_675 = arith.cmpi eq, %iota3A, %eq3A_674 : vector<16xi32>
      %jit3A_676 = arith.constant 1.000000e+00 : f32
      %jit3A_677 = arith.constant 0.000000e+00 : f32
      %broadcast_in_dim3A_678 = vector.broadcast %jit3A_676 : f32 to vector<16xf32>
      %broadcast_in_dim3A_679 = vector.broadcast %jit3A_677 : f32 to vector<16xf32>
      %select_n3A_680 = arith.select %eq3A_675, %broadcast_in_dim3A_678, %broadcast_in_dim3A_679 : vector<16xi1>, vector<16xf32>
      %swap3A_681 = arith.constant 21 : i32
      %swap3A_682 = arith.index_cast %swap3A_681 : i32 to index
      %swap3A_683 = arith.index_cast %multiple_of3A_666 : i32 to index
      %swap3A_684 = tpu.vector_load %arg5[%swap3A_682, %swap3A_683] {strides = array<i32>} : memref<32x1000xf32, #tpu.memory_space<vmem>>, vector<1x16xf32>,
      %swap3A_685 = vector.shape_cast %swap3A_684 : vector<1x16xf32> to vector<16xf32>
      %swap3A_686 = vector.shape_cast %select_n3A_680 : vector<16xf32> to vector<1x16xf32>
      tpu.vector_store %arg5[%swap3A_682, %swap3A_683], %swap3A_686 {strides = array<i32>} : memref<32x1000xf32, #tpu.memory_space<vmem>>, vector<1x16xf32>,
      %slice3A_687 = vector.extract_strided_slice %min3A_512 {offsets = [6], sizes = [1], strides = [1]} : vector<16xi32> to vector<1xi32>
      %squeeze3A_688 = vector.extract %slice3A_687[0] : i32 from vector<1xi32>
      %slice3A_689 = vector.extract_strided_slice %get3A_506 {offsets = [6], sizes = [1], strides = [1]} : vector<16xi32> to vector<1xi32>
      %squeeze3A_690 = vector.extract %slice3A_689[0] : i32 from vector<1xi32>
      %shift_right_arithmetic3A_691 = arith.constant 4 : i32
      %shift_right_arithmetic3A_692 = arith.shrsi %squeeze3A_688, %shift_right_arithmetic3A_691 : i32
      %shift_left3A_693 = arith.constant 4 : i32
      %shift_left3A_694 = arith.shli %shift_right_arithmetic3A_692, %shift_left3A_693 : i32
      %multiple_of3A_695 = tpu.assume_multiple %shift_left3A_694, 16 : i32
      %and3A_696 = arith.constant 15 : i32
      %and3A_697 = arith.andi %squeeze3A_688, %and3A_696 : i32
      %shift_right_arithmetic3A_698 = arith.constant 31 : i32
      %shift_right_arithmetic3A_699 = arith.shrsi %squeeze3A_690, %shift_right_arithmetic3A_698 : i32
      %and3A_700 = arith.constant 16 : i32
      %and3A_701 = arith.andi %shift_right_arithmetic3A_699, %and3A_700 : i32
      %or3A_702 = arith.ori %and3A_697, %and3A_701 : i32
      %eq3A_703 = vector.broadcast %or3A_702 : i32 to vector<16xi32>
      %eq3A_704 = arith.cmpi eq, %iota3A, %eq3A_703 : vector<16xi32>
      %jit3A_705 = arith.constant 1.000000e+00 : f32
      %jit3A_706 = arith.constant 0.000000e+00 : f32
      %broadcast_in_dim3A_707 = vector.broadcast %jit3A_705 : f32 to vector<16xf32>
      %broadcast_in_dim3A_708 = vector.broadcast %jit3A_706 : f32 to vector<16xf32>
      %select_n3A_709 = arith.select %eq3A_704, %broadcast_in_dim3A_707, %broadcast_in_dim3A_708 : vector<16xi1>, vector<16xf32>
      %swap3A_710 = arith.constant 22 : i32
      %swap3A_711 = arith.index_cast %swap3A_710 : i32 to index
      %swap3A_712 = arith.index_cast %multiple_of3A_695 : i32 to index
      %swap3A_713 = tpu.vector_load %arg5[%swap3A_711, %swap3A_712] {strides = array<i32>} : memref<32x1000xf32, #tpu.memory_space<vmem>>, vector<1x16xf32>,
      %swap3A_714 = vector.shape_cast %swap3A_713 : vector<1x16xf32> to vector<16xf32>
      %swap3A_715 = vector.shape_cast %select_n3A_709 : vector<16xf32> to vector<1x16xf32>
      tpu.vector_store %arg5[%swap3A_711, %swap3A_712], %swap3A_715 {strides = array<i32>} : memref<32x1000xf32, #tpu.memory_space<vmem>>, vector<1x16xf32>,
      %slice3A_716 = vector.extract_strided_slice %min3A_512 {offsets = [7], sizes = [1], strides = [1]} : vector<16xi32> to vector<1xi32>
      %squeeze3A_717 = vector.extract %slice3A_716[0] : i32 from vector<1xi32>
      %slice3A_718 = vector.extract_strided_slice %get3A_506 {offsets = [7], sizes = [1], strides = [1]} : vector<16xi32> to vector<1xi32>
      %squeeze3A_719 = vector.extract %slice3A_718[0] : i32 from vector<1xi32>
      %shift_right_arithmetic3A_720 = arith.constant 4 : i32
      %shift_right_arithmetic3A_721 = arith.shrsi %squeeze3A_717, %shift_right_arithmetic3A_720 : i32
      %shift_left3A_722 = arith.constant 4 : i32
      %shift_left3A_723 = arith.shli %shift_right_arithmetic3A_721, %shift_left3A_722 : i32
      %multiple_of3A_724 = tpu.assume_multiple %shift_left3A_723, 16 : i32
      %and3A_725 = arith.constant 15 : i32
      %and3A_726 = arith.andi %squeeze3A_717, %and3A_725 : i32
      %shift_right_arithmetic3A_727 = arith.constant 31 : i32
      %shift_right_arithmetic3A_728 = arith.shrsi %squeeze3A_719, %shift_right_arithmetic3A_727 : i32
      %and3A_729 = arith.constant 16 : i32
      %and3A_730 = arith.andi %shift_right_arithmetic3A_728, %and3A_729 : i32
      %or3A_731 = arith.ori %and3A_726, %and3A_730 : i32
      %eq3A_732 = vector.broadcast %or3A_731 : i32 to vector<16xi32>
      %eq3A_733 = arith.cmpi eq, %iota3A, %eq3A_732 : vector<16xi32>
      %jit3A_734 = arith.constant 1.000000e+00 : f32
      %jit3A_735 = arith.constant 0.000000e+00 : f32
      %broadcast_in_dim3A_736 = vector.broadcast %jit3A_734 : f32 to vector<16xf32>
      %broadcast_in_dim3A_737 = vector.broadcast %jit3A_735 : f32 to vector<16xf32>
      %select_n3A_738 = arith.select %eq3A_733, %broadcast_in_dim3A_736, %broadcast_in_dim3A_737 : vector<16xi1>, vector<16xf32>
      %swap3A_739 = arith.constant 23 : i32
      %swap3A_740 = arith.index_cast %swap3A_739 : i32 to index
      %swap3A_741 = arith.index_cast %multiple_of3A_724 : i32 to index
      %swap3A_742 = tpu.vector_load %arg5[%swap3A_740, %swap3A_741] {strides = array<i32>} : memref<32x1000xf32, #tpu.memory_space<vmem>>, vector<1x16xf32>,
      %swap3A_743 = vector.shape_cast %swap3A_742 : vector<1x16xf32> to vector<16xf32>
      %swap3A_744 = vector.shape_cast %select_n3A_738 : vector<16xf32> to vector<1x16xf32>
      tpu.vector_store %arg5[%swap3A_740, %swap3A_741], %swap3A_744 {strides = array<i32>} : memref<32x1000xf32, #tpu.memory_space<vmem>>, vector<1x16xf32>,
      %slice3A_745 = vector.extract_strided_slice %min3A_512 {offsets = [8], sizes = [1], strides = [1]} : vector<16xi32> to vector<1xi32>
      %squeeze3A_746 = vector.extract %slice3A_745[0] : i32 from vector<1xi32>
      %slice3A_747 = vector.extract_strided_slice %get3A_506 {offsets = [8], sizes = [1], strides = [1]} : vector<16xi32> to vector<1xi32>
      %squeeze3A_748 = vector.extract %slice3A_747[0] : i32 from vector<1xi32>
      %shift_right_arithmetic3A_749 = arith.constant 4 : i32
      %shift_right_arithmetic3A_750 = arith.shrsi %squeeze3A_746, %shift_right_arithmetic3A_749 : i32
      %shift_left3A_751 = arith.constant 4 : i32
      %shift_left3A_752 = arith.shli %shift_right_arithmetic3A_750, %shift_left3A_751 : i32
      %multiple_of3A_753 = tpu.assume_multiple %shift_left3A_752, 16 : i32
      %and3A_754 = arith.constant 15 : i32
      %and3A_755 = arith.andi %squeeze3A_746, %and3A_754 : i32
      %shift_right_arithmetic3A_756 = arith.constant 31 : i32
      %shift_right_arithmetic3A_757 = arith.shrsi %squeeze3A_748, %shift_right_arithmetic3A_756 : i32
      %and3A_758 = arith.constant 16 : i32
      %and3A_759 = arith.andi %shift_right_arithmetic3A_757, %and3A_758 : i32
      %or3A_760 = arith.ori %and3A_755, %and3A_759 : i32
      %eq3A_761 = vector.broadcast %or3A_760 : i32 to vector<16xi32>
      %eq3A_762 = arith.cmpi eq, %iota3A, %eq3A_761 : vector<16xi32>
      %jit3A_763 = arith.constant 1.000000e+00 : f32
      %jit3A_764 = arith.constant 0.000000e+00 : f32
      %broadcast_in_dim3A_765 = vector.broadcast %jit3A_763 : f32 to vector<16xf32>
      %broadcast_in_dim3A_766 = vector.broadcast %jit3A_764 : f32 to vector<16xf32>
      %select_n3A_767 = arith.select %eq3A_762, %broadcast_in_dim3A_765, %broadcast_in_dim3A_766 : vector<16xi1>, vector<16xf32>
      %swap3A_768 = arith.constant 24 : i32
      %swap3A_769 = arith.index_cast %swap3A_768 : i32 to index
      %swap3A_770 = arith.index_cast %multiple_of3A_753 : i32 to index
      %swap3A_771 = tpu.vector_load %arg5[%swap3A_769, %swap3A_770] {strides = array<i32>} : memref<32x1000xf32, #tpu.memory_space<vmem>>, vector<1x16xf32>,
      %swap3A_772 = vector.shape_cast %swap3A_771 : vector<1x16xf32> to vector<16xf32>
      %swap3A_773 = vector.shape_cast %select_n3A_767 : vector<16xf32> to vector<1x16xf32>
      tpu.vector_store %arg5[%swap3A_769, %swap3A_770], %swap3A_773 {strides = array<i32>} : memref<32x1000xf32, #tpu.memory_space<vmem>>, vector<1x16xf32>,
      %slice3A_774 = vector.extract_strided_slice %min3A_512 {offsets = [9], sizes = [1], strides = [1]} : vector<16xi32> to vector<1xi32>
      %squeeze3A_775 = vector.extract %slice3A_774[0] : i32 from vector<1xi32>
      %slice3A_776 = vector.extract_strided_slice %get3A_506 {offsets = [9], sizes = [1], strides = [1]} : vector<16xi32> to vector<1xi32>
      %squeeze3A_777 = vector.extract %slice3A_776[0] : i32 from vector<1xi32>
      %shift_right_arithmetic3A_778 = arith.constant 4 : i32
      %shift_right_arithmetic3A_779 = arith.shrsi %squeeze3A_775, %shift_right_arithmetic3A_778 : i32
      %shift_left3A_780 = arith.constant 4 : i32
      %shift_left3A_781 = arith.shli %shift_right_arithmetic3A_779, %shift_left3A_780 : i32
      %multiple_of3A_782 = tpu.assume_multiple %shift_left3A_781, 16 : i32
      %and3A_783 = arith.constant 15 : i32
      %and3A_784 = arith.andi %squeeze3A_775, %and3A_783 : i32
      %shift_right_arithmetic3A_785 = arith.constant 31 : i32
      %shift_right_arithmetic3A_786 = arith.shrsi %squeeze3A_777, %shift_right_arithmetic3A_785 : i32
      %and3A_787 = arith.constant 16 : i32
      %and3A_788 = arith.andi %shift_right_arithmetic3A_786, %and3A_787 : i32
      %or3A_789 = arith.ori %and3A_784, %and3A_788 : i32
      %eq3A_790 = vector.broadcast %or3A_789 : i32 to vector<16xi32>
      %eq3A_791 = arith.cmpi eq, %iota3A, %eq3A_790 : vector<16xi32>
      %jit3A_792 = arith.constant 1.000000e+00 : f32
      %jit3A_793 = arith.constant 0.000000e+00 : f32
      %broadcast_in_dim3A_794 = vector.broadcast %jit3A_792 : f32 to vector<16xf32>
      %broadcast_in_dim3A_795 = vector.broadcast %jit3A_793 : f32 to vector<16xf32>
      %select_n3A_796 = arith.select %eq3A_791, %broadcast_in_dim3A_794, %broadcast_in_dim3A_795 : vector<16xi1>, vector<16xf32>
      %swap3A_797 = arith.constant 25 : i32
      %swap3A_798 = arith.index_cast %swap3A_797 : i32 to index
      %swap3A_799 = arith.index_cast %multiple_of3A_782 : i32 to index
      %swap3A_800 = tpu.vector_load %arg5[%swap3A_798, %swap3A_799] {strides = array<i32>} : memref<32x1000xf32, #tpu.memory_space<vmem>>, vector<1x16xf32>,
      %swap3A_801 = vector.shape_cast %swap3A_800 : vector<1x16xf32> to vector<16xf32>
      %swap3A_802 = vector.shape_cast %select_n3A_796 : vector<16xf32> to vector<1x16xf32>
      tpu.vector_store %arg5[%swap3A_798, %swap3A_799], %swap3A_802 {strides = array<i32>} : memref<32x1000xf32, #tpu.memory_space<vmem>>, vector<1x16xf32>,
      %slice3A_803 = vector.extract_strided_slice %min3A_512 {offsets = [10], sizes = [1], strides = [1]} : vector<16xi32> to vector<1xi32>
      %squeeze3A_804 = vector.extract %slice3A_803[0] : i32 from vector<1xi32>
      %slice3A_805 = vector.extract_strided_slice %get3A_506 {offsets = [10], sizes = [1], strides = [1]} : vector<16xi32> to vector<1xi32>
      %squeeze3A_806 = vector.extract %slice3A_805[0] : i32 from vector<1xi32>
      %shift_right_arithmetic3A_807 = arith.constant 4 : i32
      %shift_right_arithmetic3A_808 = arith.shrsi %squeeze3A_804, %shift_right_arithmetic3A_807 : i32
      %shift_left3A_809 = arith.constant 4 : i32
      %shift_left3A_810 = arith.shli %shift_right_arithmetic3A_808, %shift_left3A_809 : i32
      %multiple_of3A_811 = tpu.assume_multiple %shift_left3A_810, 16 : i32
      %and3A_812 = arith.constant 15 : i32
      %and3A_813 = arith.andi %squeeze3A_804, %and3A_812 : i32
      %shift_right_arithmetic3A_814 = arith.constant 31 : i32
      %shift_right_arithmetic3A_815 = arith.shrsi %squeeze3A_806, %shift_right_arithmetic3A_814 : i32
      %and3A_816 = arith.constant 16 : i32
      %and3A_817 = arith.andi %shift_right_arithmetic3A_815, %and3A_816 : i32
      %or3A_818 = arith.ori %and3A_813, %and3A_817 : i32
      %eq3A_819 = vector.broadcast %or3A_818 : i32 to vector<16xi32>
      %eq3A_820 = arith.cmpi eq, %iota3A, %eq3A_819 : vector<16xi32>
      %jit3A_821 = arith.constant 1.000000e+00 : f32
      %jit3A_822 = arith.constant 0.000000e+00 : f32
      %broadcast_in_dim3A_823 = vector.broadcast %jit3A_821 : f32 to vector<16xf32>
      %broadcast_in_dim3A_824 = vector.broadcast %jit3A_822 : f32 to vector<16xf32>
      %select_n3A_825 = arith.select %eq3A_820, %broadcast_in_dim3A_823, %broadcast_in_dim3A_824 : vector<16xi1>, vector<16xf32>
      %swap3A_826 = arith.constant 26 : i32
      %swap3A_827 = arith.index_cast %swap3A_826 : i32 to index
      %swap3A_828 = arith.index_cast %multiple_of3A_811 : i32 to index
      %swap3A_829 = tpu.vector_load %arg5[%swap3A_827, %swap3A_828] {strides = array<i32>} : memref<32x1000xf32, #tpu.memory_space<vmem>>, vector<1x16xf32>,
      %swap3A_830 = vector.shape_cast %swap3A_829 : vector<1x16xf32> to vector<16xf32>
      %swap3A_831 = vector.shape_cast %select_n3A_825 : vector<16xf32> to vector<1x16xf32>
      tpu.vector_store %arg5[%swap3A_827, %swap3A_828], %swap3A_831 {strides = array<i32>} : memref<32x1000xf32, #tpu.memory_space<vmem>>, vector<1x16xf32>,
      %slice3A_832 = vector.extract_strided_slice %min3A_512 {offsets = [11], sizes = [1], strides = [1]} : vector<16xi32> to vector<1xi32>
      %squeeze3A_833 = vector.extract %slice3A_832[0] : i32 from vector<1xi32>
      %slice3A_834 = vector.extract_strided_slice %get3A_506 {offsets = [11], sizes = [1], strides = [1]} : vector<16xi32> to vector<1xi32>
      %squeeze3A_835 = vector.extract %slice3A_834[0] : i32 from vector<1xi32>
      %shift_right_arithmetic3A_836 = arith.constant 4 : i32
      %shift_right_arithmetic3A_837 = arith.shrsi %squeeze3A_833, %shift_right_arithmetic3A_836 : i32
      %shift_left3A_838 = arith.constant 4 : i32
      %shift_left3A_839 = arith.shli %shift_right_arithmetic3A_837, %shift_left3A_838 : i32
      %multiple_of3A_840 = tpu.assume_multiple %shift_left3A_839, 16 : i32
      %and3A_841 = arith.constant 15 : i32
      %and3A_842 = arith.andi %squeeze3A_833, %and3A_841 : i32
      %shift_right_arithmetic3A_843 = arith.constant 31 : i32
      %shift_right_arithmetic3A_844 = arith.shrsi %squeeze3A_835, %shift_right_arithmetic3A_843 : i32
      %and3A_845 = arith.constant 16 : i32
      %and3A_846 = arith.andi %shift_right_arithmetic3A_844, %and3A_845 : i32
      %or3A_847 = arith.ori %and3A_842, %and3A_846 : i32
      %eq3A_848 = vector.broadcast %or3A_847 : i32 to vector<16xi32>
      %eq3A_849 = arith.cmpi eq, %iota3A, %eq3A_848 : vector<16xi32>
      %jit3A_850 = arith.constant 1.000000e+00 : f32
      %jit3A_851 = arith.constant 0.000000e+00 : f32
      %broadcast_in_dim3A_852 = vector.broadcast %jit3A_850 : f32 to vector<16xf32>
      %broadcast_in_dim3A_853 = vector.broadcast %jit3A_851 : f32 to vector<16xf32>
      %select_n3A_854 = arith.select %eq3A_849, %broadcast_in_dim3A_852, %broadcast_in_dim3A_853 : vector<16xi1>, vector<16xf32>
      %swap3A_855 = arith.constant 27 : i32
      %swap3A_856 = arith.index_cast %swap3A_855 : i32 to index
      %swap3A_857 = arith.index_cast %multiple_of3A_840 : i32 to index
      %swap3A_858 = tpu.vector_load %arg5[%swap3A_856, %swap3A_857] {strides = array<i32>} : memref<32x1000xf32, #tpu.memory_space<vmem>>, vector<1x16xf32>,
      %swap3A_859 = vector.shape_cast %swap3A_858 : vector<1x16xf32> to vector<16xf32>
      %swap3A_860 = vector.shape_cast %select_n3A_854 : vector<16xf32> to vector<1x16xf32>
      tpu.vector_store %arg5[%swap3A_856, %swap3A_857], %swap3A_860 {strides = array<i32>} : memref<32x1000xf32, #tpu.memory_space<vmem>>, vector<1x16xf32>,
      %slice3A_861 = vector.extract_strided_slice %min3A_512 {offsets = [12], sizes = [1], strides = [1]} : vector<16xi32> to vector<1xi32>
      %squeeze3A_862 = vector.extract %slice3A_861[0] : i32 from vector<1xi32>
      %slice3A_863 = vector.extract_strided_slice %get3A_506 {offsets = [12], sizes = [1], strides = [1]} : vector<16xi32> to vector<1xi32>
      %squeeze3A_864 = vector.extract %slice3A_863[0] : i32 from vector<1xi32>
      %shift_right_arithmetic3A_865 = arith.constant 4 : i32
      %shift_right_arithmetic3A_866 = arith.shrsi %squeeze3A_862, %shift_right_arithmetic3A_865 : i32
      %shift_left3A_867 = arith.constant 4 : i32
      %shift_left3A_868 = arith.shli %shift_right_arithmetic3A_866, %shift_left3A_867 : i32
      %multiple_of3A_869 = tpu.assume_multiple %shift_left3A_868, 16 : i32
      %and3A_870 = arith.constant 15 : i32
      %and3A_871 = arith.andi %squeeze3A_862, %and3A_870 : i32
      %shift_right_arithmetic3A_872 = arith.constant 31 : i32
      %shift_right_arithmetic3A_873 = arith.shrsi %squeeze3A_864, %shift_right_arithmetic3A_872 : i32
      %and3A_874 = arith.constant 16 : i32
      %and3A_875 = arith.andi %shift_right_arithmetic3A_873, %and3A_874 : i32
      %or3A_876 = arith.ori %and3A_871, %and3A_875 : i32
      %eq3A_877 = vector.broadcast %or3A_876 : i32 to vector<16xi32>
      %eq3A_878 = arith.cmpi eq, %iota3A, %eq3A_877 : vector<16xi32>
      %jit3A_879 = arith.constant 1.000000e+00 : f32
      %jit3A_880 = arith.constant 0.000000e+00 : f32
      %broadcast_in_dim3A_881 = vector.broadcast %jit3A_879 : f32 to vector<16xf32>
      %broadcast_in_dim3A_882 = vector.broadcast %jit3A_880 : f32 to vector<16xf32>
      %select_n3A_883 = arith.select %eq3A_878, %broadcast_in_dim3A_881, %broadcast_in_dim3A_882 : vector<16xi1>, vector<16xf32>
      %swap3A_884 = arith.constant 28 : i32
      %swap3A_885 = arith.index_cast %swap3A_884 : i32 to index
      %swap3A_886 = arith.index_cast %multiple_of3A_869 : i32 to index
      %swap3A_887 = tpu.vector_load %arg5[%swap3A_885, %swap3A_886] {strides = array<i32>} : memref<32x1000xf32, #tpu.memory_space<vmem>>, vector<1x16xf32>,
      %swap3A_888 = vector.shape_cast %swap3A_887 : vector<1x16xf32> to vector<16xf32>
      %swap3A_889 = vector.shape_cast %select_n3A_883 : vector<16xf32> to vector<1x16xf32>
      tpu.vector_store %arg5[%swap3A_885, %swap3A_886], %swap3A_889 {strides = array<i32>} : memref<32x1000xf32, #tpu.memory_space<vmem>>, vector<1x16xf32>,
      %slice3A_890 = vector.extract_strided_slice %min3A_512 {offsets = [13], sizes = [1], strides = [1]} : vector<16xi32> to vector<1xi32>
      %squeeze3A_891 = vector.extract %slice3A_890[0] : i32 from vector<1xi32>
      %slice3A_892 = vector.extract_strided_slice %get3A_506 {offsets = [13], sizes = [1], strides = [1]} : vector<16xi32> to vector<1xi32>
      %squeeze3A_893 = vector.extract %slice3A_892[0] : i32 from vector<1xi32>
      %shift_right_arithmetic3A_894 = arith.constant 4 : i32
      %shift_right_arithmetic3A_895 = arith.shrsi %squeeze3A_891, %shift_right_arithmetic3A_894 : i32
      %shift_left3A_896 = arith.constant 4 : i32
      %shift_left3A_897 = arith.shli %shift_right_arithmetic3A_895, %shift_left3A_896 : i32
      %multiple_of3A_898 = tpu.assume_multiple %shift_left3A_897, 16 : i32
      %and3A_899 = arith.constant 15 : i32
      %and3A_900 = arith.andi %squeeze3A_891, %and3A_899 : i32
      %shift_right_arithmetic3A_901 = arith.constant 31 : i32
      %shift_right_arithmetic3A_902 = arith.shrsi %squeeze3A_893, %shift_right_arithmetic3A_901 : i32
      %and3A_903 = arith.constant 16 : i32
      %and3A_904 = arith.andi %shift_right_arithmetic3A_902, %and3A_903 : i32
      %or3A_905 = arith.ori %and3A_900, %and3A_904 : i32
      %eq3A_906 = vector.broadcast %or3A_905 : i32 to vector<16xi32>
      %eq3A_907 = arith.cmpi eq, %iota3A, %eq3A_906 : vector<16xi32>
      %jit3A_908 = arith.constant 1.000000e+00 : f32
      %jit3A_909 = arith.constant 0.000000e+00 : f32
      %broadcast_in_dim3A_910 = vector.broadcast %jit3A_908 : f32 to vector<16xf32>
      %broadcast_in_dim3A_911 = vector.broadcast %jit3A_909 : f32 to vector<16xf32>
      %select_n3A_912 = arith.select %eq3A_907, %broadcast_in_dim3A_910, %broadcast_in_dim3A_911 : vector<16xi1>, vector<16xf32>
      %swap3A_913 = arith.constant 29 : i32
      %swap3A_914 = arith.index_cast %swap3A_913 : i32 to index
      %swap3A_915 = arith.index_cast %multiple_of3A_898 : i32 to index
      %swap3A_916 = tpu.vector_load %arg5[%swap3A_914, %swap3A_915] {strides = array<i32>} : memref<32x1000xf32, #tpu.memory_space<vmem>>, vector<1x16xf32>,
      %swap3A_917 = vector.shape_cast %swap3A_916 : vector<1x16xf32> to vector<16xf32>
      %swap3A_918 = vector.shape_cast %select_n3A_912 : vector<16xf32> to vector<1x16xf32>
      tpu.vector_store %arg5[%swap3A_914, %swap3A_915], %swap3A_918 {strides = array<i32>} : memref<32x1000xf32, #tpu.memory_space<vmem>>, vector<1x16xf32>,
      %slice3A_919 = vector.extract_strided_slice %min3A_512 {offsets = [14], sizes = [1], strides = [1]} : vector<16xi32> to vector<1xi32>
      %squeeze3A_920 = vector.extract %slice3A_919[0] : i32 from vector<1xi32>
      %slice3A_921 = vector.extract_strided_slice %get3A_506 {offsets = [14], sizes = [1], strides = [1]} : vector<16xi32> to vector<1xi32>
      %squeeze3A_922 = vector.extract %slice3A_921[0] : i32 from vector<1xi32>
      %shift_right_arithmetic3A_923 = arith.constant 4 : i32
      %shift_right_arithmetic3A_924 = arith.shrsi %squeeze3A_920, %shift_right_arithmetic3A_923 : i32
      %shift_left3A_925 = arith.constant 4 : i32
      %shift_left3A_926 = arith.shli %shift_right_arithmetic3A_924, %shift_left3A_925 : i32
      %multiple_of3A_927 = tpu.assume_multiple %shift_left3A_926, 16 : i32
      %and3A_928 = arith.constant 15 : i32
      %and3A_929 = arith.andi %squeeze3A_920, %and3A_928 : i32
      %shift_right_arithmetic3A_930 = arith.constant 31 : i32
      %shift_right_arithmetic3A_931 = arith.shrsi %squeeze3A_922, %shift_right_arithmetic3A_930 : i32
      %and3A_932 = arith.constant 16 : i32
      %and3A_933 = arith.andi %shift_right_arithmetic3A_931, %and3A_932 : i32
      %or3A_934 = arith.ori %and3A_929, %and3A_933 : i32
      %eq3A_935 = vector.broadcast %or3A_934 : i32 to vector<16xi32>
      %eq3A_936 = arith.cmpi eq, %iota3A, %eq3A_935 : vector<16xi32>
      %jit3A_937 = arith.constant 1.000000e+00 : f32
      %jit3A_938 = arith.constant 0.000000e+00 : f32
      %broadcast_in_dim3A_939 = vector.broadcast %jit3A_937 : f32 to vector<16xf32>
      %broadcast_in_dim3A_940 = vector.broadcast %jit3A_938 : f32 to vector<16xf32>
      %select_n3A_941 = arith.select %eq3A_936, %broadcast_in_dim3A_939, %broadcast_in_dim3A_940 : vector<16xi1>, vector<16xf32>
      %swap3A_942 = arith.constant 30 : i32
      %swap3A_943 = arith.index_cast %swap3A_942 : i32 to index
      %swap3A_944 = arith.index_cast %multiple_of3A_927 : i32 to index
      %swap3A_945 = tpu.vector_load %arg5[%swap3A_943, %swap3A_944] {strides = array<i32>} : memref<32x1000xf32, #tpu.memory_space<vmem>>, vector<1x16xf32>,
      %swap3A_946 = vector.shape_cast %swap3A_945 : vector<1x16xf32> to vector<16xf32>
      %swap3A_947 = vector.shape_cast %select_n3A_941 : vector<16xf32> to vector<1x16xf32>
      tpu.vector_store %arg5[%swap3A_943, %swap3A_944], %swap3A_947 {strides = array<i32>} : memref<32x1000xf32, #tpu.memory_space<vmem>>, vector<1x16xf32>,
      %slice3A_948 = vector.extract_strided_slice %min3A_512 {offsets = [15], sizes = [1], strides = [1]} : vector<16xi32> to vector<1xi32>
      %squeeze3A_949 = vector.extract %slice3A_948[0] : i32 from vector<1xi32>
      %slice3A_950 = vector.extract_strided_slice %get3A_506 {offsets = [15], sizes = [1], strides = [1]} : vector<16xi32> to vector<1xi32>
      %squeeze3A_951 = vector.extract %slice3A_950[0] : i32 from vector<1xi32>
      %shift_right_arithmetic3A_952 = arith.constant 4 : i32
      %shift_right_arithmetic3A_953 = arith.shrsi %squeeze3A_949, %shift_right_arithmetic3A_952 : i32
      %shift_left3A_954 = arith.constant 4 : i32
      %shift_left3A_955 = arith.shli %shift_right_arithmetic3A_953, %shift_left3A_954 : i32
      %multiple_of3A_956 = tpu.assume_multiple %shift_left3A_955, 16 : i32
      %and3A_957 = arith.constant 15 : i32
      %and3A_958 = arith.andi %squeeze3A_949, %and3A_957 : i32
      %shift_right_arithmetic3A_959 = arith.constant 31 : i32
      %shift_right_arithmetic3A_960 = arith.shrsi %squeeze3A_951, %shift_right_arithmetic3A_959 : i32
      %and3A_961 = arith.constant 16 : i32
      %and3A_962 = arith.andi %shift_right_arithmetic3A_960, %and3A_961 : i32
      %or3A_963 = arith.ori %and3A_958, %and3A_962 : i32
      %eq3A_964 = vector.broadcast %or3A_963 : i32 to vector<16xi32>
      %eq3A_965 = arith.cmpi eq, %iota3A, %eq3A_964 : vector<16xi32>
      %jit3A_966 = arith.constant 1.000000e+00 : f32
      %jit3A_967 = arith.constant 0.000000e+00 : f32
      %broadcast_in_dim3A_968 = vector.broadcast %jit3A_966 : f32 to vector<16xf32>
      %broadcast_in_dim3A_969 = vector.broadcast %jit3A_967 : f32 to vector<16xf32>
      %select_n3A_970 = arith.select %eq3A_965, %broadcast_in_dim3A_968, %broadcast_in_dim3A_969 : vector<16xi1>, vector<16xf32>
      %swap3A_971 = arith.constant 31 : i32
      %swap3A_972 = arith.index_cast %swap3A_971 : i32 to index
      %swap3A_973 = arith.index_cast %multiple_of3A_956 : i32 to index
      %swap3A_974 = tpu.vector_load %arg5[%swap3A_972, %swap3A_973] {strides = array<i32>} : memref<32x1000xf32, #tpu.memory_space<vmem>>, vector<1x16xf32>,
      %swap3A_975 = vector.shape_cast %swap3A_974 : vector<1x16xf32> to vector<16xf32>
      %swap3A_976 = vector.shape_cast %select_n3A_970 : vector<16xf32> to vector<1x16xf32>
      tpu.vector_store %arg5[%swap3A_972, %swap3A_973], %swap3A_976 {strides = array<i32>} : memref<32x1000xf32, #tpu.memory_space<vmem>>, vector<1x16xf32>,
      %mul3A_977 = arith.constant 32 : i32
      %mul3A_978 = arith.muli %add3A_33, %mul3A_977 : i32
      %multiple_of3A_979 = tpu.assume_multiple %mul3A_978, 32 : i32
      %add3A_980 = arith.addi %multiple_of3A, %multiple_of3A_979 : i32
      %dma_start3A = arith.constant 0 : i32
      %dma_start3A_981 = tpu.memref_slice %arg3[%add3A_980, %dma_start3A] : memref<51200x1000xf32, #tpu.memory_space<hbm>> -> memref<32x1000xf32, #tpu.memory_space<hbm>>
      %dma_start3A_982 = arith.constant 0 : i32
      %dma_start3A_983 = tpu.memref_slice %arg3[%add3A_980, %dma_start3A_982] : memref<51200x1000xf32, #tpu.memory_space<hbm>> -> memref<32x1000xf32, #tpu.memory_space<hbm>>
      tpu.enqueue_dma source(%arg5 : memref<32x1000xf32, #tpu.memory_space<vmem>>) target(%dma_start3A_983 : memref<32x1000xf32, #tpu.memory_space<hbm>>) target_semaphore(%arg7 : memref<!tpu.dma_semaphore, #tpu.memory_space<semaphore_mem>>)
      %add3A_984 = arith.constant 1 : i32
      %add3A_985 = arith.addi %add3A_31, %add3A_984 : i32
      %gt3A_986 = arith.constant 0 : i32
      %gt3A_987 = arith.cmpi sgt, %add3A_31, %gt3A_986 : i32
      %convert_element_type3A_988 = arith.extui %gt3A_987 : i1 to i32
      %cond3A_989 = arith.constant 0 : i32
      %cond3A_990 = arith.cmpi ne, %convert_element_type3A_988, %cond3A_989 : i32
      scf.if %cond3A_990 {
        %mul3A_1953 = arith.constant 32 : i32
        %mul3A_1954 = arith.muli %add3A_985, %mul3A_1953 : i32
        %multiple_of3A_1955 = tpu.assume_multiple %mul3A_1954, 32 : i32
        %add3A_1956 = arith.addi %multiple_of3A, %multiple_of3A_1955 : i32
        %dma_wait3A_1957 = arith.constant 0 : i32
        %dma_wait3A_1958 = tpu.memref_slice %arg3[%add3A_1956, %dma_wait3A_1957] : memref<51200x1000xf32, #tpu.memory_space<hbm>> -> memref<32x1000xf32, #tpu.memory_space<hbm>>
        %dma_wait3A_1959 = arith.constant 0 : i32
        %dma_wait3A_1960 = tpu.memref_slice %arg3[%add3A_1956, %dma_wait3A_1959] : memref<51200x1000xf32, #tpu.memory_space<hbm>> -> memref<32x1000xf32, #tpu.memory_space<hbm>>
        tpu.wait_dma2 semaphore(%arg8 : memref<!tpu.dma_semaphore, #tpu.memory_space<semaphore_mem>>) src(%arg6 : memref<32x1000xf32, #tpu.memory_space<vmem>>) dst(%dma_wait3A_1960 : memref<32x1000xf32, #tpu.memory_space<hbm>>)
        %sub3A = arith.constant 2 : i32
        %sub3A_1961 = arith.subi %add3A_985, %sub3A : i32
        %mul3A_1962 = arith.constant 32 : i32
        %mul3A_1963 = arith.muli %sub3A_1961, %mul3A_1962 : i32
        %add3A_1964 = arith.constant 0 : i32
        %add3A_1965 = arith.addi %mul3A_1963, %add3A_1964 : i32
        %get3A_1966 = arith.index_cast %add3A_1965 : i32 to index
        %get3A_1967 = tpu.vector_load %arg4[%get3A_1966] {strides = array<i32>} : memref<1600xi32, #tpu.memory_space<vmem>>, vector<16xi32>,
        %get3A_1968 = vector.shape_cast %get3A_1967 : vector<16xi32> to vector<16xi32>
        %jit3A_1969 = arith.constant 0 : i32
        %jit3A_1970 = arith.constant 999 : i32
        %max3A_1971 = vector.broadcast %jit3A_1969 : i32 to vector<16xi32>
        %max3A_1972 = arith.maxsi %max3A_1971, %get3A_1968 : vector<16xi32>
        %min3A_1973 = vector.broadcast %jit3A_1970 : i32 to vector<16xi32>
        %min3A_1974 = arith.minsi %min3A_1973, %max3A_1972 : vector<16xi32>
        %slice3A_1975 = vector.extract_strided_slice %min3A_1974 {offsets = [0], sizes = [1], strides = [1]} : vector<16xi32> to vector<1xi32>
        %squeeze3A_1976 = vector.extract %slice3A_1975[0] : i32 from vector<1xi32>
        %slice3A_1977 = vector.extract_strided_slice %get3A_1968 {offsets = [0], sizes = [1], strides = [1]} : vector<16xi32> to vector<1xi32>
        %squeeze3A_1978 = vector.extract %slice3A_1977[0] : i32 from vector<1xi32>
        %shift_right_arithmetic3A_1979 = arith.constant 4 : i32
        %shift_right_arithmetic3A_1980 = arith.shrsi %squeeze3A_1976, %shift_right_arithmetic3A_1979 : i32
        %shift_left3A_1981 = arith.constant 4 : i32
        %shift_left3A_1982 = arith.shli %shift_right_arithmetic3A_1980, %shift_left3A_1981 : i32
        %multiple_of3A_1983 = tpu.assume_multiple %shift_left3A_1982, 16 : i32
        %and3A_1984 = arith.constant 15 : i32
        %and3A_1985 = arith.andi %squeeze3A_1976, %and3A_1984 : i32
        %shift_right_arithmetic3A_1986 = arith.constant 31 : i32
        %shift_right_arithmetic3A_1987 = arith.shrsi %squeeze3A_1978, %shift_right_arithmetic3A_1986 : i32
        %and3A_1988 = arith.constant 16 : i32
        %and3A_1989 = arith.andi %shift_right_arithmetic3A_1987, %and3A_1988 : i32
        %or3A_1990 = arith.ori %and3A_1985, %and3A_1989 : i32
        %eq3A_1991 = vector.broadcast %or3A_1990 : i32 to vector<16xi32>
        %eq3A_1992 = arith.cmpi eq, %iota3A, %eq3A_1991 : vector<16xi32>
        %jit3A_1993 = arith.constant 0.000000e+00 : f32
        %jit3A_1994 = arith.constant 0.000000e+00 : f32
        %broadcast_in_dim3A_1995 = vector.broadcast %jit3A_1993 : f32 to vector<16xf32>
        %broadcast_in_dim3A_1996 = vector.broadcast %jit3A_1994 : f32 to vector<16xf32>
        %select_n3A_1997 = arith.select %eq3A_1992, %broadcast_in_dim3A_1995, %broadcast_in_dim3A_1996 : vector<16xi1>, vector<16xf32>
        %swap3A_1998 = arith.constant 0 : i32
        %swap3A_1999 = arith.index_cast %swap3A_1998 : i32 to index
        %swap3A_2000 = arith.index_cast %multiple_of3A_1983 : i32 to index
        %swap3A_2001 = tpu.vector_load %arg6[%swap3A_1999, %swap3A_2000] {strides = array<i32>} : memref<32x1000xf32, #tpu.memory_space<vmem>>, vector<1x16xf32>,
        %swap3A_2002 = vector.shape_cast %swap3A_2001 : vector<1x16xf32> to vector<16xf32>
        %swap3A_2003 = vector.shape_cast %select_n3A_1997 : vector<16xf32> to vector<1x16xf32>
        tpu.vector_store %arg6[%swap3A_1999, %swap3A_2000], %swap3A_2003 {strides = array<i32>} : memref<32x1000xf32, #tpu.memory_space<vmem>>, vector<1x16xf32>,
        %slice3A_2004 = vector.extract_strided_slice %min3A_1974 {offsets = [1], sizes = [1], strides = [1]} : vector<16xi32> to vector<1xi32>
        %squeeze3A_2005 = vector.extract %slice3A_2004[0] : i32 from vector<1xi32>
        %slice3A_2006 = vector.extract_strided_slice %get3A_1968 {offsets = [1], sizes = [1], strides = [1]} : vector<16xi32> to vector<1xi32>
        %squeeze3A_2007 = vector.extract %slice3A_2006[0] : i32 from vector<1xi32>
        %shift_right_arithmetic3A_2008 = arith.constant 4 : i32
        %shift_right_arithmetic3A_2009 = arith.shrsi %squeeze3A_2005, %shift_right_arithmetic3A_2008 : i32
        %shift_left3A_2010 = arith.constant 4 : i32
        %shift_left3A_2011 = arith.shli %shift_right_arithmetic3A_2009, %shift_left3A_2010 : i32
        %multiple_of3A_2012 = tpu.assume_multiple %shift_left3A_2011, 16 : i32
        %and3A_2013 = arith.constant 15 : i32
        %and3A_2014 = arith.andi %squeeze3A_2005, %and3A_2013 : i32
        %shift_right_arithmetic3A_2015 = arith.constant 31 : i32
        %shift_right_arithmetic3A_2016 = arith.shrsi %squeeze3A_2007, %shift_right_arithmetic3A_2015 : i32
        %and3A_2017 = arith.constant 16 : i32
        %and3A_2018 = arith.andi %shift_right_arithmetic3A_2016, %and3A_2017 : i32
        %or3A_2019 = arith.ori %and3A_2014, %and3A_2018 : i32
        %eq3A_2020 = vector.broadcast %or3A_2019 : i32 to vector<16xi32>
        %eq3A_2021 = arith.cmpi eq, %iota3A, %eq3A_2020 : vector<16xi32>
        %jit3A_2022 = arith.constant 0.000000e+00 : f32
        %jit3A_2023 = arith.constant 0.000000e+00 : f32
        %broadcast_in_dim3A_2024 = vector.broadcast %jit3A_2022 : f32 to vector<16xf32>
        %broadcast_in_dim3A_2025 = vector.broadcast %jit3A_2023 : f32 to vector<16xf32>
        %select_n3A_2026 = arith.select %eq3A_2021, %broadcast_in_dim3A_2024, %broadcast_in_dim3A_2025 : vector<16xi1>, vector<16xf32>
        %swap3A_2027 = arith.constant 1 : i32
        %swap3A_2028 = arith.index_cast %swap3A_2027 : i32 to index
        %swap3A_2029 = arith.index_cast %multiple_of3A_2012 : i32 to index
        %swap3A_2030 = tpu.vector_load %arg6[%swap3A_2028, %swap3A_2029] {strides = array<i32>} : memref<32x1000xf32, #tpu.memory_space<vmem>>, vector<1x16xf32>,
        %swap3A_2031 = vector.shape_cast %swap3A_2030 : vector<1x16xf32> to vector<16xf32>
        %swap3A_2032 = vector.shape_cast %select_n3A_2026 : vector<16xf32> to vector<1x16xf32>
        tpu.vector_store %arg6[%swap3A_2028, %swap3A_2029], %swap3A_2032 {strides = array<i32>} : memref<32x1000xf32, #tpu.memory_space<vmem>>, vector<1x16xf32>,
        %slice3A_2033 = vector.extract_strided_slice %min3A_1974 {offsets = [2], sizes = [1], strides = [1]} : vector<16xi32> to vector<1xi32>
        %squeeze3A_2034 = vector.extract %slice3A_2033[0] : i32 from vector<1xi32>
        %slice3A_2035 = vector.extract_strided_slice %get3A_1968 {offsets = [2], sizes = [1], strides = [1]} : vector<16xi32> to vector<1xi32>
        %squeeze3A_2036 = vector.extract %slice3A_2035[0] : i32 from vector<1xi32>
        %shift_right_arithmetic3A_2037 = arith.constant 4 : i32
        %shift_right_arithmetic3A_2038 = arith.shrsi %squeeze3A_2034, %shift_right_arithmetic3A_2037 : i32
        %shift_left3A_2039 = arith.constant 4 : i32
        %shift_left3A_2040 = arith.shli %shift_right_arithmetic3A_2038, %shift_left3A_2039 : i32
        %multiple_of3A_2041 = tpu.assume_multiple %shift_left3A_2040, 16 : i32
        %and3A_2042 = arith.constant 15 : i32
        %and3A_2043 = arith.andi %squeeze3A_2034, %and3A_2042 : i32
        %shift_right_arithmetic3A_2044 = arith.constant 31 : i32
        %shift_right_arithmetic3A_2045 = arith.shrsi %squeeze3A_2036, %shift_right_arithmetic3A_2044 : i32
        %and3A_2046 = arith.constant 16 : i32
        %and3A_2047 = arith.andi %shift_right_arithmetic3A_2045, %and3A_2046 : i32
        %or3A_2048 = arith.ori %and3A_2043, %and3A_2047 : i32
        %eq3A_2049 = vector.broadcast %or3A_2048 : i32 to vector<16xi32>
        %eq3A_2050 = arith.cmpi eq, %iota3A, %eq3A_2049 : vector<16xi32>
        %jit3A_2051 = arith.constant 0.000000e+00 : f32
        %jit3A_2052 = arith.constant 0.000000e+00 : f32
        %broadcast_in_dim3A_2053 = vector.broadcast %jit3A_2051 : f32 to vector<16xf32>
        %broadcast_in_dim3A_2054 = vector.broadcast %jit3A_2052 : f32 to vector<16xf32>
        %select_n3A_2055 = arith.select %eq3A_2050, %broadcast_in_dim3A_2053, %broadcast_in_dim3A_2054 : vector<16xi1>, vector<16xf32>
        %swap3A_2056 = arith.constant 2 : i32
        %swap3A_2057 = arith.index_cast %swap3A_2056 : i32 to index
        %swap3A_2058 = arith.index_cast %multiple_of3A_2041 : i32 to index
        %swap3A_2059 = tpu.vector_load %arg6[%swap3A_2057, %swap3A_2058] {strides = array<i32>} : memref<32x1000xf32, #tpu.memory_space<vmem>>, vector<1x16xf32>,
        %swap3A_2060 = vector.shape_cast %swap3A_2059 : vector<1x16xf32> to vector<16xf32>
        %swap3A_2061 = vector.shape_cast %select_n3A_2055 : vector<16xf32> to vector<1x16xf32>
        tpu.vector_store %arg6[%swap3A_2057, %swap3A_2058], %swap3A_2061 {strides = array<i32>} : memref<32x1000xf32, #tpu.memory_space<vmem>>, vector<1x16xf32>,
        %slice3A_2062 = vector.extract_strided_slice %min3A_1974 {offsets = [3], sizes = [1], strides = [1]} : vector<16xi32> to vector<1xi32>
        %squeeze3A_2063 = vector.extract %slice3A_2062[0] : i32 from vector<1xi32>
        %slice3A_2064 = vector.extract_strided_slice %get3A_1968 {offsets = [3], sizes = [1], strides = [1]} : vector<16xi32> to vector<1xi32>
        %squeeze3A_2065 = vector.extract %slice3A_2064[0] : i32 from vector<1xi32>
        %shift_right_arithmetic3A_2066 = arith.constant 4 : i32
        %shift_right_arithmetic3A_2067 = arith.shrsi %squeeze3A_2063, %shift_right_arithmetic3A_2066 : i32
        %shift_left3A_2068 = arith.constant 4 : i32
        %shift_left3A_2069 = arith.shli %shift_right_arithmetic3A_2067, %shift_left3A_2068 : i32
        %multiple_of3A_2070 = tpu.assume_multiple %shift_left3A_2069, 16 : i32
        %and3A_2071 = arith.constant 15 : i32
        %and3A_2072 = arith.andi %squeeze3A_2063, %and3A_2071 : i32
        %shift_right_arithmetic3A_2073 = arith.constant 31 : i32
        %shift_right_arithmetic3A_2074 = arith.shrsi %squeeze3A_2065, %shift_right_arithmetic3A_2073 : i32
        %and3A_2075 = arith.constant 16 : i32
        %and3A_2076 = arith.andi %shift_right_arithmetic3A_2074, %and3A_2075 : i32
        %or3A_2077 = arith.ori %and3A_2072, %and3A_2076 : i32
        %eq3A_2078 = vector.broadcast %or3A_2077 : i32 to vector<16xi32>
        %eq3A_2079 = arith.cmpi eq, %iota3A, %eq3A_2078 : vector<16xi32>
        %jit3A_2080 = arith.constant 0.000000e+00 : f32
        %jit3A_2081 = arith.constant 0.000000e+00 : f32
        %broadcast_in_dim3A_2082 = vector.broadcast %jit3A_2080 : f32 to vector<16xf32>
        %broadcast_in_dim3A_2083 = vector.broadcast %jit3A_2081 : f32 to vector<16xf32>
        %select_n3A_2084 = arith.select %eq3A_2079, %broadcast_in_dim3A_2082, %broadcast_in_dim3A_2083 : vector<16xi1>, vector<16xf32>
        %swap3A_2085 = arith.constant 3 : i32
        %swap3A_2086 = arith.index_cast %swap3A_2085 : i32 to index
        %swap3A_2087 = arith.index_cast %multiple_of3A_2070 : i32 to index
        %swap3A_2088 = tpu.vector_load %arg6[%swap3A_2086, %swap3A_2087] {strides = array<i32>} : memref<32x1000xf32, #tpu.memory_space<vmem>>, vector<1x16xf32>,
        %swap3A_2089 = vector.shape_cast %swap3A_2088 : vector<1x16xf32> to vector<16xf32>
        %swap3A_2090 = vector.shape_cast %select_n3A_2084 : vector<16xf32> to vector<1x16xf32>
        tpu.vector_store %arg6[%swap3A_2086, %swap3A_2087], %swap3A_2090 {strides = array<i32>} : memref<32x1000xf32, #tpu.memory_space<vmem>>, vector<1x16xf32>,
        %slice3A_2091 = vector.extract_strided_slice %min3A_1974 {offsets = [4], sizes = [1], strides = [1]} : vector<16xi32> to vector<1xi32>
        %squeeze3A_2092 = vector.extract %slice3A_2091[0] : i32 from vector<1xi32>
        %slice3A_2093 = vector.extract_strided_slice %get3A_1968 {offsets = [4], sizes = [1], strides = [1]} : vector<16xi32> to vector<1xi32>
        %squeeze3A_2094 = vector.extract %slice3A_2093[0] : i32 from vector<1xi32>
        %shift_right_arithmetic3A_2095 = arith.constant 4 : i32
        %shift_right_arithmetic3A_2096 = arith.shrsi %squeeze3A_2092, %shift_right_arithmetic3A_2095 : i32
        %shift_left3A_2097 = arith.constant 4 : i32
        %shift_left3A_2098 = arith.shli %shift_right_arithmetic3A_2096, %shift_left3A_2097 : i32
        %multiple_of3A_2099 = tpu.assume_multiple %shift_left3A_2098, 16 : i32
        %and3A_2100 = arith.constant 15 : i32
        %and3A_2101 = arith.andi %squeeze3A_2092, %and3A_2100 : i32
        %shift_right_arithmetic3A_2102 = arith.constant 31 : i32
        %shift_right_arithmetic3A_2103 = arith.shrsi %squeeze3A_2094, %shift_right_arithmetic3A_2102 : i32
        %and3A_2104 = arith.constant 16 : i32
        %and3A_2105 = arith.andi %shift_right_arithmetic3A_2103, %and3A_2104 : i32
        %or3A_2106 = arith.ori %and3A_2101, %and3A_2105 : i32
        %eq3A_2107 = vector.broadcast %or3A_2106 : i32 to vector<16xi32>
        %eq3A_2108 = arith.cmpi eq, %iota3A, %eq3A_2107 : vector<16xi32>
        %jit3A_2109 = arith.constant 0.000000e+00 : f32
        %jit3A_2110 = arith.constant 0.000000e+00 : f32
        %broadcast_in_dim3A_2111 = vector.broadcast %jit3A_2109 : f32 to vector<16xf32>
        %broadcast_in_dim3A_2112 = vector.broadcast %jit3A_2110 : f32 to vector<16xf32>
        %select_n3A_2113 = arith.select %eq3A_2108, %broadcast_in_dim3A_2111, %broadcast_in_dim3A_2112 : vector<16xi1>, vector<16xf32>
        %swap3A_2114 = arith.constant 4 : i32
        %swap3A_2115 = arith.index_cast %swap3A_2114 : i32 to index
        %swap3A_2116 = arith.index_cast %multiple_of3A_2099 : i32 to index
        %swap3A_2117 = tpu.vector_load %arg6[%swap3A_2115, %swap3A_2116] {strides = array<i32>} : memref<32x1000xf32, #tpu.memory_space<vmem>>, vector<1x16xf32>,
        %swap3A_2118 = vector.shape_cast %swap3A_2117 : vector<1x16xf32> to vector<16xf32>
        %swap3A_2119 = vector.shape_cast %select_n3A_2113 : vector<16xf32> to vector<1x16xf32>
        tpu.vector_store %arg6[%swap3A_2115, %swap3A_2116], %swap3A_2119 {strides = array<i32>} : memref<32x1000xf32, #tpu.memory_space<vmem>>, vector<1x16xf32>,
        %slice3A_2120 = vector.extract_strided_slice %min3A_1974 {offsets = [5], sizes = [1], strides = [1]} : vector<16xi32> to vector<1xi32>
        %squeeze3A_2121 = vector.extract %slice3A_2120[0] : i32 from vector<1xi32>
        %slice3A_2122 = vector.extract_strided_slice %get3A_1968 {offsets = [5], sizes = [1], strides = [1]} : vector<16xi32> to vector<1xi32>
        %squeeze3A_2123 = vector.extract %slice3A_2122[0] : i32 from vector<1xi32>
        %shift_right_arithmetic3A_2124 = arith.constant 4 : i32
        %shift_right_arithmetic3A_2125 = arith.shrsi %squeeze3A_2121, %shift_right_arithmetic3A_2124 : i32
        %shift_left3A_2126 = arith.constant 4 : i32
        %shift_left3A_2127 = arith.shli %shift_right_arithmetic3A_2125, %shift_left3A_2126 : i32
        %multiple_of3A_2128 = tpu.assume_multiple %shift_left3A_2127, 16 : i32
        %and3A_2129 = arith.constant 15 : i32
        %and3A_2130 = arith.andi %squeeze3A_2121, %and3A_2129 : i32
        %shift_right_arithmetic3A_2131 = arith.constant 31 : i32
        %shift_right_arithmetic3A_2132 = arith.shrsi %squeeze3A_2123, %shift_right_arithmetic3A_2131 : i32
        %and3A_2133 = arith.constant 16 : i32
        %and3A_2134 = arith.andi %shift_right_arithmetic3A_2132, %and3A_2133 : i32
        %or3A_2135 = arith.ori %and3A_2130, %and3A_2134 : i32
        %eq3A_2136 = vector.broadcast %or3A_2135 : i32 to vector<16xi32>
        %eq3A_2137 = arith.cmpi eq, %iota3A, %eq3A_2136 : vector<16xi32>
        %jit3A_2138 = arith.constant 0.000000e+00 : f32
        %jit3A_2139 = arith.constant 0.000000e+00 : f32
        %broadcast_in_dim3A_2140 = vector.broadcast %jit3A_2138 : f32 to vector<16xf32>
        %broadcast_in_dim3A_2141 = vector.broadcast %jit3A_2139 : f32 to vector<16xf32>
        %select_n3A_2142 = arith.select %eq3A_2137, %broadcast_in_dim3A_2140, %broadcast_in_dim3A_2141 : vector<16xi1>, vector<16xf32>
        %swap3A_2143 = arith.constant 5 : i32
        %swap3A_2144 = arith.index_cast %swap3A_2143 : i32 to index
        %swap3A_2145 = arith.index_cast %multiple_of3A_2128 : i32 to index
        %swap3A_2146 = tpu.vector_load %arg6[%swap3A_2144, %swap3A_2145] {strides = array<i32>} : memref<32x1000xf32, #tpu.memory_space<vmem>>, vector<1x16xf32>,
        %swap3A_2147 = vector.shape_cast %swap3A_2146 : vector<1x16xf32> to vector<16xf32>
        %swap3A_2148 = vector.shape_cast %select_n3A_2142 : vector<16xf32> to vector<1x16xf32>
        tpu.vector_store %arg6[%swap3A_2144, %swap3A_2145], %swap3A_2148 {strides = array<i32>} : memref<32x1000xf32, #tpu.memory_space<vmem>>, vector<1x16xf32>,
        %slice3A_2149 = vector.extract_strided_slice %min3A_1974 {offsets = [6], sizes = [1], strides = [1]} : vector<16xi32> to vector<1xi32>
        %squeeze3A_2150 = vector.extract %slice3A_2149[0] : i32 from vector<1xi32>
        %slice3A_2151 = vector.extract_strided_slice %get3A_1968 {offsets = [6], sizes = [1], strides = [1]} : vector<16xi32> to vector<1xi32>
        %squeeze3A_2152 = vector.extract %slice3A_2151[0] : i32 from vector<1xi32>
        %shift_right_arithmetic3A_2153 = arith.constant 4 : i32
        %shift_right_arithmetic3A_2154 = arith.shrsi %squeeze3A_2150, %shift_right_arithmetic3A_2153 : i32
        %shift_left3A_2155 = arith.constant 4 : i32
        %shift_left3A_2156 = arith.shli %shift_right_arithmetic3A_2154, %shift_left3A_2155 : i32
        %multiple_of3A_2157 = tpu.assume_multiple %shift_left3A_2156, 16 : i32
        %and3A_2158 = arith.constant 15 : i32
        %and3A_2159 = arith.andi %squeeze3A_2150, %and3A_2158 : i32
        %shift_right_arithmetic3A_2160 = arith.constant 31 : i32
        %shift_right_arithmetic3A_2161 = arith.shrsi %squeeze3A_2152, %shift_right_arithmetic3A_2160 : i32
        %and3A_2162 = arith.constant 16 : i32
        %and3A_2163 = arith.andi %shift_right_arithmetic3A_2161, %and3A_2162 : i32
        %or3A_2164 = arith.ori %and3A_2159, %and3A_2163 : i32
        %eq3A_2165 = vector.broadcast %or3A_2164 : i32 to vector<16xi32>
        %eq3A_2166 = arith.cmpi eq, %iota3A, %eq3A_2165 : vector<16xi32>
        %jit3A_2167 = arith.constant 0.000000e+00 : f32
        %jit3A_2168 = arith.constant 0.000000e+00 : f32
        %broadcast_in_dim3A_2169 = vector.broadcast %jit3A_2167 : f32 to vector<16xf32>
        %broadcast_in_dim3A_2170 = vector.broadcast %jit3A_2168 : f32 to vector<16xf32>
        %select_n3A_2171 = arith.select %eq3A_2166, %broadcast_in_dim3A_2169, %broadcast_in_dim3A_2170 : vector<16xi1>, vector<16xf32>
        %swap3A_2172 = arith.constant 6 : i32
        %swap3A_2173 = arith.index_cast %swap3A_2172 : i32 to index
        %swap3A_2174 = arith.index_cast %multiple_of3A_2157 : i32 to index
        %swap3A_2175 = tpu.vector_load %arg6[%swap3A_2173, %swap3A_2174] {strides = array<i32>} : memref<32x1000xf32, #tpu.memory_space<vmem>>, vector<1x16xf32>,
        %swap3A_2176 = vector.shape_cast %swap3A_2175 : vector<1x16xf32> to vector<16xf32>
        %swap3A_2177 = vector.shape_cast %select_n3A_2171 : vector<16xf32> to vector<1x16xf32>
        tpu.vector_store %arg6[%swap3A_2173, %swap3A_2174], %swap3A_2177 {strides = array<i32>} : memref<32x1000xf32, #tpu.memory_space<vmem>>, vector<1x16xf32>,
        %slice3A_2178 = vector.extract_strided_slice %min3A_1974 {offsets = [7], sizes = [1], strides = [1]} : vector<16xi32> to vector<1xi32>
        %squeeze3A_2179 = vector.extract %slice3A_2178[0] : i32 from vector<1xi32>
        %slice3A_2180 = vector.extract_strided_slice %get3A_1968 {offsets = [7], sizes = [1], strides = [1]} : vector<16xi32> to vector<1xi32>
        %squeeze3A_2181 = vector.extract %slice3A_2180[0] : i32 from vector<1xi32>
        %shift_right_arithmetic3A_2182 = arith.constant 4 : i32
        %shift_right_arithmetic3A_2183 = arith.shrsi %squeeze3A_2179, %shift_right_arithmetic3A_2182 : i32
        %shift_left3A_2184 = arith.constant 4 : i32
        %shift_left3A_2185 = arith.shli %shift_right_arithmetic3A_2183, %shift_left3A_2184 : i32
        %multiple_of3A_2186 = tpu.assume_multiple %shift_left3A_2185, 16 : i32
        %and3A_2187 = arith.constant 15 : i32
        %and3A_2188 = arith.andi %squeeze3A_2179, %and3A_2187 : i32
        %shift_right_arithmetic3A_2189 = arith.constant 31 : i32
        %shift_right_arithmetic3A_2190 = arith.shrsi %squeeze3A_2181, %shift_right_arithmetic3A_2189 : i32
        %and3A_2191 = arith.constant 16 : i32
        %and3A_2192 = arith.andi %shift_right_arithmetic3A_2190, %and3A_2191 : i32
        %or3A_2193 = arith.ori %and3A_2188, %and3A_2192 : i32
        %eq3A_2194 = vector.broadcast %or3A_2193 : i32 to vector<16xi32>
        %eq3A_2195 = arith.cmpi eq, %iota3A, %eq3A_2194 : vector<16xi32>
        %jit3A_2196 = arith.constant 0.000000e+00 : f32
        %jit3A_2197 = arith.constant 0.000000e+00 : f32
        %broadcast_in_dim3A_2198 = vector.broadcast %jit3A_2196 : f32 to vector<16xf32>
        %broadcast_in_dim3A_2199 = vector.broadcast %jit3A_2197 : f32 to vector<16xf32>
        %select_n3A_2200 = arith.select %eq3A_2195, %broadcast_in_dim3A_2198, %broadcast_in_dim3A_2199 : vector<16xi1>, vector<16xf32>
        %swap3A_2201 = arith.constant 7 : i32
        %swap3A_2202 = arith.index_cast %swap3A_2201 : i32 to index
        %swap3A_2203 = arith.index_cast %multiple_of3A_2186 : i32 to index
        %swap3A_2204 = tpu.vector_load %arg6[%swap3A_2202, %swap3A_2203] {strides = array<i32>} : memref<32x1000xf32, #tpu.memory_space<vmem>>, vector<1x16xf32>,
        %swap3A_2205 = vector.shape_cast %swap3A_2204 : vector<1x16xf32> to vector<16xf32>
        %swap3A_2206 = vector.shape_cast %select_n3A_2200 : vector<16xf32> to vector<1x16xf32>
        tpu.vector_store %arg6[%swap3A_2202, %swap3A_2203], %swap3A_2206 {strides = array<i32>} : memref<32x1000xf32, #tpu.memory_space<vmem>>, vector<1x16xf32>,
        %slice3A_2207 = vector.extract_strided_slice %min3A_1974 {offsets = [8], sizes = [1], strides = [1]} : vector<16xi32> to vector<1xi32>
        %squeeze3A_2208 = vector.extract %slice3A_2207[0] : i32 from vector<1xi32>
        %slice3A_2209 = vector.extract_strided_slice %get3A_1968 {offsets = [8], sizes = [1], strides = [1]} : vector<16xi32> to vector<1xi32>
        %squeeze3A_2210 = vector.extract %slice3A_2209[0] : i32 from vector<1xi32>
        %shift_right_arithmetic3A_2211 = arith.constant 4 : i32
        %shift_right_arithmetic3A_2212 = arith.shrsi %squeeze3A_2208, %shift_right_arithmetic3A_2211 : i32
        %shift_left3A_2213 = arith.constant 4 : i32
        %shift_left3A_2214 = arith.shli %shift_right_arithmetic3A_2212, %shift_left3A_2213 : i32
        %multiple_of3A_2215 = tpu.assume_multiple %shift_left3A_2214, 16 : i32
        %and3A_2216 = arith.constant 15 : i32
        %and3A_2217 = arith.andi %squeeze3A_2208, %and3A_2216 : i32
        %shift_right_arithmetic3A_2218 = arith.constant 31 : i32
        %shift_right_arithmetic3A_2219 = arith.shrsi %squeeze3A_2210, %shift_right_arithmetic3A_2218 : i32
        %and3A_2220 = arith.constant 16 : i32
        %and3A_2221 = arith.andi %shift_right_arithmetic3A_2219, %and3A_2220 : i32
        %or3A_2222 = arith.ori %and3A_2217, %and3A_2221 : i32
        %eq3A_2223 = vector.broadcast %or3A_2222 : i32 to vector<16xi32>
        %eq3A_2224 = arith.cmpi eq, %iota3A, %eq3A_2223 : vector<16xi32>
        %jit3A_2225 = arith.constant 0.000000e+00 : f32
        %jit3A_2226 = arith.constant 0.000000e+00 : f32
        %broadcast_in_dim3A_2227 = vector.broadcast %jit3A_2225 : f32 to vector<16xf32>
        %broadcast_in_dim3A_2228 = vector.broadcast %jit3A_2226 : f32 to vector<16xf32>
        %select_n3A_2229 = arith.select %eq3A_2224, %broadcast_in_dim3A_2227, %broadcast_in_dim3A_2228 : vector<16xi1>, vector<16xf32>
        %swap3A_2230 = arith.constant 8 : i32
        %swap3A_2231 = arith.index_cast %swap3A_2230 : i32 to index
        %swap3A_2232 = arith.index_cast %multiple_of3A_2215 : i32 to index
        %swap3A_2233 = tpu.vector_load %arg6[%swap3A_2231, %swap3A_2232] {strides = array<i32>} : memref<32x1000xf32, #tpu.memory_space<vmem>>, vector<1x16xf32>,
        %swap3A_2234 = vector.shape_cast %swap3A_2233 : vector<1x16xf32> to vector<16xf32>
        %swap3A_2235 = vector.shape_cast %select_n3A_2229 : vector<16xf32> to vector<1x16xf32>
        tpu.vector_store %arg6[%swap3A_2231, %swap3A_2232], %swap3A_2235 {strides = array<i32>} : memref<32x1000xf32, #tpu.memory_space<vmem>>, vector<1x16xf32>,
        %slice3A_2236 = vector.extract_strided_slice %min3A_1974 {offsets = [9], sizes = [1], strides = [1]} : vector<16xi32> to vector<1xi32>
        %squeeze3A_2237 = vector.extract %slice3A_2236[0] : i32 from vector<1xi32>
        %slice3A_2238 = vector.extract_strided_slice %get3A_1968 {offsets = [9], sizes = [1], strides = [1]} : vector<16xi32> to vector<1xi32>
        %squeeze3A_2239 = vector.extract %slice3A_2238[0] : i32 from vector<1xi32>
        %shift_right_arithmetic3A_2240 = arith.constant 4 : i32
        %shift_right_arithmetic3A_2241 = arith.shrsi %squeeze3A_2237, %shift_right_arithmetic3A_2240 : i32
        %shift_left3A_2242 = arith.constant 4 : i32
        %shift_left3A_2243 = arith.shli %shift_right_arithmetic3A_2241, %shift_left3A_2242 : i32
        %multiple_of3A_2244 = tpu.assume_multiple %shift_left3A_2243, 16 : i32
        %and3A_2245 = arith.constant 15 : i32
        %and3A_2246 = arith.andi %squeeze3A_2237, %and3A_2245 : i32
        %shift_right_arithmetic3A_2247 = arith.constant 31 : i32
        %shift_right_arithmetic3A_2248 = arith.shrsi %squeeze3A_2239, %shift_right_arithmetic3A_2247 : i32
        %and3A_2249 = arith.constant 16 : i32
        %and3A_2250 = arith.andi %shift_right_arithmetic3A_2248, %and3A_2249 : i32
        %or3A_2251 = arith.ori %and3A_2246, %and3A_2250 : i32
        %eq3A_2252 = vector.broadcast %or3A_2251 : i32 to vector<16xi32>
        %eq3A_2253 = arith.cmpi eq, %iota3A, %eq3A_2252 : vector<16xi32>
        %jit3A_2254 = arith.constant 0.000000e+00 : f32
        %jit3A_2255 = arith.constant 0.000000e+00 : f32
        %broadcast_in_dim3A_2256 = vector.broadcast %jit3A_2254 : f32 to vector<16xf32>
        %broadcast_in_dim3A_2257 = vector.broadcast %jit3A_2255 : f32 to vector<16xf32>
        %select_n3A_2258 = arith.select %eq3A_2253, %broadcast_in_dim3A_2256, %broadcast_in_dim3A_2257 : vector<16xi1>, vector<16xf32>
        %swap3A_2259 = arith.constant 9 : i32
        %swap3A_2260 = arith.index_cast %swap3A_2259 : i32 to index
        %swap3A_2261 = arith.index_cast %multiple_of3A_2244 : i32 to index
        %swap3A_2262 = tpu.vector_load %arg6[%swap3A_2260, %swap3A_2261] {strides = array<i32>} : memref<32x1000xf32, #tpu.memory_space<vmem>>, vector<1x16xf32>,
        %swap3A_2263 = vector.shape_cast %swap3A_2262 : vector<1x16xf32> to vector<16xf32>
        %swap3A_2264 = vector.shape_cast %select_n3A_2258 : vector<16xf32> to vector<1x16xf32>
        tpu.vector_store %arg6[%swap3A_2260, %swap3A_2261], %swap3A_2264 {strides = array<i32>} : memref<32x1000xf32, #tpu.memory_space<vmem>>, vector<1x16xf32>,
        %slice3A_2265 = vector.extract_strided_slice %min3A_1974 {offsets = [10], sizes = [1], strides = [1]} : vector<16xi32> to vector<1xi32>
        %squeeze3A_2266 = vector.extract %slice3A_2265[0] : i32 from vector<1xi32>
        %slice3A_2267 = vector.extract_strided_slice %get3A_1968 {offsets = [10], sizes = [1], strides = [1]} : vector<16xi32> to vector<1xi32>
        %squeeze3A_2268 = vector.extract %slice3A_2267[0] : i32 from vector<1xi32>
        %shift_right_arithmetic3A_2269 = arith.constant 4 : i32
        %shift_right_arithmetic3A_2270 = arith.shrsi %squeeze3A_2266, %shift_right_arithmetic3A_2269 : i32
        %shift_left3A_2271 = arith.constant 4 : i32
        %shift_left3A_2272 = arith.shli %shift_right_arithmetic3A_2270, %shift_left3A_2271 : i32
        %multiple_of3A_2273 = tpu.assume_multiple %shift_left3A_2272, 16 : i32
        %and3A_2274 = arith.constant 15 : i32
        %and3A_2275 = arith.andi %squeeze3A_2266, %and3A_2274 : i32
        %shift_right_arithmetic3A_2276 = arith.constant 31 : i32
        %shift_right_arithmetic3A_2277 = arith.shrsi %squeeze3A_2268, %shift_right_arithmetic3A_2276 : i32
        %and3A_2278 = arith.constant 16 : i32
        %and3A_2279 = arith.andi %shift_right_arithmetic3A_2277, %and3A_2278 : i32
        %or3A_2280 = arith.ori %and3A_2275, %and3A_2279 : i32
        %eq3A_2281 = vector.broadcast %or3A_2280 : i32 to vector<16xi32>
        %eq3A_2282 = arith.cmpi eq, %iota3A, %eq3A_2281 : vector<16xi32>
        %jit3A_2283 = arith.constant 0.000000e+00 : f32
        %jit3A_2284 = arith.constant 0.000000e+00 : f32
        %broadcast_in_dim3A_2285 = vector.broadcast %jit3A_2283 : f32 to vector<16xf32>
        %broadcast_in_dim3A_2286 = vector.broadcast %jit3A_2284 : f32 to vector<16xf32>
        %select_n3A_2287 = arith.select %eq3A_2282, %broadcast_in_dim3A_2285, %broadcast_in_dim3A_2286 : vector<16xi1>, vector<16xf32>
        %swap3A_2288 = arith.constant 10 : i32
        %swap3A_2289 = arith.index_cast %swap3A_2288 : i32 to index
        %swap3A_2290 = arith.index_cast %multiple_of3A_2273 : i32 to index
        %swap3A_2291 = tpu.vector_load %arg6[%swap3A_2289, %swap3A_2290] {strides = array<i32>} : memref<32x1000xf32, #tpu.memory_space<vmem>>, vector<1x16xf32>,
        %swap3A_2292 = vector.shape_cast %swap3A_2291 : vector<1x16xf32> to vector<16xf32>
        %swap3A_2293 = vector.shape_cast %select_n3A_2287 : vector<16xf32> to vector<1x16xf32>
        tpu.vector_store %arg6[%swap3A_2289, %swap3A_2290], %swap3A_2293 {strides = array<i32>} : memref<32x1000xf32, #tpu.memory_space<vmem>>, vector<1x16xf32>,
        %slice3A_2294 = vector.extract_strided_slice %min3A_1974 {offsets = [11], sizes = [1], strides = [1]} : vector<16xi32> to vector<1xi32>
        %squeeze3A_2295 = vector.extract %slice3A_2294[0] : i32 from vector<1xi32>
        %slice3A_2296 = vector.extract_strided_slice %get3A_1968 {offsets = [11], sizes = [1], strides = [1]} : vector<16xi32> to vector<1xi32>
        %squeeze3A_2297 = vector.extract %slice3A_2296[0] : i32 from vector<1xi32>
        %shift_right_arithmetic3A_2298 = arith.constant 4 : i32
        %shift_right_arithmetic3A_2299 = arith.shrsi %squeeze3A_2295, %shift_right_arithmetic3A_2298 : i32
        %shift_left3A_2300 = arith.constant 4 : i32
        %shift_left3A_2301 = arith.shli %shift_right_arithmetic3A_2299, %shift_left3A_2300 : i32
        %multiple_of3A_2302 = tpu.assume_multiple %shift_left3A_2301, 16 : i32
        %and3A_2303 = arith.constant 15 : i32
        %and3A_2304 = arith.andi %squeeze3A_2295, %and3A_2303 : i32
        %shift_right_arithmetic3A_2305 = arith.constant 31 : i32
        %shift_right_arithmetic3A_2306 = arith.shrsi %squeeze3A_2297, %shift_right_arithmetic3A_2305 : i32
        %and3A_2307 = arith.constant 16 : i32
        %and3A_2308 = arith.andi %shift_right_arithmetic3A_2306, %and3A_2307 : i32
        %or3A_2309 = arith.ori %and3A_2304, %and3A_2308 : i32
        %eq3A_2310 = vector.broadcast %or3A_2309 : i32 to vector<16xi32>
        %eq3A_2311 = arith.cmpi eq, %iota3A, %eq3A_2310 : vector<16xi32>
        %jit3A_2312 = arith.constant 0.000000e+00 : f32
        %jit3A_2313 = arith.constant 0.000000e+00 : f32
        %broadcast_in_dim3A_2314 = vector.broadcast %jit3A_2312 : f32 to vector<16xf32>
        %broadcast_in_dim3A_2315 = vector.broadcast %jit3A_2313 : f32 to vector<16xf32>
        %select_n3A_2316 = arith.select %eq3A_2311, %broadcast_in_dim3A_2314, %broadcast_in_dim3A_2315 : vector<16xi1>, vector<16xf32>
        %swap3A_2317 = arith.constant 11 : i32
        %swap3A_2318 = arith.index_cast %swap3A_2317 : i32 to index
        %swap3A_2319 = arith.index_cast %multiple_of3A_2302 : i32 to index
        %swap3A_2320 = tpu.vector_load %arg6[%swap3A_2318, %swap3A_2319] {strides = array<i32>} : memref<32x1000xf32, #tpu.memory_space<vmem>>, vector<1x16xf32>,
        %swap3A_2321 = vector.shape_cast %swap3A_2320 : vector<1x16xf32> to vector<16xf32>
        %swap3A_2322 = vector.shape_cast %select_n3A_2316 : vector<16xf32> to vector<1x16xf32>
        tpu.vector_store %arg6[%swap3A_2318, %swap3A_2319], %swap3A_2322 {strides = array<i32>} : memref<32x1000xf32, #tpu.memory_space<vmem>>, vector<1x16xf32>,
        %slice3A_2323 = vector.extract_strided_slice %min3A_1974 {offsets = [12], sizes = [1], strides = [1]} : vector<16xi32> to vector<1xi32>
        %squeeze3A_2324 = vector.extract %slice3A_2323[0] : i32 from vector<1xi32>
        %slice3A_2325 = vector.extract_strided_slice %get3A_1968 {offsets = [12], sizes = [1], strides = [1]} : vector<16xi32> to vector<1xi32>
        %squeeze3A_2326 = vector.extract %slice3A_2325[0] : i32 from vector<1xi32>
        %shift_right_arithmetic3A_2327 = arith.constant 4 : i32
        %shift_right_arithmetic3A_2328 = arith.shrsi %squeeze3A_2324, %shift_right_arithmetic3A_2327 : i32
        %shift_left3A_2329 = arith.constant 4 : i32
        %shift_left3A_2330 = arith.shli %shift_right_arithmetic3A_2328, %shift_left3A_2329 : i32
        %multiple_of3A_2331 = tpu.assume_multiple %shift_left3A_2330, 16 : i32
        %and3A_2332 = arith.constant 15 : i32
        %and3A_2333 = arith.andi %squeeze3A_2324, %and3A_2332 : i32
        %shift_right_arithmetic3A_2334 = arith.constant 31 : i32
        %shift_right_arithmetic3A_2335 = arith.shrsi %squeeze3A_2326, %shift_right_arithmetic3A_2334 : i32
        %and3A_2336 = arith.constant 16 : i32
        %and3A_2337 = arith.andi %shift_right_arithmetic3A_2335, %and3A_2336 : i32
        %or3A_2338 = arith.ori %and3A_2333, %and3A_2337 : i32
        %eq3A_2339 = vector.broadcast %or3A_2338 : i32 to vector<16xi32>
        %eq3A_2340 = arith.cmpi eq, %iota3A, %eq3A_2339 : vector<16xi32>
        %jit3A_2341 = arith.constant 0.000000e+00 : f32
        %jit3A_2342 = arith.constant 0.000000e+00 : f32
        %broadcast_in_dim3A_2343 = vector.broadcast %jit3A_2341 : f32 to vector<16xf32>
        %broadcast_in_dim3A_2344 = vector.broadcast %jit3A_2342 : f32 to vector<16xf32>
        %select_n3A_2345 = arith.select %eq3A_2340, %broadcast_in_dim3A_2343, %broadcast_in_dim3A_2344 : vector<16xi1>, vector<16xf32>
        %swap3A_2346 = arith.constant 12 : i32
        %swap3A_2347 = arith.index_cast %swap3A_2346 : i32 to index
        %swap3A_2348 = arith.index_cast %multiple_of3A_2331 : i32 to index
        %swap3A_2349 = tpu.vector_load %arg6[%swap3A_2347, %swap3A_2348] {strides = array<i32>} : memref<32x1000xf32, #tpu.memory_space<vmem>>, vector<1x16xf32>,
        %swap3A_2350 = vector.shape_cast %swap3A_2349 : vector<1x16xf32> to vector<16xf32>
        %swap3A_2351 = vector.shape_cast %select_n3A_2345 : vector<16xf32> to vector<1x16xf32>
        tpu.vector_store %arg6[%swap3A_2347, %swap3A_2348], %swap3A_2351 {strides = array<i32>} : memref<32x1000xf32, #tpu.memory_space<vmem>>, vector<1x16xf32>,
        %slice3A_2352 = vector.extract_strided_slice %min3A_1974 {offsets = [13], sizes = [1], strides = [1]} : vector<16xi32> to vector<1xi32>
        %squeeze3A_2353 = vector.extract %slice3A_2352[0] : i32 from vector<1xi32>
        %slice3A_2354 = vector.extract_strided_slice %get3A_1968 {offsets = [13], sizes = [1], strides = [1]} : vector<16xi32> to vector<1xi32>
        %squeeze3A_2355 = vector.extract %slice3A_2354[0] : i32 from vector<1xi32>
        %shift_right_arithmetic3A_2356 = arith.constant 4 : i32
        %shift_right_arithmetic3A_2357 = arith.shrsi %squeeze3A_2353, %shift_right_arithmetic3A_2356 : i32
        %shift_left3A_2358 = arith.constant 4 : i32
        %shift_left3A_2359 = arith.shli %shift_right_arithmetic3A_2357, %shift_left3A_2358 : i32
        %multiple_of3A_2360 = tpu.assume_multiple %shift_left3A_2359, 16 : i32
        %and3A_2361 = arith.constant 15 : i32
        %and3A_2362 = arith.andi %squeeze3A_2353, %and3A_2361 : i32
        %shift_right_arithmetic3A_2363 = arith.constant 31 : i32
        %shift_right_arithmetic3A_2364 = arith.shrsi %squeeze3A_2355, %shift_right_arithmetic3A_2363 : i32
        %and3A_2365 = arith.constant 16 : i32
        %and3A_2366 = arith.andi %shift_right_arithmetic3A_2364, %and3A_2365 : i32
        %or3A_2367 = arith.ori %and3A_2362, %and3A_2366 : i32
        %eq3A_2368 = vector.broadcast %or3A_2367 : i32 to vector<16xi32>
        %eq3A_2369 = arith.cmpi eq, %iota3A, %eq3A_2368 : vector<16xi32>
        %jit3A_2370 = arith.constant 0.000000e+00 : f32
        %jit3A_2371 = arith.constant 0.000000e+00 : f32
        %broadcast_in_dim3A_2372 = vector.broadcast %jit3A_2370 : f32 to vector<16xf32>
        %broadcast_in_dim3A_2373 = vector.broadcast %jit3A_2371 : f32 to vector<16xf32>
        %select_n3A_2374 = arith.select %eq3A_2369, %broadcast_in_dim3A_2372, %broadcast_in_dim3A_2373 : vector<16xi1>, vector<16xf32>
        %swap3A_2375 = arith.constant 13 : i32
        %swap3A_2376 = arith.index_cast %swap3A_2375 : i32 to index
        %swap3A_2377 = arith.index_cast %multiple_of3A_2360 : i32 to index
        %swap3A_2378 = tpu.vector_load %arg6[%swap3A_2376, %swap3A_2377] {strides = array<i32>} : memref<32x1000xf32, #tpu.memory_space<vmem>>, vector<1x16xf32>,
        %swap3A_2379 = vector.shape_cast %swap3A_2378 : vector<1x16xf32> to vector<16xf32>
        %swap3A_2380 = vector.shape_cast %select_n3A_2374 : vector<16xf32> to vector<1x16xf32>
        tpu.vector_store %arg6[%swap3A_2376, %swap3A_2377], %swap3A_2380 {strides = array<i32>} : memref<32x1000xf32, #tpu.memory_space<vmem>>, vector<1x16xf32>,
        %slice3A_2381 = vector.extract_strided_slice %min3A_1974 {offsets = [14], sizes = [1], strides = [1]} : vector<16xi32> to vector<1xi32>
        %squeeze3A_2382 = vector.extract %slice3A_2381[0] : i32 from vector<1xi32>
        %slice3A_2383 = vector.extract_strided_slice %get3A_1968 {offsets = [14], sizes = [1], strides = [1]} : vector<16xi32> to vector<1xi32>
        %squeeze3A_2384 = vector.extract %slice3A_2383[0] : i32 from vector<1xi32>
        %shift_right_arithmetic3A_2385 = arith.constant 4 : i32
        %shift_right_arithmetic3A_2386 = arith.shrsi %squeeze3A_2382, %shift_right_arithmetic3A_2385 : i32
        %shift_left3A_2387 = arith.constant 4 : i32
        %shift_left3A_2388 = arith.shli %shift_right_arithmetic3A_2386, %shift_left3A_2387 : i32
        %multiple_of3A_2389 = tpu.assume_multiple %shift_left3A_2388, 16 : i32
        %and3A_2390 = arith.constant 15 : i32
        %and3A_2391 = arith.andi %squeeze3A_2382, %and3A_2390 : i32
        %shift_right_arithmetic3A_2392 = arith.constant 31 : i32
        %shift_right_arithmetic3A_2393 = arith.shrsi %squeeze3A_2384, %shift_right_arithmetic3A_2392 : i32
        %and3A_2394 = arith.constant 16 : i32
        %and3A_2395 = arith.andi %shift_right_arithmetic3A_2393, %and3A_2394 : i32
        %or3A_2396 = arith.ori %and3A_2391, %and3A_2395 : i32
        %eq3A_2397 = vector.broadcast %or3A_2396 : i32 to vector<16xi32>
        %eq3A_2398 = arith.cmpi eq, %iota3A, %eq3A_2397 : vector<16xi32>
        %jit3A_2399 = arith.constant 0.000000e+00 : f32
        %jit3A_2400 = arith.constant 0.000000e+00 : f32
        %broadcast_in_dim3A_2401 = vector.broadcast %jit3A_2399 : f32 to vector<16xf32>
        %broadcast_in_dim3A_2402 = vector.broadcast %jit3A_2400 : f32 to vector<16xf32>
        %select_n3A_2403 = arith.select %eq3A_2398, %broadcast_in_dim3A_2401, %broadcast_in_dim3A_2402 : vector<16xi1>, vector<16xf32>
        %swap3A_2404 = arith.constant 14 : i32
        %swap3A_2405 = arith.index_cast %swap3A_2404 : i32 to index
        %swap3A_2406 = arith.index_cast %multiple_of3A_2389 : i32 to index
        %swap3A_2407 = tpu.vector_load %arg6[%swap3A_2405, %swap3A_2406] {strides = array<i32>} : memref<32x1000xf32, #tpu.memory_space<vmem>>, vector<1x16xf32>,
        %swap3A_2408 = vector.shape_cast %swap3A_2407 : vector<1x16xf32> to vector<16xf32>
        %swap3A_2409 = vector.shape_cast %select_n3A_2403 : vector<16xf32> to vector<1x16xf32>
        tpu.vector_store %arg6[%swap3A_2405, %swap3A_2406], %swap3A_2409 {strides = array<i32>} : memref<32x1000xf32, #tpu.memory_space<vmem>>, vector<1x16xf32>,
        %slice3A_2410 = vector.extract_strided_slice %min3A_1974 {offsets = [15], sizes = [1], strides = [1]} : vector<16xi32> to vector<1xi32>
        %squeeze3A_2411 = vector.extract %slice3A_2410[0] : i32 from vector<1xi32>
        %slice3A_2412 = vector.extract_strided_slice %get3A_1968 {offsets = [15], sizes = [1], strides = [1]} : vector<16xi32> to vector<1xi32>
        %squeeze3A_2413 = vector.extract %slice3A_2412[0] : i32 from vector<1xi32>
        %shift_right_arithmetic3A_2414 = arith.constant 4 : i32
        %shift_right_arithmetic3A_2415 = arith.shrsi %squeeze3A_2411, %shift_right_arithmetic3A_2414 : i32
        %shift_left3A_2416 = arith.constant 4 : i32
        %shift_left3A_2417 = arith.shli %shift_right_arithmetic3A_2415, %shift_left3A_2416 : i32
        %multiple_of3A_2418 = tpu.assume_multiple %shift_left3A_2417, 16 : i32
        %and3A_2419 = arith.constant 15 : i32
        %and3A_2420 = arith.andi %squeeze3A_2411, %and3A_2419 : i32
        %shift_right_arithmetic3A_2421 = arith.constant 31 : i32
        %shift_right_arithmetic3A_2422 = arith.shrsi %squeeze3A_2413, %shift_right_arithmetic3A_2421 : i32
        %and3A_2423 = arith.constant 16 : i32
        %and3A_2424 = arith.andi %shift_right_arithmetic3A_2422, %and3A_2423 : i32
        %or3A_2425 = arith.ori %and3A_2420, %and3A_2424 : i32
        %eq3A_2426 = vector.broadcast %or3A_2425 : i32 to vector<16xi32>
        %eq3A_2427 = arith.cmpi eq, %iota3A, %eq3A_2426 : vector<16xi32>
        %jit3A_2428 = arith.constant 0.000000e+00 : f32
        %jit3A_2429 = arith.constant 0.000000e+00 : f32
        %broadcast_in_dim3A_2430 = vector.broadcast %jit3A_2428 : f32 to vector<16xf32>
        %broadcast_in_dim3A_2431 = vector.broadcast %jit3A_2429 : f32 to vector<16xf32>
        %select_n3A_2432 = arith.select %eq3A_2427, %broadcast_in_dim3A_2430, %broadcast_in_dim3A_2431 : vector<16xi1>, vector<16xf32>
        %swap3A_2433 = arith.constant 15 : i32
        %swap3A_2434 = arith.index_cast %swap3A_2433 : i32 to index
        %swap3A_2435 = arith.index_cast %multiple_of3A_2418 : i32 to index
        %swap3A_2436 = tpu.vector_load %arg6[%swap3A_2434, %swap3A_2435] {strides = array<i32>} : memref<32x1000xf32, #tpu.memory_space<vmem>>, vector<1x16xf32>,
        %swap3A_2437 = vector.shape_cast %swap3A_2436 : vector<1x16xf32> to vector<16xf32>
        %swap3A_2438 = vector.shape_cast %select_n3A_2432 : vector<16xf32> to vector<1x16xf32>
        tpu.vector_store %arg6[%swap3A_2434, %swap3A_2435], %swap3A_2438 {strides = array<i32>} : memref<32x1000xf32, #tpu.memory_space<vmem>>, vector<1x16xf32>,
        %mul3A_2439 = arith.constant 32 : i32
        %mul3A_2440 = arith.muli %sub3A_1961, %mul3A_2439 : i32
        %add3A_2441 = arith.constant 16 : i32
        %add3A_2442 = arith.addi %mul3A_2440, %add3A_2441 : i32
        %get3A_2443 = arith.index_cast %add3A_2442 : i32 to index
        %get3A_2444 = tpu.vector_load %arg4[%get3A_2443] {strides = array<i32>} : memref<1600xi32, #tpu.memory_space<vmem>>, vector<16xi32>,
        %get3A_2445 = vector.shape_cast %get3A_2444 : vector<16xi32> to vector<16xi32>
        %jit3A_2446 = arith.constant 0 : i32
        %jit3A_2447 = arith.constant 999 : i32
        %max3A_2448 = vector.broadcast %jit3A_2446 : i32 to vector<16xi32>
        %max3A_2449 = arith.maxsi %max3A_2448, %get3A_2445 : vector<16xi32>
        %min3A_2450 = vector.broadcast %jit3A_2447 : i32 to vector<16xi32>
        %min3A_2451 = arith.minsi %min3A_2450, %max3A_2449 : vector<16xi32>
        %slice3A_2452 = vector.extract_strided_slice %min3A_2451 {offsets = [0], sizes = [1], strides = [1]} : vector<16xi32> to vector<1xi32>
        %squeeze3A_2453 = vector.extract %slice3A_2452[0] : i32 from vector<1xi32>
        %slice3A_2454 = vector.extract_strided_slice %get3A_2445 {offsets = [0], sizes = [1], strides = [1]} : vector<16xi32> to vector<1xi32>
        %squeeze3A_2455 = vector.extract %slice3A_2454[0] : i32 from vector<1xi32>
        %shift_right_arithmetic3A_2456 = arith.constant 4 : i32
        %shift_right_arithmetic3A_2457 = arith.shrsi %squeeze3A_2453, %shift_right_arithmetic3A_2456 : i32
        %shift_left3A_2458 = arith.constant 4 : i32
        %shift_left3A_2459 = arith.shli %shift_right_arithmetic3A_2457, %shift_left3A_2458 : i32
        %multiple_of3A_2460 = tpu.assume_multiple %shift_left3A_2459, 16 : i32
        %and3A_2461 = arith.constant 15 : i32
        %and3A_2462 = arith.andi %squeeze3A_2453, %and3A_2461 : i32
        %shift_right_arithmetic3A_2463 = arith.constant 31 : i32
        %shift_right_arithmetic3A_2464 = arith.shrsi %squeeze3A_2455, %shift_right_arithmetic3A_2463 : i32
        %and3A_2465 = arith.constant 16 : i32
        %and3A_2466 = arith.andi %shift_right_arithmetic3A_2464, %and3A_2465 : i32
        %or3A_2467 = arith.ori %and3A_2462, %and3A_2466 : i32
        %eq3A_2468 = vector.broadcast %or3A_2467 : i32 to vector<16xi32>
        %eq3A_2469 = arith.cmpi eq, %iota3A, %eq3A_2468 : vector<16xi32>
        %jit3A_2470 = arith.constant 0.000000e+00 : f32
        %jit3A_2471 = arith.constant 0.000000e+00 : f32
        %broadcast_in_dim3A_2472 = vector.broadcast %jit3A_2470 : f32 to vector<16xf32>
        %broadcast_in_dim3A_2473 = vector.broadcast %jit3A_2471 : f32 to vector<16xf32>
        %select_n3A_2474 = arith.select %eq3A_2469, %broadcast_in_dim3A_2472, %broadcast_in_dim3A_2473 : vector<16xi1>, vector<16xf32>
        %swap3A_2475 = arith.constant 16 : i32
        %swap3A_2476 = arith.index_cast %swap3A_2475 : i32 to index
        %swap3A_2477 = arith.index_cast %multiple_of3A_2460 : i32 to index
        %swap3A_2478 = tpu.vector_load %arg6[%swap3A_2476, %swap3A_2477] {strides = array<i32>} : memref<32x1000xf32, #tpu.memory_space<vmem>>, vector<1x16xf32>,
        %swap3A_2479 = vector.shape_cast %swap3A_2478 : vector<1x16xf32> to vector<16xf32>
        %swap3A_2480 = vector.shape_cast %select_n3A_2474 : vector<16xf32> to vector<1x16xf32>
        tpu.vector_store %arg6[%swap3A_2476, %swap3A_2477], %swap3A_2480 {strides = array<i32>} : memref<32x1000xf32, #tpu.memory_space<vmem>>, vector<1x16xf32>,
        %slice3A_2481 = vector.extract_strided_slice %min3A_2451 {offsets = [1], sizes = [1], strides = [1]} : vector<16xi32> to vector<1xi32>
        %squeeze3A_2482 = vector.extract %slice3A_2481[0] : i32 from vector<1xi32>
        %slice3A_2483 = vector.extract_strided_slice %get3A_2445 {offsets = [1], sizes = [1], strides = [1]} : vector<16xi32> to vector<1xi32>
        %squeeze3A_2484 = vector.extract %slice3A_2483[0] : i32 from vector<1xi32>
        %shift_right_arithmetic3A_2485 = arith.constant 4 : i32
        %shift_right_arithmetic3A_2486 = arith.shrsi %squeeze3A_2482, %shift_right_arithmetic3A_2485 : i32
        %shift_left3A_2487 = arith.constant 4 : i32
        %shift_left3A_2488 = arith.shli %shift_right_arithmetic3A_2486, %shift_left3A_2487 : i32
        %multiple_of3A_2489 = tpu.assume_multiple %shift_left3A_2488, 16 : i32
        %and3A_2490 = arith.constant 15 : i32
        %and3A_2491 = arith.andi %squeeze3A_2482, %and3A_2490 : i32
        %shift_right_arithmetic3A_2492 = arith.constant 31 : i32
        %shift_right_arithmetic3A_2493 = arith.shrsi %squeeze3A_2484, %shift_right_arithmetic3A_2492 : i32
        %and3A_2494 = arith.constant 16 : i32
        %and3A_2495 = arith.andi %shift_right_arithmetic3A_2493, %and3A_2494 : i32
        %or3A_2496 = arith.ori %and3A_2491, %and3A_2495 : i32
        %eq3A_2497 = vector.broadcast %or3A_2496 : i32 to vector<16xi32>
        %eq3A_2498 = arith.cmpi eq, %iota3A, %eq3A_2497 : vector<16xi32>
        %jit3A_2499 = arith.constant 0.000000e+00 : f32
        %jit3A_2500 = arith.constant 0.000000e+00 : f32
        %broadcast_in_dim3A_2501 = vector.broadcast %jit3A_2499 : f32 to vector<16xf32>
        %broadcast_in_dim3A_2502 = vector.broadcast %jit3A_2500 : f32 to vector<16xf32>
        %select_n3A_2503 = arith.select %eq3A_2498, %broadcast_in_dim3A_2501, %broadcast_in_dim3A_2502 : vector<16xi1>, vector<16xf32>
        %swap3A_2504 = arith.constant 17 : i32
        %swap3A_2505 = arith.index_cast %swap3A_2504 : i32 to index
        %swap3A_2506 = arith.index_cast %multiple_of3A_2489 : i32 to index
        %swap3A_2507 = tpu.vector_load %arg6[%swap3A_2505, %swap3A_2506] {strides = array<i32>} : memref<32x1000xf32, #tpu.memory_space<vmem>>, vector<1x16xf32>,
        %swap3A_2508 = vector.shape_cast %swap3A_2507 : vector<1x16xf32> to vector<16xf32>
        %swap3A_2509 = vector.shape_cast %select_n3A_2503 : vector<16xf32> to vector<1x16xf32>
        tpu.vector_store %arg6[%swap3A_2505, %swap3A_2506], %swap3A_2509 {strides = array<i32>} : memref<32x1000xf32, #tpu.memory_space<vmem>>, vector<1x16xf32>,
        %slice3A_2510 = vector.extract_strided_slice %min3A_2451 {offsets = [2], sizes = [1], strides = [1]} : vector<16xi32> to vector<1xi32>
        %squeeze3A_2511 = vector.extract %slice3A_2510[0] : i32 from vector<1xi32>
        %slice3A_2512 = vector.extract_strided_slice %get3A_2445 {offsets = [2], sizes = [1], strides = [1]} : vector<16xi32> to vector<1xi32>
        %squeeze3A_2513 = vector.extract %slice3A_2512[0] : i32 from vector<1xi32>
        %shift_right_arithmetic3A_2514 = arith.constant 4 : i32
        %shift_right_arithmetic3A_2515 = arith.shrsi %squeeze3A_2511, %shift_right_arithmetic3A_2514 : i32
        %shift_left3A_2516 = arith.constant 4 : i32
        %shift_left3A_2517 = arith.shli %shift_right_arithmetic3A_2515, %shift_left3A_2516 : i32
        %multiple_of3A_2518 = tpu.assume_multiple %shift_left3A_2517, 16 : i32
        %and3A_2519 = arith.constant 15 : i32
        %and3A_2520 = arith.andi %squeeze3A_2511, %and3A_2519 : i32
        %shift_right_arithmetic3A_2521 = arith.constant 31 : i32
        %shift_right_arithmetic3A_2522 = arith.shrsi %squeeze3A_2513, %shift_right_arithmetic3A_2521 : i32
        %and3A_2523 = arith.constant 16 : i32
        %and3A_2524 = arith.andi %shift_right_arithmetic3A_2522, %and3A_2523 : i32
        %or3A_2525 = arith.ori %and3A_2520, %and3A_2524 : i32
        %eq3A_2526 = vector.broadcast %or3A_2525 : i32 to vector<16xi32>
        %eq3A_2527 = arith.cmpi eq, %iota3A, %eq3A_2526 : vector<16xi32>
        %jit3A_2528 = arith.constant 0.000000e+00 : f32
        %jit3A_2529 = arith.constant 0.000000e+00 : f32
        %broadcast_in_dim3A_2530 = vector.broadcast %jit3A_2528 : f32 to vector<16xf32>
        %broadcast_in_dim3A_2531 = vector.broadcast %jit3A_2529 : f32 to vector<16xf32>
        %select_n3A_2532 = arith.select %eq3A_2527, %broadcast_in_dim3A_2530, %broadcast_in_dim3A_2531 : vector<16xi1>, vector<16xf32>
        %swap3A_2533 = arith.constant 18 : i32
        %swap3A_2534 = arith.index_cast %swap3A_2533 : i32 to index
        %swap3A_2535 = arith.index_cast %multiple_of3A_2518 : i32 to index
        %swap3A_2536 = tpu.vector_load %arg6[%swap3A_2534, %swap3A_2535] {strides = array<i32>} : memref<32x1000xf32, #tpu.memory_space<vmem>>, vector<1x16xf32>,
        %swap3A_2537 = vector.shape_cast %swap3A_2536 : vector<1x16xf32> to vector<16xf32>
        %swap3A_2538 = vector.shape_cast %select_n3A_2532 : vector<16xf32> to vector<1x16xf32>
        tpu.vector_store %arg6[%swap3A_2534, %swap3A_2535], %swap3A_2538 {strides = array<i32>} : memref<32x1000xf32, #tpu.memory_space<vmem>>, vector<1x16xf32>,
        %slice3A_2539 = vector.extract_strided_slice %min3A_2451 {offsets = [3], sizes = [1], strides = [1]} : vector<16xi32> to vector<1xi32>
        %squeeze3A_2540 = vector.extract %slice3A_2539[0] : i32 from vector<1xi32>
        %slice3A_2541 = vector.extract_strided_slice %get3A_2445 {offsets = [3], sizes = [1], strides = [1]} : vector<16xi32> to vector<1xi32>
        %squeeze3A_2542 = vector.extract %slice3A_2541[0] : i32 from vector<1xi32>
        %shift_right_arithmetic3A_2543 = arith.constant 4 : i32
        %shift_right_arithmetic3A_2544 = arith.shrsi %squeeze3A_2540, %shift_right_arithmetic3A_2543 : i32
        %shift_left3A_2545 = arith.constant 4 : i32
        %shift_left3A_2546 = arith.shli %shift_right_arithmetic3A_2544, %shift_left3A_2545 : i32
        %multiple_of3A_2547 = tpu.assume_multiple %shift_left3A_2546, 16 : i32
        %and3A_2548 = arith.constant 15 : i32
        %and3A_2549 = arith.andi %squeeze3A_2540, %and3A_2548 : i32
        %shift_right_arithmetic3A_2550 = arith.constant 31 : i32
        %shift_right_arithmetic3A_2551 = arith.shrsi %squeeze3A_2542, %shift_right_arithmetic3A_2550 : i32
        %and3A_2552 = arith.constant 16 : i32
        %and3A_2553 = arith.andi %shift_right_arithmetic3A_2551, %and3A_2552 : i32
        %or3A_2554 = arith.ori %and3A_2549, %and3A_2553 : i32
        %eq3A_2555 = vector.broadcast %or3A_2554 : i32 to vector<16xi32>
        %eq3A_2556 = arith.cmpi eq, %iota3A, %eq3A_2555 : vector<16xi32>
        %jit3A_2557 = arith.constant 0.000000e+00 : f32
        %jit3A_2558 = arith.constant 0.000000e+00 : f32
        %broadcast_in_dim3A_2559 = vector.broadcast %jit3A_2557 : f32 to vector<16xf32>
        %broadcast_in_dim3A_2560 = vector.broadcast %jit3A_2558 : f32 to vector<16xf32>
        %select_n3A_2561 = arith.select %eq3A_2556, %broadcast_in_dim3A_2559, %broadcast_in_dim3A_2560 : vector<16xi1>, vector<16xf32>
        %swap3A_2562 = arith.constant 19 : i32
        %swap3A_2563 = arith.index_cast %swap3A_2562 : i32 to index
        %swap3A_2564 = arith.index_cast %multiple_of3A_2547 : i32 to index
        %swap3A_2565 = tpu.vector_load %arg6[%swap3A_2563, %swap3A_2564] {strides = array<i32>} : memref<32x1000xf32, #tpu.memory_space<vmem>>, vector<1x16xf32>,
        %swap3A_2566 = vector.shape_cast %swap3A_2565 : vector<1x16xf32> to vector<16xf32>
        %swap3A_2567 = vector.shape_cast %select_n3A_2561 : vector<16xf32> to vector<1x16xf32>
        tpu.vector_store %arg6[%swap3A_2563, %swap3A_2564], %swap3A_2567 {strides = array<i32>} : memref<32x1000xf32, #tpu.memory_space<vmem>>, vector<1x16xf32>,
        %slice3A_2568 = vector.extract_strided_slice %min3A_2451 {offsets = [4], sizes = [1], strides = [1]} : vector<16xi32> to vector<1xi32>
        %squeeze3A_2569 = vector.extract %slice3A_2568[0] : i32 from vector<1xi32>
        %slice3A_2570 = vector.extract_strided_slice %get3A_2445 {offsets = [4], sizes = [1], strides = [1]} : vector<16xi32> to vector<1xi32>
        %squeeze3A_2571 = vector.extract %slice3A_2570[0] : i32 from vector<1xi32>
        %shift_right_arithmetic3A_2572 = arith.constant 4 : i32
        %shift_right_arithmetic3A_2573 = arith.shrsi %squeeze3A_2569, %shift_right_arithmetic3A_2572 : i32
        %shift_left3A_2574 = arith.constant 4 : i32
        %shift_left3A_2575 = arith.shli %shift_right_arithmetic3A_2573, %shift_left3A_2574 : i32
        %multiple_of3A_2576 = tpu.assume_multiple %shift_left3A_2575, 16 : i32
        %and3A_2577 = arith.constant 15 : i32
        %and3A_2578 = arith.andi %squeeze3A_2569, %and3A_2577 : i32
        %shift_right_arithmetic3A_2579 = arith.constant 31 : i32
        %shift_right_arithmetic3A_2580 = arith.shrsi %squeeze3A_2571, %shift_right_arithmetic3A_2579 : i32
        %and3A_2581 = arith.constant 16 : i32
        %and3A_2582 = arith.andi %shift_right_arithmetic3A_2580, %and3A_2581 : i32
        %or3A_2583 = arith.ori %and3A_2578, %and3A_2582 : i32
        %eq3A_2584 = vector.broadcast %or3A_2583 : i32 to vector<16xi32>
        %eq3A_2585 = arith.cmpi eq, %iota3A, %eq3A_2584 : vector<16xi32>
        %jit3A_2586 = arith.constant 0.000000e+00 : f32
        %jit3A_2587 = arith.constant 0.000000e+00 : f32
        %broadcast_in_dim3A_2588 = vector.broadcast %jit3A_2586 : f32 to vector<16xf32>
        %broadcast_in_dim3A_2589 = vector.broadcast %jit3A_2587 : f32 to vector<16xf32>
        %select_n3A_2590 = arith.select %eq3A_2585, %broadcast_in_dim3A_2588, %broadcast_in_dim3A_2589 : vector<16xi1>, vector<16xf32>
        %swap3A_2591 = arith.constant 20 : i32
        %swap3A_2592 = arith.index_cast %swap3A_2591 : i32 to index
        %swap3A_2593 = arith.index_cast %multiple_of3A_2576 : i32 to index
        %swap3A_2594 = tpu.vector_load %arg6[%swap3A_2592, %swap3A_2593] {strides = array<i32>} : memref<32x1000xf32, #tpu.memory_space<vmem>>, vector<1x16xf32>,
        %swap3A_2595 = vector.shape_cast %swap3A_2594 : vector<1x16xf32> to vector<16xf32>
        %swap3A_2596 = vector.shape_cast %select_n3A_2590 : vector<16xf32> to vector<1x16xf32>
        tpu.vector_store %arg6[%swap3A_2592, %swap3A_2593], %swap3A_2596 {strides = array<i32>} : memref<32x1000xf32, #tpu.memory_space<vmem>>, vector<1x16xf32>,
        %slice3A_2597 = vector.extract_strided_slice %min3A_2451 {offsets = [5], sizes = [1], strides = [1]} : vector<16xi32> to vector<1xi32>
        %squeeze3A_2598 = vector.extract %slice3A_2597[0] : i32 from vector<1xi32>
        %slice3A_2599 = vector.extract_strided_slice %get3A_2445 {offsets = [5], sizes = [1], strides = [1]} : vector<16xi32> to vector<1xi32>
        %squeeze3A_2600 = vector.extract %slice3A_2599[0] : i32 from vector<1xi32>
        %shift_right_arithmetic3A_2601 = arith.constant 4 : i32
        %shift_right_arithmetic3A_2602 = arith.shrsi %squeeze3A_2598, %shift_right_arithmetic3A_2601 : i32
        %shift_left3A_2603 = arith.constant 4 : i32
        %shift_left3A_2604 = arith.shli %shift_right_arithmetic3A_2602, %shift_left3A_2603 : i32
        %multiple_of3A_2605 = tpu.assume_multiple %shift_left3A_2604, 16 : i32
        %and3A_2606 = arith.constant 15 : i32
        %and3A_2607 = arith.andi %squeeze3A_2598, %and3A_2606 : i32
        %shift_right_arithmetic3A_2608 = arith.constant 31 : i32
        %shift_right_arithmetic3A_2609 = arith.shrsi %squeeze3A_2600, %shift_right_arithmetic3A_2608 : i32
        %and3A_2610 = arith.constant 16 : i32
        %and3A_2611 = arith.andi %shift_right_arithmetic3A_2609, %and3A_2610 : i32
        %or3A_2612 = arith.ori %and3A_2607, %and3A_2611 : i32
        %eq3A_2613 = vector.broadcast %or3A_2612 : i32 to vector<16xi32>
        %eq3A_2614 = arith.cmpi eq, %iota3A, %eq3A_2613 : vector<16xi32>
        %jit3A_2615 = arith.constant 0.000000e+00 : f32
        %jit3A_2616 = arith.constant 0.000000e+00 : f32
        %broadcast_in_dim3A_2617 = vector.broadcast %jit3A_2615 : f32 to vector<16xf32>
        %broadcast_in_dim3A_2618 = vector.broadcast %jit3A_2616 : f32 to vector<16xf32>
        %select_n3A_2619 = arith.select %eq3A_2614, %broadcast_in_dim3A_2617, %broadcast_in_dim3A_2618 : vector<16xi1>, vector<16xf32>
        %swap3A_2620 = arith.constant 21 : i32
        %swap3A_2621 = arith.index_cast %swap3A_2620 : i32 to index
        %swap3A_2622 = arith.index_cast %multiple_of3A_2605 : i32 to index
        %swap3A_2623 = tpu.vector_load %arg6[%swap3A_2621, %swap3A_2622] {strides = array<i32>} : memref<32x1000xf32, #tpu.memory_space<vmem>>, vector<1x16xf32>,
        %swap3A_2624 = vector.shape_cast %swap3A_2623 : vector<1x16xf32> to vector<16xf32>
        %swap3A_2625 = vector.shape_cast %select_n3A_2619 : vector<16xf32> to vector<1x16xf32>
        tpu.vector_store %arg6[%swap3A_2621, %swap3A_2622], %swap3A_2625 {strides = array<i32>} : memref<32x1000xf32, #tpu.memory_space<vmem>>, vector<1x16xf32>,
        %slice3A_2626 = vector.extract_strided_slice %min3A_2451 {offsets = [6], sizes = [1], strides = [1]} : vector<16xi32> to vector<1xi32>
        %squeeze3A_2627 = vector.extract %slice3A_2626[0] : i32 from vector<1xi32>
        %slice3A_2628 = vector.extract_strided_slice %get3A_2445 {offsets = [6], sizes = [1], strides = [1]} : vector<16xi32> to vector<1xi32>
        %squeeze3A_2629 = vector.extract %slice3A_2628[0] : i32 from vector<1xi32>
        %shift_right_arithmetic3A_2630 = arith.constant 4 : i32
        %shift_right_arithmetic3A_2631 = arith.shrsi %squeeze3A_2627, %shift_right_arithmetic3A_2630 : i32
        %shift_left3A_2632 = arith.constant 4 : i32
        %shift_left3A_2633 = arith.shli %shift_right_arithmetic3A_2631, %shift_left3A_2632 : i32
        %multiple_of3A_2634 = tpu.assume_multiple %shift_left3A_2633, 16 : i32
        %and3A_2635 = arith.constant 15 : i32
        %and3A_2636 = arith.andi %squeeze3A_2627, %and3A_2635 : i32
        %shift_right_arithmetic3A_2637 = arith.constant 31 : i32
        %shift_right_arithmetic3A_2638 = arith.shrsi %squeeze3A_2629, %shift_right_arithmetic3A_2637 : i32
        %and3A_2639 = arith.constant 16 : i32
        %and3A_2640 = arith.andi %shift_right_arithmetic3A_2638, %and3A_2639 : i32
        %or3A_2641 = arith.ori %and3A_2636, %and3A_2640 : i32
        %eq3A_2642 = vector.broadcast %or3A_2641 : i32 to vector<16xi32>
        %eq3A_2643 = arith.cmpi eq, %iota3A, %eq3A_2642 : vector<16xi32>
        %jit3A_2644 = arith.constant 0.000000e+00 : f32
        %jit3A_2645 = arith.constant 0.000000e+00 : f32
        %broadcast_in_dim3A_2646 = vector.broadcast %jit3A_2644 : f32 to vector<16xf32>
        %broadcast_in_dim3A_2647 = vector.broadcast %jit3A_2645 : f32 to vector<16xf32>
        %select_n3A_2648 = arith.select %eq3A_2643, %broadcast_in_dim3A_2646, %broadcast_in_dim3A_2647 : vector<16xi1>, vector<16xf32>
        %swap3A_2649 = arith.constant 22 : i32
        %swap3A_2650 = arith.index_cast %swap3A_2649 : i32 to index
        %swap3A_2651 = arith.index_cast %multiple_of3A_2634 : i32 to index
        %swap3A_2652 = tpu.vector_load %arg6[%swap3A_2650, %swap3A_2651] {strides = array<i32>} : memref<32x1000xf32, #tpu.memory_space<vmem>>, vector<1x16xf32>,
        %swap3A_2653 = vector.shape_cast %swap3A_2652 : vector<1x16xf32> to vector<16xf32>
        %swap3A_2654 = vector.shape_cast %select_n3A_2648 : vector<16xf32> to vector<1x16xf32>
        tpu.vector_store %arg6[%swap3A_2650, %swap3A_2651], %swap3A_2654 {strides = array<i32>} : memref<32x1000xf32, #tpu.memory_space<vmem>>, vector<1x16xf32>,
        %slice3A_2655 = vector.extract_strided_slice %min3A_2451 {offsets = [7], sizes = [1], strides = [1]} : vector<16xi32> to vector<1xi32>
        %squeeze3A_2656 = vector.extract %slice3A_2655[0] : i32 from vector<1xi32>
        %slice3A_2657 = vector.extract_strided_slice %get3A_2445 {offsets = [7], sizes = [1], strides = [1]} : vector<16xi32> to vector<1xi32>
        %squeeze3A_2658 = vector.extract %slice3A_2657[0] : i32 from vector<1xi32>
        %shift_right_arithmetic3A_2659 = arith.constant 4 : i32
        %shift_right_arithmetic3A_2660 = arith.shrsi %squeeze3A_2656, %shift_right_arithmetic3A_2659 : i32
        %shift_left3A_2661 = arith.constant 4 : i32
        %shift_left3A_2662 = arith.shli %shift_right_arithmetic3A_2660, %shift_left3A_2661 : i32
        %multiple_of3A_2663 = tpu.assume_multiple %shift_left3A_2662, 16 : i32
        %and3A_2664 = arith.constant 15 : i32
        %and3A_2665 = arith.andi %squeeze3A_2656, %and3A_2664 : i32
        %shift_right_arithmetic3A_2666 = arith.constant 31 : i32
        %shift_right_arithmetic3A_2667 = arith.shrsi %squeeze3A_2658, %shift_right_arithmetic3A_2666 : i32
        %and3A_2668 = arith.constant 16 : i32
        %and3A_2669 = arith.andi %shift_right_arithmetic3A_2667, %and3A_2668 : i32
        %or3A_2670 = arith.ori %and3A_2665, %and3A_2669 : i32
        %eq3A_2671 = vector.broadcast %or3A_2670 : i32 to vector<16xi32>
        %eq3A_2672 = arith.cmpi eq, %iota3A, %eq3A_2671 : vector<16xi32>
        %jit3A_2673 = arith.constant 0.000000e+00 : f32
        %jit3A_2674 = arith.constant 0.000000e+00 : f32
        %broadcast_in_dim3A_2675 = vector.broadcast %jit3A_2673 : f32 to vector<16xf32>
        %broadcast_in_dim3A_2676 = vector.broadcast %jit3A_2674 : f32 to vector<16xf32>
        %select_n3A_2677 = arith.select %eq3A_2672, %broadcast_in_dim3A_2675, %broadcast_in_dim3A_2676 : vector<16xi1>, vector<16xf32>
        %swap3A_2678 = arith.constant 23 : i32
        %swap3A_2679 = arith.index_cast %swap3A_2678 : i32 to index
        %swap3A_2680 = arith.index_cast %multiple_of3A_2663 : i32 to index
        %swap3A_2681 = tpu.vector_load %arg6[%swap3A_2679, %swap3A_2680] {strides = array<i32>} : memref<32x1000xf32, #tpu.memory_space<vmem>>, vector<1x16xf32>,
        %swap3A_2682 = vector.shape_cast %swap3A_2681 : vector<1x16xf32> to vector<16xf32>
        %swap3A_2683 = vector.shape_cast %select_n3A_2677 : vector<16xf32> to vector<1x16xf32>
        tpu.vector_store %arg6[%swap3A_2679, %swap3A_2680], %swap3A_2683 {strides = array<i32>} : memref<32x1000xf32, #tpu.memory_space<vmem>>, vector<1x16xf32>,
        %slice3A_2684 = vector.extract_strided_slice %min3A_2451 {offsets = [8], sizes = [1], strides = [1]} : vector<16xi32> to vector<1xi32>
        %squeeze3A_2685 = vector.extract %slice3A_2684[0] : i32 from vector<1xi32>
        %slice3A_2686 = vector.extract_strided_slice %get3A_2445 {offsets = [8], sizes = [1], strides = [1]} : vector<16xi32> to vector<1xi32>
        %squeeze3A_2687 = vector.extract %slice3A_2686[0] : i32 from vector<1xi32>
        %shift_right_arithmetic3A_2688 = arith.constant 4 : i32
        %shift_right_arithmetic3A_2689 = arith.shrsi %squeeze3A_2685, %shift_right_arithmetic3A_2688 : i32
        %shift_left3A_2690 = arith.constant 4 : i32
        %shift_left3A_2691 = arith.shli %shift_right_arithmetic3A_2689, %shift_left3A_2690 : i32
        %multiple_of3A_2692 = tpu.assume_multiple %shift_left3A_2691, 16 : i32
        %and3A_2693 = arith.constant 15 : i32
        %and3A_2694 = arith.andi %squeeze3A_2685, %and3A_2693 : i32
        %shift_right_arithmetic3A_2695 = arith.constant 31 : i32
        %shift_right_arithmetic3A_2696 = arith.shrsi %squeeze3A_2687, %shift_right_arithmetic3A_2695 : i32
        %and3A_2697 = arith.constant 16 : i32
        %and3A_2698 = arith.andi %shift_right_arithmetic3A_2696, %and3A_2697 : i32
        %or3A_2699 = arith.ori %and3A_2694, %and3A_2698 : i32
        %eq3A_2700 = vector.broadcast %or3A_2699 : i32 to vector<16xi32>
        %eq3A_2701 = arith.cmpi eq, %iota3A, %eq3A_2700 : vector<16xi32>
        %jit3A_2702 = arith.constant 0.000000e+00 : f32
        %jit3A_2703 = arith.constant 0.000000e+00 : f32
        %broadcast_in_dim3A_2704 = vector.broadcast %jit3A_2702 : f32 to vector<16xf32>
        %broadcast_in_dim3A_2705 = vector.broadcast %jit3A_2703 : f32 to vector<16xf32>
        %select_n3A_2706 = arith.select %eq3A_2701, %broadcast_in_dim3A_2704, %broadcast_in_dim3A_2705 : vector<16xi1>, vector<16xf32>
        %swap3A_2707 = arith.constant 24 : i32
        %swap3A_2708 = arith.index_cast %swap3A_2707 : i32 to index
        %swap3A_2709 = arith.index_cast %multiple_of3A_2692 : i32 to index
        %swap3A_2710 = tpu.vector_load %arg6[%swap3A_2708, %swap3A_2709] {strides = array<i32>} : memref<32x1000xf32, #tpu.memory_space<vmem>>, vector<1x16xf32>,
        %swap3A_2711 = vector.shape_cast %swap3A_2710 : vector<1x16xf32> to vector<16xf32>
        %swap3A_2712 = vector.shape_cast %select_n3A_2706 : vector<16xf32> to vector<1x16xf32>
        tpu.vector_store %arg6[%swap3A_2708, %swap3A_2709], %swap3A_2712 {strides = array<i32>} : memref<32x1000xf32, #tpu.memory_space<vmem>>, vector<1x16xf32>,
        %slice3A_2713 = vector.extract_strided_slice %min3A_2451 {offsets = [9], sizes = [1], strides = [1]} : vector<16xi32> to vector<1xi32>
        %squeeze3A_2714 = vector.extract %slice3A_2713[0] : i32 from vector<1xi32>
        %slice3A_2715 = vector.extract_strided_slice %get3A_2445 {offsets = [9], sizes = [1], strides = [1]} : vector<16xi32> to vector<1xi32>
        %squeeze3A_2716 = vector.extract %slice3A_2715[0] : i32 from vector<1xi32>
        %shift_right_arithmetic3A_2717 = arith.constant 4 : i32
        %shift_right_arithmetic3A_2718 = arith.shrsi %squeeze3A_2714, %shift_right_arithmetic3A_2717 : i32
        %shift_left3A_2719 = arith.constant 4 : i32
        %shift_left3A_2720 = arith.shli %shift_right_arithmetic3A_2718, %shift_left3A_2719 : i32
        %multiple_of3A_2721 = tpu.assume_multiple %shift_left3A_2720, 16 : i32
        %and3A_2722 = arith.constant 15 : i32
        %and3A_2723 = arith.andi %squeeze3A_2714, %and3A_2722 : i32
        %shift_right_arithmetic3A_2724 = arith.constant 31 : i32
        %shift_right_arithmetic3A_2725 = arith.shrsi %squeeze3A_2716, %shift_right_arithmetic3A_2724 : i32
        %and3A_2726 = arith.constant 16 : i32
        %and3A_2727 = arith.andi %shift_right_arithmetic3A_2725, %and3A_2726 : i32
        %or3A_2728 = arith.ori %and3A_2723, %and3A_2727 : i32
        %eq3A_2729 = vector.broadcast %or3A_2728 : i32 to vector<16xi32>
        %eq3A_2730 = arith.cmpi eq, %iota3A, %eq3A_2729 : vector<16xi32>
        %jit3A_2731 = arith.constant 0.000000e+00 : f32
        %jit3A_2732 = arith.constant 0.000000e+00 : f32
        %broadcast_in_dim3A_2733 = vector.broadcast %jit3A_2731 : f32 to vector<16xf32>
        %broadcast_in_dim3A_2734 = vector.broadcast %jit3A_2732 : f32 to vector<16xf32>
        %select_n3A_2735 = arith.select %eq3A_2730, %broadcast_in_dim3A_2733, %broadcast_in_dim3A_2734 : vector<16xi1>, vector<16xf32>
        %swap3A_2736 = arith.constant 25 : i32
        %swap3A_2737 = arith.index_cast %swap3A_2736 : i32 to index
        %swap3A_2738 = arith.index_cast %multiple_of3A_2721 : i32 to index
        %swap3A_2739 = tpu.vector_load %arg6[%swap3A_2737, %swap3A_2738] {strides = array<i32>} : memref<32x1000xf32, #tpu.memory_space<vmem>>, vector<1x16xf32>,
        %swap3A_2740 = vector.shape_cast %swap3A_2739 : vector<1x16xf32> to vector<16xf32>
        %swap3A_2741 = vector.shape_cast %select_n3A_2735 : vector<16xf32> to vector<1x16xf32>
        tpu.vector_store %arg6[%swap3A_2737, %swap3A_2738], %swap3A_2741 {strides = array<i32>} : memref<32x1000xf32, #tpu.memory_space<vmem>>, vector<1x16xf32>,
        %slice3A_2742 = vector.extract_strided_slice %min3A_2451 {offsets = [10], sizes = [1], strides = [1]} : vector<16xi32> to vector<1xi32>
        %squeeze3A_2743 = vector.extract %slice3A_2742[0] : i32 from vector<1xi32>
        %slice3A_2744 = vector.extract_strided_slice %get3A_2445 {offsets = [10], sizes = [1], strides = [1]} : vector<16xi32> to vector<1xi32>
        %squeeze3A_2745 = vector.extract %slice3A_2744[0] : i32 from vector<1xi32>
        %shift_right_arithmetic3A_2746 = arith.constant 4 : i32
        %shift_right_arithmetic3A_2747 = arith.shrsi %squeeze3A_2743, %shift_right_arithmetic3A_2746 : i32
        %shift_left3A_2748 = arith.constant 4 : i32
        %shift_left3A_2749 = arith.shli %shift_right_arithmetic3A_2747, %shift_left3A_2748 : i32
        %multiple_of3A_2750 = tpu.assume_multiple %shift_left3A_2749, 16 : i32
        %and3A_2751 = arith.constant 15 : i32
        %and3A_2752 = arith.andi %squeeze3A_2743, %and3A_2751 : i32
        %shift_right_arithmetic3A_2753 = arith.constant 31 : i32
        %shift_right_arithmetic3A_2754 = arith.shrsi %squeeze3A_2745, %shift_right_arithmetic3A_2753 : i32
        %and3A_2755 = arith.constant 16 : i32
        %and3A_2756 = arith.andi %shift_right_arithmetic3A_2754, %and3A_2755 : i32
        %or3A_2757 = arith.ori %and3A_2752, %and3A_2756 : i32
        %eq3A_2758 = vector.broadcast %or3A_2757 : i32 to vector<16xi32>
        %eq3A_2759 = arith.cmpi eq, %iota3A, %eq3A_2758 : vector<16xi32>
        %jit3A_2760 = arith.constant 0.000000e+00 : f32
        %jit3A_2761 = arith.constant 0.000000e+00 : f32
        %broadcast_in_dim3A_2762 = vector.broadcast %jit3A_2760 : f32 to vector<16xf32>
        %broadcast_in_dim3A_2763 = vector.broadcast %jit3A_2761 : f32 to vector<16xf32>
        %select_n3A_2764 = arith.select %eq3A_2759, %broadcast_in_dim3A_2762, %broadcast_in_dim3A_2763 : vector<16xi1>, vector<16xf32>
        %swap3A_2765 = arith.constant 26 : i32
        %swap3A_2766 = arith.index_cast %swap3A_2765 : i32 to index
        %swap3A_2767 = arith.index_cast %multiple_of3A_2750 : i32 to index
        %swap3A_2768 = tpu.vector_load %arg6[%swap3A_2766, %swap3A_2767] {strides = array<i32>} : memref<32x1000xf32, #tpu.memory_space<vmem>>, vector<1x16xf32>,
        %swap3A_2769 = vector.shape_cast %swap3A_2768 : vector<1x16xf32> to vector<16xf32>
        %swap3A_2770 = vector.shape_cast %select_n3A_2764 : vector<16xf32> to vector<1x16xf32>
        tpu.vector_store %arg6[%swap3A_2766, %swap3A_2767], %swap3A_2770 {strides = array<i32>} : memref<32x1000xf32, #tpu.memory_space<vmem>>, vector<1x16xf32>,
        %slice3A_2771 = vector.extract_strided_slice %min3A_2451 {offsets = [11], sizes = [1], strides = [1]} : vector<16xi32> to vector<1xi32>
        %squeeze3A_2772 = vector.extract %slice3A_2771[0] : i32 from vector<1xi32>
        %slice3A_2773 = vector.extract_strided_slice %get3A_2445 {offsets = [11], sizes = [1], strides = [1]} : vector<16xi32> to vector<1xi32>
        %squeeze3A_2774 = vector.extract %slice3A_2773[0] : i32 from vector<1xi32>
        %shift_right_arithmetic3A_2775 = arith.constant 4 : i32
        %shift_right_arithmetic3A_2776 = arith.shrsi %squeeze3A_2772, %shift_right_arithmetic3A_2775 : i32
        %shift_left3A_2777 = arith.constant 4 : i32
        %shift_left3A_2778 = arith.shli %shift_right_arithmetic3A_2776, %shift_left3A_2777 : i32
        %multiple_of3A_2779 = tpu.assume_multiple %shift_left3A_2778, 16 : i32
        %and3A_2780 = arith.constant 15 : i32
        %and3A_2781 = arith.andi %squeeze3A_2772, %and3A_2780 : i32
        %shift_right_arithmetic3A_2782 = arith.constant 31 : i32
        %shift_right_arithmetic3A_2783 = arith.shrsi %squeeze3A_2774, %shift_right_arithmetic3A_2782 : i32
        %and3A_2784 = arith.constant 16 : i32
        %and3A_2785 = arith.andi %shift_right_arithmetic3A_2783, %and3A_2784 : i32
        %or3A_2786 = arith.ori %and3A_2781, %and3A_2785 : i32
        %eq3A_2787 = vector.broadcast %or3A_2786 : i32 to vector<16xi32>
        %eq3A_2788 = arith.cmpi eq, %iota3A, %eq3A_2787 : vector<16xi32>
        %jit3A_2789 = arith.constant 0.000000e+00 : f32
        %jit3A_2790 = arith.constant 0.000000e+00 : f32
        %broadcast_in_dim3A_2791 = vector.broadcast %jit3A_2789 : f32 to vector<16xf32>
        %broadcast_in_dim3A_2792 = vector.broadcast %jit3A_2790 : f32 to vector<16xf32>
        %select_n3A_2793 = arith.select %eq3A_2788, %broadcast_in_dim3A_2791, %broadcast_in_dim3A_2792 : vector<16xi1>, vector<16xf32>
        %swap3A_2794 = arith.constant 27 : i32
        %swap3A_2795 = arith.index_cast %swap3A_2794 : i32 to index
        %swap3A_2796 = arith.index_cast %multiple_of3A_2779 : i32 to index
        %swap3A_2797 = tpu.vector_load %arg6[%swap3A_2795, %swap3A_2796] {strides = array<i32>} : memref<32x1000xf32, #tpu.memory_space<vmem>>, vector<1x16xf32>,
        %swap3A_2798 = vector.shape_cast %swap3A_2797 : vector<1x16xf32> to vector<16xf32>
        %swap3A_2799 = vector.shape_cast %select_n3A_2793 : vector<16xf32> to vector<1x16xf32>
        tpu.vector_store %arg6[%swap3A_2795, %swap3A_2796], %swap3A_2799 {strides = array<i32>} : memref<32x1000xf32, #tpu.memory_space<vmem>>, vector<1x16xf32>,
        %slice3A_2800 = vector.extract_strided_slice %min3A_2451 {offsets = [12], sizes = [1], strides = [1]} : vector<16xi32> to vector<1xi32>
        %squeeze3A_2801 = vector.extract %slice3A_2800[0] : i32 from vector<1xi32>
        %slice3A_2802 = vector.extract_strided_slice %get3A_2445 {offsets = [12], sizes = [1], strides = [1]} : vector<16xi32> to vector<1xi32>
        %squeeze3A_2803 = vector.extract %slice3A_2802[0] : i32 from vector<1xi32>
        %shift_right_arithmetic3A_2804 = arith.constant 4 : i32
        %shift_right_arithmetic3A_2805 = arith.shrsi %squeeze3A_2801, %shift_right_arithmetic3A_2804 : i32
        %shift_left3A_2806 = arith.constant 4 : i32
        %shift_left3A_2807 = arith.shli %shift_right_arithmetic3A_2805, %shift_left3A_2806 : i32
        %multiple_of3A_2808 = tpu.assume_multiple %shift_left3A_2807, 16 : i32
        %and3A_2809 = arith.constant 15 : i32
        %and3A_2810 = arith.andi %squeeze3A_2801, %and3A_2809 : i32
        %shift_right_arithmetic3A_2811 = arith.constant 31 : i32
        %shift_right_arithmetic3A_2812 = arith.shrsi %squeeze3A_2803, %shift_right_arithmetic3A_2811 : i32
        %and3A_2813 = arith.constant 16 : i32
        %and3A_2814 = arith.andi %shift_right_arithmetic3A_2812, %and3A_2813 : i32
        %or3A_2815 = arith.ori %and3A_2810, %and3A_2814 : i32
        %eq3A_2816 = vector.broadcast %or3A_2815 : i32 to vector<16xi32>
        %eq3A_2817 = arith.cmpi eq, %iota3A, %eq3A_2816 : vector<16xi32>
        %jit3A_2818 = arith.constant 0.000000e+00 : f32
        %jit3A_2819 = arith.constant 0.000000e+00 : f32
        %broadcast_in_dim3A_2820 = vector.broadcast %jit3A_2818 : f32 to vector<16xf32>
        %broadcast_in_dim3A_2821 = vector.broadcast %jit3A_2819 : f32 to vector<16xf32>
        %select_n3A_2822 = arith.select %eq3A_2817, %broadcast_in_dim3A_2820, %broadcast_in_dim3A_2821 : vector<16xi1>, vector<16xf32>
        %swap3A_2823 = arith.constant 28 : i32
        %swap3A_2824 = arith.index_cast %swap3A_2823 : i32 to index
        %swap3A_2825 = arith.index_cast %multiple_of3A_2808 : i32 to index
        %swap3A_2826 = tpu.vector_load %arg6[%swap3A_2824, %swap3A_2825] {strides = array<i32>} : memref<32x1000xf32, #tpu.memory_space<vmem>>, vector<1x16xf32>,
        %swap3A_2827 = vector.shape_cast %swap3A_2826 : vector<1x16xf32> to vector<16xf32>
        %swap3A_2828 = vector.shape_cast %select_n3A_2822 : vector<16xf32> to vector<1x16xf32>
        tpu.vector_store %arg6[%swap3A_2824, %swap3A_2825], %swap3A_2828 {strides = array<i32>} : memref<32x1000xf32, #tpu.memory_space<vmem>>, vector<1x16xf32>,
        %slice3A_2829 = vector.extract_strided_slice %min3A_2451 {offsets = [13], sizes = [1], strides = [1]} : vector<16xi32> to vector<1xi32>
        %squeeze3A_2830 = vector.extract %slice3A_2829[0] : i32 from vector<1xi32>
        %slice3A_2831 = vector.extract_strided_slice %get3A_2445 {offsets = [13], sizes = [1], strides = [1]} : vector<16xi32> to vector<1xi32>
        %squeeze3A_2832 = vector.extract %slice3A_2831[0] : i32 from vector<1xi32>
        %shift_right_arithmetic3A_2833 = arith.constant 4 : i32
        %shift_right_arithmetic3A_2834 = arith.shrsi %squeeze3A_2830, %shift_right_arithmetic3A_2833 : i32
        %shift_left3A_2835 = arith.constant 4 : i32
        %shift_left3A_2836 = arith.shli %shift_right_arithmetic3A_2834, %shift_left3A_2835 : i32
        %multiple_of3A_2837 = tpu.assume_multiple %shift_left3A_2836, 16 : i32
        %and3A_2838 = arith.constant 15 : i32
        %and3A_2839 = arith.andi %squeeze3A_2830, %and3A_2838 : i32
        %shift_right_arithmetic3A_2840 = arith.constant 31 : i32
        %shift_right_arithmetic3A_2841 = arith.shrsi %squeeze3A_2832, %shift_right_arithmetic3A_2840 : i32
        %and3A_2842 = arith.constant 16 : i32
        %and3A_2843 = arith.andi %shift_right_arithmetic3A_2841, %and3A_2842 : i32
        %or3A_2844 = arith.ori %and3A_2839, %and3A_2843 : i32
        %eq3A_2845 = vector.broadcast %or3A_2844 : i32 to vector<16xi32>
        %eq3A_2846 = arith.cmpi eq, %iota3A, %eq3A_2845 : vector<16xi32>
        %jit3A_2847 = arith.constant 0.000000e+00 : f32
        %jit3A_2848 = arith.constant 0.000000e+00 : f32
        %broadcast_in_dim3A_2849 = vector.broadcast %jit3A_2847 : f32 to vector<16xf32>
        %broadcast_in_dim3A_2850 = vector.broadcast %jit3A_2848 : f32 to vector<16xf32>
        %select_n3A_2851 = arith.select %eq3A_2846, %broadcast_in_dim3A_2849, %broadcast_in_dim3A_2850 : vector<16xi1>, vector<16xf32>
        %swap3A_2852 = arith.constant 29 : i32
        %swap3A_2853 = arith.index_cast %swap3A_2852 : i32 to index
        %swap3A_2854 = arith.index_cast %multiple_of3A_2837 : i32 to index
        %swap3A_2855 = tpu.vector_load %arg6[%swap3A_2853, %swap3A_2854] {strides = array<i32>} : memref<32x1000xf32, #tpu.memory_space<vmem>>, vector<1x16xf32>,
        %swap3A_2856 = vector.shape_cast %swap3A_2855 : vector<1x16xf32> to vector<16xf32>
        %swap3A_2857 = vector.shape_cast %select_n3A_2851 : vector<16xf32> to vector<1x16xf32>
        tpu.vector_store %arg6[%swap3A_2853, %swap3A_2854], %swap3A_2857 {strides = array<i32>} : memref<32x1000xf32, #tpu.memory_space<vmem>>, vector<1x16xf32>,
        %slice3A_2858 = vector.extract_strided_slice %min3A_2451 {offsets = [14], sizes = [1], strides = [1]} : vector<16xi32> to vector<1xi32>
        %squeeze3A_2859 = vector.extract %slice3A_2858[0] : i32 from vector<1xi32>
        %slice3A_2860 = vector.extract_strided_slice %get3A_2445 {offsets = [14], sizes = [1], strides = [1]} : vector<16xi32> to vector<1xi32>
        %squeeze3A_2861 = vector.extract %slice3A_2860[0] : i32 from vector<1xi32>
        %shift_right_arithmetic3A_2862 = arith.constant 4 : i32
        %shift_right_arithmetic3A_2863 = arith.shrsi %squeeze3A_2859, %shift_right_arithmetic3A_2862 : i32
        %shift_left3A_2864 = arith.constant 4 : i32
        %shift_left3A_2865 = arith.shli %shift_right_arithmetic3A_2863, %shift_left3A_2864 : i32
        %multiple_of3A_2866 = tpu.assume_multiple %shift_left3A_2865, 16 : i32
        %and3A_2867 = arith.constant 15 : i32
        %and3A_2868 = arith.andi %squeeze3A_2859, %and3A_2867 : i32
        %shift_right_arithmetic3A_2869 = arith.constant 31 : i32
        %shift_right_arithmetic3A_2870 = arith.shrsi %squeeze3A_2861, %shift_right_arithmetic3A_2869 : i32
        %and3A_2871 = arith.constant 16 : i32
        %and3A_2872 = arith.andi %shift_right_arithmetic3A_2870, %and3A_2871 : i32
        %or3A_2873 = arith.ori %and3A_2868, %and3A_2872 : i32
        %eq3A_2874 = vector.broadcast %or3A_2873 : i32 to vector<16xi32>
        %eq3A_2875 = arith.cmpi eq, %iota3A, %eq3A_2874 : vector<16xi32>
        %jit3A_2876 = arith.constant 0.000000e+00 : f32
        %jit3A_2877 = arith.constant 0.000000e+00 : f32
        %broadcast_in_dim3A_2878 = vector.broadcast %jit3A_2876 : f32 to vector<16xf32>
        %broadcast_in_dim3A_2879 = vector.broadcast %jit3A_2877 : f32 to vector<16xf32>
        %select_n3A_2880 = arith.select %eq3A_2875, %broadcast_in_dim3A_2878, %broadcast_in_dim3A_2879 : vector<16xi1>, vector<16xf32>
        %swap3A_2881 = arith.constant 30 : i32
        %swap3A_2882 = arith.index_cast %swap3A_2881 : i32 to index
        %swap3A_2883 = arith.index_cast %multiple_of3A_2866 : i32 to index
        %swap3A_2884 = tpu.vector_load %arg6[%swap3A_2882, %swap3A_2883] {strides = array<i32>} : memref<32x1000xf32, #tpu.memory_space<vmem>>, vector<1x16xf32>,
        %swap3A_2885 = vector.shape_cast %swap3A_2884 : vector<1x16xf32> to vector<16xf32>
        %swap3A_2886 = vector.shape_cast %select_n3A_2880 : vector<16xf32> to vector<1x16xf32>
        tpu.vector_store %arg6[%swap3A_2882, %swap3A_2883], %swap3A_2886 {strides = array<i32>} : memref<32x1000xf32, #tpu.memory_space<vmem>>, vector<1x16xf32>,
        %slice3A_2887 = vector.extract_strided_slice %min3A_2451 {offsets = [15], sizes = [1], strides = [1]} : vector<16xi32> to vector<1xi32>
        %squeeze3A_2888 = vector.extract %slice3A_2887[0] : i32 from vector<1xi32>
        %slice3A_2889 = vector.extract_strided_slice %get3A_2445 {offsets = [15], sizes = [1], strides = [1]} : vector<16xi32> to vector<1xi32>
        %squeeze3A_2890 = vector.extract %slice3A_2889[0] : i32 from vector<1xi32>
        %shift_right_arithmetic3A_2891 = arith.constant 4 : i32
        %shift_right_arithmetic3A_2892 = arith.shrsi %squeeze3A_2888, %shift_right_arithmetic3A_2891 : i32
        %shift_left3A_2893 = arith.constant 4 : i32
        %shift_left3A_2894 = arith.shli %shift_right_arithmetic3A_2892, %shift_left3A_2893 : i32
        %multiple_of3A_2895 = tpu.assume_multiple %shift_left3A_2894, 16 : i32
        %and3A_2896 = arith.constant 15 : i32
        %and3A_2897 = arith.andi %squeeze3A_2888, %and3A_2896 : i32
        %shift_right_arithmetic3A_2898 = arith.constant 31 : i32
        %shift_right_arithmetic3A_2899 = arith.shrsi %squeeze3A_2890, %shift_right_arithmetic3A_2898 : i32
        %and3A_2900 = arith.constant 16 : i32
        %and3A_2901 = arith.andi %shift_right_arithmetic3A_2899, %and3A_2900 : i32
        %or3A_2902 = arith.ori %and3A_2897, %and3A_2901 : i32
        %eq3A_2903 = vector.broadcast %or3A_2902 : i32 to vector<16xi32>
        %eq3A_2904 = arith.cmpi eq, %iota3A, %eq3A_2903 : vector<16xi32>
        %jit3A_2905 = arith.constant 0.000000e+00 : f32
        %jit3A_2906 = arith.constant 0.000000e+00 : f32
        %broadcast_in_dim3A_2907 = vector.broadcast %jit3A_2905 : f32 to vector<16xf32>
        %broadcast_in_dim3A_2908 = vector.broadcast %jit3A_2906 : f32 to vector<16xf32>
        %select_n3A_2909 = arith.select %eq3A_2904, %broadcast_in_dim3A_2907, %broadcast_in_dim3A_2908 : vector<16xi1>, vector<16xf32>
        %swap3A_2910 = arith.constant 31 : i32
        %swap3A_2911 = arith.index_cast %swap3A_2910 : i32 to index
        %swap3A_2912 = arith.index_cast %multiple_of3A_2895 : i32 to index
        %swap3A_2913 = tpu.vector_load %arg6[%swap3A_2911, %swap3A_2912] {strides = array<i32>} : memref<32x1000xf32, #tpu.memory_space<vmem>>, vector<1x16xf32>,
        %swap3A_2914 = vector.shape_cast %swap3A_2913 : vector<1x16xf32> to vector<16xf32>
        %swap3A_2915 = vector.shape_cast %select_n3A_2909 : vector<16xf32> to vector<1x16xf32>
        tpu.vector_store %arg6[%swap3A_2911, %swap3A_2912], %swap3A_2915 {strides = array<i32>} : memref<32x1000xf32, #tpu.memory_space<vmem>>, vector<1x16xf32>,
      } else {
      }
      %mul3A_991 = arith.constant 32 : i32
      %mul3A_992 = arith.muli %add3A_985, %mul3A_991 : i32
      %add3A_993 = arith.constant 0 : i32
      %add3A_994 = arith.addi %mul3A_992, %add3A_993 : i32
      %get3A_995 = arith.index_cast %add3A_994 : i32 to index
      %get3A_996 = tpu.vector_load %arg4[%get3A_995] {strides = array<i32>} : memref<1600xi32, #tpu.memory_space<vmem>>, vector<16xi32>,
      %get3A_997 = vector.shape_cast %get3A_996 : vector<16xi32> to vector<16xi32>
      %jit3A_998 = arith.constant 0 : i32
      %jit3A_999 = arith.constant 999 : i32
      %max3A_1000 = vector.broadcast %jit3A_998 : i32 to vector<16xi32>
      %max3A_1001 = arith.maxsi %max3A_1000, %get3A_997 : vector<16xi32>
      %min3A_1002 = vector.broadcast %jit3A_999 : i32 to vector<16xi32>
      %min3A_1003 = arith.minsi %min3A_1002, %max3A_1001 : vector<16xi32>
      %slice3A_1004 = vector.extract_strided_slice %min3A_1003 {offsets = [0], sizes = [1], strides = [1]} : vector<16xi32> to vector<1xi32>
      %squeeze3A_1005 = vector.extract %slice3A_1004[0] : i32 from vector<1xi32>
      %slice3A_1006 = vector.extract_strided_slice %get3A_997 {offsets = [0], sizes = [1], strides = [1]} : vector<16xi32> to vector<1xi32>
      %squeeze3A_1007 = vector.extract %slice3A_1006[0] : i32 from vector<1xi32>
      %shift_right_arithmetic3A_1008 = arith.constant 4 : i32
      %shift_right_arithmetic3A_1009 = arith.shrsi %squeeze3A_1005, %shift_right_arithmetic3A_1008 : i32
      %shift_left3A_1010 = arith.constant 4 : i32
      %shift_left3A_1011 = arith.shli %shift_right_arithmetic3A_1009, %shift_left3A_1010 : i32
      %multiple_of3A_1012 = tpu.assume_multiple %shift_left3A_1011, 16 : i32
      %and3A_1013 = arith.constant 15 : i32
      %and3A_1014 = arith.andi %squeeze3A_1005, %and3A_1013 : i32
      %shift_right_arithmetic3A_1015 = arith.constant 31 : i32
      %shift_right_arithmetic3A_1016 = arith.shrsi %squeeze3A_1007, %shift_right_arithmetic3A_1015 : i32
      %and3A_1017 = arith.constant 16 : i32
      %and3A_1018 = arith.andi %shift_right_arithmetic3A_1016, %and3A_1017 : i32
      %or3A_1019 = arith.ori %and3A_1014, %and3A_1018 : i32
      %eq3A_1020 = vector.broadcast %or3A_1019 : i32 to vector<16xi32>
      %eq3A_1021 = arith.cmpi eq, %iota3A, %eq3A_1020 : vector<16xi32>
      %jit3A_1022 = arith.constant 1.000000e+00 : f32
      %jit3A_1023 = arith.constant 0.000000e+00 : f32
      %broadcast_in_dim3A_1024 = vector.broadcast %jit3A_1022 : f32 to vector<16xf32>
      %broadcast_in_dim3A_1025 = vector.broadcast %jit3A_1023 : f32 to vector<16xf32>
      %select_n3A_1026 = arith.select %eq3A_1021, %broadcast_in_dim3A_1024, %broadcast_in_dim3A_1025 : vector<16xi1>, vector<16xf32>
      %swap3A_1027 = arith.constant 0 : i32
      %swap3A_1028 = arith.index_cast %swap3A_1027 : i32 to index
      %swap3A_1029 = arith.index_cast %multiple_of3A_1012 : i32 to index
      %swap3A_1030 = tpu.vector_load %arg6[%swap3A_1028, %swap3A_1029] {strides = array<i32>} : memref<32x1000xf32, #tpu.memory_space<vmem>>, vector<1x16xf32>,
      %swap3A_1031 = vector.shape_cast %swap3A_1030 : vector<1x16xf32> to vector<16xf32>
      %swap3A_1032 = vector.shape_cast %select_n3A_1026 : vector<16xf32> to vector<1x16xf32>
      tpu.vector_store %arg6[%swap3A_1028, %swap3A_1029], %swap3A_1032 {strides = array<i32>} : memref<32x1000xf32, #tpu.memory_space<vmem>>, vector<1x16xf32>,
      %slice3A_1033 = vector.extract_strided_slice %min3A_1003 {offsets = [1], sizes = [1], strides = [1]} : vector<16xi32> to vector<1xi32>
      %squeeze3A_1034 = vector.extract %slice3A_1033[0] : i32 from vector<1xi32>
      %slice3A_1035 = vector.extract_strided_slice %get3A_997 {offsets = [1], sizes = [1], strides = [1]} : vector<16xi32> to vector<1xi32>
      %squeeze3A_1036 = vector.extract %slice3A_1035[0] : i32 from vector<1xi32>
      %shift_right_arithmetic3A_1037 = arith.constant 4 : i32
      %shift_right_arithmetic3A_1038 = arith.shrsi %squeeze3A_1034, %shift_right_arithmetic3A_1037 : i32
      %shift_left3A_1039 = arith.constant 4 : i32
      %shift_left3A_1040 = arith.shli %shift_right_arithmetic3A_1038, %shift_left3A_1039 : i32
      %multiple_of3A_1041 = tpu.assume_multiple %shift_left3A_1040, 16 : i32
      %and3A_1042 = arith.constant 15 : i32
      %and3A_1043 = arith.andi %squeeze3A_1034, %and3A_1042 : i32
      %shift_right_arithmetic3A_1044 = arith.constant 31 : i32
      %shift_right_arithmetic3A_1045 = arith.shrsi %squeeze3A_1036, %shift_right_arithmetic3A_1044 : i32
      %and3A_1046 = arith.constant 16 : i32
      %and3A_1047 = arith.andi %shift_right_arithmetic3A_1045, %and3A_1046 : i32
      %or3A_1048 = arith.ori %and3A_1043, %and3A_1047 : i32
      %eq3A_1049 = vector.broadcast %or3A_1048 : i32 to vector<16xi32>
      %eq3A_1050 = arith.cmpi eq, %iota3A, %eq3A_1049 : vector<16xi32>
      %jit3A_1051 = arith.constant 1.000000e+00 : f32
      %jit3A_1052 = arith.constant 0.000000e+00 : f32
      %broadcast_in_dim3A_1053 = vector.broadcast %jit3A_1051 : f32 to vector<16xf32>
      %broadcast_in_dim3A_1054 = vector.broadcast %jit3A_1052 : f32 to vector<16xf32>
      %select_n3A_1055 = arith.select %eq3A_1050, %broadcast_in_dim3A_1053, %broadcast_in_dim3A_1054 : vector<16xi1>, vector<16xf32>
      %swap3A_1056 = arith.constant 1 : i32
      %swap3A_1057 = arith.index_cast %swap3A_1056 : i32 to index
      %swap3A_1058 = arith.index_cast %multiple_of3A_1041 : i32 to index
      %swap3A_1059 = tpu.vector_load %arg6[%swap3A_1057, %swap3A_1058] {strides = array<i32>} : memref<32x1000xf32, #tpu.memory_space<vmem>>, vector<1x16xf32>,
      %swap3A_1060 = vector.shape_cast %swap3A_1059 : vector<1x16xf32> to vector<16xf32>
      %swap3A_1061 = vector.shape_cast %select_n3A_1055 : vector<16xf32> to vector<1x16xf32>
      tpu.vector_store %arg6[%swap3A_1057, %swap3A_1058], %swap3A_1061 {strides = array<i32>} : memref<32x1000xf32, #tpu.memory_space<vmem>>, vector<1x16xf32>,
      %slice3A_1062 = vector.extract_strided_slice %min3A_1003 {offsets = [2], sizes = [1], strides = [1]} : vector<16xi32> to vector<1xi32>
      %squeeze3A_1063 = vector.extract %slice3A_1062[0] : i32 from vector<1xi32>
      %slice3A_1064 = vector.extract_strided_slice %get3A_997 {offsets = [2], sizes = [1], strides = [1]} : vector<16xi32> to vector<1xi32>
      %squeeze3A_1065 = vector.extract %slice3A_1064[0] : i32 from vector<1xi32>
      %shift_right_arithmetic3A_1066 = arith.constant 4 : i32
      %shift_right_arithmetic3A_1067 = arith.shrsi %squeeze3A_1063, %shift_right_arithmetic3A_1066 : i32
      %shift_left3A_1068 = arith.constant 4 : i32
      %shift_left3A_1069 = arith.shli %shift_right_arithmetic3A_1067, %shift_left3A_1068 : i32
      %multiple_of3A_1070 = tpu.assume_multiple %shift_left3A_1069, 16 : i32
      %and3A_1071 = arith.constant 15 : i32
      %and3A_1072 = arith.andi %squeeze3A_1063, %and3A_1071 : i32
      %shift_right_arithmetic3A_1073 = arith.constant 31 : i32
      %shift_right_arithmetic3A_1074 = arith.shrsi %squeeze3A_1065, %shift_right_arithmetic3A_1073 : i32
      %and3A_1075 = arith.constant 16 : i32
      %and3A_1076 = arith.andi %shift_right_arithmetic3A_1074, %and3A_1075 : i32
      %or3A_1077 = arith.ori %and3A_1072, %and3A_1076 : i32
      %eq3A_1078 = vector.broadcast %or3A_1077 : i32 to vector<16xi32>
      %eq3A_1079 = arith.cmpi eq, %iota3A, %eq3A_1078 : vector<16xi32>
      %jit3A_1080 = arith.constant 1.000000e+00 : f32
      %jit3A_1081 = arith.constant 0.000000e+00 : f32
      %broadcast_in_dim3A_1082 = vector.broadcast %jit3A_1080 : f32 to vector<16xf32>
      %broadcast_in_dim3A_1083 = vector.broadcast %jit3A_1081 : f32 to vector<16xf32>
      %select_n3A_1084 = arith.select %eq3A_1079, %broadcast_in_dim3A_1082, %broadcast_in_dim3A_1083 : vector<16xi1>, vector<16xf32>
      %swap3A_1085 = arith.constant 2 : i32
      %swap3A_1086 = arith.index_cast %swap3A_1085 : i32 to index
      %swap3A_1087 = arith.index_cast %multiple_of3A_1070 : i32 to index
      %swap3A_1088 = tpu.vector_load %arg6[%swap3A_1086, %swap3A_1087] {strides = array<i32>} : memref<32x1000xf32, #tpu.memory_space<vmem>>, vector<1x16xf32>,
      %swap3A_1089 = vector.shape_cast %swap3A_1088 : vector<1x16xf32> to vector<16xf32>
      %swap3A_1090 = vector.shape_cast %select_n3A_1084 : vector<16xf32> to vector<1x16xf32>
      tpu.vector_store %arg6[%swap3A_1086, %swap3A_1087], %swap3A_1090 {strides = array<i32>} : memref<32x1000xf32, #tpu.memory_space<vmem>>, vector<1x16xf32>,
      %slice3A_1091 = vector.extract_strided_slice %min3A_1003 {offsets = [3], sizes = [1], strides = [1]} : vector<16xi32> to vector<1xi32>
      %squeeze3A_1092 = vector.extract %slice3A_1091[0] : i32 from vector<1xi32>
      %slice3A_1093 = vector.extract_strided_slice %get3A_997 {offsets = [3], sizes = [1], strides = [1]} : vector<16xi32> to vector<1xi32>
      %squeeze3A_1094 = vector.extract %slice3A_1093[0] : i32 from vector<1xi32>
      %shift_right_arithmetic3A_1095 = arith.constant 4 : i32
      %shift_right_arithmetic3A_1096 = arith.shrsi %squeeze3A_1092, %shift_right_arithmetic3A_1095 : i32
      %shift_left3A_1097 = arith.constant 4 : i32
      %shift_left3A_1098 = arith.shli %shift_right_arithmetic3A_1096, %shift_left3A_1097 : i32
      %multiple_of3A_1099 = tpu.assume_multiple %shift_left3A_1098, 16 : i32
      %and3A_1100 = arith.constant 15 : i32
      %and3A_1101 = arith.andi %squeeze3A_1092, %and3A_1100 : i32
      %shift_right_arithmetic3A_1102 = arith.constant 31 : i32
      %shift_right_arithmetic3A_1103 = arith.shrsi %squeeze3A_1094, %shift_right_arithmetic3A_1102 : i32
      %and3A_1104 = arith.constant 16 : i32
      %and3A_1105 = arith.andi %shift_right_arithmetic3A_1103, %and3A_1104 : i32
      %or3A_1106 = arith.ori %and3A_1101, %and3A_1105 : i32
      %eq3A_1107 = vector.broadcast %or3A_1106 : i32 to vector<16xi32>
      %eq3A_1108 = arith.cmpi eq, %iota3A, %eq3A_1107 : vector<16xi32>
      %jit3A_1109 = arith.constant 1.000000e+00 : f32
      %jit3A_1110 = arith.constant 0.000000e+00 : f32
      %broadcast_in_dim3A_1111 = vector.broadcast %jit3A_1109 : f32 to vector<16xf32>
      %broadcast_in_dim3A_1112 = vector.broadcast %jit3A_1110 : f32 to vector<16xf32>
      %select_n3A_1113 = arith.select %eq3A_1108, %broadcast_in_dim3A_1111, %broadcast_in_dim3A_1112 : vector<16xi1>, vector<16xf32>
      %swap3A_1114 = arith.constant 3 : i32
      %swap3A_1115 = arith.index_cast %swap3A_1114 : i32 to index
      %swap3A_1116 = arith.index_cast %multiple_of3A_1099 : i32 to index
      %swap3A_1117 = tpu.vector_load %arg6[%swap3A_1115, %swap3A_1116] {strides = array<i32>} : memref<32x1000xf32, #tpu.memory_space<vmem>>, vector<1x16xf32>,
      %swap3A_1118 = vector.shape_cast %swap3A_1117 : vector<1x16xf32> to vector<16xf32>
      %swap3A_1119 = vector.shape_cast %select_n3A_1113 : vector<16xf32> to vector<1x16xf32>
      tpu.vector_store %arg6[%swap3A_1115, %swap3A_1116], %swap3A_1119 {strides = array<i32>} : memref<32x1000xf32, #tpu.memory_space<vmem>>, vector<1x16xf32>,
      %slice3A_1120 = vector.extract_strided_slice %min3A_1003 {offsets = [4], sizes = [1], strides = [1]} : vector<16xi32> to vector<1xi32>
      %squeeze3A_1121 = vector.extract %slice3A_1120[0] : i32 from vector<1xi32>
      %slice3A_1122 = vector.extract_strided_slice %get3A_997 {offsets = [4], sizes = [1], strides = [1]} : vector<16xi32> to vector<1xi32>
      %squeeze3A_1123 = vector.extract %slice3A_1122[0] : i32 from vector<1xi32>
      %shift_right_arithmetic3A_1124 = arith.constant 4 : i32
      %shift_right_arithmetic3A_1125 = arith.shrsi %squeeze3A_1121, %shift_right_arithmetic3A_1124 : i32
      %shift_left3A_1126 = arith.constant 4 : i32
      %shift_left3A_1127 = arith.shli %shift_right_arithmetic3A_1125, %shift_left3A_1126 : i32
      %multiple_of3A_1128 = tpu.assume_multiple %shift_left3A_1127, 16 : i32
      %and3A_1129 = arith.constant 15 : i32
      %and3A_1130 = arith.andi %squeeze3A_1121, %and3A_1129 : i32
      %shift_right_arithmetic3A_1131 = arith.constant 31 : i32
      %shift_right_arithmetic3A_1132 = arith.shrsi %squeeze3A_1123, %shift_right_arithmetic3A_1131 : i32
      %and3A_1133 = arith.constant 16 : i32
      %and3A_1134 = arith.andi %shift_right_arithmetic3A_1132, %and3A_1133 : i32
      %or3A_1135 = arith.ori %and3A_1130, %and3A_1134 : i32
      %eq3A_1136 = vector.broadcast %or3A_1135 : i32 to vector<16xi32>
      %eq3A_1137 = arith.cmpi eq, %iota3A, %eq3A_1136 : vector<16xi32>
      %jit3A_1138 = arith.constant 1.000000e+00 : f32
      %jit3A_1139 = arith.constant 0.000000e+00 : f32
      %broadcast_in_dim3A_1140 = vector.broadcast %jit3A_1138 : f32 to vector<16xf32>
      %broadcast_in_dim3A_1141 = vector.broadcast %jit3A_1139 : f32 to vector<16xf32>
      %select_n3A_1142 = arith.select %eq3A_1137, %broadcast_in_dim3A_1140, %broadcast_in_dim3A_1141 : vector<16xi1>, vector<16xf32>
      %swap3A_1143 = arith.constant 4 : i32
      %swap3A_1144 = arith.index_cast %swap3A_1143 : i32 to index
      %swap3A_1145 = arith.index_cast %multiple_of3A_1128 : i32 to index
      %swap3A_1146 = tpu.vector_load %arg6[%swap3A_1144, %swap3A_1145] {strides = array<i32>} : memref<32x1000xf32, #tpu.memory_space<vmem>>, vector<1x16xf32>,
      %swap3A_1147 = vector.shape_cast %swap3A_1146 : vector<1x16xf32> to vector<16xf32>
      %swap3A_1148 = vector.shape_cast %select_n3A_1142 : vector<16xf32> to vector<1x16xf32>
      tpu.vector_store %arg6[%swap3A_1144, %swap3A_1145], %swap3A_1148 {strides = array<i32>} : memref<32x1000xf32, #tpu.memory_space<vmem>>, vector<1x16xf32>,
      %slice3A_1149 = vector.extract_strided_slice %min3A_1003 {offsets = [5], sizes = [1], strides = [1]} : vector<16xi32> to vector<1xi32>
      %squeeze3A_1150 = vector.extract %slice3A_1149[0] : i32 from vector<1xi32>
      %slice3A_1151 = vector.extract_strided_slice %get3A_997 {offsets = [5], sizes = [1], strides = [1]} : vector<16xi32> to vector<1xi32>
      %squeeze3A_1152 = vector.extract %slice3A_1151[0] : i32 from vector<1xi32>
      %shift_right_arithmetic3A_1153 = arith.constant 4 : i32
      %shift_right_arithmetic3A_1154 = arith.shrsi %squeeze3A_1150, %shift_right_arithmetic3A_1153 : i32
      %shift_left3A_1155 = arith.constant 4 : i32
      %shift_left3A_1156 = arith.shli %shift_right_arithmetic3A_1154, %shift_left3A_1155 : i32
      %multiple_of3A_1157 = tpu.assume_multiple %shift_left3A_1156, 16 : i32
      %and3A_1158 = arith.constant 15 : i32
      %and3A_1159 = arith.andi %squeeze3A_1150, %and3A_1158 : i32
      %shift_right_arithmetic3A_1160 = arith.constant 31 : i32
      %shift_right_arithmetic3A_1161 = arith.shrsi %squeeze3A_1152, %shift_right_arithmetic3A_1160 : i32
      %and3A_1162 = arith.constant 16 : i32
      %and3A_1163 = arith.andi %shift_right_arithmetic3A_1161, %and3A_1162 : i32
      %or3A_1164 = arith.ori %and3A_1159, %and3A_1163 : i32
      %eq3A_1165 = vector.broadcast %or3A_1164 : i32 to vector<16xi32>
      %eq3A_1166 = arith.cmpi eq, %iota3A, %eq3A_1165 : vector<16xi32>
      %jit3A_1167 = arith.constant 1.000000e+00 : f32
      %jit3A_1168 = arith.constant 0.000000e+00 : f32
      %broadcast_in_dim3A_1169 = vector.broadcast %jit3A_1167 : f32 to vector<16xf32>
      %broadcast_in_dim3A_1170 = vector.broadcast %jit3A_1168 : f32 to vector<16xf32>
      %select_n3A_1171 = arith.select %eq3A_1166, %broadcast_in_dim3A_1169, %broadcast_in_dim3A_1170 : vector<16xi1>, vector<16xf32>
      %swap3A_1172 = arith.constant 5 : i32
      %swap3A_1173 = arith.index_cast %swap3A_1172 : i32 to index
      %swap3A_1174 = arith.index_cast %multiple_of3A_1157 : i32 to index
      %swap3A_1175 = tpu.vector_load %arg6[%swap3A_1173, %swap3A_1174] {strides = array<i32>} : memref<32x1000xf32, #tpu.memory_space<vmem>>, vector<1x16xf32>,
      %swap3A_1176 = vector.shape_cast %swap3A_1175 : vector<1x16xf32> to vector<16xf32>
      %swap3A_1177 = vector.shape_cast %select_n3A_1171 : vector<16xf32> to vector<1x16xf32>
      tpu.vector_store %arg6[%swap3A_1173, %swap3A_1174], %swap3A_1177 {strides = array<i32>} : memref<32x1000xf32, #tpu.memory_space<vmem>>, vector<1x16xf32>,
      %slice3A_1178 = vector.extract_strided_slice %min3A_1003 {offsets = [6], sizes = [1], strides = [1]} : vector<16xi32> to vector<1xi32>
      %squeeze3A_1179 = vector.extract %slice3A_1178[0] : i32 from vector<1xi32>
      %slice3A_1180 = vector.extract_strided_slice %get3A_997 {offsets = [6], sizes = [1], strides = [1]} : vector<16xi32> to vector<1xi32>
      %squeeze3A_1181 = vector.extract %slice3A_1180[0] : i32 from vector<1xi32>
      %shift_right_arithmetic3A_1182 = arith.constant 4 : i32
      %shift_right_arithmetic3A_1183 = arith.shrsi %squeeze3A_1179, %shift_right_arithmetic3A_1182 : i32
      %shift_left3A_1184 = arith.constant 4 : i32
      %shift_left3A_1185 = arith.shli %shift_right_arithmetic3A_1183, %shift_left3A_1184 : i32
      %multiple_of3A_1186 = tpu.assume_multiple %shift_left3A_1185, 16 : i32
      %and3A_1187 = arith.constant 15 : i32
      %and3A_1188 = arith.andi %squeeze3A_1179, %and3A_1187 : i32
      %shift_right_arithmetic3A_1189 = arith.constant 31 : i32
      %shift_right_arithmetic3A_1190 = arith.shrsi %squeeze3A_1181, %shift_right_arithmetic3A_1189 : i32
      %and3A_1191 = arith.constant 16 : i32
      %and3A_1192 = arith.andi %shift_right_arithmetic3A_1190, %and3A_1191 : i32
      %or3A_1193 = arith.ori %and3A_1188, %and3A_1192 : i32
      %eq3A_1194 = vector.broadcast %or3A_1193 : i32 to vector<16xi32>
      %eq3A_1195 = arith.cmpi eq, %iota3A, %eq3A_1194 : vector<16xi32>
      %jit3A_1196 = arith.constant 1.000000e+00 : f32
      %jit3A_1197 = arith.constant 0.000000e+00 : f32
      %broadcast_in_dim3A_1198 = vector.broadcast %jit3A_1196 : f32 to vector<16xf32>
      %broadcast_in_dim3A_1199 = vector.broadcast %jit3A_1197 : f32 to vector<16xf32>
      %select_n3A_1200 = arith.select %eq3A_1195, %broadcast_in_dim3A_1198, %broadcast_in_dim3A_1199 : vector<16xi1>, vector<16xf32>
      %swap3A_1201 = arith.constant 6 : i32
      %swap3A_1202 = arith.index_cast %swap3A_1201 : i32 to index
      %swap3A_1203 = arith.index_cast %multiple_of3A_1186 : i32 to index
      %swap3A_1204 = tpu.vector_load %arg6[%swap3A_1202, %swap3A_1203] {strides = array<i32>} : memref<32x1000xf32, #tpu.memory_space<vmem>>, vector<1x16xf32>,
      %swap3A_1205 = vector.shape_cast %swap3A_1204 : vector<1x16xf32> to vector<16xf32>
      %swap3A_1206 = vector.shape_cast %select_n3A_1200 : vector<16xf32> to vector<1x16xf32>
      tpu.vector_store %arg6[%swap3A_1202, %swap3A_1203], %swap3A_1206 {strides = array<i32>} : memref<32x1000xf32, #tpu.memory_space<vmem>>, vector<1x16xf32>,
      %slice3A_1207 = vector.extract_strided_slice %min3A_1003 {offsets = [7], sizes = [1], strides = [1]} : vector<16xi32> to vector<1xi32>
      %squeeze3A_1208 = vector.extract %slice3A_1207[0] : i32 from vector<1xi32>
      %slice3A_1209 = vector.extract_strided_slice %get3A_997 {offsets = [7], sizes = [1], strides = [1]} : vector<16xi32> to vector<1xi32>
      %squeeze3A_1210 = vector.extract %slice3A_1209[0] : i32 from vector<1xi32>
      %shift_right_arithmetic3A_1211 = arith.constant 4 : i32
      %shift_right_arithmetic3A_1212 = arith.shrsi %squeeze3A_1208, %shift_right_arithmetic3A_1211 : i32
      %shift_left3A_1213 = arith.constant 4 : i32
      %shift_left3A_1214 = arith.shli %shift_right_arithmetic3A_1212, %shift_left3A_1213 : i32
      %multiple_of3A_1215 = tpu.assume_multiple %shift_left3A_1214, 16 : i32
      %and3A_1216 = arith.constant 15 : i32
      %and3A_1217 = arith.andi %squeeze3A_1208, %and3A_1216 : i32
      %shift_right_arithmetic3A_1218 = arith.constant 31 : i32
      %shift_right_arithmetic3A_1219 = arith.shrsi %squeeze3A_1210, %shift_right_arithmetic3A_1218 : i32
      %and3A_1220 = arith.constant 16 : i32
      %and3A_1221 = arith.andi %shift_right_arithmetic3A_1219, %and3A_1220 : i32
      %or3A_1222 = arith.ori %and3A_1217, %and3A_1221 : i32
      %eq3A_1223 = vector.broadcast %or3A_1222 : i32 to vector<16xi32>
      %eq3A_1224 = arith.cmpi eq, %iota3A, %eq3A_1223 : vector<16xi32>
      %jit3A_1225 = arith.constant 1.000000e+00 : f32
      %jit3A_1226 = arith.constant 0.000000e+00 : f32
      %broadcast_in_dim3A_1227 = vector.broadcast %jit3A_1225 : f32 to vector<16xf32>
      %broadcast_in_dim3A_1228 = vector.broadcast %jit3A_1226 : f32 to vector<16xf32>
      %select_n3A_1229 = arith.select %eq3A_1224, %broadcast_in_dim3A_1227, %broadcast_in_dim3A_1228 : vector<16xi1>, vector<16xf32>
      %swap3A_1230 = arith.constant 7 : i32
      %swap3A_1231 = arith.index_cast %swap3A_1230 : i32 to index
      %swap3A_1232 = arith.index_cast %multiple_of3A_1215 : i32 to index
      %swap3A_1233 = tpu.vector_load %arg6[%swap3A_1231, %swap3A_1232] {strides = array<i32>} : memref<32x1000xf32, #tpu.memory_space<vmem>>, vector<1x16xf32>,
      %swap3A_1234 = vector.shape_cast %swap3A_1233 : vector<1x16xf32> to vector<16xf32>
      %swap3A_1235 = vector.shape_cast %select_n3A_1229 : vector<16xf32> to vector<1x16xf32>
      tpu.vector_store %arg6[%swap3A_1231, %swap3A_1232], %swap3A_1235 {strides = array<i32>} : memref<32x1000xf32, #tpu.memory_space<vmem>>, vector<1x16xf32>,
      %slice3A_1236 = vector.extract_strided_slice %min3A_1003 {offsets = [8], sizes = [1], strides = [1]} : vector<16xi32> to vector<1xi32>
      %squeeze3A_1237 = vector.extract %slice3A_1236[0] : i32 from vector<1xi32>
      %slice3A_1238 = vector.extract_strided_slice %get3A_997 {offsets = [8], sizes = [1], strides = [1]} : vector<16xi32> to vector<1xi32>
      %squeeze3A_1239 = vector.extract %slice3A_1238[0] : i32 from vector<1xi32>
      %shift_right_arithmetic3A_1240 = arith.constant 4 : i32
      %shift_right_arithmetic3A_1241 = arith.shrsi %squeeze3A_1237, %shift_right_arithmetic3A_1240 : i32
      %shift_left3A_1242 = arith.constant 4 : i32
      %shift_left3A_1243 = arith.shli %shift_right_arithmetic3A_1241, %shift_left3A_1242 : i32
      %multiple_of3A_1244 = tpu.assume_multiple %shift_left3A_1243, 16 : i32
      %and3A_1245 = arith.constant 15 : i32
      %and3A_1246 = arith.andi %squeeze3A_1237, %and3A_1245 : i32
      %shift_right_arithmetic3A_1247 = arith.constant 31 : i32
      %shift_right_arithmetic3A_1248 = arith.shrsi %squeeze3A_1239, %shift_right_arithmetic3A_1247 : i32
      %and3A_1249 = arith.constant 16 : i32
      %and3A_1250 = arith.andi %shift_right_arithmetic3A_1248, %and3A_1249 : i32
      %or3A_1251 = arith.ori %and3A_1246, %and3A_1250 : i32
      %eq3A_1252 = vector.broadcast %or3A_1251 : i32 to vector<16xi32>
      %eq3A_1253 = arith.cmpi eq, %iota3A, %eq3A_1252 : vector<16xi32>
      %jit3A_1254 = arith.constant 1.000000e+00 : f32
      %jit3A_1255 = arith.constant 0.000000e+00 : f32
      %broadcast_in_dim3A_1256 = vector.broadcast %jit3A_1254 : f32 to vector<16xf32>
      %broadcast_in_dim3A_1257 = vector.broadcast %jit3A_1255 : f32 to vector<16xf32>
      %select_n3A_1258 = arith.select %eq3A_1253, %broadcast_in_dim3A_1256, %broadcast_in_dim3A_1257 : vector<16xi1>, vector<16xf32>
      %swap3A_1259 = arith.constant 8 : i32
      %swap3A_1260 = arith.index_cast %swap3A_1259 : i32 to index
      %swap3A_1261 = arith.index_cast %multiple_of3A_1244 : i32 to index
      %swap3A_1262 = tpu.vector_load %arg6[%swap3A_1260, %swap3A_1261] {strides = array<i32>} : memref<32x1000xf32, #tpu.memory_space<vmem>>, vector<1x16xf32>,
      %swap3A_1263 = vector.shape_cast %swap3A_1262 : vector<1x16xf32> to vector<16xf32>
      %swap3A_1264 = vector.shape_cast %select_n3A_1258 : vector<16xf32> to vector<1x16xf32>
      tpu.vector_store %arg6[%swap3A_1260, %swap3A_1261], %swap3A_1264 {strides = array<i32>} : memref<32x1000xf32, #tpu.memory_space<vmem>>, vector<1x16xf32>,
      %slice3A_1265 = vector.extract_strided_slice %min3A_1003 {offsets = [9], sizes = [1], strides = [1]} : vector<16xi32> to vector<1xi32>
      %squeeze3A_1266 = vector.extract %slice3A_1265[0] : i32 from vector<1xi32>
      %slice3A_1267 = vector.extract_strided_slice %get3A_997 {offsets = [9], sizes = [1], strides = [1]} : vector<16xi32> to vector<1xi32>
      %squeeze3A_1268 = vector.extract %slice3A_1267[0] : i32 from vector<1xi32>
      %shift_right_arithmetic3A_1269 = arith.constant 4 : i32
      %shift_right_arithmetic3A_1270 = arith.shrsi %squeeze3A_1266, %shift_right_arithmetic3A_1269 : i32
      %shift_left3A_1271 = arith.constant 4 : i32
      %shift_left3A_1272 = arith.shli %shift_right_arithmetic3A_1270, %shift_left3A_1271 : i32
      %multiple_of3A_1273 = tpu.assume_multiple %shift_left3A_1272, 16 : i32
      %and3A_1274 = arith.constant 15 : i32
      %and3A_1275 = arith.andi %squeeze3A_1266, %and3A_1274 : i32
      %shift_right_arithmetic3A_1276 = arith.constant 31 : i32
      %shift_right_arithmetic3A_1277 = arith.shrsi %squeeze3A_1268, %shift_right_arithmetic3A_1276 : i32
      %and3A_1278 = arith.constant 16 : i32
      %and3A_1279 = arith.andi %shift_right_arithmetic3A_1277, %and3A_1278 : i32
      %or3A_1280 = arith.ori %and3A_1275, %and3A_1279 : i32
      %eq3A_1281 = vector.broadcast %or3A_1280 : i32 to vector<16xi32>
      %eq3A_1282 = arith.cmpi eq, %iota3A, %eq3A_1281 : vector<16xi32>
      %jit3A_1283 = arith.constant 1.000000e+00 : f32
      %jit3A_1284 = arith.constant 0.000000e+00 : f32
      %broadcast_in_dim3A_1285 = vector.broadcast %jit3A_1283 : f32 to vector<16xf32>
      %broadcast_in_dim3A_1286 = vector.broadcast %jit3A_1284 : f32 to vector<16xf32>
      %select_n3A_1287 = arith.select %eq3A_1282, %broadcast_in_dim3A_1285, %broadcast_in_dim3A_1286 : vector<16xi1>, vector<16xf32>
      %swap3A_1288 = arith.constant 9 : i32
      %swap3A_1289 = arith.index_cast %swap3A_1288 : i32 to index
      %swap3A_1290 = arith.index_cast %multiple_of3A_1273 : i32 to index
      %swap3A_1291 = tpu.vector_load %arg6[%swap3A_1289, %swap3A_1290] {strides = array<i32>} : memref<32x1000xf32, #tpu.memory_space<vmem>>, vector<1x16xf32>,
      %swap3A_1292 = vector.shape_cast %swap3A_1291 : vector<1x16xf32> to vector<16xf32>
      %swap3A_1293 = vector.shape_cast %select_n3A_1287 : vector<16xf32> to vector<1x16xf32>
      tpu.vector_store %arg6[%swap3A_1289, %swap3A_1290], %swap3A_1293 {strides = array<i32>} : memref<32x1000xf32, #tpu.memory_space<vmem>>, vector<1x16xf32>,
      %slice3A_1294 = vector.extract_strided_slice %min3A_1003 {offsets = [10], sizes = [1], strides = [1]} : vector<16xi32> to vector<1xi32>
      %squeeze3A_1295 = vector.extract %slice3A_1294[0] : i32 from vector<1xi32>
      %slice3A_1296 = vector.extract_strided_slice %get3A_997 {offsets = [10], sizes = [1], strides = [1]} : vector<16xi32> to vector<1xi32>
      %squeeze3A_1297 = vector.extract %slice3A_1296[0] : i32 from vector<1xi32>
      %shift_right_arithmetic3A_1298 = arith.constant 4 : i32
      %shift_right_arithmetic3A_1299 = arith.shrsi %squeeze3A_1295, %shift_right_arithmetic3A_1298 : i32
      %shift_left3A_1300 = arith.constant 4 : i32
      %shift_left3A_1301 = arith.shli %shift_right_arithmetic3A_1299, %shift_left3A_1300 : i32
      %multiple_of3A_1302 = tpu.assume_multiple %shift_left3A_1301, 16 : i32
      %and3A_1303 = arith.constant 15 : i32
      %and3A_1304 = arith.andi %squeeze3A_1295, %and3A_1303 : i32
      %shift_right_arithmetic3A_1305 = arith.constant 31 : i32
      %shift_right_arithmetic3A_1306 = arith.shrsi %squeeze3A_1297, %shift_right_arithmetic3A_1305 : i32
      %and3A_1307 = arith.constant 16 : i32
      %and3A_1308 = arith.andi %shift_right_arithmetic3A_1306, %and3A_1307 : i32
      %or3A_1309 = arith.ori %and3A_1304, %and3A_1308 : i32
      %eq3A_1310 = vector.broadcast %or3A_1309 : i32 to vector<16xi32>
      %eq3A_1311 = arith.cmpi eq, %iota3A, %eq3A_1310 : vector<16xi32>
      %jit3A_1312 = arith.constant 1.000000e+00 : f32
      %jit3A_1313 = arith.constant 0.000000e+00 : f32
      %broadcast_in_dim3A_1314 = vector.broadcast %jit3A_1312 : f32 to vector<16xf32>
      %broadcast_in_dim3A_1315 = vector.broadcast %jit3A_1313 : f32 to vector<16xf32>
      %select_n3A_1316 = arith.select %eq3A_1311, %broadcast_in_dim3A_1314, %broadcast_in_dim3A_1315 : vector<16xi1>, vector<16xf32>
      %swap3A_1317 = arith.constant 10 : i32
      %swap3A_1318 = arith.index_cast %swap3A_1317 : i32 to index
      %swap3A_1319 = arith.index_cast %multiple_of3A_1302 : i32 to index
      %swap3A_1320 = tpu.vector_load %arg6[%swap3A_1318, %swap3A_1319] {strides = array<i32>} : memref<32x1000xf32, #tpu.memory_space<vmem>>, vector<1x16xf32>,
      %swap3A_1321 = vector.shape_cast %swap3A_1320 : vector<1x16xf32> to vector<16xf32>
      %swap3A_1322 = vector.shape_cast %select_n3A_1316 : vector<16xf32> to vector<1x16xf32>
      tpu.vector_store %arg6[%swap3A_1318, %swap3A_1319], %swap3A_1322 {strides = array<i32>} : memref<32x1000xf32, #tpu.memory_space<vmem>>, vector<1x16xf32>,
      %slice3A_1323 = vector.extract_strided_slice %min3A_1003 {offsets = [11], sizes = [1], strides = [1]} : vector<16xi32> to vector<1xi32>
      %squeeze3A_1324 = vector.extract %slice3A_1323[0] : i32 from vector<1xi32>
      %slice3A_1325 = vector.extract_strided_slice %get3A_997 {offsets = [11], sizes = [1], strides = [1]} : vector<16xi32> to vector<1xi32>
      %squeeze3A_1326 = vector.extract %slice3A_1325[0] : i32 from vector<1xi32>
      %shift_right_arithmetic3A_1327 = arith.constant 4 : i32
      %shift_right_arithmetic3A_1328 = arith.shrsi %squeeze3A_1324, %shift_right_arithmetic3A_1327 : i32
      %shift_left3A_1329 = arith.constant 4 : i32
      %shift_left3A_1330 = arith.shli %shift_right_arithmetic3A_1328, %shift_left3A_1329 : i32
      %multiple_of3A_1331 = tpu.assume_multiple %shift_left3A_1330, 16 : i32
      %and3A_1332 = arith.constant 15 : i32
      %and3A_1333 = arith.andi %squeeze3A_1324, %and3A_1332 : i32
      %shift_right_arithmetic3A_1334 = arith.constant 31 : i32
      %shift_right_arithmetic3A_1335 = arith.shrsi %squeeze3A_1326, %shift_right_arithmetic3A_1334 : i32
      %and3A_1336 = arith.constant 16 : i32
      %and3A_1337 = arith.andi %shift_right_arithmetic3A_1335, %and3A_1336 : i32
      %or3A_1338 = arith.ori %and3A_1333, %and3A_1337 : i32
      %eq3A_1339 = vector.broadcast %or3A_1338 : i32 to vector<16xi32>
      %eq3A_1340 = arith.cmpi eq, %iota3A, %eq3A_1339 : vector<16xi32>
      %jit3A_1341 = arith.constant 1.000000e+00 : f32
      %jit3A_1342 = arith.constant 0.000000e+00 : f32
      %broadcast_in_dim3A_1343 = vector.broadcast %jit3A_1341 : f32 to vector<16xf32>
      %broadcast_in_dim3A_1344 = vector.broadcast %jit3A_1342 : f32 to vector<16xf32>
      %select_n3A_1345 = arith.select %eq3A_1340, %broadcast_in_dim3A_1343, %broadcast_in_dim3A_1344 : vector<16xi1>, vector<16xf32>
      %swap3A_1346 = arith.constant 11 : i32
      %swap3A_1347 = arith.index_cast %swap3A_1346 : i32 to index
      %swap3A_1348 = arith.index_cast %multiple_of3A_1331 : i32 to index
      %swap3A_1349 = tpu.vector_load %arg6[%swap3A_1347, %swap3A_1348] {strides = array<i32>} : memref<32x1000xf32, #tpu.memory_space<vmem>>, vector<1x16xf32>,
      %swap3A_1350 = vector.shape_cast %swap3A_1349 : vector<1x16xf32> to vector<16xf32>
      %swap3A_1351 = vector.shape_cast %select_n3A_1345 : vector<16xf32> to vector<1x16xf32>
      tpu.vector_store %arg6[%swap3A_1347, %swap3A_1348], %swap3A_1351 {strides = array<i32>} : memref<32x1000xf32, #tpu.memory_space<vmem>>, vector<1x16xf32>,
      %slice3A_1352 = vector.extract_strided_slice %min3A_1003 {offsets = [12], sizes = [1], strides = [1]} : vector<16xi32> to vector<1xi32>
      %squeeze3A_1353 = vector.extract %slice3A_1352[0] : i32 from vector<1xi32>
      %slice3A_1354 = vector.extract_strided_slice %get3A_997 {offsets = [12], sizes = [1], strides = [1]} : vector<16xi32> to vector<1xi32>
      %squeeze3A_1355 = vector.extract %slice3A_1354[0] : i32 from vector<1xi32>
      %shift_right_arithmetic3A_1356 = arith.constant 4 : i32
      %shift_right_arithmetic3A_1357 = arith.shrsi %squeeze3A_1353, %shift_right_arithmetic3A_1356 : i32
      %shift_left3A_1358 = arith.constant 4 : i32
      %shift_left3A_1359 = arith.shli %shift_right_arithmetic3A_1357, %shift_left3A_1358 : i32
      %multiple_of3A_1360 = tpu.assume_multiple %shift_left3A_1359, 16 : i32
      %and3A_1361 = arith.constant 15 : i32
      %and3A_1362 = arith.andi %squeeze3A_1353, %and3A_1361 : i32
      %shift_right_arithmetic3A_1363 = arith.constant 31 : i32
      %shift_right_arithmetic3A_1364 = arith.shrsi %squeeze3A_1355, %shift_right_arithmetic3A_1363 : i32
      %and3A_1365 = arith.constant 16 : i32
      %and3A_1366 = arith.andi %shift_right_arithmetic3A_1364, %and3A_1365 : i32
      %or3A_1367 = arith.ori %and3A_1362, %and3A_1366 : i32
      %eq3A_1368 = vector.broadcast %or3A_1367 : i32 to vector<16xi32>
      %eq3A_1369 = arith.cmpi eq, %iota3A, %eq3A_1368 : vector<16xi32>
      %jit3A_1370 = arith.constant 1.000000e+00 : f32
      %jit3A_1371 = arith.constant 0.000000e+00 : f32
      %broadcast_in_dim3A_1372 = vector.broadcast %jit3A_1370 : f32 to vector<16xf32>
      %broadcast_in_dim3A_1373 = vector.broadcast %jit3A_1371 : f32 to vector<16xf32>
      %select_n3A_1374 = arith.select %eq3A_1369, %broadcast_in_dim3A_1372, %broadcast_in_dim3A_1373 : vector<16xi1>, vector<16xf32>
      %swap3A_1375 = arith.constant 12 : i32
      %swap3A_1376 = arith.index_cast %swap3A_1375 : i32 to index
      %swap3A_1377 = arith.index_cast %multiple_of3A_1360 : i32 to index
      %swap3A_1378 = tpu.vector_load %arg6[%swap3A_1376, %swap3A_1377] {strides = array<i32>} : memref<32x1000xf32, #tpu.memory_space<vmem>>, vector<1x16xf32>,
      %swap3A_1379 = vector.shape_cast %swap3A_1378 : vector<1x16xf32> to vector<16xf32>
      %swap3A_1380 = vector.shape_cast %select_n3A_1374 : vector<16xf32> to vector<1x16xf32>
      tpu.vector_store %arg6[%swap3A_1376, %swap3A_1377], %swap3A_1380 {strides = array<i32>} : memref<32x1000xf32, #tpu.memory_space<vmem>>, vector<1x16xf32>,
      %slice3A_1381 = vector.extract_strided_slice %min3A_1003 {offsets = [13], sizes = [1], strides = [1]} : vector<16xi32> to vector<1xi32>
      %squeeze3A_1382 = vector.extract %slice3A_1381[0] : i32 from vector<1xi32>
      %slice3A_1383 = vector.extract_strided_slice %get3A_997 {offsets = [13], sizes = [1], strides = [1]} : vector<16xi32> to vector<1xi32>
      %squeeze3A_1384 = vector.extract %slice3A_1383[0] : i32 from vector<1xi32>
      %shift_right_arithmetic3A_1385 = arith.constant 4 : i32
      %shift_right_arithmetic3A_1386 = arith.shrsi %squeeze3A_1382, %shift_right_arithmetic3A_1385 : i32
      %shift_left3A_1387 = arith.constant 4 : i32
      %shift_left3A_1388 = arith.shli %shift_right_arithmetic3A_1386, %shift_left3A_1387 : i32
      %multiple_of3A_1389 = tpu.assume_multiple %shift_left3A_1388, 16 : i32
      %and3A_1390 = arith.constant 15 : i32
      %and3A_1391 = arith.andi %squeeze3A_1382, %and3A_1390 : i32
      %shift_right_arithmetic3A_1392 = arith.constant 31 : i32
      %shift_right_arithmetic3A_1393 = arith.shrsi %squeeze3A_1384, %shift_right_arithmetic3A_1392 : i32
      %and3A_1394 = arith.constant 16 : i32
      %and3A_1395 = arith.andi %shift_right_arithmetic3A_1393, %and3A_1394 : i32
      %or3A_1396 = arith.ori %and3A_1391, %and3A_1395 : i32
      %eq3A_1397 = vector.broadcast %or3A_1396 : i32 to vector<16xi32>
      %eq3A_1398 = arith.cmpi eq, %iota3A, %eq3A_1397 : vector<16xi32>
      %jit3A_1399 = arith.constant 1.000000e+00 : f32
      %jit3A_1400 = arith.constant 0.000000e+00 : f32
      %broadcast_in_dim3A_1401 = vector.broadcast %jit3A_1399 : f32 to vector<16xf32>
      %broadcast_in_dim3A_1402 = vector.broadcast %jit3A_1400 : f32 to vector<16xf32>
      %select_n3A_1403 = arith.select %eq3A_1398, %broadcast_in_dim3A_1401, %broadcast_in_dim3A_1402 : vector<16xi1>, vector<16xf32>
      %swap3A_1404 = arith.constant 13 : i32
      %swap3A_1405 = arith.index_cast %swap3A_1404 : i32 to index
      %swap3A_1406 = arith.index_cast %multiple_of3A_1389 : i32 to index
      %swap3A_1407 = tpu.vector_load %arg6[%swap3A_1405, %swap3A_1406] {strides = array<i32>} : memref<32x1000xf32, #tpu.memory_space<vmem>>, vector<1x16xf32>,
      %swap3A_1408 = vector.shape_cast %swap3A_1407 : vector<1x16xf32> to vector<16xf32>
      %swap3A_1409 = vector.shape_cast %select_n3A_1403 : vector<16xf32> to vector<1x16xf32>
      tpu.vector_store %arg6[%swap3A_1405, %swap3A_1406], %swap3A_1409 {strides = array<i32>} : memref<32x1000xf32, #tpu.memory_space<vmem>>, vector<1x16xf32>,
      %slice3A_1410 = vector.extract_strided_slice %min3A_1003 {offsets = [14], sizes = [1], strides = [1]} : vector<16xi32> to vector<1xi32>
      %squeeze3A_1411 = vector.extract %slice3A_1410[0] : i32 from vector<1xi32>
      %slice3A_1412 = vector.extract_strided_slice %get3A_997 {offsets = [14], sizes = [1], strides = [1]} : vector<16xi32> to vector<1xi32>
      %squeeze3A_1413 = vector.extract %slice3A_1412[0] : i32 from vector<1xi32>
      %shift_right_arithmetic3A_1414 = arith.constant 4 : i32
      %shift_right_arithmetic3A_1415 = arith.shrsi %squeeze3A_1411, %shift_right_arithmetic3A_1414 : i32
      %shift_left3A_1416 = arith.constant 4 : i32
      %shift_left3A_1417 = arith.shli %shift_right_arithmetic3A_1415, %shift_left3A_1416 : i32
      %multiple_of3A_1418 = tpu.assume_multiple %shift_left3A_1417, 16 : i32
      %and3A_1419 = arith.constant 15 : i32
      %and3A_1420 = arith.andi %squeeze3A_1411, %and3A_1419 : i32
      %shift_right_arithmetic3A_1421 = arith.constant 31 : i32
      %shift_right_arithmetic3A_1422 = arith.shrsi %squeeze3A_1413, %shift_right_arithmetic3A_1421 : i32
      %and3A_1423 = arith.constant 16 : i32
      %and3A_1424 = arith.andi %shift_right_arithmetic3A_1422, %and3A_1423 : i32
      %or3A_1425 = arith.ori %and3A_1420, %and3A_1424 : i32
      %eq3A_1426 = vector.broadcast %or3A_1425 : i32 to vector<16xi32>
      %eq3A_1427 = arith.cmpi eq, %iota3A, %eq3A_1426 : vector<16xi32>
      %jit3A_1428 = arith.constant 1.000000e+00 : f32
      %jit3A_1429 = arith.constant 0.000000e+00 : f32
      %broadcast_in_dim3A_1430 = vector.broadcast %jit3A_1428 : f32 to vector<16xf32>
      %broadcast_in_dim3A_1431 = vector.broadcast %jit3A_1429 : f32 to vector<16xf32>
      %select_n3A_1432 = arith.select %eq3A_1427, %broadcast_in_dim3A_1430, %broadcast_in_dim3A_1431 : vector<16xi1>, vector<16xf32>
      %swap3A_1433 = arith.constant 14 : i32
      %swap3A_1434 = arith.index_cast %swap3A_1433 : i32 to index
      %swap3A_1435 = arith.index_cast %multiple_of3A_1418 : i32 to index
      %swap3A_1436 = tpu.vector_load %arg6[%swap3A_1434, %swap3A_1435] {strides = array<i32>} : memref<32x1000xf32, #tpu.memory_space<vmem>>, vector<1x16xf32>,
      %swap3A_1437 = vector.shape_cast %swap3A_1436 : vector<1x16xf32> to vector<16xf32>
      %swap3A_1438 = vector.shape_cast %select_n3A_1432 : vector<16xf32> to vector<1x16xf32>
      tpu.vector_store %arg6[%swap3A_1434, %swap3A_1435], %swap3A_1438 {strides = array<i32>} : memref<32x1000xf32, #tpu.memory_space<vmem>>, vector<1x16xf32>,
      %slice3A_1439 = vector.extract_strided_slice %min3A_1003 {offsets = [15], sizes = [1], strides = [1]} : vector<16xi32> to vector<1xi32>
      %squeeze3A_1440 = vector.extract %slice3A_1439[0] : i32 from vector<1xi32>
      %slice3A_1441 = vector.extract_strided_slice %get3A_997 {offsets = [15], sizes = [1], strides = [1]} : vector<16xi32> to vector<1xi32>
      %squeeze3A_1442 = vector.extract %slice3A_1441[0] : i32 from vector<1xi32>
      %shift_right_arithmetic3A_1443 = arith.constant 4 : i32
      %shift_right_arithmetic3A_1444 = arith.shrsi %squeeze3A_1440, %shift_right_arithmetic3A_1443 : i32
      %shift_left3A_1445 = arith.constant 4 : i32
      %shift_left3A_1446 = arith.shli %shift_right_arithmetic3A_1444, %shift_left3A_1445 : i32
      %multiple_of3A_1447 = tpu.assume_multiple %shift_left3A_1446, 16 : i32
      %and3A_1448 = arith.constant 15 : i32
      %and3A_1449 = arith.andi %squeeze3A_1440, %and3A_1448 : i32
      %shift_right_arithmetic3A_1450 = arith.constant 31 : i32
      %shift_right_arithmetic3A_1451 = arith.shrsi %squeeze3A_1442, %shift_right_arithmetic3A_1450 : i32
      %and3A_1452 = arith.constant 16 : i32
      %and3A_1453 = arith.andi %shift_right_arithmetic3A_1451, %and3A_1452 : i32
      %or3A_1454 = arith.ori %and3A_1449, %and3A_1453 : i32
      %eq3A_1455 = vector.broadcast %or3A_1454 : i32 to vector<16xi32>
      %eq3A_1456 = arith.cmpi eq, %iota3A, %eq3A_1455 : vector<16xi32>
      %jit3A_1457 = arith.constant 1.000000e+00 : f32
      %jit3A_1458 = arith.constant 0.000000e+00 : f32
      %broadcast_in_dim3A_1459 = vector.broadcast %jit3A_1457 : f32 to vector<16xf32>
      %broadcast_in_dim3A_1460 = vector.broadcast %jit3A_1458 : f32 to vector<16xf32>
      %select_n3A_1461 = arith.select %eq3A_1456, %broadcast_in_dim3A_1459, %broadcast_in_dim3A_1460 : vector<16xi1>, vector<16xf32>
      %swap3A_1462 = arith.constant 15 : i32
      %swap3A_1463 = arith.index_cast %swap3A_1462 : i32 to index
      %swap3A_1464 = arith.index_cast %multiple_of3A_1447 : i32 to index
      %swap3A_1465 = tpu.vector_load %arg6[%swap3A_1463, %swap3A_1464] {strides = array<i32>} : memref<32x1000xf32, #tpu.memory_space<vmem>>, vector<1x16xf32>,
      %swap3A_1466 = vector.shape_cast %swap3A_1465 : vector<1x16xf32> to vector<16xf32>
      %swap3A_1467 = vector.shape_cast %select_n3A_1461 : vector<16xf32> to vector<1x16xf32>
      tpu.vector_store %arg6[%swap3A_1463, %swap3A_1464], %swap3A_1467 {strides = array<i32>} : memref<32x1000xf32, #tpu.memory_space<vmem>>, vector<1x16xf32>,
      %mul3A_1468 = arith.constant 32 : i32
      %mul3A_1469 = arith.muli %add3A_985, %mul3A_1468 : i32
      %add3A_1470 = arith.constant 16 : i32
      %add3A_1471 = arith.addi %mul3A_1469, %add3A_1470 : i32
      %get3A_1472 = arith.index_cast %add3A_1471 : i32 to index
      %get3A_1473 = tpu.vector_load %arg4[%get3A_1472] {strides = array<i32>} : memref<1600xi32, #tpu.memory_space<vmem>>, vector<16xi32>,
      %get3A_1474 = vector.shape_cast %get3A_1473 : vector<16xi32> to vector<16xi32>
      %jit3A_1475 = arith.constant 0 : i32
      %jit3A_1476 = arith.constant 999 : i32
      %max3A_1477 = vector.broadcast %jit3A_1475 : i32 to vector<16xi32>
      %max3A_1478 = arith.maxsi %max3A_1477, %get3A_1474 : vector<16xi32>
      %min3A_1479 = vector.broadcast %jit3A_1476 : i32 to vector<16xi32>
      %min3A_1480 = arith.minsi %min3A_1479, %max3A_1478 : vector<16xi32>
      %slice3A_1481 = vector.extract_strided_slice %min3A_1480 {offsets = [0], sizes = [1], strides = [1]} : vector<16xi32> to vector<1xi32>
      %squeeze3A_1482 = vector.extract %slice3A_1481[0] : i32 from vector<1xi32>
      %slice3A_1483 = vector.extract_strided_slice %get3A_1474 {offsets = [0], sizes = [1], strides = [1]} : vector<16xi32> to vector<1xi32>
      %squeeze3A_1484 = vector.extract %slice3A_1483[0] : i32 from vector<1xi32>
      %shift_right_arithmetic3A_1485 = arith.constant 4 : i32
      %shift_right_arithmetic3A_1486 = arith.shrsi %squeeze3A_1482, %shift_right_arithmetic3A_1485 : i32
      %shift_left3A_1487 = arith.constant 4 : i32
      %shift_left3A_1488 = arith.shli %shift_right_arithmetic3A_1486, %shift_left3A_1487 : i32
      %multiple_of3A_1489 = tpu.assume_multiple %shift_left3A_1488, 16 : i32
      %and3A_1490 = arith.constant 15 : i32
      %and3A_1491 = arith.andi %squeeze3A_1482, %and3A_1490 : i32
      %shift_right_arithmetic3A_1492 = arith.constant 31 : i32
      %shift_right_arithmetic3A_1493 = arith.shrsi %squeeze3A_1484, %shift_right_arithmetic3A_1492 : i32
      %and3A_1494 = arith.constant 16 : i32
      %and3A_1495 = arith.andi %shift_right_arithmetic3A_1493, %and3A_1494 : i32
      %or3A_1496 = arith.ori %and3A_1491, %and3A_1495 : i32
      %eq3A_1497 = vector.broadcast %or3A_1496 : i32 to vector<16xi32>
      %eq3A_1498 = arith.cmpi eq, %iota3A, %eq3A_1497 : vector<16xi32>
      %jit3A_1499 = arith.constant 1.000000e+00 : f32
      %jit3A_1500 = arith.constant 0.000000e+00 : f32
      %broadcast_in_dim3A_1501 = vector.broadcast %jit3A_1499 : f32 to vector<16xf32>
      %broadcast_in_dim3A_1502 = vector.broadcast %jit3A_1500 : f32 to vector<16xf32>
      %select_n3A_1503 = arith.select %eq3A_1498, %broadcast_in_dim3A_1501, %broadcast_in_dim3A_1502 : vector<16xi1>, vector<16xf32>
      %swap3A_1504 = arith.constant 16 : i32
      %swap3A_1505 = arith.index_cast %swap3A_1504 : i32 to index
      %swap3A_1506 = arith.index_cast %multiple_of3A_1489 : i32 to index
      %swap3A_1507 = tpu.vector_load %arg6[%swap3A_1505, %swap3A_1506] {strides = array<i32>} : memref<32x1000xf32, #tpu.memory_space<vmem>>, vector<1x16xf32>,
      %swap3A_1508 = vector.shape_cast %swap3A_1507 : vector<1x16xf32> to vector<16xf32>
      %swap3A_1509 = vector.shape_cast %select_n3A_1503 : vector<16xf32> to vector<1x16xf32>
      tpu.vector_store %arg6[%swap3A_1505, %swap3A_1506], %swap3A_1509 {strides = array<i32>} : memref<32x1000xf32, #tpu.memory_space<vmem>>, vector<1x16xf32>,
      %slice3A_1510 = vector.extract_strided_slice %min3A_1480 {offsets = [1], sizes = [1], strides = [1]} : vector<16xi32> to vector<1xi32>
      %squeeze3A_1511 = vector.extract %slice3A_1510[0] : i32 from vector<1xi32>
      %slice3A_1512 = vector.extract_strided_slice %get3A_1474 {offsets = [1], sizes = [1], strides = [1]} : vector<16xi32> to vector<1xi32>
      %squeeze3A_1513 = vector.extract %slice3A_1512[0] : i32 from vector<1xi32>
      %shift_right_arithmetic3A_1514 = arith.constant 4 : i32
      %shift_right_arithmetic3A_1515 = arith.shrsi %squeeze3A_1511, %shift_right_arithmetic3A_1514 : i32
      %shift_left3A_1516 = arith.constant 4 : i32
      %shift_left3A_1517 = arith.shli %shift_right_arithmetic3A_1515, %shift_left3A_1516 : i32
      %multiple_of3A_1518 = tpu.assume_multiple %shift_left3A_1517, 16 : i32
      %and3A_1519 = arith.constant 15 : i32
      %and3A_1520 = arith.andi %squeeze3A_1511, %and3A_1519 : i32
      %shift_right_arithmetic3A_1521 = arith.constant 31 : i32
      %shift_right_arithmetic3A_1522 = arith.shrsi %squeeze3A_1513, %shift_right_arithmetic3A_1521 : i32
      %and3A_1523 = arith.constant 16 : i32
      %and3A_1524 = arith.andi %shift_right_arithmetic3A_1522, %and3A_1523 : i32
      %or3A_1525 = arith.ori %and3A_1520, %and3A_1524 : i32
      %eq3A_1526 = vector.broadcast %or3A_1525 : i32 to vector<16xi32>
      %eq3A_1527 = arith.cmpi eq, %iota3A, %eq3A_1526 : vector<16xi32>
      %jit3A_1528 = arith.constant 1.000000e+00 : f32
      %jit3A_1529 = arith.constant 0.000000e+00 : f32
      %broadcast_in_dim3A_1530 = vector.broadcast %jit3A_1528 : f32 to vector<16xf32>
      %broadcast_in_dim3A_1531 = vector.broadcast %jit3A_1529 : f32 to vector<16xf32>
      %select_n3A_1532 = arith.select %eq3A_1527, %broadcast_in_dim3A_1530, %broadcast_in_dim3A_1531 : vector<16xi1>, vector<16xf32>
      %swap3A_1533 = arith.constant 17 : i32
      %swap3A_1534 = arith.index_cast %swap3A_1533 : i32 to index
      %swap3A_1535 = arith.index_cast %multiple_of3A_1518 : i32 to index
      %swap3A_1536 = tpu.vector_load %arg6[%swap3A_1534, %swap3A_1535] {strides = array<i32>} : memref<32x1000xf32, #tpu.memory_space<vmem>>, vector<1x16xf32>,
      %swap3A_1537 = vector.shape_cast %swap3A_1536 : vector<1x16xf32> to vector<16xf32>
      %swap3A_1538 = vector.shape_cast %select_n3A_1532 : vector<16xf32> to vector<1x16xf32>
      tpu.vector_store %arg6[%swap3A_1534, %swap3A_1535], %swap3A_1538 {strides = array<i32>} : memref<32x1000xf32, #tpu.memory_space<vmem>>, vector<1x16xf32>,
      %slice3A_1539 = vector.extract_strided_slice %min3A_1480 {offsets = [2], sizes = [1], strides = [1]} : vector<16xi32> to vector<1xi32>
      %squeeze3A_1540 = vector.extract %slice3A_1539[0] : i32 from vector<1xi32>
      %slice3A_1541 = vector.extract_strided_slice %get3A_1474 {offsets = [2], sizes = [1], strides = [1]} : vector<16xi32> to vector<1xi32>
      %squeeze3A_1542 = vector.extract %slice3A_1541[0] : i32 from vector<1xi32>
      %shift_right_arithmetic3A_1543 = arith.constant 4 : i32
      %shift_right_arithmetic3A_1544 = arith.shrsi %squeeze3A_1540, %shift_right_arithmetic3A_1543 : i32
      %shift_left3A_1545 = arith.constant 4 : i32
      %shift_left3A_1546 = arith.shli %shift_right_arithmetic3A_1544, %shift_left3A_1545 : i32
      %multiple_of3A_1547 = tpu.assume_multiple %shift_left3A_1546, 16 : i32
      %and3A_1548 = arith.constant 15 : i32
      %and3A_1549 = arith.andi %squeeze3A_1540, %and3A_1548 : i32
      %shift_right_arithmetic3A_1550 = arith.constant 31 : i32
      %shift_right_arithmetic3A_1551 = arith.shrsi %squeeze3A_1542, %shift_right_arithmetic3A_1550 : i32
      %and3A_1552 = arith.constant 16 : i32
      %and3A_1553 = arith.andi %shift_right_arithmetic3A_1551, %and3A_1552 : i32
      %or3A_1554 = arith.ori %and3A_1549, %and3A_1553 : i32
      %eq3A_1555 = vector.broadcast %or3A_1554 : i32 to vector<16xi32>
      %eq3A_1556 = arith.cmpi eq, %iota3A, %eq3A_1555 : vector<16xi32>
      %jit3A_1557 = arith.constant 1.000000e+00 : f32
      %jit3A_1558 = arith.constant 0.000000e+00 : f32
      %broadcast_in_dim3A_1559 = vector.broadcast %jit3A_1557 : f32 to vector<16xf32>
      %broadcast_in_dim3A_1560 = vector.broadcast %jit3A_1558 : f32 to vector<16xf32>
      %select_n3A_1561 = arith.select %eq3A_1556, %broadcast_in_dim3A_1559, %broadcast_in_dim3A_1560 : vector<16xi1>, vector<16xf32>
      %swap3A_1562 = arith.constant 18 : i32
      %swap3A_1563 = arith.index_cast %swap3A_1562 : i32 to index
      %swap3A_1564 = arith.index_cast %multiple_of3A_1547 : i32 to index
      %swap3A_1565 = tpu.vector_load %arg6[%swap3A_1563, %swap3A_1564] {strides = array<i32>} : memref<32x1000xf32, #tpu.memory_space<vmem>>, vector<1x16xf32>,
      %swap3A_1566 = vector.shape_cast %swap3A_1565 : vector<1x16xf32> to vector<16xf32>
      %swap3A_1567 = vector.shape_cast %select_n3A_1561 : vector<16xf32> to vector<1x16xf32>
      tpu.vector_store %arg6[%swap3A_1563, %swap3A_1564], %swap3A_1567 {strides = array<i32>} : memref<32x1000xf32, #tpu.memory_space<vmem>>, vector<1x16xf32>,
      %slice3A_1568 = vector.extract_strided_slice %min3A_1480 {offsets = [3], sizes = [1], strides = [1]} : vector<16xi32> to vector<1xi32>
      %squeeze3A_1569 = vector.extract %slice3A_1568[0] : i32 from vector<1xi32>
      %slice3A_1570 = vector.extract_strided_slice %get3A_1474 {offsets = [3], sizes = [1], strides = [1]} : vector<16xi32> to vector<1xi32>
      %squeeze3A_1571 = vector.extract %slice3A_1570[0] : i32 from vector<1xi32>
      %shift_right_arithmetic3A_1572 = arith.constant 4 : i32
      %shift_right_arithmetic3A_1573 = arith.shrsi %squeeze3A_1569, %shift_right_arithmetic3A_1572 : i32
      %shift_left3A_1574 = arith.constant 4 : i32
      %shift_left3A_1575 = arith.shli %shift_right_arithmetic3A_1573, %shift_left3A_1574 : i32
      %multiple_of3A_1576 = tpu.assume_multiple %shift_left3A_1575, 16 : i32
      %and3A_1577 = arith.constant 15 : i32
      %and3A_1578 = arith.andi %squeeze3A_1569, %and3A_1577 : i32
      %shift_right_arithmetic3A_1579 = arith.constant 31 : i32
      %shift_right_arithmetic3A_1580 = arith.shrsi %squeeze3A_1571, %shift_right_arithmetic3A_1579 : i32
      %and3A_1581 = arith.constant 16 : i32
      %and3A_1582 = arith.andi %shift_right_arithmetic3A_1580, %and3A_1581 : i32
      %or3A_1583 = arith.ori %and3A_1578, %and3A_1582 : i32
      %eq3A_1584 = vector.broadcast %or3A_1583 : i32 to vector<16xi32>
      %eq3A_1585 = arith.cmpi eq, %iota3A, %eq3A_1584 : vector<16xi32>
      %jit3A_1586 = arith.constant 1.000000e+00 : f32
      %jit3A_1587 = arith.constant 0.000000e+00 : f32
      %broadcast_in_dim3A_1588 = vector.broadcast %jit3A_1586 : f32 to vector<16xf32>
      %broadcast_in_dim3A_1589 = vector.broadcast %jit3A_1587 : f32 to vector<16xf32>
      %select_n3A_1590 = arith.select %eq3A_1585, %broadcast_in_dim3A_1588, %broadcast_in_dim3A_1589 : vector<16xi1>, vector<16xf32>
      %swap3A_1591 = arith.constant 19 : i32
      %swap3A_1592 = arith.index_cast %swap3A_1591 : i32 to index
      %swap3A_1593 = arith.index_cast %multiple_of3A_1576 : i32 to index
      %swap3A_1594 = tpu.vector_load %arg6[%swap3A_1592, %swap3A_1593] {strides = array<i32>} : memref<32x1000xf32, #tpu.memory_space<vmem>>, vector<1x16xf32>,
      %swap3A_1595 = vector.shape_cast %swap3A_1594 : vector<1x16xf32> to vector<16xf32>
      %swap3A_1596 = vector.shape_cast %select_n3A_1590 : vector<16xf32> to vector<1x16xf32>
      tpu.vector_store %arg6[%swap3A_1592, %swap3A_1593], %swap3A_1596 {strides = array<i32>} : memref<32x1000xf32, #tpu.memory_space<vmem>>, vector<1x16xf32>,
      %slice3A_1597 = vector.extract_strided_slice %min3A_1480 {offsets = [4], sizes = [1], strides = [1]} : vector<16xi32> to vector<1xi32>
      %squeeze3A_1598 = vector.extract %slice3A_1597[0] : i32 from vector<1xi32>
      %slice3A_1599 = vector.extract_strided_slice %get3A_1474 {offsets = [4], sizes = [1], strides = [1]} : vector<16xi32> to vector<1xi32>
      %squeeze3A_1600 = vector.extract %slice3A_1599[0] : i32 from vector<1xi32>
      %shift_right_arithmetic3A_1601 = arith.constant 4 : i32
      %shift_right_arithmetic3A_1602 = arith.shrsi %squeeze3A_1598, %shift_right_arithmetic3A_1601 : i32
      %shift_left3A_1603 = arith.constant 4 : i32
      %shift_left3A_1604 = arith.shli %shift_right_arithmetic3A_1602, %shift_left3A_1603 : i32
      %multiple_of3A_1605 = tpu.assume_multiple %shift_left3A_1604, 16 : i32
      %and3A_1606 = arith.constant 15 : i32
      %and3A_1607 = arith.andi %squeeze3A_1598, %and3A_1606 : i32
      %shift_right_arithmetic3A_1608 = arith.constant 31 : i32
      %shift_right_arithmetic3A_1609 = arith.shrsi %squeeze3A_1600, %shift_right_arithmetic3A_1608 : i32
      %and3A_1610 = arith.constant 16 : i32
      %and3A_1611 = arith.andi %shift_right_arithmetic3A_1609, %and3A_1610 : i32
      %or3A_1612 = arith.ori %and3A_1607, %and3A_1611 : i32
      %eq3A_1613 = vector.broadcast %or3A_1612 : i32 to vector<16xi32>
      %eq3A_1614 = arith.cmpi eq, %iota3A, %eq3A_1613 : vector<16xi32>
      %jit3A_1615 = arith.constant 1.000000e+00 : f32
      %jit3A_1616 = arith.constant 0.000000e+00 : f32
      %broadcast_in_dim3A_1617 = vector.broadcast %jit3A_1615 : f32 to vector<16xf32>
      %broadcast_in_dim3A_1618 = vector.broadcast %jit3A_1616 : f32 to vector<16xf32>
      %select_n3A_1619 = arith.select %eq3A_1614, %broadcast_in_dim3A_1617, %broadcast_in_dim3A_1618 : vector<16xi1>, vector<16xf32>
      %swap3A_1620 = arith.constant 20 : i32
      %swap3A_1621 = arith.index_cast %swap3A_1620 : i32 to index
      %swap3A_1622 = arith.index_cast %multiple_of3A_1605 : i32 to index
      %swap3A_1623 = tpu.vector_load %arg6[%swap3A_1621, %swap3A_1622] {strides = array<i32>} : memref<32x1000xf32, #tpu.memory_space<vmem>>, vector<1x16xf32>,
      %swap3A_1624 = vector.shape_cast %swap3A_1623 : vector<1x16xf32> to vector<16xf32>
      %swap3A_1625 = vector.shape_cast %select_n3A_1619 : vector<16xf32> to vector<1x16xf32>
      tpu.vector_store %arg6[%swap3A_1621, %swap3A_1622], %swap3A_1625 {strides = array<i32>} : memref<32x1000xf32, #tpu.memory_space<vmem>>, vector<1x16xf32>,
      %slice3A_1626 = vector.extract_strided_slice %min3A_1480 {offsets = [5], sizes = [1], strides = [1]} : vector<16xi32> to vector<1xi32>
      %squeeze3A_1627 = vector.extract %slice3A_1626[0] : i32 from vector<1xi32>
      %slice3A_1628 = vector.extract_strided_slice %get3A_1474 {offsets = [5], sizes = [1], strides = [1]} : vector<16xi32> to vector<1xi32>
      %squeeze3A_1629 = vector.extract %slice3A_1628[0] : i32 from vector<1xi32>
      %shift_right_arithmetic3A_1630 = arith.constant 4 : i32
      %shift_right_arithmetic3A_1631 = arith.shrsi %squeeze3A_1627, %shift_right_arithmetic3A_1630 : i32
      %shift_left3A_1632 = arith.constant 4 : i32
      %shift_left3A_1633 = arith.shli %shift_right_arithmetic3A_1631, %shift_left3A_1632 : i32
      %multiple_of3A_1634 = tpu.assume_multiple %shift_left3A_1633, 16 : i32
      %and3A_1635 = arith.constant 15 : i32
      %and3A_1636 = arith.andi %squeeze3A_1627, %and3A_1635 : i32
      %shift_right_arithmetic3A_1637 = arith.constant 31 : i32
      %shift_right_arithmetic3A_1638 = arith.shrsi %squeeze3A_1629, %shift_right_arithmetic3A_1637 : i32
      %and3A_1639 = arith.constant 16 : i32
      %and3A_1640 = arith.andi %shift_right_arithmetic3A_1638, %and3A_1639 : i32
      %or3A_1641 = arith.ori %and3A_1636, %and3A_1640 : i32
      %eq3A_1642 = vector.broadcast %or3A_1641 : i32 to vector<16xi32>
      %eq3A_1643 = arith.cmpi eq, %iota3A, %eq3A_1642 : vector<16xi32>
      %jit3A_1644 = arith.constant 1.000000e+00 : f32
      %jit3A_1645 = arith.constant 0.000000e+00 : f32
      %broadcast_in_dim3A_1646 = vector.broadcast %jit3A_1644 : f32 to vector<16xf32>
      %broadcast_in_dim3A_1647 = vector.broadcast %jit3A_1645 : f32 to vector<16xf32>
      %select_n3A_1648 = arith.select %eq3A_1643, %broadcast_in_dim3A_1646, %broadcast_in_dim3A_1647 : vector<16xi1>, vector<16xf32>
      %swap3A_1649 = arith.constant 21 : i32
      %swap3A_1650 = arith.index_cast %swap3A_1649 : i32 to index
      %swap3A_1651 = arith.index_cast %multiple_of3A_1634 : i32 to index
      %swap3A_1652 = tpu.vector_load %arg6[%swap3A_1650, %swap3A_1651] {strides = array<i32>} : memref<32x1000xf32, #tpu.memory_space<vmem>>, vector<1x16xf32>,
      %swap3A_1653 = vector.shape_cast %swap3A_1652 : vector<1x16xf32> to vector<16xf32>
      %swap3A_1654 = vector.shape_cast %select_n3A_1648 : vector<16xf32> to vector<1x16xf32>
      tpu.vector_store %arg6[%swap3A_1650, %swap3A_1651], %swap3A_1654 {strides = array<i32>} : memref<32x1000xf32, #tpu.memory_space<vmem>>, vector<1x16xf32>,
      %slice3A_1655 = vector.extract_strided_slice %min3A_1480 {offsets = [6], sizes = [1], strides = [1]} : vector<16xi32> to vector<1xi32>
      %squeeze3A_1656 = vector.extract %slice3A_1655[0] : i32 from vector<1xi32>
      %slice3A_1657 = vector.extract_strided_slice %get3A_1474 {offsets = [6], sizes = [1], strides = [1]} : vector<16xi32> to vector<1xi32>
      %squeeze3A_1658 = vector.extract %slice3A_1657[0] : i32 from vector<1xi32>
      %shift_right_arithmetic3A_1659 = arith.constant 4 : i32
      %shift_right_arithmetic3A_1660 = arith.shrsi %squeeze3A_1656, %shift_right_arithmetic3A_1659 : i32
      %shift_left3A_1661 = arith.constant 4 : i32
      %shift_left3A_1662 = arith.shli %shift_right_arithmetic3A_1660, %shift_left3A_1661 : i32
      %multiple_of3A_1663 = tpu.assume_multiple %shift_left3A_1662, 16 : i32
      %and3A_1664 = arith.constant 15 : i32
      %and3A_1665 = arith.andi %squeeze3A_1656, %and3A_1664 : i32
      %shift_right_arithmetic3A_1666 = arith.constant 31 : i32
      %shift_right_arithmetic3A_1667 = arith.shrsi %squeeze3A_1658, %shift_right_arithmetic3A_1666 : i32
      %and3A_1668 = arith.constant 16 : i32
      %and3A_1669 = arith.andi %shift_right_arithmetic3A_1667, %and3A_1668 : i32
      %or3A_1670 = arith.ori %and3A_1665, %and3A_1669 : i32
      %eq3A_1671 = vector.broadcast %or3A_1670 : i32 to vector<16xi32>
      %eq3A_1672 = arith.cmpi eq, %iota3A, %eq3A_1671 : vector<16xi32>
      %jit3A_1673 = arith.constant 1.000000e+00 : f32
      %jit3A_1674 = arith.constant 0.000000e+00 : f32
      %broadcast_in_dim3A_1675 = vector.broadcast %jit3A_1673 : f32 to vector<16xf32>
      %broadcast_in_dim3A_1676 = vector.broadcast %jit3A_1674 : f32 to vector<16xf32>
      %select_n3A_1677 = arith.select %eq3A_1672, %broadcast_in_dim3A_1675, %broadcast_in_dim3A_1676 : vector<16xi1>, vector<16xf32>
      %swap3A_1678 = arith.constant 22 : i32
      %swap3A_1679 = arith.index_cast %swap3A_1678 : i32 to index
      %swap3A_1680 = arith.index_cast %multiple_of3A_1663 : i32 to index
      %swap3A_1681 = tpu.vector_load %arg6[%swap3A_1679, %swap3A_1680] {strides = array<i32>} : memref<32x1000xf32, #tpu.memory_space<vmem>>, vector<1x16xf32>,
      %swap3A_1682 = vector.shape_cast %swap3A_1681 : vector<1x16xf32> to vector<16xf32>
      %swap3A_1683 = vector.shape_cast %select_n3A_1677 : vector<16xf32> to vector<1x16xf32>
      tpu.vector_store %arg6[%swap3A_1679, %swap3A_1680], %swap3A_1683 {strides = array<i32>} : memref<32x1000xf32, #tpu.memory_space<vmem>>, vector<1x16xf32>,
      %slice3A_1684 = vector.extract_strided_slice %min3A_1480 {offsets = [7], sizes = [1], strides = [1]} : vector<16xi32> to vector<1xi32>
      %squeeze3A_1685 = vector.extract %slice3A_1684[0] : i32 from vector<1xi32>
      %slice3A_1686 = vector.extract_strided_slice %get3A_1474 {offsets = [7], sizes = [1], strides = [1]} : vector<16xi32> to vector<1xi32>
      %squeeze3A_1687 = vector.extract %slice3A_1686[0] : i32 from vector<1xi32>
      %shift_right_arithmetic3A_1688 = arith.constant 4 : i32
      %shift_right_arithmetic3A_1689 = arith.shrsi %squeeze3A_1685, %shift_right_arithmetic3A_1688 : i32
      %shift_left3A_1690 = arith.constant 4 : i32
      %shift_left3A_1691 = arith.shli %shift_right_arithmetic3A_1689, %shift_left3A_1690 : i32
      %multiple_of3A_1692 = tpu.assume_multiple %shift_left3A_1691, 16 : i32
      %and3A_1693 = arith.constant 15 : i32
      %and3A_1694 = arith.andi %squeeze3A_1685, %and3A_1693 : i32
      %shift_right_arithmetic3A_1695 = arith.constant 31 : i32
      %shift_right_arithmetic3A_1696 = arith.shrsi %squeeze3A_1687, %shift_right_arithmetic3A_1695 : i32
      %and3A_1697 = arith.constant 16 : i32
      %and3A_1698 = arith.andi %shift_right_arithmetic3A_1696, %and3A_1697 : i32
      %or3A_1699 = arith.ori %and3A_1694, %and3A_1698 : i32
      %eq3A_1700 = vector.broadcast %or3A_1699 : i32 to vector<16xi32>
      %eq3A_1701 = arith.cmpi eq, %iota3A, %eq3A_1700 : vector<16xi32>
      %jit3A_1702 = arith.constant 1.000000e+00 : f32
      %jit3A_1703 = arith.constant 0.000000e+00 : f32
      %broadcast_in_dim3A_1704 = vector.broadcast %jit3A_1702 : f32 to vector<16xf32>
      %broadcast_in_dim3A_1705 = vector.broadcast %jit3A_1703 : f32 to vector<16xf32>
      %select_n3A_1706 = arith.select %eq3A_1701, %broadcast_in_dim3A_1704, %broadcast_in_dim3A_1705 : vector<16xi1>, vector<16xf32>
      %swap3A_1707 = arith.constant 23 : i32
      %swap3A_1708 = arith.index_cast %swap3A_1707 : i32 to index
      %swap3A_1709 = arith.index_cast %multiple_of3A_1692 : i32 to index
      %swap3A_1710 = tpu.vector_load %arg6[%swap3A_1708, %swap3A_1709] {strides = array<i32>} : memref<32x1000xf32, #tpu.memory_space<vmem>>, vector<1x16xf32>,
      %swap3A_1711 = vector.shape_cast %swap3A_1710 : vector<1x16xf32> to vector<16xf32>
      %swap3A_1712 = vector.shape_cast %select_n3A_1706 : vector<16xf32> to vector<1x16xf32>
      tpu.vector_store %arg6[%swap3A_1708, %swap3A_1709], %swap3A_1712 {strides = array<i32>} : memref<32x1000xf32, #tpu.memory_space<vmem>>, vector<1x16xf32>,
      %slice3A_1713 = vector.extract_strided_slice %min3A_1480 {offsets = [8], sizes = [1], strides = [1]} : vector<16xi32> to vector<1xi32>
      %squeeze3A_1714 = vector.extract %slice3A_1713[0] : i32 from vector<1xi32>
      %slice3A_1715 = vector.extract_strided_slice %get3A_1474 {offsets = [8], sizes = [1], strides = [1]} : vector<16xi32> to vector<1xi32>
      %squeeze3A_1716 = vector.extract %slice3A_1715[0] : i32 from vector<1xi32>
      %shift_right_arithmetic3A_1717 = arith.constant 4 : i32
      %shift_right_arithmetic3A_1718 = arith.shrsi %squeeze3A_1714, %shift_right_arithmetic3A_1717 : i32
      %shift_left3A_1719 = arith.constant 4 : i32
      %shift_left3A_1720 = arith.shli %shift_right_arithmetic3A_1718, %shift_left3A_1719 : i32
      %multiple_of3A_1721 = tpu.assume_multiple %shift_left3A_1720, 16 : i32
      %and3A_1722 = arith.constant 15 : i32
      %and3A_1723 = arith.andi %squeeze3A_1714, %and3A_1722 : i32
      %shift_right_arithmetic3A_1724 = arith.constant 31 : i32
      %shift_right_arithmetic3A_1725 = arith.shrsi %squeeze3A_1716, %shift_right_arithmetic3A_1724 : i32
      %and3A_1726 = arith.constant 16 : i32
      %and3A_1727 = arith.andi %shift_right_arithmetic3A_1725, %and3A_1726 : i32
      %or3A_1728 = arith.ori %and3A_1723, %and3A_1727 : i32
      %eq3A_1729 = vector.broadcast %or3A_1728 : i32 to vector<16xi32>
      %eq3A_1730 = arith.cmpi eq, %iota3A, %eq3A_1729 : vector<16xi32>
      %jit3A_1731 = arith.constant 1.000000e+00 : f32
      %jit3A_1732 = arith.constant 0.000000e+00 : f32
      %broadcast_in_dim3A_1733 = vector.broadcast %jit3A_1731 : f32 to vector<16xf32>
      %broadcast_in_dim3A_1734 = vector.broadcast %jit3A_1732 : f32 to vector<16xf32>
      %select_n3A_1735 = arith.select %eq3A_1730, %broadcast_in_dim3A_1733, %broadcast_in_dim3A_1734 : vector<16xi1>, vector<16xf32>
      %swap3A_1736 = arith.constant 24 : i32
      %swap3A_1737 = arith.index_cast %swap3A_1736 : i32 to index
      %swap3A_1738 = arith.index_cast %multiple_of3A_1721 : i32 to index
      %swap3A_1739 = tpu.vector_load %arg6[%swap3A_1737, %swap3A_1738] {strides = array<i32>} : memref<32x1000xf32, #tpu.memory_space<vmem>>, vector<1x16xf32>,
      %swap3A_1740 = vector.shape_cast %swap3A_1739 : vector<1x16xf32> to vector<16xf32>
      %swap3A_1741 = vector.shape_cast %select_n3A_1735 : vector<16xf32> to vector<1x16xf32>
      tpu.vector_store %arg6[%swap3A_1737, %swap3A_1738], %swap3A_1741 {strides = array<i32>} : memref<32x1000xf32, #tpu.memory_space<vmem>>, vector<1x16xf32>,
      %slice3A_1742 = vector.extract_strided_slice %min3A_1480 {offsets = [9], sizes = [1], strides = [1]} : vector<16xi32> to vector<1xi32>
      %squeeze3A_1743 = vector.extract %slice3A_1742[0] : i32 from vector<1xi32>
      %slice3A_1744 = vector.extract_strided_slice %get3A_1474 {offsets = [9], sizes = [1], strides = [1]} : vector<16xi32> to vector<1xi32>
      %squeeze3A_1745 = vector.extract %slice3A_1744[0] : i32 from vector<1xi32>
      %shift_right_arithmetic3A_1746 = arith.constant 4 : i32
      %shift_right_arithmetic3A_1747 = arith.shrsi %squeeze3A_1743, %shift_right_arithmetic3A_1746 : i32
      %shift_left3A_1748 = arith.constant 4 : i32
      %shift_left3A_1749 = arith.shli %shift_right_arithmetic3A_1747, %shift_left3A_1748 : i32
      %multiple_of3A_1750 = tpu.assume_multiple %shift_left3A_1749, 16 : i32
      %and3A_1751 = arith.constant 15 : i32
      %and3A_1752 = arith.andi %squeeze3A_1743, %and3A_1751 : i32
      %shift_right_arithmetic3A_1753 = arith.constant 31 : i32
      %shift_right_arithmetic3A_1754 = arith.shrsi %squeeze3A_1745, %shift_right_arithmetic3A_1753 : i32
      %and3A_1755 = arith.constant 16 : i32
      %and3A_1756 = arith.andi %shift_right_arithmetic3A_1754, %and3A_1755 : i32
      %or3A_1757 = arith.ori %and3A_1752, %and3A_1756 : i32
      %eq3A_1758 = vector.broadcast %or3A_1757 : i32 to vector<16xi32>
      %eq3A_1759 = arith.cmpi eq, %iota3A, %eq3A_1758 : vector<16xi32>
      %jit3A_1760 = arith.constant 1.000000e+00 : f32
      %jit3A_1761 = arith.constant 0.000000e+00 : f32
      %broadcast_in_dim3A_1762 = vector.broadcast %jit3A_1760 : f32 to vector<16xf32>
      %broadcast_in_dim3A_1763 = vector.broadcast %jit3A_1761 : f32 to vector<16xf32>
      %select_n3A_1764 = arith.select %eq3A_1759, %broadcast_in_dim3A_1762, %broadcast_in_dim3A_1763 : vector<16xi1>, vector<16xf32>
      %swap3A_1765 = arith.constant 25 : i32
      %swap3A_1766 = arith.index_cast %swap3A_1765 : i32 to index
      %swap3A_1767 = arith.index_cast %multiple_of3A_1750 : i32 to index
      %swap3A_1768 = tpu.vector_load %arg6[%swap3A_1766, %swap3A_1767] {strides = array<i32>} : memref<32x1000xf32, #tpu.memory_space<vmem>>, vector<1x16xf32>,
      %swap3A_1769 = vector.shape_cast %swap3A_1768 : vector<1x16xf32> to vector<16xf32>
      %swap3A_1770 = vector.shape_cast %select_n3A_1764 : vector<16xf32> to vector<1x16xf32>
      tpu.vector_store %arg6[%swap3A_1766, %swap3A_1767], %swap3A_1770 {strides = array<i32>} : memref<32x1000xf32, #tpu.memory_space<vmem>>, vector<1x16xf32>,
      %slice3A_1771 = vector.extract_strided_slice %min3A_1480 {offsets = [10], sizes = [1], strides = [1]} : vector<16xi32> to vector<1xi32>
      %squeeze3A_1772 = vector.extract %slice3A_1771[0] : i32 from vector<1xi32>
      %slice3A_1773 = vector.extract_strided_slice %get3A_1474 {offsets = [10], sizes = [1], strides = [1]} : vector<16xi32> to vector<1xi32>
      %squeeze3A_1774 = vector.extract %slice3A_1773[0] : i32 from vector<1xi32>
      %shift_right_arithmetic3A_1775 = arith.constant 4 : i32
      %shift_right_arithmetic3A_1776 = arith.shrsi %squeeze3A_1772, %shift_right_arithmetic3A_1775 : i32
      %shift_left3A_1777 = arith.constant 4 : i32
      %shift_left3A_1778 = arith.shli %shift_right_arithmetic3A_1776, %shift_left3A_1777 : i32
      %multiple_of3A_1779 = tpu.assume_multiple %shift_left3A_1778, 16 : i32
      %and3A_1780 = arith.constant 15 : i32
      %and3A_1781 = arith.andi %squeeze3A_1772, %and3A_1780 : i32
      %shift_right_arithmetic3A_1782 = arith.constant 31 : i32
      %shift_right_arithmetic3A_1783 = arith.shrsi %squeeze3A_1774, %shift_right_arithmetic3A_1782 : i32
      %and3A_1784 = arith.constant 16 : i32
      %and3A_1785 = arith.andi %shift_right_arithmetic3A_1783, %and3A_1784 : i32
      %or3A_1786 = arith.ori %and3A_1781, %and3A_1785 : i32
      %eq3A_1787 = vector.broadcast %or3A_1786 : i32 to vector<16xi32>
      %eq3A_1788 = arith.cmpi eq, %iota3A, %eq3A_1787 : vector<16xi32>
      %jit3A_1789 = arith.constant 1.000000e+00 : f32
      %jit3A_1790 = arith.constant 0.000000e+00 : f32
      %broadcast_in_dim3A_1791 = vector.broadcast %jit3A_1789 : f32 to vector<16xf32>
      %broadcast_in_dim3A_1792 = vector.broadcast %jit3A_1790 : f32 to vector<16xf32>
      %select_n3A_1793 = arith.select %eq3A_1788, %broadcast_in_dim3A_1791, %broadcast_in_dim3A_1792 : vector<16xi1>, vector<16xf32>
      %swap3A_1794 = arith.constant 26 : i32
      %swap3A_1795 = arith.index_cast %swap3A_1794 : i32 to index
      %swap3A_1796 = arith.index_cast %multiple_of3A_1779 : i32 to index
      %swap3A_1797 = tpu.vector_load %arg6[%swap3A_1795, %swap3A_1796] {strides = array<i32>} : memref<32x1000xf32, #tpu.memory_space<vmem>>, vector<1x16xf32>,
      %swap3A_1798 = vector.shape_cast %swap3A_1797 : vector<1x16xf32> to vector<16xf32>
      %swap3A_1799 = vector.shape_cast %select_n3A_1793 : vector<16xf32> to vector<1x16xf32>
      tpu.vector_store %arg6[%swap3A_1795, %swap3A_1796], %swap3A_1799 {strides = array<i32>} : memref<32x1000xf32, #tpu.memory_space<vmem>>, vector<1x16xf32>,
      %slice3A_1800 = vector.extract_strided_slice %min3A_1480 {offsets = [11], sizes = [1], strides = [1]} : vector<16xi32> to vector<1xi32>
      %squeeze3A_1801 = vector.extract %slice3A_1800[0] : i32 from vector<1xi32>
      %slice3A_1802 = vector.extract_strided_slice %get3A_1474 {offsets = [11], sizes = [1], strides = [1]} : vector<16xi32> to vector<1xi32>
      %squeeze3A_1803 = vector.extract %slice3A_1802[0] : i32 from vector<1xi32>
      %shift_right_arithmetic3A_1804 = arith.constant 4 : i32
      %shift_right_arithmetic3A_1805 = arith.shrsi %squeeze3A_1801, %shift_right_arithmetic3A_1804 : i32
      %shift_left3A_1806 = arith.constant 4 : i32
      %shift_left3A_1807 = arith.shli %shift_right_arithmetic3A_1805, %shift_left3A_1806 : i32
      %multiple_of3A_1808 = tpu.assume_multiple %shift_left3A_1807, 16 : i32
      %and3A_1809 = arith.constant 15 : i32
      %and3A_1810 = arith.andi %squeeze3A_1801, %and3A_1809 : i32
      %shift_right_arithmetic3A_1811 = arith.constant 31 : i32
      %shift_right_arithmetic3A_1812 = arith.shrsi %squeeze3A_1803, %shift_right_arithmetic3A_1811 : i32
      %and3A_1813 = arith.constant 16 : i32
      %and3A_1814 = arith.andi %shift_right_arithmetic3A_1812, %and3A_1813 : i32
      %or3A_1815 = arith.ori %and3A_1810, %and3A_1814 : i32
      %eq3A_1816 = vector.broadcast %or3A_1815 : i32 to vector<16xi32>
      %eq3A_1817 = arith.cmpi eq, %iota3A, %eq3A_1816 : vector<16xi32>
      %jit3A_1818 = arith.constant 1.000000e+00 : f32
      %jit3A_1819 = arith.constant 0.000000e+00 : f32
      %broadcast_in_dim3A_1820 = vector.broadcast %jit3A_1818 : f32 to vector<16xf32>
      %broadcast_in_dim3A_1821 = vector.broadcast %jit3A_1819 : f32 to vector<16xf32>
      %select_n3A_1822 = arith.select %eq3A_1817, %broadcast_in_dim3A_1820, %broadcast_in_dim3A_1821 : vector<16xi1>, vector<16xf32>
      %swap3A_1823 = arith.constant 27 : i32
      %swap3A_1824 = arith.index_cast %swap3A_1823 : i32 to index
      %swap3A_1825 = arith.index_cast %multiple_of3A_1808 : i32 to index
      %swap3A_1826 = tpu.vector_load %arg6[%swap3A_1824, %swap3A_1825] {strides = array<i32>} : memref<32x1000xf32, #tpu.memory_space<vmem>>, vector<1x16xf32>,
      %swap3A_1827 = vector.shape_cast %swap3A_1826 : vector<1x16xf32> to vector<16xf32>
      %swap3A_1828 = vector.shape_cast %select_n3A_1822 : vector<16xf32> to vector<1x16xf32>
      tpu.vector_store %arg6[%swap3A_1824, %swap3A_1825], %swap3A_1828 {strides = array<i32>} : memref<32x1000xf32, #tpu.memory_space<vmem>>, vector<1x16xf32>,
      %slice3A_1829 = vector.extract_strided_slice %min3A_1480 {offsets = [12], sizes = [1], strides = [1]} : vector<16xi32> to vector<1xi32>
      %squeeze3A_1830 = vector.extract %slice3A_1829[0] : i32 from vector<1xi32>
      %slice3A_1831 = vector.extract_strided_slice %get3A_1474 {offsets = [12], sizes = [1], strides = [1]} : vector<16xi32> to vector<1xi32>
      %squeeze3A_1832 = vector.extract %slice3A_1831[0] : i32 from vector<1xi32>
      %shift_right_arithmetic3A_1833 = arith.constant 4 : i32
      %shift_right_arithmetic3A_1834 = arith.shrsi %squeeze3A_1830, %shift_right_arithmetic3A_1833 : i32
      %shift_left3A_1835 = arith.constant 4 : i32
      %shift_left3A_1836 = arith.shli %shift_right_arithmetic3A_1834, %shift_left3A_1835 : i32
      %multiple_of3A_1837 = tpu.assume_multiple %shift_left3A_1836, 16 : i32
      %and3A_1838 = arith.constant 15 : i32
      %and3A_1839 = arith.andi %squeeze3A_1830, %and3A_1838 : i32
      %shift_right_arithmetic3A_1840 = arith.constant 31 : i32
      %shift_right_arithmetic3A_1841 = arith.shrsi %squeeze3A_1832, %shift_right_arithmetic3A_1840 : i32
      %and3A_1842 = arith.constant 16 : i32
      %and3A_1843 = arith.andi %shift_right_arithmetic3A_1841, %and3A_1842 : i32
      %or3A_1844 = arith.ori %and3A_1839, %and3A_1843 : i32
      %eq3A_1845 = vector.broadcast %or3A_1844 : i32 to vector<16xi32>
      %eq3A_1846 = arith.cmpi eq, %iota3A, %eq3A_1845 : vector<16xi32>
      %jit3A_1847 = arith.constant 1.000000e+00 : f32
      %jit3A_1848 = arith.constant 0.000000e+00 : f32
      %broadcast_in_dim3A_1849 = vector.broadcast %jit3A_1847 : f32 to vector<16xf32>
      %broadcast_in_dim3A_1850 = vector.broadcast %jit3A_1848 : f32 to vector<16xf32>
      %select_n3A_1851 = arith.select %eq3A_1846, %broadcast_in_dim3A_1849, %broadcast_in_dim3A_1850 : vector<16xi1>, vector<16xf32>
      %swap3A_1852 = arith.constant 28 : i32
      %swap3A_1853 = arith.index_cast %swap3A_1852 : i32 to index
      %swap3A_1854 = arith.index_cast %multiple_of3A_1837 : i32 to index
      %swap3A_1855 = tpu.vector_load %arg6[%swap3A_1853, %swap3A_1854] {strides = array<i32>} : memref<32x1000xf32, #tpu.memory_space<vmem>>, vector<1x16xf32>,
      %swap3A_1856 = vector.shape_cast %swap3A_1855 : vector<1x16xf32> to vector<16xf32>
      %swap3A_1857 = vector.shape_cast %select_n3A_1851 : vector<16xf32> to vector<1x16xf32>
      tpu.vector_store %arg6[%swap3A_1853, %swap3A_1854], %swap3A_1857 {strides = array<i32>} : memref<32x1000xf32, #tpu.memory_space<vmem>>, vector<1x16xf32>,
      %slice3A_1858 = vector.extract_strided_slice %min3A_1480 {offsets = [13], sizes = [1], strides = [1]} : vector<16xi32> to vector<1xi32>
      %squeeze3A_1859 = vector.extract %slice3A_1858[0] : i32 from vector<1xi32>
      %slice3A_1860 = vector.extract_strided_slice %get3A_1474 {offsets = [13], sizes = [1], strides = [1]} : vector<16xi32> to vector<1xi32>
      %squeeze3A_1861 = vector.extract %slice3A_1860[0] : i32 from vector<1xi32>
      %shift_right_arithmetic3A_1862 = arith.constant 4 : i32
      %shift_right_arithmetic3A_1863 = arith.shrsi %squeeze3A_1859, %shift_right_arithmetic3A_1862 : i32
      %shift_left3A_1864 = arith.constant 4 : i32
      %shift_left3A_1865 = arith.shli %shift_right_arithmetic3A_1863, %shift_left3A_1864 : i32
      %multiple_of3A_1866 = tpu.assume_multiple %shift_left3A_1865, 16 : i32
      %and3A_1867 = arith.constant 15 : i32
      %and3A_1868 = arith.andi %squeeze3A_1859, %and3A_1867 : i32
      %shift_right_arithmetic3A_1869 = arith.constant 31 : i32
      %shift_right_arithmetic3A_1870 = arith.shrsi %squeeze3A_1861, %shift_right_arithmetic3A_1869 : i32
      %and3A_1871 = arith.constant 16 : i32
      %and3A_1872 = arith.andi %shift_right_arithmetic3A_1870, %and3A_1871 : i32
      %or3A_1873 = arith.ori %and3A_1868, %and3A_1872 : i32
      %eq3A_1874 = vector.broadcast %or3A_1873 : i32 to vector<16xi32>
      %eq3A_1875 = arith.cmpi eq, %iota3A, %eq3A_1874 : vector<16xi32>
      %jit3A_1876 = arith.constant 1.000000e+00 : f32
      %jit3A_1877 = arith.constant 0.000000e+00 : f32
      %broadcast_in_dim3A_1878 = vector.broadcast %jit3A_1876 : f32 to vector<16xf32>
      %broadcast_in_dim3A_1879 = vector.broadcast %jit3A_1877 : f32 to vector<16xf32>
      %select_n3A_1880 = arith.select %eq3A_1875, %broadcast_in_dim3A_1878, %broadcast_in_dim3A_1879 : vector<16xi1>, vector<16xf32>
      %swap3A_1881 = arith.constant 29 : i32
      %swap3A_1882 = arith.index_cast %swap3A_1881 : i32 to index
      %swap3A_1883 = arith.index_cast %multiple_of3A_1866 : i32 to index
      %swap3A_1884 = tpu.vector_load %arg6[%swap3A_1882, %swap3A_1883] {strides = array<i32>} : memref<32x1000xf32, #tpu.memory_space<vmem>>, vector<1x16xf32>,
      %swap3A_1885 = vector.shape_cast %swap3A_1884 : vector<1x16xf32> to vector<16xf32>
      %swap3A_1886 = vector.shape_cast %select_n3A_1880 : vector<16xf32> to vector<1x16xf32>
      tpu.vector_store %arg6[%swap3A_1882, %swap3A_1883], %swap3A_1886 {strides = array<i32>} : memref<32x1000xf32, #tpu.memory_space<vmem>>, vector<1x16xf32>,
      %slice3A_1887 = vector.extract_strided_slice %min3A_1480 {offsets = [14], sizes = [1], strides = [1]} : vector<16xi32> to vector<1xi32>
      %squeeze3A_1888 = vector.extract %slice3A_1887[0] : i32 from vector<1xi32>
      %slice3A_1889 = vector.extract_strided_slice %get3A_1474 {offsets = [14], sizes = [1], strides = [1]} : vector<16xi32> to vector<1xi32>
      %squeeze3A_1890 = vector.extract %slice3A_1889[0] : i32 from vector<1xi32>
      %shift_right_arithmetic3A_1891 = arith.constant 4 : i32
      %shift_right_arithmetic3A_1892 = arith.shrsi %squeeze3A_1888, %shift_right_arithmetic3A_1891 : i32
      %shift_left3A_1893 = arith.constant 4 : i32
      %shift_left3A_1894 = arith.shli %shift_right_arithmetic3A_1892, %shift_left3A_1893 : i32
      %multiple_of3A_1895 = tpu.assume_multiple %shift_left3A_1894, 16 : i32
      %and3A_1896 = arith.constant 15 : i32
      %and3A_1897 = arith.andi %squeeze3A_1888, %and3A_1896 : i32
      %shift_right_arithmetic3A_1898 = arith.constant 31 : i32
      %shift_right_arithmetic3A_1899 = arith.shrsi %squeeze3A_1890, %shift_right_arithmetic3A_1898 : i32
      %and3A_1900 = arith.constant 16 : i32
      %and3A_1901 = arith.andi %shift_right_arithmetic3A_1899, %and3A_1900 : i32
      %or3A_1902 = arith.ori %and3A_1897, %and3A_1901 : i32
      %eq3A_1903 = vector.broadcast %or3A_1902 : i32 to vector<16xi32>
      %eq3A_1904 = arith.cmpi eq, %iota3A, %eq3A_1903 : vector<16xi32>
      %jit3A_1905 = arith.constant 1.000000e+00 : f32
      %jit3A_1906 = arith.constant 0.000000e+00 : f32
      %broadcast_in_dim3A_1907 = vector.broadcast %jit3A_1905 : f32 to vector<16xf32>
      %broadcast_in_dim3A_1908 = vector.broadcast %jit3A_1906 : f32 to vector<16xf32>
      %select_n3A_1909 = arith.select %eq3A_1904, %broadcast_in_dim3A_1907, %broadcast_in_dim3A_1908 : vector<16xi1>, vector<16xf32>
      %swap3A_1910 = arith.constant 30 : i32
      %swap3A_1911 = arith.index_cast %swap3A_1910 : i32 to index
      %swap3A_1912 = arith.index_cast %multiple_of3A_1895 : i32 to index
      %swap3A_1913 = tpu.vector_load %arg6[%swap3A_1911, %swap3A_1912] {strides = array<i32>} : memref<32x1000xf32, #tpu.memory_space<vmem>>, vector<1x16xf32>,
      %swap3A_1914 = vector.shape_cast %swap3A_1913 : vector<1x16xf32> to vector<16xf32>
      %swap3A_1915 = vector.shape_cast %select_n3A_1909 : vector<16xf32> to vector<1x16xf32>
      tpu.vector_store %arg6[%swap3A_1911, %swap3A_1912], %swap3A_1915 {strides = array<i32>} : memref<32x1000xf32, #tpu.memory_space<vmem>>, vector<1x16xf32>,
      %slice3A_1916 = vector.extract_strided_slice %min3A_1480 {offsets = [15], sizes = [1], strides = [1]} : vector<16xi32> to vector<1xi32>
      %squeeze3A_1917 = vector.extract %slice3A_1916[0] : i32 from vector<1xi32>
      %slice3A_1918 = vector.extract_strided_slice %get3A_1474 {offsets = [15], sizes = [1], strides = [1]} : vector<16xi32> to vector<1xi32>
      %squeeze3A_1919 = vector.extract %slice3A_1918[0] : i32 from vector<1xi32>
      %shift_right_arithmetic3A_1920 = arith.constant 4 : i32
      %shift_right_arithmetic3A_1921 = arith.shrsi %squeeze3A_1917, %shift_right_arithmetic3A_1920 : i32
      %shift_left3A_1922 = arith.constant 4 : i32
      %shift_left3A_1923 = arith.shli %shift_right_arithmetic3A_1921, %shift_left3A_1922 : i32
      %multiple_of3A_1924 = tpu.assume_multiple %shift_left3A_1923, 16 : i32
      %and3A_1925 = arith.constant 15 : i32
      %and3A_1926 = arith.andi %squeeze3A_1917, %and3A_1925 : i32
      %shift_right_arithmetic3A_1927 = arith.constant 31 : i32
      %shift_right_arithmetic3A_1928 = arith.shrsi %squeeze3A_1919, %shift_right_arithmetic3A_1927 : i32
      %and3A_1929 = arith.constant 16 : i32
      %and3A_1930 = arith.andi %shift_right_arithmetic3A_1928, %and3A_1929 : i32
      %or3A_1931 = arith.ori %and3A_1926, %and3A_1930 : i32
      %eq3A_1932 = vector.broadcast %or3A_1931 : i32 to vector<16xi32>
      %eq3A_1933 = arith.cmpi eq, %iota3A, %eq3A_1932 : vector<16xi32>
      %jit3A_1934 = arith.constant 1.000000e+00 : f32
      %jit3A_1935 = arith.constant 0.000000e+00 : f32
      %broadcast_in_dim3A_1936 = vector.broadcast %jit3A_1934 : f32 to vector<16xf32>
      %broadcast_in_dim3A_1937 = vector.broadcast %jit3A_1935 : f32 to vector<16xf32>
      %select_n3A_1938 = arith.select %eq3A_1933, %broadcast_in_dim3A_1936, %broadcast_in_dim3A_1937 : vector<16xi1>, vector<16xf32>
      %swap3A_1939 = arith.constant 31 : i32
      %swap3A_1940 = arith.index_cast %swap3A_1939 : i32 to index
      %swap3A_1941 = arith.index_cast %multiple_of3A_1924 : i32 to index
      %swap3A_1942 = tpu.vector_load %arg6[%swap3A_1940, %swap3A_1941] {strides = array<i32>} : memref<32x1000xf32, #tpu.memory_space<vmem>>, vector<1x16xf32>,
      %swap3A_1943 = vector.shape_cast %swap3A_1942 : vector<1x16xf32> to vector<16xf32>
      %swap3A_1944 = vector.shape_cast %select_n3A_1938 : vector<16xf32> to vector<1x16xf32>
      tpu.vector_store %arg6[%swap3A_1940, %swap3A_1941], %swap3A_1944 {strides = array<i32>} : memref<32x1000xf32, #tpu.memory_space<vmem>>, vector<1x16xf32>,
      %mul3A_1945 = arith.constant 32 : i32
      %mul3A_1946 = arith.muli %add3A_985, %mul3A_1945 : i32
      %multiple_of3A_1947 = tpu.assume_multiple %mul3A_1946, 32 : i32
      %add3A_1948 = arith.addi %multiple_of3A, %multiple_of3A_1947 : i32
      %dma_start3A_1949 = arith.constant 0 : i32
      %dma_start3A_1950 = tpu.memref_slice %arg3[%add3A_1948, %dma_start3A_1949] : memref<51200x1000xf32, #tpu.memory_space<hbm>> -> memref<32x1000xf32, #tpu.memory_space<hbm>>
      %dma_start3A_1951 = arith.constant 0 : i32
      %dma_start3A_1952 = tpu.memref_slice %arg3[%add3A_1948, %dma_start3A_1951] : memref<51200x1000xf32, #tpu.memory_space<hbm>> -> memref<32x1000xf32, #tpu.memory_space<hbm>>
      tpu.enqueue_dma source(%arg6 : memref<32x1000xf32, #tpu.memory_space<vmem>>) target(%dma_start3A_1952 : memref<32x1000xf32, #tpu.memory_space<hbm>>) target_semaphore(%arg8 : memref<!tpu.dma_semaphore, #tpu.memory_space<semaphore_mem>>)
    }
    %scan3A_13 = arith.constant 25 : i32
    %multiple_of3A_14 = arith.constant 1536 : i32
    %multiple_of3A_15 = tpu.assume_multiple %multiple_of3A_14, 32 : i32
    %add3A_16 = arith.addi %multiple_of3A, %multiple_of3A_15 : i32
    %dma_wait3A = arith.constant 0 : i32
    %dma_wait3A_17 = tpu.memref_slice %arg3[%add3A_16, %dma_wait3A] : memref<51200x1000xf32, #tpu.memory_space<hbm>> -> memref<32x1000xf32, #tpu.memory_space<hbm>>
    %dma_wait3A_18 = arith.constant 0 : i32
    %dma_wait3A_19 = tpu.memref_slice %arg3[%add3A_16, %dma_wait3A_18] : memref<51200x1000xf32, #tpu.memory_space<hbm>> -> memref<32x1000xf32, #tpu.memory_space<hbm>>
    tpu.wait_dma2 semaphore(%arg7 : memref<!tpu.dma_semaphore, #tpu.memory_space<semaphore_mem>>) src(%arg5 : memref<32x1000xf32, #tpu.memory_space<vmem>>) dst(%dma_wait3A_19 : memref<32x1000xf32, #tpu.memory_space<hbm>>)
    %multiple_of3A_20 = arith.constant 1568 : i32
    %multiple_of3A_21 = tpu.assume_multiple %multiple_of3A_20, 32 : i32
    %add3A_22 = arith.addi %multiple_of3A, %multiple_of3A_21 : i32
    %dma_wait3A_23 = arith.constant 0 : i32
    %dma_wait3A_24 = tpu.memref_slice %arg3[%add3A_22, %dma_wait3A_23] : memref<51200x1000xf32, #tpu.memory_space<hbm>> -> memref<32x1000xf32, #tpu.memory_space<hbm>>
    %dma_wait3A_25 = arith.constant 0 : i32
    %dma_wait3A_26 = tpu.memref_slice %arg3[%add3A_22, %dma_wait3A_25] : memref<51200x1000xf32, #tpu.memory_space<hbm>> -> memref<32x1000xf32, #tpu.memory_space<hbm>>
    tpu.wait_dma2 semaphore(%arg8 : memref<!tpu.dma_semaphore, #tpu.memory_space<semaphore_mem>>) src(%arg6 : memref<32x1000xf32, #tpu.memory_space<vmem>>) dst(%dma_wait3A_26 : memref<32x1000xf32, #tpu.memory_space<hbm>>)
    return
  }
}

</mosaic_0001>

<sc_bundles>
// kernel: _indicator.3.cloned.1.call-start
scs
__scs_entry_jumppad:
0x0: {  	(pc) =	sbr.rel $0x88, $3  }
0x1: {  	(tag) =	ssettag $0x0;
	lr =	simm.s32 $0x1  }
0x2: {  	[smem:$0x3FA0] =	sst lr;
	_ =	strace $0xD0000000  }
0x3: {  	_ = 	snop  }
0x4: {  	_ = 	snop  }
0x5: {  	_ = 	snop  }
0x6: {  	_ = 	snop  }
0x7: {  	_ = 	snop  }
__scs_overlays_trampoline_lowered:
0x8: {  	[smem:$0x3FAF] =	sst s0  }
0x9: {  	[smem:$0x3FB0] =	sst s1  }
0xa: {  	[smem:$0x3FB1] =	sst s2  }
0xb: {  	[smem:$0x3FB2] =	sst s3  }
0xc: {  	[smem:$0x3FB3] =	sst s4  }
0xd: {  	[smem:$0x3FB4] =	sst s5  }
0xe: {  	[smem:$0x3FB5] =	sst s6  }
0xf: {  	[smem:$0x3FB6] =	sst s7  }
0x10: {  	[smem:$0x3FB7] =	sst s8  }
0x11: {  	[smem:$0x3FB8] =	sst s9;
	s0 =	simm.s32 @!p0 $0x0  }
0x12: {  	s1 =	sld [smem:$0x3F9E];
	s0 =	simm.s32 @p0 $0x1  }
0x13: {  	[smem:$0x3FB9] =	sst s0;
	s0 =	simm.s32 @!p1 $0x0  }
0x14: {  	s2 =	sld [smem:$0x3F9D];
	s0 =	simm.s32 @p1 $0x1  }
0x15: {  	[smem:$0x3FBA] =	sst s0;
	s0 =	simm.s32 @!p2 $0x0  }
0x16: {  	s3 =	sld [smem:$0x3FDB];
	s0 =	simm.s32 @p2 $0x1  }
0x17: {  	s4 =	simm.s32 $0x1BF5;
	[smem:$0x3FBC] =	sst s0  }
0x18: {  	s0 =	sld [smem:$0x3F9F];
	_ =	swait.ge [sflag:s4], $0x0  }
0x19: {  	s7 =	sld [smem:$0x3FA0]  }
0x1a: {  	s8 =	sadd.s32 $0xFFFFE003, lr  }
0x1b: {  	s9 =	sadd.s32 $0xFFFFFEF7, lr;
	s5 =	simm.s32 $0xFFFFFFFF;
	p2 =	slt.u32 s8, $0xFFFFF086  }
0x1c: {  	p1 =	slt.u32 s9, $0xF7A;
	s5 =	simm.s32 @!p2 $0x0  }
0x1d: {  	s5 =	simm.s32 @p1 $0x1;
	p0 =	seq.s32 s7, s2  }
0x1e: {  	s7 =	smul.u32 @!p0 $0xF7A, s2;
	p2 =	seq.s32 @!p0 s5, $0x0  }
0x1f: {  	s9 =	smul.u32 $0xF7A, s1;
	s8 =	simm.s32 @!p0 $0x1BF5;
	p2 =	por !p2, p0  }
0x20: {  	[sflag:s8] =	ssyncset.s32 @!p0 $0xFFFFF086;
	s6 =	sadd.s32 @!p0 s3, s7;
	s7 =	simm.s32 @!p0 $0x108  }
0x21: {  	s3 =	sadd.s32 s3, s9;
	s6 =	sadd.s32 @!p0 $0x88, s6;
	s7 =	simm.s32 @p2 $0x1082  }
0x22: {  	[simem:s7], [sflag:s8] =	dma.local @!p0 [hbm:s6], $0xF7A  }
0x23: {  	s9 =	sor.u32 $0xD0000000, s2;
	s6 =	simm.s32 $0x108;
	_ =	swait.ge @!p0 [sflag:s8], $0x0  }
0x24: {  	s3 =	sadd.s32 $0x88, s3;
	s6 =	simm.s32 @!p1 $0x1082;
	[sflag:s4] =	ssyncset.s32 $0xFFFFF086  }
0x25: {  	[simem:s6], [sflag:s4] =	dma.local [hbm:s3], $0xF7A  }
0x26: {  	[smem:$0x3FA0] =	sst s1;
	(tag) =	ssettag s2;
	_ =	strace s9  }
0x27: {  	s1 =	sld [smem:$0x3FB0]  }
0x28: {  	s2 =	sld [smem:$0x3FB1]  }
0x29: {  	s4 =	sld [smem:$0x3FB3]  }
0x2a: {  	p0 =	seq.s32 s5, $0x0;
	s5 =	sld [smem:$0x3FB4]  }
0x2b: {  	s6 =	sld [smem:$0x3FB5]  }
0x2c: {  	s7 =	sld [smem:$0x3FB6]  }
0x2d: {  	s3 =	simm.s32 $0x108;
	s8 =	sld [smem:$0x3FB7]  }
0x2e: {  	s3 =	simm.s32 @!p0 $0x1082;
	s9 =	sld [smem:$0x3FB8]  }
0x2f: {  	lr =	sadd.s32 s0, s3;
	s0 =	sld [smem:$0x3FAF]  }
0x30: {  	s3 =	sld [smem:$0x3FB2]  }
0x31: {  	[smem:$0x3FBB] =	sst s10  }
0x32: {  	s10 =	sld [smem:$0x3FB9];
	_ =	sdelay $0x3  }
0x33: {  	p0 =	seq.s32 s10, $0x1;
	s10 =	sld [smem:$0x3FBB];
	_ =	sdelay $0x3  }
0x34: {  	[smem:$0x3FBB] =	sst s10  }
0x35: {  	s10 =	sld [smem:$0x3FBA];
	_ =	sdelay $0x3  }
0x36: {  	p1 =	seq.s32 s10, $0x1;
	s10 =	sld [smem:$0x3FBB];
	_ =	sdelay $0x3  }
0x37: {  	[smem:$0x3FBB] =	sst s10  }
0x38: {  	s10 =	sld [smem:$0x3FBC]  }
0x39: {  	_ = 	snop;
	(pc) =	sbr.ind lr, $3  }
0x3a: {  	_ = 	snop  }
0x3b: {  	_ = 	snop  }
0x3c: {  	p2 =	seq.s32 s10, $0x1;
	s10 =	sld [smem:$0x3FBB]  }
0x3d: {  	_ =	shalt  }
0x3e: {  	_ =	shalt  }
0x3f: {  	_ =	shalt  }
0x40: {  	_ =	shalt  }
0x41: {  	_ =	shalt  }
0x42: {  	_ =	shalt  }
0x43: {  	_ =	shalt  }
0x44: {  	_ =	shalt  }
0x45: {  	_ =	shalt  }
0x46: {  	_ =	shalt  }
0x47: {  	_ =	shalt  }
0x48: {  	_ =	shalt  }
0x49: {  	_ =	shalt  }
0x4a: {  	_ =	shalt  }
0x4b: {  	_ =	shalt  }
0x4c: {  	_ =	shalt  }
0x4d: {  	_ =	shalt  }
0x4e: {  	_ =	shalt  }
0x4f: {  	_ =	shalt  }
0x50: {  	_ =	shalt  }
0x51: {  	_ =	shalt  }
0x52: {  	_ =	shalt  }
0x53: {  	_ =	shalt  }
0x54: {  	_ =	shalt  }
0x55: {  	_ =	shalt  }
0x56: {  	_ =	shalt  }
0x57: {  	_ =	shalt  }
0x58: {  	_ =	shalt  }
0x59: {  	_ =	shalt  }
0x5a: {  	_ =	shalt  }
0x5b: {  	_ =	shalt  }
0x5c: {  	_ =	shalt  }
0x5d: {  	_ =	shalt  }
0x5e: {  	_ =	shalt  }
0x5f: {  	_ =	shalt  }
0x60: {  	_ =	shalt  }
0x61: {  	_ =	shalt  }
0x62: {  	_ =	shalt  }
0x63: {  	_ =	shalt  }
0x64: {  	_ =	shalt  }
0x65: {  	_ =	shalt  }
0x66: {  	_ =	shalt  }
0x67: {  	_ =	shalt  }
0x68: {  	_ =	shalt  }
0x69: {  	_ =	shalt  }
0x6a: {  	_ =	shalt  }
0x6b: {  	_ =	shalt  }
0x6c: {  	_ =	shalt  }
0x6d: {  	_ =	shalt  }
0x6e: {  	_ =	shalt  }
0x6f: {  	_ =	shalt  }
0x70: {  	_ =	shalt  }
0x71: {  	_ =	shalt  }
0x72: {  	_ =	shalt  }
0x73: {  	_ =	shalt  }
0x74: {  	_ =	shalt  }
0x75: {  	_ =	shalt  }
0x76: {  	_ =	shalt  }
0x77: {  	_ =	shalt  }
0x78: {  	_ =	shalt  }
0x79: {  	_ =	shalt  }
0x7a: {  	_ =	shalt  }
0x7b: {  	_ =	shalt  }
0x7c: {  	_ =	shalt  }
0x7d: {  	_ =	shalt  }
0x7e: {  	_ =	shalt  }
0x7f: {  	_ =	shalt  }
0x80: {  	_ =	shalt  }
0x81: {  	_ =	shalt  }
0x82: {  	_ =	shalt  }
0x83: {  	_ =	shalt  }
0x84: {  	_ =	shalt  }
0x85: {  	_ =	shalt  }
0x86: {  	_ =	shalt  }
0x87: {  	_ =	shalt  }
.Lfunc_end0:
.L_simem_size_0:
called_computation.1_lowered:
.L_overlay_start_0:
0x88: {  	s2 =	sld [smem:$0x3FD9]  }
0x89: {  	s3 =	sld [smem:$0x3FFE];
	_ =	sdelay $0x1  }
0x8a: {  	s1 =	srdreg.scid  }
0x8b: {  	s0 =	sand.u32 $0x1, s1  }
0x8c: {  	s17 =	sshll.u32 s0, $0xA;
	s2 =	sadd.s32 s3, s2  }
0x8d: {  	s2 =	sadd.s32 s2, s17  }
0x8e: {  	[smem:$0x3FC7] =	sst s2  }
0x8f: {  	_ = 	snop  }
0x90: {  	s2 =	sld [smem:$0x3FD0];
	(tm) =	ssettm $0x1  }
0x91: {  	s18 =	sld [smem:$0x3FFB];
	_ =	sdelay $0x3  }
0x92: {  	_ =	strace s18  }
0x93: {  	s3 =	sld [smem:$0x3FFC];
	_ =	sdelay $0x3  }
0x94: {  	_ =	strace s3  }
0x95: {  	s3 =	sld [smem:$0x3FFD];
	_ =	sdelay $0x3  }
0x96: {  	_ =	strace s3  }
0x97: {  	_ =	strace $0x8FFFFFFF  }
0x98: {  	s19 =	sld [smem:$0x3FDB];
	_ =	sdelay $0x1  }
0x99: {  	s4 =	simm.s32 $_scs_section_size  }
0x9a: {  	s5 =	simm.s32 $_size__tile_overlayer_lowered;
	s6 =	simm.s32 $_tile_overlayer_lowered  }
0x9b: {  	s22 =	simm.s32 $0x1BFF;
	s21 =	sshll.u32 s6, $0x1;
	s3 =	sadd.s32 s4, s19  }
0x9c: {  	s7 =	simm.s32 $0x0;
	s20 =	sshll.u32 s5, $0x1;
	s5 =	sadd.s32 s21, s3  }
0x9d: {  	[timem:s7], [sflag:s22] =	dma.local [hbm:s5], s20  }
0x9e: {  	_ =	swait.ge [sflag:s22], s20  }
0x9f: {  	s4 =	ssub.s32 $0x0, s20;
	[sflag:s22] =	ssyncset.done $0x0  }
0xa0: {  	[sflag:s22] =	ssyncadd.s32 s4;
	_ =	sdelay $0x1  }
0xa1: {  	s23 =	simm.s32 $0x1B8B  }
0xa2: {  	_ =	swait.ge [sflag:s23], $0x1  }
0xa3: {  	[sflag:s23] =	ssyncset.done $0x0  }
0xa4: {  	s25 =	simm.s32 $0x1B8E;
	s24 =	sld [smem:$0x3FFE];
	[sflag:s23] =	ssyncadd.s32 $0xFFFFFFFF  }
0xa5: {  	s26 =	simm.s32 $execute0_lowered;
	[smem:$0x3FD2] =	sst s25  }
0xa6: {  	s5 =	sshll.u32 s26, $0x1;
	_ =	strace $0x80000046;
	[dreg:$0x1] =	wrdreg $0xFFFFFFFF  }
0xa7: {  	s28 =	simm.s32 $_size_execute0_lowered;
	s3 =	sadd.s32 s3, s5;
	[dreg:$0x0] =	wrdreg $0x0  }
0xa8: {  	s5 =	sshll.u32 s28, $0x1;
	[dreg:$0x2] =	wrdreg s3  }
0xa9: {  	[dreg:$0x3] =	wrdreg s5  }
0xaa: {  	[dreg:$0x4] =	wrdreg $0xC0  }
0xab: {  	_ =	task [dreg:s7], $0x5FFFF  }
0xac: {  	[dreg:$0x1] =	wrdreg $0xFFFFFFFF  }
0xad: {  	[dreg:$0x0] =	wrdreg $0x60  }
0xae: {  	[dreg:$0x2] =	wrdreg s2  }
0xaf: {  	[dreg:$0x3] =	wrdreg s24  }
0xb0: {  	[dreg:$0x4] =	wrdreg $0x9  }
0xb1: {  	_ =	task.clear_ibuf [dreg:s7], $0x5FFFF;
	_ =	strace $0x90000046  }
0xb2: {  	s29 =	simm.s32 $0x9;
	_ =	strace $0x80000048  }
0xb3: {  	_ =	swait.ge [sflag:s29], $0x1  }
0xb4: {  	[sflag:s29] =	ssyncadd.s32 $0xFFFFFFFF  }
0xb5: {  	_ =	strace $0x90000048  }
0xb6: {  	_ =	sfence  }
0xb7: {  	s30 =	sld [smem:$0x0];
	_ =	sdelay $0x2  }
0xb8: {  	s31 =	sshll.u32 s1, $0xD;
	s1 =	sshrl.u32 s1, $0x2  }
0xb9: {  	s3 =	sand.u32 $0x4000, s31;
	s1 =	sadd.s32 s1, s30  }
0xba: {  	s0 =	sor.u32 s3, s0;
	s1 =	sshll.u32 s1, $0x11  }
0xbb: {  	s0 =	sor.u32 s1, s0  }
0xbc: {  	s0 =	sadd.s32 $0x8F2B, s0  }
0xbd: {  	[sflag:s0] =	ssyncadd.remote.s32 $0x1  }
0xbe: {  	_ =	sfence.sel $0xFFFF  }
0xbf: {  	[dreg:$0x0] =	wrdreg $0xFFFFFFFF;
	(pc) =	sbr.abs _section_cstart, $3  }
0xc0: {  	[dreg:$0x1] =	wrdreg $0xFFFFFFFF  }
0xc1: {  	_ =	task.clear_ibuf [dreg:s7], $0x2FFFF;
	_ =	strace $0x9FFFFFFF  }
0xc2: {  	(tm) =	ssettm $0x7FFFFFFF  }
0xc3: {  	_ =	shalt  }
tec
execute0_lowered:
.L_overlay_start_1:
0x0: {  	(tag) =	ssettag $0x1  }
0x1: {  	s4 =	stileid.u32  }
0x2: {  	s0 =	srdreg.scid;
	s1 =	rddreg [dreg:$0x0]  }
0x3: {  	s0 =	sand.u32 $0x1, s0;
	s2 =	sshll.u32 s4, $0x1;
	s4 =	smul.u32 $0x64000, s4  }
0x4: {  	s5 =	sor.u32 s0, s2;
	s6 =	ssub.s32 $0x2, s0;
	s0 =	smul.u32 $0x32000, s0  }
0x5: {  	s3 =	rddreg [dreg:$0x1];
	s10 =	simm.s32 $0x2;
	s5 =	smul.u32 $0x640, s5  }
.Ltmp0:
0x6: {  	s2 =	simm.s32 $0x0;
	s30 =	sshrl.u32 s6, $0x1;
	(pc) =	sbr.rel .LBB2_1-.Ltmp0, $4  }
0x7: {  	[smem:$0x7FF] =	sst s2;
	s3 =	sadd.s32 s4, s3;
	s4 =	ssub.s32 s6, s30  }
0x8: {  	_ =	strace $0x80000047;
	s5 =	sshrl.u32 s5, $0x3;
	s31 =	smax.u32 s4, $0x1  }
0x9: {  	s0 =	sadd.s32 s0, s3;
	s1 =	sadd.s32 s1, s5;
	[dreg:$0x4] =	wrdreg s31  }
0xa: {  	v0 =	vimm.f32 $0.0e+00;
	v1 =	vlaneseq.u32;
	s5 =	sadd.s32 $0x800, s0;
	[dreg:$0x3] =	wrdreg s1;
	s1 =	simm.s32 $0x0  }
.LBB2_9:
0xb: {  	s0 =	simm.s32 $0x1  }
0xc: {  	_ =	swait.ge [sflag:s0], $0x8000  }
0xd: {  	[sflag:s0] =	ssyncset.done $0x0  }
0xe: {  	[sflag:s0] =	ssyncadd.s32 $0xFFFF8000  }
0xf: {  	_ =	swait.ge [sflag:s10], $0x8000  }
0x10: {  	s1 =	rddreg [dreg:$0x5]  }
0x11: {  	s31 =	rddreg [dreg:$0x4];
	s1 =	sadd.s32 $0x1, s1  }
0x12: {  	p0 =	sne.s32 s1, s31  }
.Ltmp1:
0x13: {  	_ = 	snop;
	(pc) =	sbr.rel @!p0 .LBB2_10-.Ltmp1, $3  }
0x14: {  	_ =	sdelay $0x1  }
0x15: {  	[sflag:s10] =	ssyncset.done $0x0  }
0x16: {  	[sflag:s10] =	ssyncadd.s32 $0xFFFF8000  }
.LBB2_1:
0x17: {  	[dreg:$0x5] =	wrdreg s1  }
0x18: {  	s0 =	rddreg [dreg:$0x3];
	s31 =	simm.s32 $0x3  }
0x19: {  	[tilespmem:s2], [sflag:$0x3] =	stream.linear.gather [hbm4b:s0+s2], $0x640, $0x38;
	[tilespmem:$0x10680] =	vst v63  }
0x1a: {  	_ =	swait.ge [sflag:s31], $0x640  }
0x1b: {  	s12 =	simm.s32 $0xFFFF8000;
	s13 =	simm.s32 $0x0;
	[sflag:s31] =	ssyncset.done $0x0  }
0x1c: {  	s14 =	simm.s32 $0x0;
	s15 =	simm.s32 $0x0;
	[sflag:s31] =	ssyncadd.s32 $0xFFFFF9C0  }
.LBB2_2:
0x1d: {  	s0 =	sadd.s32 $0x8000, s12  }
0x1e: {  	s1 =	sand.u32 $0x380, s15;
	s0 =	sand.u32 $0x6000, s0  }
0x1f: {  	s16 =	sor.u32 s1, s0  }
0x20: {  	[tilespmem:s16+$0x680] =	vst v0  }
0x21: {  	[tilespmem:s16+$0x690] =	vst v0  }
0x22: {  	[tilespmem:s16+$0x6A0] =	vst v0  }
0x23: {  	[tilespmem:s16+$0x6B0] =	vst v0  }
0x24: {  	[tilespmem:s16+$0x6C0] =	vst v0  }
0x25: {  	[tilespmem:s16+$0x6D0] =	vst v0  }
0x26: {  	[tilespmem:s16+$0x6E0] =	vst v0  }
0x27: {  	[tilespmem:s16+$0x6F0] =	vst v0  }
0x28: {  	[tilespmem:s16+$0xA80] =	vst v0  }
0x29: {  	[tilespmem:s16+$0xA90] =	vst v0  }
0x2a: {  	[tilespmem:s16+$0xAA0] =	vst v0  }
0x2b: {  	[tilespmem:s16+$0xAB0] =	vst v0  }
0x2c: {  	[tilespmem:s16+$0xAC0] =	vst v0  }
0x2d: {  	[tilespmem:s16+$0xAD0] =	vst v0  }
0x2e: {  	[tilespmem:s16+$0xAE0] =	vst v0  }
0x2f: {  	[tilespmem:s16+$0xAF0] =	vst v0  }
0x30: {  	[tilespmem:s16+$0xE80] =	vst v0  }
0x31: {  	[tilespmem:s16+$0xE90] =	vst v0  }
0x32: {  	[tilespmem:s16+$0xEA0] =	vst v0  }
0x33: {  	[tilespmem:s16+$0xEB0] =	vst v0  }
0x34: {  	[tilespmem:s16+$0xEC0] =	vst v0  }
0x35: {  	[tilespmem:s16+$0xED0] =	vst v0  }
0x36: {  	[tilespmem:s16+$0xEE0] =	vst v0  }
0x37: {  	[tilespmem:s16+$0xEF0] =	vst v0  }
0x38: {  	[tilespmem:s16+$0x1280] =	vst v0  }
0x39: {  	[tilespmem:s16+$0x1290] =	vst v0  }
0x3a: {  	[tilespmem:s16+$0x12A0] =	vst v0  }
0x3b: {  	[tilespmem:s16+$0x12B0] =	vst v0  }
0x3c: {  	[tilespmem:s16+$0x12C0] =	vst v0  }
0x3d: {  	[tilespmem:s16+$0x12D0] =	vst v0  }
0x3e: {  	[tilespmem:s16+$0x12E0] =	vst v0  }
0x3f: {  	[tilespmem:s16+$0x12F0] =	vst v0  }
0x40: {  	[tilespmem:s16+$0x1680] =	vst v0  }
0x41: {  	[tilespmem:s16+$0x1690] =	vst v0  }
0x42: {  	[tilespmem:s16+$0x16A0] =	vst v0  }
0x43: {  	[tilespmem:s16+$0x16B0] =	vst v0  }
0x44: {  	[tilespmem:s16+$0x16C0] =	vst v0  }
0x45: {  	[tilespmem:s16+$0x16D0] =	vst v0  }
0x46: {  	[tilespmem:s16+$0x16E0] =	vst v0  }
0x47: {  	[tilespmem:s16+$0x16F0] =	vst v0  }
0x48: {  	[tilespmem:s16+$0x1A80] =	vst v0  }
0x49: {  	[tilespmem:s16+$0x1A90] =	vst v0  }
0x4a: {  	[tilespmem:s16+$0x1AA0] =	vst v0  }
0x4b: {  	[tilespmem:s16+$0x1AB0] =	vst v0  }
0x4c: {  	[tilespmem:s16+$0x1AC0] =	vst v0  }
0x4d: {  	[tilespmem:s16+$0x1AD0] =	vst v0  }
0x4e: {  	[tilespmem:s16+$0x1AE0] =	vst v0  }
0x4f: {  	[tilespmem:s16+$0x1AF0] =	vst v0  }
0x50: {  	[tilespmem:s16+$0x1E80] =	vst v0  }
0x51: {  	[tilespmem:s16+$0x1E90] =	vst v0  }
0x52: {  	[tilespmem:s16+$0x1EA0] =	vst v0  }
0x53: {  	[tilespmem:s16+$0x1EB0] =	vst v0  }
0x54: {  	s30 =	sand.u32 $0x7, s13;
	[tilespmem:s16+$0x1EC0] =	vst v0  }
0x55: {  	s0 =	sshll.u32 s30, $0x7;
	[tilespmem:s16+$0x1ED0] =	vst v0  }
0x56: {  	s4 =	sadd.s32 s0, s14;
	[tilespmem:s16+$0x1EE0] =	vst v0  }
0x57: {  	[tilespmem:s16+$0x1EF0] =	vst v0;
	s0 =	sor.u32 $0x1C00, s4  }
0x58: {  	s31 =	sor.u32 $0x1C10, s4;
	[tilespmem:s0+$0x680] =	vst v0  }
0x59: {  	s17 =	sor.u32 $0x1C20, s4;
	[tilespmem:s31+$0x680] =	vst v0  }
0x5a: {  	s18 =	sor.u32 $0x1C30, s4;
	[tilespmem:s17+$0x680] =	vst v0  }
0x5b: {  	s3 =	sor.u32 $0x1C40, s4;
	[tilespmem:s18+$0x680] =	vst v0  }
0x5c: {  	s20 =	sor.u32 $0x1C50, s4;
	[tilespmem:s3+$0x680] =	vst v0  }
0x5d: {  	s19 =	sor.u32 $0x1C60, s4;
	[tilespmem:s20+$0x680] =	vst v0  }
0x5e: {  	[tilespmem:s19+$0x680] =	vst.msk $0xff, v0  }
0x5f: {  	[tilespmem:s16+$0x8680] =	vst v0  }
0x60: {  	[tilespmem:s16+$0x8690] =	vst v0  }
0x61: {  	[tilespmem:s16+$0x86A0] =	vst v0  }
0x62: {  	[tilespmem:s16+$0x86B0] =	vst v0  }
0x63: {  	[tilespmem:s16+$0x86C0] =	vst v0  }
0x64: {  	[tilespmem:s16+$0x86D0] =	vst v0  }
0x65: {  	[tilespmem:s16+$0x86E0] =	vst v0  }
0x66: {  	[tilespmem:s16+$0x86F0] =	vst v0  }
0x67: {  	[tilespmem:s16+$0x8A80] =	vst v0  }
0x68: {  	[tilespmem:s16+$0x8A90] =	vst v0  }
0x69: {  	[tilespmem:s16+$0x8AA0] =	vst v0  }
0x6a: {  	[tilespmem:s16+$0x8AB0] =	vst v0  }
0x6b: {  	[tilespmem:s16+$0x8AC0] =	vst v0  }
0x6c: {  	[tilespmem:s16+$0x8AD0] =	vst v0  }
0x6d: {  	[tilespmem:s16+$0x8AE0] =	vst v0  }
0x6e: {  	[tilespmem:s16+$0x8AF0] =	vst v0  }
0x6f: {  	[tilespmem:s16+$0x8E80] =	vst v0  }
0x70: {  	[tilespmem:s16+$0x8E90] =	vst v0  }
0x71: {  	[tilespmem:s16+$0x8EA0] =	vst v0  }
0x72: {  	[tilespmem:s16+$0x8EB0] =	vst v0  }
0x73: {  	[tilespmem:s16+$0x8EC0] =	vst v0  }
0x74: {  	[tilespmem:s16+$0x8ED0] =	vst v0  }
0x75: {  	[tilespmem:s16+$0x8EE0] =	vst v0  }
0x76: {  	[tilespmem:s16+$0x8EF0] =	vst v0  }
0x77: {  	[tilespmem:s16+$0x9280] =	vst v0  }
0x78: {  	[tilespmem:s16+$0x9290] =	vst v0  }
0x79: {  	[tilespmem:s16+$0x92A0] =	vst v0  }
0x7a: {  	[tilespmem:s16+$0x92B0] =	vst v0  }
0x7b: {  	[tilespmem:s16+$0x92C0] =	vst v0  }
0x7c: {  	[tilespmem:s16+$0x92D0] =	vst v0  }
0x7d: {  	[tilespmem:s16+$0x92E0] =	vst v0  }
0x7e: {  	[tilespmem:s16+$0x92F0] =	vst v0  }
0x7f: {  	[tilespmem:s16+$0x9680] =	vst v0  }
0x80: {  	[tilespmem:s16+$0x9690] =	vst v0  }
0x81: {  	[tilespmem:s16+$0x96A0] =	vst v0  }
0x82: {  	[tilespmem:s16+$0x96B0] =	vst v0  }
0x83: {  	[tilespmem:s16+$0x96C0] =	vst v0  }
0x84: {  	[tilespmem:s16+$0x96D0] =	vst v0  }
0x85: {  	[tilespmem:s16+$0x96E0] =	vst v0  }
0x86: {  	[tilespmem:s16+$0x96F0] =	vst v0  }
0x87: {  	[tilespmem:s16+$0x9A80] =	vst v0  }
0x88: {  	[tilespmem:s16+$0x9A90] =	vst v0  }
0x89: {  	[tilespmem:s16+$0x9AA0] =	vst v0  }
0x8a: {  	[tilespmem:s16+$0x9AB0] =	vst v0  }
0x8b: {  	[tilespmem:s16+$0x9AC0] =	vst v0  }
0x8c: {  	[tilespmem:s16+$0x9AD0] =	vst v0  }
0x8d: {  	[tilespmem:s16+$0x9AE0] =	vst v0  }
0x8e: {  	[tilespmem:s16+$0x9AF0] =	vst v0  }
0x8f: {  	[tilespmem:s16+$0x9E80] =	vst v0  }
0x90: {  	[tilespmem:s16+$0x9E90] =	vst v0  }
0x91: {  	[tilespmem:s16+$0x9EA0] =	vst v0  }
0x92: {  	[tilespmem:s16+$0x9EB0] =	vst v0  }
0x93: {  	[tilespmem:s16+$0x9EC0] =	vst v0  }
0x94: {  	[tilespmem:s16+$0x9ED0] =	vst v0  }
0x95: {  	[tilespmem:s16+$0x9EE0] =	vst v0  }
0x96: {  	[tilespmem:s16+$0x9EF0] =	vst v0  }
0x97: {  	[tilespmem:s0+$0x8680] =	vst v0  }
0x98: {  	p0 =	sne.s32 s15, $0xF80;
	[tilespmem:s31+$0x8680] =	vst v0  }
.Ltmp2:
0x99: {  	[tilespmem:s17+$0x8680] =	vst v0;
	(pc) =	sbr.rel @p0 .LBB2_2-.Ltmp2, $4  }
0x9a: {  	[tilespmem:s18+$0x8680] =	vst v0  }
0x9b: {  	[tilespmem:s3+$0x8680] =	vst v0  }
0x9c: {  	s13 =	sadd.s32 $0x1, s13;
	[tilespmem:s20+$0x8680] =	vst v0  }
0x9d: {  	s12 =	sadd.s32 $0x400, s12;
	s15 =	sadd.s32 $0x80, s15;
	s14 =	sadd.s32 $0x400, s14;
	[tilespmem:s19+$0x8680] =	vst.msk $0xff, v0  }
.Ltmp3:
0x9e: {  	(pc) =	sbr.rel .LBB2_4-.Ltmp3, $2  }
0x9f: {  	_ =	sdelay $0x2  }
0xa0: {  	s12 =	simm.s32 $0x0;
	s13 =	simm.s32 $0x0  }
.LBB2_8:
0xa1: {  	v2 =	vld [tilespmem:s12+$0x20];
	_ =	sdelay $0x4  }
0xa2: {  	vm0 =	vgt.s32 v2, $0x0  }
0xa3: {  	v3 =	vnsel vm0, $0x0, v2  }
0xa4: {  	v3 =	vmin.u32 v3, $0x3E7  }
0xa5: {  	v2 =	vshrl.u32 v2, $0x1B;
	(v2sf) =	vpush v3, $0x0  }
0xa6: {  	(v2sf) =	vpush v2, $0x0;
	_ =	sdelay $0x1  }
0xa7: {  	(v2sf) =	vpush v3, $0x1  }
0xa8: {  	(v2sf) =	vpush v2, $0x1;
	_ =	sdelay $0x1  }
0xa9: {  	(v2sf) =	vpush v3, $0x2  }
0xaa: {  	(v2sf) =	vpush v2, $0x2;
	_ =	sdelay $0x1  }
0xab: {  	(v2sf) =	vpush v3, $0x3  }
0xac: {  	(v2sf) =	vpush v2, $0x3;
	_ =	sdelay $0x1  }
0xad: {  	(v2sf) =	vpush v3, $0x4  }
0xae: {  	(v2sf) =	vpush v2, $0x4;
	_ =	sdelay $0x1  }
0xaf: {  	(v2sf) =	vpush v3, $0x5;
	s0 =	spop (v2sf)  }
0xb0: {  	(v2sf) =	vpush v2, $0x5;
	s1 =	spop (v2sf)  }
0xb1: {  	s3 =	sand.u32 $0xF, s0;
	s4 =	sshll.u32 s0, $0x3;
	s0 =	sand.u32 $0x70, s0  }
0xb2: {  	(v2sf) =	vpush v3, $0x6;
	s1 =	sand.u32 $0x10, s1;
	s4 =	sand.u32 $0x1C00, s4;
	s6 =	spop (v2sf)  }
0xb3: {  	s19 =	sor.u32 s1, s3;
	s15 =	sor.u32 s0, s4;
	s26 =	spop (v2sf)  }
0xb4: {  	(v2sf) =	vpush v2, $0x6;
	s28 =	sand.u32 $0xF, s6;
	s29 =	sshll.u32 s6, $0x3;
	s30 =	sand.u32 $0x70, s6  }
0xb5: {  	s0 =	sand.u32 $0x10, s26;
	s3 =	sand.u32 $0x1C00, s29;
	s31 =	spop (v2sf);
	(v2sf) =	vpush v3, $0x7  }
0xb6: {  	s21 =	sor.u32 s0, s28;
	s16 =	sor.u32 s30, s3;
	s3 =	spop (v2sf);
	(v2sf) =	vpush v2, $0x7  }
0xb7: {  	s4 =	sand.u32 $0xF, s31;
	s7 =	sshll.u32 s31, $0x3;
	s8 =	sand.u32 $0x70, s31  }
0xb8: {  	s0 =	sand.u32 $0x10, s3;
	s3 =	sand.u32 $0x1C00, s7;
	s9 =	spop (v2sf);
	(v2sf) =	vpush v3, $0x8  }
0xb9: {  	s24 =	sor.u32 s0, s4;
	s17 =	sor.u32 s8, s3;
	s11 =	spop (v2sf);
	(v2sf) =	vpush v2, $0x8  }
0xba: {  	s18 =	sand.u32 $0xF, s9;
	s20 =	sshll.u32 s9, $0x3;
	s22 =	sand.u32 $0x70, s9  }
0xbb: {  	s0 =	sand.u32 $0x10, s11;
	s3 =	sand.u32 $0x1C00, s20;
	s23 =	spop (v2sf);
	(v2sf) =	vpush v3, $0x9  }
0xbc: {  	s26 =	sor.u32 s0, s18;
	s18 =	sor.u32 s22, s3;
	s25 =	spop (v2sf);
	(v2sf) =	vpush v2, $0x9  }
0xbd: {  	s28 =	sand.u32 $0xF, s23;
	s29 =	sshll.u32 s23, $0x3;
	s30 =	sand.u32 $0x70, s23  }
0xbe: {  	s0 =	sand.u32 $0x10, s25;
	s3 =	sand.u32 $0x1C00, s29;
	s31 =	spop (v2sf);
	(v2sf) =	vpush v3, $0xA  }
0xbf: {  	s28 =	sor.u32 s0, s28;
	s20 =	sor.u32 s30, s3;
	s3 =	spop (v2sf);
	(v2sf) =	vpush v2, $0xA  }
0xc0: {  	s4 =	sand.u32 $0xF, s31;
	s7 =	sshll.u32 s31, $0x3;
	s8 =	sand.u32 $0x70, s31  }
0xc1: {  	s0 =	sand.u32 $0x10, s3;
	s3 =	sand.u32 $0x1C00, s7;
	s9 =	spop (v2sf);
	(v2sf) =	vpush v3, $0xB  }
0xc2: {  	s30 =	sor.u32 s0, s4;
	s22 =	sor.u32 s8, s3;
	s23 =	sand.u32 $0xF, s9  }
0xc3: {  	s25 =	sshll.u32 s9, $0x3;
	s29 =	sand.u32 $0x70, s9;
	s11 =	spop (v2sf);
	(v2sf) =	vpush v2, $0xB  }
0xc4: {  	s3 =	sand.u32 $0x1C00, s25;
	s0 =	sand.u32 $0x10, s11;
	s31 =	spop (v2sf);
	(v2sf) =	vpush v3, $0xC  }
0xc5: {  	s1 =	sor.u32 s0, s23;
	s23 =	sor.u32 s29, s3;
	s7 =	spop (v2sf);
	(v2sf) =	vpush v2, $0xC  }
0xc6: {  	s8 =	sand.u32 $0xF, s31;
	s9 =	sshll.u32 s31, $0x3;
	s6 =	sand.u32 $0x70, s31  }
0xc7: {  	s0 =	sand.u32 $0x10, s7;
	s4 =	sand.u32 $0x1C00, s9;
	s7 =	spop (v2sf);
	(v2sf) =	vpush v3, $0xD  }
0xc8: {  	s0 =	sor.u32 s0, s8;
	s25 =	sor.u32 s6, s4;
	s11 =	spop (v2sf);
	(v2sf) =	vpush v2, $0xD  }
0xc9: {  	s29 =	sand.u32 $0xF, s7;
	s31 =	sshll.u32 s7, $0x3;
	s7 =	sand.u32 $0x70, s7;
	(v2sf) =	vpush v3, $0xE  }
0xca: {  	s3 =	sand.u32 $0x10, s11;
	s6 =	sand.u32 $0x1C00, s31;
	s8 =	spop (v2sf);
	(v2sf) =	vpush v2, $0xE  }
0xcb: {  	s3 =	sor.u32 s3, s29;
	s29 =	sor.u32 s7, s6;
	s7 =	spop (v2sf);
	(v2sf) =	vpush v3, $0xF  }
0xcc: {  	s9 =	sand.u32 $0xF, s8;
	s31 =	sshll.u32 s8, $0x3;
	s8 =	sand.u32 $0x70, s8;
	(v2sf) =	vpush v2, $0xF  }
0xcd: {  	s4 =	sand.u32 $0x10, s7;
	s7 =	sand.u32 $0x1C00, s31;
	s11 =	spop (v2sf)  }
0xce: {  	s4 =	sor.u32 s4, s9;
	s31 =	sor.u32 s8, s7;
	s8 =	spop (v2sf);
	v2 =	vmov s19  }
0xcf: {  	s9 =	sand.u32 $0xF, s11;
	s19 =	sshll.u32 s11, $0x3;
	s11 =	sand.u32 $0x70, s11;
	vm7 =	veq.s32 v2, v1;
	v2 =	vmov s21  }
0xd0: {  	s6 =	sand.u32 $0x10, s8;
	s8 =	sand.u32 $0x1C00, s19;
	s21 =	spop (v2sf);
	v3 =	vsel vm7, $0x3F800000, v0;
	vm8 =	veq.s32 v2, v1  }
0xd1: {  	v2 =	vmov s24;
	s6 =	sor.u32 s6, s9;
	s19 =	sor.u32 s11, s8;
	s9 =	sand.u32 $0xF, s21;
	[tilespmem:s15+$0x8680] =	vst v3;
	v3 =	vsel vm8, $0x3F800000, v0  }
0xd2: {  	vm9 =	veq.s32 v2, v1;
	v2 =	vmov s26;
	s15 =	sshll.u32 s21, $0x3;
	[tilespmem:s16+$0x8700] =	vst v3;
	s16 =	sand.u32 $0x70, s21;
	s8 =	spop (v2sf)  }
0xd3: {  	v3 =	vsel vm9, $0x3F800000, v0;
	vm10 =	veq.s32 v2, v1;
	v2 =	vmov s28;
	s11 =	sand.u32 $0x1C00, s15;
	s7 =	sand.u32 $0x10, s8;
	s21 =	spop (v2sf)  }
0xd4: {  	[tilespmem:s17+$0x8780] =	vst v3;
	v3 =	vsel vm10, $0x3F800000, v0;
	vm11 =	veq.s32 v2, v1;
	v2 =	vmov s30;
	s8 =	sor.u32 s16, s11;
	s7 =	sor.u32 s7, s9;
	s24 =	spop (v2sf)  }
0xd5: {  	[tilespmem:s18+$0x8800] =	vst v3;
	v3 =	vsel vm11, $0x3F800000, v0;
	vm12 =	veq.s32 v2, v1;
	v2 =	vmov s1;
	s26 =	sand.u32 $0xF, s21;
	s28 =	sshll.u32 s21, $0x3;
	s30 =	sand.u32 $0x70, s21  }
0xd6: {  	[tilespmem:s20+$0x8880] =	vst v3;
	v3 =	vsel vm12, $0x3F800000, v0;
	vm13 =	veq.s32 v2, v1;
	v2 =	vmov s0;
	s11 =	sand.u32 $0x10, s24;
	s15 =	sand.u32 $0x1C00, s28;
	s9 =	spop (v2sf)  }
0xd7: {  	[tilespmem:s22+$0x8900] =	vst v3;
	v3 =	vsel vm13, $0x3F800000, v0;
	vm14 =	veq.s32 v2, v1;
	v2 =	vmov s3;
	s1 =	sor.u32 s11, s26;
	s0 =	sor.u32 s30, s15;
	s15 =	spop (v2sf)  }
0xd8: {  	[tilespmem:s23+$0x8980] =	vst v3;
	v3 =	vsel vm14, $0x3F800000, v0;
	vm15 =	veq.s32 v2, v1;
	v2 =	vmov s4;
	s17 =	sand.u32 $0xF, s9;
	s20 =	sshll.u32 s9, $0x3;
	s18 =	spop (v2sf)  }
0xd9: {  	[tilespmem:s25+$0x8A00] =	vst v3;
	v3 =	vsel vm15, $0x3F800000, v0;
	vm4 =	veq.s32 v2, v1;
	v2 =	vmov s6;
	s22 =	sand.u32 $0x70, s9;
	s3 =	sand.u32 $0x10, s15;
	s21 =	spop (v2sf)  }
0xda: {  	[tilespmem:s29+$0xA680] =	vst v3;
	v3 =	vsel vm4, $0x3F800000, v0;
	vm5 =	veq.s32 v2, v1;
	v2 =	vmov s7;
	s4 =	sand.u32 $0x1C00, s20;
	s3 =	sor.u32 s3, s17;
	s23 =	spop (v2sf)  }
0xdb: {  	[tilespmem:s31+$0xA700] =	vst v3;
	v3 =	vsel vm5, $0x3F800000, v0;
	vm6 =	veq.s32 v2, v1;
	v2 =	vmov s1;
	s24 =	sand.u32 $0xF, s18;
	s6 =	sand.u32 $0x10, s21;
	s25 =	spop (v2sf)  }
0xdc: {  	[tilespmem:s19+$0xA780] =	vst v3;
	v3 =	vsel vm6, $0x3F800000, v0;
	vm7 =	veq.s32 v2, v1;
	v2 =	vmov s3;
	s1 =	sor.u32 s6, s24;
	s26 =	sand.u32 $0xF, s23;
	s28 =	sand.u32 $0x10, s25  }
0xdd: {  	s4 =	sor.u32 s22, s4;
	s29 =	sshll.u32 s18, $0x3;
	[tilespmem:s8+$0xA800] =	vst v3;
	v3 =	vsel vm7, $0x3F800000, v0;
	vm8 =	veq.s32 v2, v1;
	v2 =	vmov s1;
	s3 =	sor.u32 s28, s26  }
0xde: {  	s30 =	sand.u32 $0x70, s18;
	[tilespmem:s0+$0xA880] =	vst v3;
	s31 =	sshll.u32 s23, $0x3;
	v3 =	vsel vm8, $0x3F800000, v0;
	s1 =	sand.u32 $0x1C00, s29;
	vm9 =	veq.s32 v2, v1;
	v2 =	vmov s3  }
0xdf: {  	[tilespmem:s4+$0xA900] =	vst v3;
	s0 =	sor.u32 s30, s1;
	s4 =	sand.u32 $0x70, s23;
	v3 =	vsel vm9, $0x3F800000, v0;
	s3 =	sand.u32 $0x1C00, s31;
	vm10 =	veq.s32 v2, v1  }
0xe0: {  	[tilespmem:s0+$0xA980] =	vst v3;
	s6 =	sor.u32 s4, s3;
	v2 =	vsel vm10, $0x3F800000, v0  }
0xe1: {  	[tilespmem:s6+$0xAA00] =	vst v2  }
0xe2: {  	v2 =	vld [tilespmem:s12+$0x30];
	_ =	sdelay $0x4  }
0xe3: {  	vm11 =	vgt.s32 v2, $0x0  }
0xe4: {  	v3 =	vnsel vm11, $0x0, v2  }
0xe5: {  	v3 =	vmin.u32 v3, $0x3E7  }
0xe6: {  	v2 =	vshrl.u32 v2, $0x1B;
	(v2sf) =	vpush v3, $0x0  }
0xe7: {  	(v2sf) =	vpush v2, $0x0  }
0xe8: {  	(v2sf) =	vpush v3, $0x1  }
0xe9: {  	(v2sf) =	vpush v2, $0x1;
	_ =	sdelay $0x1  }
0xea: {  	(v2sf) =	vpush v3, $0x2;
	_ =	sdelay $0x1  }
0xeb: {  	(v2sf) =	vpush v2, $0x2;
	_ =	sdelay $0x1  }
0xec: {  	(v2sf) =	vpush v3, $0x3  }
0xed: {  	(v2sf) =	vpush v2, $0x3;
	_ =	sdelay $0x1  }
0xee: {  	(v2sf) =	vpush v3, $0x4  }
0xef: {  	(v2sf) =	vpush v2, $0x4  }
0xf0: {  	(v2sf) =	vpush v3, $0x5  }
0xf1: {  	s13 =	sadd.s32 $0x2000, s13;
	(v2sf) =	vpush v2, $0x5;
	s7 =	spop (v2sf)  }
0xf2: {  	p0 =	sne.s32 s13, $0x32000;
	s8 =	spop (v2sf);
	s11 =	sand.u32 $0xF, s7  }
0xf3: {  	s15 =	sshll.u32 s7, $0x3;
	s9 =	spop (v2sf);
	s1 =	sand.u32 $0x10, s8  }
0xf4: {  	(v2sf) =	vpush v3, $0x6;
	s0 =	sand.u32 $0x70, s7;
	s17 =	sor.u32 s1, s11;
	s16 =	spop (v2sf)  }
0xf5: {  	(v2sf) =	vpush v2, $0x6;
	s1 =	sand.u32 $0x1C00, s15;
	s19 =	sand.u32 $0xF, s9;
	s21 =	sshll.u32 s9, $0x3  }
0xf6: {  	s3 =	sand.u32 $0x70, s9;
	s18 =	spop (v2sf);
	s20 =	sand.u32 $0x10, s16  }
0xf7: {  	(v2sf) =	vpush v3, $0x7;
	s15 =	sor.u32 s0, s1;
	s0 =	sand.u32 $0x1C00, s21;
	s19 =	sor.u32 s20, s19  }
0xf8: {  	(v2sf) =	vpush v2, $0x7;
	s22 =	spop (v2sf);
	s16 =	sor.u32 s3, s0;
	s25 =	sand.u32 $0xF, s18  }
0xf9: {  	(v2sf) =	vpush v3, $0x8;
	s26 =	sshll.u32 s18, $0x3;
	s29 =	sand.u32 $0x70, s18;
	s1 =	sand.u32 $0x10, s22  }
0xfa: {  	(v2sf) =	vpush v2, $0x8;
	s23 =	spop (v2sf);
	s0 =	sand.u32 $0x1C00, s26;
	s22 =	sor.u32 s1, s25  }
0xfb: {  	s28 =	spop (v2sf);
	s18 =	sor.u32 s29, s0;
	s31 =	sand.u32 $0xF, s23  }
0xfc: {  	(v2sf) =	vpush v3, $0x9;
	s3 =	sshll.u32 s23, $0x3;
	s8 =	sand.u32 $0x70, s23;
	s1 =	sand.u32 $0x10, s28  }
0xfd: {  	(v2sf) =	vpush v2, $0x9;
	s30 =	spop (v2sf);
	s0 =	sand.u32 $0x1C00, s3;
	s24 =	sor.u32 s1, s31  }
0xfe: {  	(v2sf) =	vpush v3, $0xA;
	s7 =	spop (v2sf);
	s9 =	sand.u32 $0xF, s30;
	s20 =	sor.u32 s8, s0  }
0xff: {  	(v2sf) =	vpush v2, $0xA;
	s21 =	sshll.u32 s30, $0x3;
	s23 =	sand.u32 $0x70, s30;
	s4 =	spop (v2sf)  }
0x100: {  	s1 =	sand.u32 $0x10, s7;
	s0 =	sand.u32 $0x1C00, s21;
	s11 =	spop (v2sf)  }
0x101: {  	(v2sf) =	vpush v3, $0xB;
	s28 =	sor.u32 s1, s9;
	s21 =	sor.u32 s23, s0;
	s26 =	sand.u32 $0xF, s4  }
0x102: {  	s30 =	sshll.u32 s4, $0x3;
	s4 =	sand.u32 $0x70, s4;
	s29 =	sand.u32 $0x10, s11  }
0x103: {  	(v2sf) =	vpush v2, $0xB;
	s0 =	sand.u32 $0x1C00, s30;
	s29 =	sor.u32 s29, s26;
	s25 =	spop (v2sf)  }
0x104: {  	s23 =	sor.u32 s4, s0;
	s31 =	spop (v2sf);
	s7 =	sand.u32 $0xF, s25  }
0x105: {  	s8 =	sshll.u32 s25, $0x3;
	s3 =	sand.u32 $0x70, s25;
	s1 =	sand.u32 $0x10, s31  }
0x106: {  	s6 =	spop (v2sf);
	(v2sf) =	vpush v3, $0xC;
	s0 =	sand.u32 $0x1C00, s8;
	s30 =	sor.u32 s1, s7  }
0x107: {  	s9 =	spop (v2sf);
	(v2sf) =	vpush v2, $0xC;
	s25 =	sor.u32 s3, s0;
	s11 =	sand.u32 $0xF, s6  }
0x108: {  	s26 =	sshll.u32 s6, $0x3;
	s6 =	sand.u32 $0x70, s6;
	s4 =	spop (v2sf);
	(v2sf) =	vpush v3, $0xD  }
0x109: {  	s1 =	sand.u32 $0x10, s9;
	s0 =	sand.u32 $0x1C00, s26;
	s31 =	spop (v2sf);
	(v2sf) =	vpush v2, $0xD  }
0x10a: {  	s1 =	sor.u32 s1, s11;
	s26 =	sor.u32 s6, s0;
	s6 =	sand.u32 $0xF, s4  }
0x10b: {  	s8 =	sshll.u32 s4, $0x3;
	s7 =	spop (v2sf);
	(v2sf) =	vpush v3, $0xE;
	s3 =	sand.u32 $0x10, s31  }
0x10c: {  	s4 =	sand.u32 $0x70, s4;
	s0 =	sor.u32 s3, s6;
	s9 =	spop (v2sf);
	(v2sf) =	vpush v2, $0xE  }
0x10d: {  	s3 =	sand.u32 $0x1C00, s8;
	s11 =	sand.u32 $0xF, s7;
	s8 =	spop (v2sf);
	(v2sf) =	vpush v3, $0xF  }
0x10e: {  	s6 =	sand.u32 $0x10, s9;
	s31 =	sor.u32 s4, s3;
	s9 =	spop (v2sf);
	(v2sf) =	vpush v2, $0xF  }
0x10f: {  	s4 =	sor.u32 s6, s11;
	s11 =	sshll.u32 s7, $0x3;
	s7 =	sand.u32 $0x70, s7;
	v2 =	vmov s17  }
0x110: {  	v3 =	vmov s19;
	s19 =	sshll.u32 s8, $0x3;
	s6 =	spop (v2sf);
	s3 =	sand.u32 $0x1C00, s11;
	vm12 =	veq.s32 v2, v1  }
0x111: {  	vm13 =	veq.s32 v3, v1;
	s11 =	sand.u32 $0x10, s9;
	v2 =	vmov s22;
	s17 =	sor.u32 s7, s3;
	s7 =	sand.u32 $0xF, s8;
	v4 =	vsel vm12, $0x3F800000, v0  }
0x112: {  	v3 =	vmov s24;
	v53 =	vsel vm13, $0x3F800000, v0;
	s9 =	spop (v2sf);
	s8 =	sand.u32 $0x70, s8;
	s3 =	sand.u32 $0x1C00, s19;
	vm14 =	veq.s32 v2, v1;
	[tilespmem:s15+$0xC680] =	vst v4  }
0x113: {  	vm15 =	veq.s32 v3, v1;
	s24 =	sand.u32 $0xF, s6;
	v2 =	vmov s28;
	s7 =	sor.u32 s11, s7;
	s9 =	sand.u32 $0x10, s9;
	v54 =	vsel vm14, $0x3F800000, v0;
	[tilespmem:s16+$0xC700] =	vst v53  }
0x114: {  	v3 =	vmov s29;
	v55 =	vsel vm15, $0x3F800000, v0;
	s3 =	sor.u32 s8, s3;
	vm4 =	veq.s32 v2, v1;
	s8 =	sor.u32 s9, s24;
	s16 =	sshll.u32 s6, $0x3;
	[tilespmem:s18+$0xC780] =	vst v54  }
0x115: {  	vm5 =	veq.s32 v3, v1;
	v2 =	vmov s30;
	s6 =	sand.u32 $0x70, s6;
	v56 =	vsel vm4, $0x3F800000, v0;
	s9 =	sand.u32 $0x1C00, s16;
	[tilespmem:s20+$0xC800] =	vst v55;
	s11 =	spop (v2sf)  }
0x116: {  	v3 =	vmov s1;
	v57 =	vsel vm5, $0x3F800000, v0;
	vm6 =	veq.s32 v2, v1;
	s6 =	sor.u32 s6, s9;
	[tilespmem:s21+$0xC880] =	vst v56;
	s28 =	spop (v2sf);
	s20 =	sand.u32 $0xF, s11  }
0x117: {  	vm7 =	veq.s32 v3, v1;
	v2 =	vmov s0;
	v58 =	vsel vm6, $0x3F800000, v0;
	[tilespmem:s23+$0xC900] =	vst v57;
	s24 =	sshll.u32 s11, $0x3;
	s19 =	spop (v2sf);
	s15 =	sand.u32 $0x10, s28  }
0x118: {  	v59 =	vsel vm7, $0x3F800000, v0;
	vm8 =	veq.s32 v2, v1;
	s11 =	sand.u32 $0x70, s11;
	[tilespmem:s25+$0xC980] =	vst v58;
	s22 =	spop (v2sf);
	s9 =	sor.u32 s15, s20  }
0x119: {  	v60 =	vsel vm8, $0x3F800000, v0;
	[tilespmem:s26+$0xCA00] =	vst v59;
	s15 =	sand.u32 $0x1C00, s24;
	s25 =	sand.u32 $0xF, s19;
	s29 =	sshll.u32 s19, $0x3  }
0x11a: {  	v3 =	vmov s4;
	[tilespmem:s31+$0xE680] =	vst v60;
	s31 =	sand.u32 $0x70, s19;
	s0 =	spop (v2sf);
	s4 =	sor.u32 s11, s15  }
0x11b: {  	vm9 =	veq.s32 v3, v1;
	v2 =	vmov s7;
	s1 =	sand.u32 $0x10, s22;
	s11 =	sand.u32 $0x1C00, s29;
	s28 =	spop (v2sf)  }
0x11c: {  	v3 =	vmov s8;
	v61 =	vsel vm9, $0x3F800000, v0;
	vm10 =	veq.s32 v2, v1;
	s1 =	sor.u32 s1, s25;
	s18 =	sand.u32 $0xF, s0;
	s30 =	spop (v2sf)  }
0x11d: {  	vm11 =	veq.s32 v3, v1;
	v2 =	vsel vm10, $0x3F800000, v0;
	[tilespmem:s17+$0xE700] =	vst v61;
	v3 =	vmov s9;
	s23 =	sor.u32 s31, s11;
	s7 =	sand.u32 $0x10, s28;
	s19 =	spop (v2sf)  }
0x11e: {  	v62 =	vsel vm11, $0x3F800000, v0;
	[tilespmem:s3+$0xE780] =	vst v2;
	vm12 =	veq.s32 v3, v1;
	v2 =	vmov s1;
	s20 =	sor.u32 s7, s18;
	s21 =	sand.u32 $0xF, s30;
	s22 =	sand.u32 $0x10, s19  }
0x11f: {  	s25 =	sshll.u32 s0, $0x3;
	s0 =	sand.u32 $0x70, s0;
	[tilespmem:s6+$0xE800] =	vst v62;
	v63 =	vsel vm12, $0x3F800000, v0;
	vm13 =	veq.s32 v2, v1;
	v3 =	vmov s20;
	s24 =	sor.u32 s22, s21  }
.Ltmp4:
0x120: {  	s3 =	sand.u32 $0x1C00, s25;
	[tilespmem:s4+$0xE880] =	vst v63;
	s26 =	sshll.u32 s30, $0x3;
	v2 =	vsel vm13, $0x3F800000, v0;
	vm14 =	veq.s32 v3, v1;
	v3 =	vmov s24;
	(pc) =	sbr.rel @!p0 .LBB2_9-.Ltmp4, $4  }
0x121: {  	s0 =	sor.u32 s0, s3;
	s28 =	sand.u32 $0x70, s30;
	s1 =	sand.u32 $0x1C00, s26;
	[tilespmem:s23+$0xE900] =	vst v2;
	v2 =	vsel vm14, $0x3F800000, v0;
	vm15 =	veq.s32 v3, v1  }
0x122: {  	s29 =	sor.u32 s28, s1;
	[tilespmem:s0+$0xE980] =	vst v2;
	v2 =	vsel vm15, $0x3F800000, v0  }
0x123: {  	s12 =	sadd.s32 $0x40, s12;
	s31 =	simm.s32 $0x8680;
	s30 =	sadd.s32 $0x1000, s14;
	[tilespmem:s29+$0xEA00] =	vst v2  }
0x124: {  	[hbm4b:s30+s2] =	stream.linear.scatter [tilespmem:s31], [sflag:$0x2], $0x8000, $0x38;
	[tilespmem:$0x10680] =	vst v63  }
.LBB2_4:
0x125: {  	p0 =	seq.s32 s13, $0x0  }
.Ltmp5:
0x126: {  	_ = 	snop;
	(pc) =	sbr.rel @p0 .LBB2_6-.Ltmp5, $1  }
0x127: {  	_ =	sdelay $0x3  }
0x128: {  	s0 =	simm.s32 $0x1  }
0x129: {  	_ =	swait.ge [sflag:s0], $0x8000  }
0x12a: {  	[sflag:s0] =	ssyncset.done $0x0  }
0x12b: {  	[sflag:s0] =	ssyncadd.s32 $0xFFFF8000  }
0x12c: {  	v2 =	vld [tilespmem:s12+$0xFFFFFFC0];
	_ =	sdelay $0x4  }
0x12d: {  	vm0 =	vgt.s32 v2, $0x0  }
0x12e: {  	v2 =	vnsel vm0, $0x0, v2  }
0x12f: {  	v2 =	vmin.u32 v2, $0x3E7  }
0x130: {  	(v2sf) =	vpush v2, $0x0  }
0x131: {  	(v2sf) =	vpush v2, $0x1;
	_ =	sdelay $0x1  }
0x132: {  	(v2sf) =	vpush v2, $0x2  }
0x133: {  	(v2sf) =	vpush v2, $0x3;
	_ =	sdelay $0x1  }
0x134: {  	(v2sf) =	vpush v2, $0x4;
	_ =	sdelay $0x1  }
0x135: {  	(v2sf) =	vpush v2, $0x5  }
0x136: {  	(v2sf) =	vpush v2, $0x6;
	_ =	sdelay $0x1  }
0x137: {  	(v2sf) =	vpush v2, $0x7  }
0x138: {  	(v2sf) =	vpush v2, $0x8;
	_ =	sdelay $0x2  }
0x139: {  	s7 =	spop (v2sf);
	(v2sf) =	vpush v2, $0x9  }
0x13a: {  	s1 =	sshll.u32 s7, $0x3;
	s0 =	sand.u32 $0x70, s7;
	s3 =	spop (v2sf);
	(v2sf) =	vpush v2, $0xA  }
0x13b: {  	s1 =	sand.u32 $0x1C00, s1;
	s8 =	sshll.u32 s3, $0x3;
	s3 =	sand.u32 $0x70, s3  }
0x13c: {  	s4 =	spop (v2sf);
	(v2sf) =	vpush v2, $0xB;
	s0 =	sor.u32 s0, s1;
	s1 =	sand.u32 $0x1C00, s8  }
0x13d: {  	s9 =	sshll.u32 s4, $0x3;
	s14 =	spop (v2sf);
	(v2sf) =	vpush v2, $0xC;
	s4 =	sand.u32 $0x70, s4  }
0x13e: {  	s1 =	sor.u32 s3, s1;
	s3 =	sand.u32 $0x1C00, s9;
	s15 =	sshll.u32 s14, $0x3  }
0x13f: {  	s14 =	sand.u32 $0x70, s14;
	s16 =	spop (v2sf);
	(v2sf) =	vpush v2, $0xD;
	s15 =	sand.u32 $0x1C00, s15  }
0x140: {  	s3 =	sor.u32 s4, s3;
	s17 =	sshll.u32 s16, $0x3;
	s18 =	sand.u32 $0x70, s16  }
0x141: {  	s19 =	spop (v2sf);
	(v2sf) =	vpush v2, $0xE;
	s11 =	sor.u32 s14, s15;
	s14 =	sand.u32 $0x1C00, s17  }
0x142: {  	s20 =	sshll.u32 s19, $0x3;
	s17 =	spop (v2sf);
	(v2sf) =	vpush v2, $0xF;
	s16 =	sand.u32 $0x70, s19  }
0x143: {  	s14 =	sor.u32 s18, s14;
	s15 =	sand.u32 $0x1C00, s20;
	s18 =	sshll.u32 s17, $0x3  }
0x144: {  	s17 =	sand.u32 $0x70, s17;
	s19 =	spop (v2sf);
	s18 =	sand.u32 $0x1C00, s18  }
0x145: {  	s15 =	sor.u32 s16, s15;
	s22 =	sshll.u32 s19, $0x3;
	s24 =	spop (v2sf)  }
0x146: {  	[tilespmem:s0+$0x680] =	vst v0;
	s23 =	sand.u32 $0x70, s19;
	s21 =	sor.u32 s17, s18;
	s25 =	sshll.u32 s24, $0x3  }
0x147: {  	[tilespmem:s1+$0x700] =	vst v0;
	s17 =	sand.u32 $0x1C00, s22;
	s28 =	sand.u32 $0x70, s24;
	s1 =	sand.u32 $0x1C00, s25  }
0x148: {  	[tilespmem:s3+$0x780] =	vst v0;
	s0 =	sor.u32 s23, s17;
	s1 =	sor.u32 s28, s1;
	s26 =	spop (v2sf)  }
0x149: {  	[tilespmem:s11+$0x800] =	vst v0;
	s29 =	sshll.u32 s26, $0x3;
	s30 =	sand.u32 $0x70, s26;
	s6 =	spop (v2sf)  }
0x14a: {  	[tilespmem:s14+$0x880] =	vst v0;
	s31 =	sand.u32 $0x1C00, s29;
	s8 =	sshll.u32 s6, $0x3;
	s9 =	sand.u32 $0x70, s6  }
0x14b: {  	[tilespmem:s15+$0x900] =	vst v0;
	s11 =	spop (v2sf);
	s7 =	sor.u32 s30, s31;
	s4 =	sand.u32 $0x1C00, s8  }
0x14c: {  	[tilespmem:s21+$0x980] =	vst v0;
	s17 =	sshll.u32 s11, $0x3;
	s18 =	spop (v2sf);
	s19 =	sand.u32 $0x70, s11  }
0x14d: {  	[tilespmem:s0+$0xA00] =	vst v0;
	s4 =	sor.u32 s9, s4;
	s14 =	sand.u32 $0x1C00, s17;
	s20 =	sshll.u32 s18, $0x3  }
0x14e: {  	[tilespmem:s1+$0x2680] =	vst v0;
	s21 =	sand.u32 $0x70, s18;
	s22 =	spop (v2sf);
	s15 =	sand.u32 $0x1C00, s20  }
0x14f: {  	[tilespmem:s7+$0x2700] =	vst v0;
	s0 =	sor.u32 s19, s14;
	s23 =	sshll.u32 s22, $0x3;
	s24 =	sand.u32 $0x70, s22  }
0x150: {  	[tilespmem:s4+$0x2780] =	vst v0;
	s25 =	spop (v2sf);
	s1 =	sor.u32 s21, s15;
	s3 =	sand.u32 $0x1C00, s23  }
0x151: {  	[tilespmem:s0+$0x2800] =	vst v0;
	s28 =	sshll.u32 s25, $0x3;
	s29 =	spop (v2sf);
	s30 =	sand.u32 $0x70, s25  }
0x152: {  	s26 =	sor.u32 s24, s3;
	[tilespmem:s1+$0x2880] =	vst v0;
	s3 =	sand.u32 $0x1C00, s28;
	s31 =	sshll.u32 s29, $0x3  }
0x153: {  	s6 =	sand.u32 $0x70, s29;
	[tilespmem:s26+$0x2900] =	vst v0;
	s3 =	sor.u32 s30, s3;
	s7 =	sand.u32 $0x1C00, s31  }
0x154: {  	[tilespmem:s3+$0x2980] =	vst v0;
	s8 =	sor.u32 s6, s7  }
0x155: {  	[tilespmem:s8+$0x2A00] =	vst v0  }
0x156: {  	v2 =	vld [tilespmem:s12+$0xFFFFFFD0];
	_ =	sdelay $0x4  }
0x157: {  	vm15 =	vgt.s32 v2, $0x0  }
0x158: {  	v2 =	vnsel vm15, $0x0, v2  }
0x159: {  	v2 =	vmin.u32 v2, $0x3E7  }
0x15a: {  	(v2sf) =	vpush v2, $0x0  }
0x15b: {  	(v2sf) =	vpush v2, $0x1  }
0x15c: {  	(v2sf) =	vpush v2, $0x2  }
0x15d: {  	(v2sf) =	vpush v2, $0x3;
	_ =	sdelay $0x1  }
0x15e: {  	(v2sf) =	vpush v2, $0x4  }
0x15f: {  	(v2sf) =	vpush v2, $0x5;
	_ =	sdelay $0x1  }
0x160: {  	(v2sf) =	vpush v2, $0x6;
	_ =	sdelay $0x1  }
0x161: {  	(v2sf) =	vpush v2, $0x7  }
0x162: {  	(v2sf) =	vpush v2, $0x8;
	_ =	sdelay $0x1  }
0x163: {  	(v2sf) =	vpush v2, $0x9;
	_ =	sdelay $0x1  }
0x164: {  	(v2sf) =	vpush v2, $0xA;
	s9 =	spop (v2sf)  }
0x165: {  	s11 =	spop (v2sf);
	s23 =	sshll.u32 s9, $0x3;
	s0 =	sand.u32 $0x70, s9  }
0x166: {  	s14 =	spop (v2sf);
	s16 =	sand.u32 $0x1C00, s23;
	s25 =	sshll.u32 s11, $0x3  }
0x167: {  	(v2sf) =	vpush v2, $0xB;
	s1 =	sand.u32 $0x70, s11;
	s15 =	spop (v2sf);
	s0 =	sor.u32 s0, s16  }
0x168: {  	(v2sf) =	vpush v2, $0xC;
	s16 =	sand.u32 $0x1C00, s25;
	s28 =	sshll.u32 s14, $0x3;
	s3 =	sand.u32 $0x70, s14  }
0x169: {  	(v2sf) =	vpush v2, $0xD;
	s17 =	spop (v2sf);
	s1 =	sor.u32 s1, s16;
	s29 =	sand.u32 $0x1C00, s28  }
0x16a: {  	s30 =	sand.u32 $0x70, s15;
	s4 =	sshll.u32 s15, $0x3;
	s18 =	spop (v2sf)  }
0x16b: {  	(v2sf) =	vpush v2, $0xE;
	s3 =	sor.u32 s3, s29;
	s4 =	sand.u32 $0x1C00, s4;
	s31 =	sshll.u32 s17, $0x3  }
0x16c: {  	s14 =	sand.u32 $0x70, s17;
	s24 =	spop (v2sf);
	s19 =	sand.u32 $0x1C00, s31  }
0x16d: {  	(v2sf) =	vpush v2, $0xF;
	s4 =	sor.u32 s30, s4;
	s6 =	sand.u32 $0x70, s18;
	s15 =	sshll.u32 s18, $0x3  }
0x16e: {  	s26 =	spop (v2sf);
	s14 =	sor.u32 s14, s19;
	s7 =	sshll.u32 s24, $0x3  }
0x16f: {  	s15 =	sand.u32 $0x1C00, s15;
	s17 =	sand.u32 $0x70, s24;
	s20 =	spop (v2sf)  }
0x170: {  	s19 =	sand.u32 $0x1C00, s7;
	s8 =	sor.u32 s6, s15;
	s11 =	sand.u32 $0x70, s26  }
0x171: {  	[tilespmem:s0+$0x4680] =	vst v0;
	s18 =	sshll.u32 s26, $0x3;
	s21 =	spop (v2sf);
	s9 =	sor.u32 s17, s19  }
0x172: {  	[tilespmem:s1+$0x4700] =	vst v0;
	s19 =	sshll.u32 s20, $0x3;
	s23 =	sand.u32 $0x1C00, s18;
	s24 =	sand.u32 $0x70, s20  }
0x173: {  	[tilespmem:s3+$0x4780] =	vst v0;
	s22 =	spop (v2sf);
	s18 =	sand.u32 $0x1C00, s19;
	s1 =	sor.u32 s11, s23  }
0x174: {  	[tilespmem:s4+$0x4800] =	vst v0;
	s28 =	sand.u32 $0x70, s21;
	s29 =	sshll.u32 s21, $0x3;
	s26 =	sor.u32 s24, s18  }
0x175: {  	[tilespmem:s14+$0x4880] =	vst v0;
	s30 =	sshll.u32 s22, $0x3;
	s31 =	sand.u32 $0x1C00, s29;
	s6 =	sand.u32 $0x70, s22  }
0x176: {  	[tilespmem:s8+$0x4900] =	vst v0;
	s18 =	sand.u32 $0x1C00, s30;
	s0 =	sor.u32 s28, s31;
	s15 =	spop (v2sf)  }
0x177: {  	[tilespmem:s9+$0x4980] =	vst v0;
	s8 =	sor.u32 s6, s18;
	s25 =	spop (v2sf);
	s9 =	sand.u32 $0x70, s15  }
0x178: {  	[tilespmem:s1+$0x4A00] =	vst v0;
	s15 =	sshll.u32 s15, $0x3;
	s7 =	spop (v2sf);
	s11 =	sshll.u32 s25, $0x3  }
0x179: {  	[tilespmem:s26+$0x6680] =	vst v0;
	s15 =	sand.u32 $0x1C00, s15;
	s3 =	sand.u32 $0x70, s25;
	s17 =	sand.u32 $0x1C00, s11  }
0x17a: {  	[tilespmem:s0+$0x6700] =	vst v0;
	s18 =	sor.u32 s9, s15;
	s20 =	sshll.u32 s7, $0x3;
	s21 =	spop (v2sf)  }
0x17b: {  	[tilespmem:s8+$0x6780] =	vst v0;
	s14 =	sand.u32 $0x70, s7;
	s19 =	sor.u32 s3, s17;
	s3 =	sand.u32 $0x1C00, s20  }
0x17c: {  	[tilespmem:s18+$0x6800] =	vst v0;
	s23 =	sshll.u32 s21, $0x3;
	s24 =	spop (v2sf);
	s25 =	sand.u32 $0x70, s21  }
0x17d: {  	s22 =	sor.u32 s14, s3;
	[tilespmem:s19+$0x6880] =	vst v0;
	s3 =	sand.u32 $0x1C00, s23;
	s26 =	sshll.u32 s24, $0x3  }
0x17e: {  	s29 =	sand.u32 $0x70, s24;
	[tilespmem:s22+$0x6900] =	vst v0;
	s28 =	sor.u32 s25, s3;
	s30 =	sand.u32 $0x1C00, s26  }
0x17f: {  	[tilespmem:s28+$0x6980] =	vst v0;
	s31 =	sor.u32 s29, s30  }
0x180: {  	[tilespmem:s31+$0x6A00] =	vst v0  }
.LBB2_6:
0x181: {  	v2 =	vld [tilespmem:s12+$0x0];
	_ =	sdelay $0x4  }
0x182: {  	vm0 =	vgt.s32 v2, $0x0  }
0x183: {  	v3 =	vnsel vm0, $0x0, v2  }
0x184: {  	v3 =	vmin.u32 v3, $0x3E7  }
0x185: {  	v2 =	vshrl.u32 v2, $0x1B;
	(v2sf) =	vpush v3, $0x0  }
0x186: {  	(v2sf) =	vpush v2, $0x0;
	_ =	sdelay $0x1  }
0x187: {  	(v2sf) =	vpush v3, $0x1  }
0x188: {  	(v2sf) =	vpush v2, $0x1;
	_ =	sdelay $0x1  }
0x189: {  	(v2sf) =	vpush v3, $0x2  }
0x18a: {  	(v2sf) =	vpush v2, $0x2;
	_ =	sdelay $0x1  }
0x18b: {  	(v2sf) =	vpush v3, $0x3  }
0x18c: {  	(v2sf) =	vpush v2, $0x3;
	_ =	sdelay $0x1  }
0x18d: {  	(v2sf) =	vpush v3, $0x4  }
0x18e: {  	(v2sf) =	vpush v2, $0x4;
	_ =	sdelay $0x1  }
0x18f: {  	(v2sf) =	vpush v3, $0x5;
	s0 =	spop (v2sf)  }
0x190: {  	(v2sf) =	vpush v2, $0x5;
	s1 =	spop (v2sf)  }
0x191: {  	s3 =	sand.u32 $0xF, s0;
	s4 =	sshll.u32 s0, $0x3;
	s0 =	sand.u32 $0x70, s0  }
0x192: {  	(v2sf) =	vpush v3, $0x6;
	s1 =	sand.u32 $0x10, s1;
	s4 =	sand.u32 $0x1C00, s4;
	s15 =	spop (v2sf)  }
0x193: {  	s18 =	sor.u32 s1, s3;
	s14 =	sor.u32 s0, s4;
	s23 =	spop (v2sf)  }
0x194: {  	(v2sf) =	vpush v2, $0x6;
	s24 =	sand.u32 $0xF, s15;
	s25 =	sshll.u32 s15, $0x3;
	s26 =	sand.u32 $0x70, s15  }
0x195: {  	s0 =	sand.u32 $0x10, s23;
	s3 =	sand.u32 $0x1C00, s25;
	s16 =	spop (v2sf);
	(v2sf) =	vpush v3, $0x7  }
0x196: {  	s20 =	sor.u32 s0, s24;
	s15 =	sor.u32 s26, s3;
	s28 =	spop (v2sf);
	(v2sf) =	vpush v2, $0x7  }
0x197: {  	s29 =	sand.u32 $0xF, s16;
	s30 =	sshll.u32 s16, $0x3;
	s31 =	sand.u32 $0x70, s16  }
0x198: {  	s0 =	sand.u32 $0x10, s28;
	s3 =	sand.u32 $0x1C00, s30;
	s17 =	spop (v2sf);
	(v2sf) =	vpush v3, $0x8  }
0x199: {  	s23 =	sor.u32 s0, s29;
	s16 =	sor.u32 s31, s3;
	s4 =	spop (v2sf);
	(v2sf) =	vpush v2, $0x8  }
0x19a: {  	s6 =	sand.u32 $0xF, s17;
	s7 =	sshll.u32 s17, $0x3;
	s8 =	sand.u32 $0x70, s17  }
0x19b: {  	s0 =	sand.u32 $0x10, s4;
	s3 =	sand.u32 $0x1C00, s7;
	s19 =	spop (v2sf);
	(v2sf) =	vpush v3, $0x9  }
0x19c: {  	s25 =	sor.u32 s0, s6;
	s17 =	sor.u32 s8, s3;
	s9 =	spop (v2sf);
	(v2sf) =	vpush v2, $0x9  }
0x19d: {  	s11 =	sand.u32 $0xF, s19;
	s22 =	sshll.u32 s19, $0x3;
	s24 =	sand.u32 $0x70, s19  }
0x19e: {  	s0 =	sand.u32 $0x10, s9;
	s3 =	sand.u32 $0x1C00, s22;
	s21 =	spop (v2sf);
	(v2sf) =	vpush v3, $0xA  }
0x19f: {  	s26 =	sor.u32 s0, s11;
	s19 =	sor.u32 s24, s3;
	s28 =	spop (v2sf);
	(v2sf) =	vpush v2, $0xA  }
0x1a0: {  	s29 =	sand.u32 $0xF, s21;
	s30 =	sshll.u32 s21, $0x3;
	s31 =	sand.u32 $0x70, s21  }
0x1a1: {  	s0 =	sand.u32 $0x10, s28;
	s3 =	sand.u32 $0x1C00, s30;
	s22 =	spop (v2sf);
	(v2sf) =	vpush v3, $0xB  }
0x1a2: {  	s29 =	sor.u32 s0, s29;
	s21 =	sor.u32 s31, s3;
	s6 =	sand.u32 $0xF, s22  }
0x1a3: {  	s7 =	sshll.u32 s22, $0x3;
	s8 =	sand.u32 $0x70, s22;
	s4 =	spop (v2sf);
	(v2sf) =	vpush v2, $0xB  }
0x1a4: {  	s3 =	sand.u32 $0x1C00, s7;
	s0 =	sand.u32 $0x10, s4;
	s24 =	spop (v2sf);
	(v2sf) =	vpush v3, $0xC  }
0x1a5: {  	s22 =	sor.u32 s8, s3;
	s31 =	sor.u32 s0, s6;
	s9 =	spop (v2sf);
	(v2sf) =	vpush v2, $0xC  }
0x1a6: {  	s11 =	sand.u32 $0xF, s24;
	s28 =	sshll.u32 s24, $0x3;
	s30 =	sand.u32 $0x70, s24  }
0x1a7: {  	s0 =	sand.u32 $0x10, s9;
	s3 =	sand.u32 $0x1C00, s28;
	s28 =	spop (v2sf);
	(v2sf) =	vpush v3, $0xD  }
0x1a8: {  	s1 =	sor.u32 s0, s11;
	s24 =	sor.u32 s30, s3;
	s4 =	spop (v2sf);
	(v2sf) =	vpush v2, $0xD  }
0x1a9: {  	s6 =	sand.u32 $0xF, s28;
	s7 =	sshll.u32 s28, $0x3;
	s28 =	sand.u32 $0x70, s28;
	(v2sf) =	vpush v3, $0xE  }
0x1aa: {  	s0 =	sand.u32 $0x10, s4;
	s4 =	sand.u32 $0x1C00, s7;
	s30 =	spop (v2sf);
	(v2sf) =	vpush v2, $0xE  }
0x1ab: {  	s0 =	sor.u32 s0, s6;
	s28 =	sor.u32 s28, s4;
	s8 =	spop (v2sf);
	(v2sf) =	vpush v3, $0xF  }
0x1ac: {  	s9 =	sand.u32 $0xF, s30;
	s6 =	sshll.u32 s30, $0x3;
	s30 =	sand.u32 $0x70, s30;
	(v2sf) =	vpush v2, $0xF  }
0x1ad: {  	s3 =	sand.u32 $0x10, s8;
	s6 =	sand.u32 $0x1C00, s6;
	s11 =	spop (v2sf)  }
0x1ae: {  	s3 =	sor.u32 s3, s9;
	s30 =	sor.u32 s30, s6;
	s7 =	spop (v2sf);
	v2 =	vmov s18  }
0x1af: {  	s8 =	sand.u32 $0xF, s11;
	s9 =	sshll.u32 s11, $0x3;
	s11 =	sand.u32 $0x70, s11;
	vm7 =	veq.s32 v2, v1;
	v2 =	vmov s20  }
0x1b0: {  	s4 =	sand.u32 $0x10, s7;
	s18 =	sand.u32 $0x1C00, s9;
	s7 =	spop (v2sf);
	v3 =	vsel vm7, $0x3F800000, v0;
	vm8 =	veq.s32 v2, v1;
	v2 =	vmov s23  }
0x1b1: {  	s4 =	sor.u32 s4, s8;
	s18 =	sor.u32 s11, s18;
	s9 =	sand.u32 $0xF, s7;
	[tilespmem:s14+$0x680] =	vst v3;
	v3 =	vsel vm8, $0x3F800000, v0;
	vm9 =	veq.s32 v2, v1;
	v2 =	vmov s25  }
0x1b2: {  	s23 =	sshll.u32 s7, $0x3;
	s25 =	sand.u32 $0x70, s7;
	[tilespmem:s15+$0x700] =	vst v3;
	v3 =	vsel vm9, $0x3F800000, v0;
	vm10 =	veq.s32 v2, v1;
	v2 =	vmov s26;
	s8 =	spop (v2sf)  }
0x1b3: {  	s14 =	sand.u32 $0x1C00, s23;
	[tilespmem:s16+$0x780] =	vst v3;
	v3 =	vsel vm10, $0x3F800000, v0;
	vm11 =	veq.s32 v2, v1;
	v2 =	vmov s29;
	s6 =	sand.u32 $0x10, s8;
	s26 =	spop (v2sf)  }
0x1b4: {  	s11 =	sor.u32 s25, s14;
	[tilespmem:s17+$0x800] =	vst v3;
	v3 =	vsel vm11, $0x3F800000, v0;
	vm12 =	veq.s32 v2, v1;
	v2 =	vmov s31;
	s6 =	sor.u32 s6, s9;
	s7 =	spop (v2sf)  }
0x1b5: {  	[tilespmem:s19+$0x880] =	vst v3;
	v3 =	vsel vm12, $0x3F800000, v0;
	vm13 =	veq.s32 v2, v1;
	v2 =	vmov s1;
	s8 =	sand.u32 $0xF, s26;
	s9 =	sshll.u32 s26, $0x3;
	s17 =	sand.u32 $0x70, s26  }
0x1b6: {  	[tilespmem:s21+$0x900] =	vst v3;
	v3 =	vsel vm13, $0x3F800000, v0;
	vm14 =	veq.s32 v2, v1;
	v2 =	vmov s0;
	s14 =	sand.u32 $0x10, s7;
	s16 =	sand.u32 $0x1C00, s9;
	s19 =	spop (v2sf)  }
0x1b7: {  	[tilespmem:s22+$0x980] =	vst v3;
	v3 =	vsel vm14, $0x3F800000, v0;
	vm15 =	veq.s32 v2, v1;
	s20 =	sor.u32 s14, s8;
	s1 =	sor.u32 s17, s16;
	s21 =	spop (v2sf)  }
0x1b8: {  	v2 =	vmov s3;
	[tilespmem:s24+$0xA00] =	vst v3;
	v3 =	vsel vm15, $0x3F800000, v0;
	s22 =	sand.u32 $0xF, s19;
	s25 =	sshll.u32 s19, $0x3;
	s23 =	spop (v2sf)  }
0x1b9: {  	vm4 =	veq.s32 v2, v1;
	v2 =	vmov s4;
	[tilespmem:s28+$0x2680] =	vst v3;
	s28 =	sand.u32 $0x70, s19;
	s14 =	sand.u32 $0x10, s21;
	s26 =	spop (v2sf)  }
0x1ba: {  	v3 =	vsel vm4, $0x3F800000, v0;
	vm5 =	veq.s32 v2, v1;
	v2 =	vmov s6;
	s4 =	sand.u32 $0x1C00, s25;
	s3 =	sor.u32 s14, s22;
	s29 =	spop (v2sf)  }
0x1bb: {  	[tilespmem:s30+$0x2700] =	vst v3;
	v3 =	vsel vm5, $0x3F800000, v0;
	vm6 =	veq.s32 v2, v1;
	v2 =	vmov s20;
	s31 =	sand.u32 $0xF, s23;
	s14 =	sand.u32 $0x10, s26;
	s7 =	spop (v2sf)  }
0x1bc: {  	[tilespmem:s18+$0x2780] =	vst v3;
	v3 =	vsel vm6, $0x3F800000, v0;
	vm7 =	veq.s32 v2, v1;
	v2 =	vmov s3;
	s0 =	sor.u32 s14, s31;
	s8 =	sand.u32 $0xF, s29;
	s9 =	sand.u32 $0x10, s7  }
0x1bd: {  	s4 =	sor.u32 s28, s4;
	[tilespmem:s11+$0x2800] =	vst v3;
	v3 =	vsel vm7, $0x3F800000, v0;
	s11 =	sshll.u32 s23, $0x3;
	vm8 =	veq.s32 v2, v1;
	v2 =	vmov s0;
	s3 =	sor.u32 s9, s8  }
0x1be: {  	[tilespmem:s1+$0x2880] =	vst v3;
	s14 =	sand.u32 $0x70, s23;
	s15 =	sshll.u32 s29, $0x3;
	v3 =	vsel vm8, $0x3F800000, v0;
	s0 =	sand.u32 $0x1C00, s11;
	vm9 =	veq.s32 v2, v1;
	v2 =	vmov s3  }
0x1bf: {  	s16 =	sand.u32 $0x70, s29;
	[tilespmem:s4+$0x2900] =	vst v3;
	s0 =	sor.u32 s14, s0;
	v3 =	vsel vm9, $0x3F800000, v0;
	s3 =	sand.u32 $0x1C00, s15;
	vm10 =	veq.s32 v2, v1  }
0x1c0: {  	[tilespmem:s0+$0x2980] =	vst v3;
	s17 =	sor.u32 s16, s3;
	v2 =	vsel vm10, $0x3F800000, v0  }
0x1c1: {  	[tilespmem:s17+$0x2A00] =	vst v2  }
0x1c2: {  	v2 =	vld [tilespmem:s12+$0x10];
	_ =	sdelay $0x4  }
0x1c3: {  	vm11 =	vgt.s32 v2, $0x0  }
0x1c4: {  	v3 =	vnsel vm11, $0x0, v2  }
0x1c5: {  	v3 =	vmin.u32 v3, $0x3E7  }
0x1c6: {  	v2 =	vshrl.u32 v2, $0x1B;
	(v2sf) =	vpush v3, $0x0  }
0x1c7: {  	(v2sf) =	vpush v2, $0x0  }
0x1c8: {  	(v2sf) =	vpush v3, $0x1  }
0x1c9: {  	(v2sf) =	vpush v2, $0x1;
	_ =	sdelay $0x1  }
0x1ca: {  	(v2sf) =	vpush v3, $0x2;
	_ =	sdelay $0x1  }
0x1cb: {  	(v2sf) =	vpush v2, $0x2;
	_ =	sdelay $0x1  }
0x1cc: {  	(v2sf) =	vpush v3, $0x3  }
0x1cd: {  	(v2sf) =	vpush v2, $0x3;
	_ =	sdelay $0x1  }
0x1ce: {  	(v2sf) =	vpush v3, $0x4  }
0x1cf: {  	(v2sf) =	vpush v2, $0x4  }
0x1d0: {  	(v2sf) =	vpush v3, $0x5  }
0x1d1: {  	(v2sf) =	vpush v2, $0x5;
	s18 =	spop (v2sf)  }
0x1d2: {  	s19 =	spop (v2sf);
	s21 =	sand.u32 $0xF, s18  }
0x1d3: {  	s22 =	sshll.u32 s18, $0x3;
	s20 =	spop (v2sf);
	s1 =	sand.u32 $0x10, s19  }
0x1d4: {  	(v2sf) =	vpush v3, $0x6;
	s0 =	sand.u32 $0x70, s18;
	s16 =	sor.u32 s1, s21;
	s23 =	spop (v2sf)  }
0x1d5: {  	(v2sf) =	vpush v2, $0x6;
	s1 =	sand.u32 $0x1C00, s22;
	s25 =	sand.u32 $0xF, s20;
	s28 =	sshll.u32 s20, $0x3  }
0x1d6: {  	s3 =	sand.u32 $0x70, s20;
	s24 =	spop (v2sf);
	s26 =	sand.u32 $0x10, s23  }
0x1d7: {  	(v2sf) =	vpush v3, $0x7;
	s14 =	sor.u32 s0, s1;
	s0 =	sand.u32 $0x1C00, s28;
	s18 =	sor.u32 s26, s25  }
0x1d8: {  	(v2sf) =	vpush v2, $0x7;
	s29 =	spop (v2sf);
	s15 =	sor.u32 s3, s0;
	s31 =	sand.u32 $0xF, s24  }
0x1d9: {  	(v2sf) =	vpush v3, $0x8;
	s3 =	sshll.u32 s24, $0x3;
	s8 =	sand.u32 $0x70, s24;
	s1 =	sand.u32 $0x10, s29  }
0x1da: {  	(v2sf) =	vpush v2, $0x8;
	s30 =	spop (v2sf);
	s0 =	sand.u32 $0x1C00, s3;
	s21 =	sor.u32 s1, s31  }
0x1db: {  	s7 =	spop (v2sf);
	s17 =	sor.u32 s8, s0;
	s19 =	sand.u32 $0xF, s30  }
0x1dc: {  	(v2sf) =	vpush v3, $0x9;
	s20 =	sshll.u32 s30, $0x3;
	s24 =	sand.u32 $0x70, s30;
	s1 =	sand.u32 $0x10, s7  }
0x1dd: {  	(v2sf) =	vpush v2, $0x9;
	s9 =	spop (v2sf);
	s0 =	sand.u32 $0x1C00, s20;
	s23 =	sor.u32 s1, s19  }
0x1de: {  	(v2sf) =	vpush v3, $0xA;
	s22 =	spop (v2sf);
	s26 =	sand.u32 $0xF, s9;
	s19 =	sor.u32 s24, s0  }
0x1df: {  	(v2sf) =	vpush v2, $0xA;
	s29 =	sshll.u32 s9, $0x3;
	s30 =	sand.u32 $0x70, s9;
	s25 =	spop (v2sf)  }
0x1e0: {  	s1 =	sand.u32 $0x10, s22;
	s0 =	sand.u32 $0x1C00, s29;
	s28 =	spop (v2sf)  }
0x1e1: {  	s26 =	sor.u32 s1, s26;
	s20 =	sor.u32 s30, s0;
	s6 =	sand.u32 $0xF, s25  }
0x1e2: {  	(v2sf) =	vpush v3, $0xB;
	s8 =	sshll.u32 s25, $0x3;
	s4 =	sand.u32 $0x70, s25;
	s7 =	sand.u32 $0x10, s28  }
0x1e3: {  	(v2sf) =	vpush v2, $0xB;
	s0 =	sand.u32 $0x1C00, s8;
	s28 =	sor.u32 s7, s6;
	s31 =	spop (v2sf)  }
0x1e4: {  	s22 =	sor.u32 s4, s0;
	s9 =	spop (v2sf);
	s4 =	sand.u32 $0xF, s31  }
0x1e5: {  	s7 =	sshll.u32 s31, $0x3;
	s3 =	sand.u32 $0x70, s31;
	s1 =	sand.u32 $0x10, s9  }
0x1e6: {  	s11 =	spop (v2sf);
	(v2sf) =	vpush v3, $0xC;
	s0 =	sand.u32 $0x1C00, s7;
	s29 =	sor.u32 s1, s4  }
0x1e7: {  	s8 =	spop (v2sf);
	(v2sf) =	vpush v2, $0xC;
	s24 =	sor.u32 s3, s0;
	s25 =	sand.u32 $0xF, s11  }
0x1e8: {  	s30 =	sshll.u32 s11, $0x3;
	s6 =	sand.u32 $0x70, s11;
	s9 =	spop (v2sf);
	(v2sf) =	vpush v3, $0xD  }
0x1e9: {  	s1 =	sand.u32 $0x10, s8;
	s0 =	sand.u32 $0x1C00, s30;
	s31 =	spop (v2sf);
	(v2sf) =	vpush v2, $0xD  }
0x1ea: {  	s1 =	sor.u32 s1, s25;
	s25 =	sor.u32 s6, s0;
	s6 =	sand.u32 $0xF, s9  }
0x1eb: {  	s7 =	sshll.u32 s9, $0x3;
	s11 =	spop (v2sf);
	(v2sf) =	vpush v3, $0xE;
	s3 =	sand.u32 $0x10, s31  }
0x1ec: {  	s4 =	sand.u32 $0x70, s9;
	s0 =	sor.u32 s3, s6;
	s8 =	spop (v2sf);
	(v2sf) =	vpush v2, $0xE  }
0x1ed: {  	s3 =	sand.u32 $0x1C00, s7;
	s9 =	sand.u32 $0xF, s11;
	s7 =	spop (v2sf);
	(v2sf) =	vpush v3, $0xF  }
0x1ee: {  	s6 =	sand.u32 $0x10, s8;
	s30 =	sor.u32 s4, s3;
	s8 =	spop (v2sf);
	(v2sf) =	vpush v2, $0xF  }
0x1ef: {  	s31 =	sor.u32 s6, s9;
	s9 =	sshll.u32 s11, $0x3;
	s11 =	sand.u32 $0x70, s11  }
0x1f0: {  	v3 =	vmov s18;
	s6 =	sand.u32 $0xF, s7;
	s18 =	sshll.u32 s7, $0x3;
	s7 =	sand.u32 $0x70, s7  }
0x1f1: {  	v2 =	vmov s16;
	s4 =	spop (v2sf);
	s3 =	sand.u32 $0x1C00, s9;
	s9 =	sand.u32 $0x10, s8  }
0x1f2: {  	vm13 =	veq.s32 v3, v1;
	vm12 =	veq.s32 v2, v1;
	s16 =	sor.u32 s11, s3;
	s11 =	spop (v2sf);
	s3 =	sand.u32 $0x1C00, s18  }
0x1f3: {  	v3 =	vmov s23;
	v2 =	vmov s21;
	s6 =	sor.u32 s9, s6;
	v4 =	vsel vm12, $0x3F800000, v0;
	s18 =	sshll.u32 s4, $0x3;
	s3 =	sor.u32 s7, s3  }
0x1f4: {  	v53 =	vsel vm13, $0x3F800000, v0;
	vm15 =	veq.s32 v3, v1;
	vm14 =	veq.s32 v2, v1;
	[tilespmem:s14+$0x4680] =	vst v4;
	s14 =	sand.u32 $0xF, s4;
	s8 =	sand.u32 $0x10, s11;
	s4 =	sand.u32 $0x70, s4  }
0x1f5: {  	v3 =	vmov s28;
	v2 =	vmov s26;
	v54 =	vsel vm14, $0x3F800000, v0;
	[tilespmem:s15+$0x4700] =	vst v53;
	s7 =	sor.u32 s8, s14;
	s8 =	sand.u32 $0x1C00, s18;
	s9 =	spop (v2sf)  }
0x1f6: {  	v55 =	vsel vm15, $0x3F800000, v0;
	vm5 =	veq.s32 v3, v1;
	vm4 =	veq.s32 v2, v1;
	[tilespmem:s17+$0x4780] =	vst v54;
	s4 =	sor.u32 s4, s8;
	s15 =	spop (v2sf);
	s23 =	sand.u32 $0xF, s9  }
0x1f7: {  	v3 =	vmov s1;
	v2 =	vmov s29;
	v56 =	vsel vm4, $0x3F800000, v0;
	[tilespmem:s19+$0x4800] =	vst v55;
	s28 =	sshll.u32 s9, $0x3;
	s21 =	spop (v2sf);
	s14 =	sand.u32 $0x10, s15  }
0x1f8: {  	v57 =	vsel vm5, $0x3F800000, v0;
	vm7 =	veq.s32 v3, v1;
	vm6 =	veq.s32 v2, v1;
	[tilespmem:s20+$0x4880] =	vst v56;
	s11 =	sand.u32 $0x70, s9;
	s26 =	spop (v2sf);
	s8 =	sor.u32 s14, s23  }
0x1f9: {  	v3 =	vmov s31;
	v2 =	vmov s0;
	v58 =	vsel vm6, $0x3F800000, v0;
	[tilespmem:s22+$0x4900] =	vst v57;
	s14 =	sand.u32 $0x1C00, s28;
	s31 =	sand.u32 $0xF, s21;
	s17 =	sshll.u32 s21, $0x3  }
0x1fa: {  	v59 =	vsel vm7, $0x3F800000, v0;
	vm8 =	veq.s32 v2, v1;
	[tilespmem:s24+$0x4980] =	vst v58;
	s15 =	sand.u32 $0x70, s21;
	s29 =	spop (v2sf);
	s11 =	sor.u32 s11, s14  }
0x1fb: {  	vm9 =	veq.s32 v3, v1;
	v2 =	vmov s6;
	v60 =	vsel vm8, $0x3F800000, v0;
	[tilespmem:s25+$0x4A00] =	vst v59;
	s1 =	sand.u32 $0x10, s26;
	s14 =	sand.u32 $0x1C00, s17;
	s9 =	spop (v2sf)  }
0x1fc: {  	v3 =	vmov s7;
	v61 =	vsel vm9, $0x3F800000, v0;
	vm10 =	veq.s32 v2, v1;
	[tilespmem:s30+$0x6680] =	vst v60;
	s1 =	sor.u32 s1, s31;
	s19 =	sand.u32 $0xF, s29;
	s18 =	spop (v2sf)  }
0x1fd: {  	vm11 =	veq.s32 v3, v1;
	v2 =	vsel vm10, $0x3F800000, v0;
	[tilespmem:s16+$0x6700] =	vst v61;
	v3 =	vmov s8;
	s24 =	sor.u32 s15, s14;
	s6 =	sand.u32 $0x10, s9;
	s20 =	spop (v2sf)  }
0x1fe: {  	v62 =	vsel vm11, $0x3F800000, v0;
	[tilespmem:s3+$0x6780] =	vst v2;
	vm12 =	veq.s32 v3, v1;
	v2 =	vmov s1;
	s21 =	sor.u32 s6, s19;
	s22 =	sand.u32 $0xF, s18;
	s23 =	sand.u32 $0x10, s20  }
0x1ff: {  	s26 =	sshll.u32 s29, $0x3;
	s0 =	sand.u32 $0x70, s29;
	[tilespmem:s4+$0x6800] =	vst v62;
	v63 =	vsel vm12, $0x3F800000, v0;
	vm13 =	veq.s32 v2, v1;
	v3 =	vmov s21;
	s25 =	sor.u32 s23, s22  }
.Ltmp6:
0x200: {  	s3 =	sand.u32 $0x1C00, s26;
	[tilespmem:s11+$0x6880] =	vst v63;
	s28 =	sshll.u32 s18, $0x3;
	v2 =	vsel vm13, $0x3F800000, v0;
	vm14 =	veq.s32 v3, v1;
	v3 =	vmov s25;
	(pc) =	sbr.rel @p0 .LBB2_8-.Ltmp6, $4  }
0x201: {  	s0 =	sor.u32 s0, s3;
	s29 =	sand.u32 $0x70, s18;
	s1 =	sand.u32 $0x1C00, s28;
	[tilespmem:s24+$0x6900] =	vst v2;
	v2 =	vsel vm14, $0x3F800000, v0;
	vm15 =	veq.s32 v3, v1  }
0x202: {  	s30 =	sor.u32 s29, s1;
	[tilespmem:s0+$0x6980] =	vst v2;
	v2 =	vsel vm15, $0x3F800000, v0  }
0x203: {  	s14 =	sadd.s32 s13, s5;
	s31 =	simm.s32 $0x680;
	[tilespmem:s30+$0x6A00] =	vst v2  }
0x204: {  	[hbm4b:s14+s2] =	stream.linear.scatter [tilespmem:s31], [sflag:$0x1], $0x8000, $0x38;
	[tilespmem:$0x10680] =	vst v63  }
0x205: {  	_ =	swait.ge [sflag:s10], $0x8000  }
0x206: {  	[sflag:s10] =	ssyncset.done $0x0  }
0x207: {  	[sflag:s10] =	ssyncadd.s32 $0xFFFF8000  }
0x208: {  	v2 =	vld [tilespmem:s12+$0xFFFFFFE0];
	_ =	sdelay $0x4  }
0x209: {  	vm0 =	vgt.s32 v2, $0x0  }
0x20a: {  	v2 =	vnsel vm0, $0x0, v2  }
0x20b: {  	v2 =	vmin.u32 v2, $0x3E7  }
0x20c: {  	(v2sf) =	vpush v2, $0x0  }
0x20d: {  	(v2sf) =	vpush v2, $0x1;
	_ =	sdelay $0x1  }
0x20e: {  	(v2sf) =	vpush v2, $0x2  }
0x20f: {  	(v2sf) =	vpush v2, $0x3;
	_ =	sdelay $0x1  }
0x210: {  	(v2sf) =	vpush v2, $0x4;
	_ =	sdelay $0x1  }
0x211: {  	(v2sf) =	vpush v2, $0x5  }
0x212: {  	(v2sf) =	vpush v2, $0x6;
	_ =	sdelay $0x1  }
0x213: {  	(v2sf) =	vpush v2, $0x7  }
0x214: {  	(v2sf) =	vpush v2, $0x8;
	_ =	sdelay $0x2  }
0x215: {  	s0 =	spop (v2sf);
	(v2sf) =	vpush v2, $0x9  }
0x216: {  	s1 =	sshll.u32 s0, $0x3;
	s0 =	sand.u32 $0x70, s0;
	s3 =	spop (v2sf);
	(v2sf) =	vpush v2, $0xA  }
0x217: {  	s1 =	sand.u32 $0x1C00, s1;
	s7 =	sshll.u32 s3, $0x3;
	s3 =	sand.u32 $0x70, s3  }
0x218: {  	s4 =	spop (v2sf);
	(v2sf) =	vpush v2, $0xB;
	s0 =	sor.u32 s0, s1;
	s1 =	sand.u32 $0x1C00, s7  }
0x219: {  	s8 =	sshll.u32 s4, $0x3;
	s6 =	spop (v2sf);
	(v2sf) =	vpush v2, $0xC;
	s4 =	sand.u32 $0x70, s4  }
0x21a: {  	s1 =	sor.u32 s3, s1;
	s3 =	sand.u32 $0x1C00, s8;
	s7 =	sshll.u32 s6, $0x3  }
0x21b: {  	s6 =	sand.u32 $0x70, s6;
	s8 =	spop (v2sf);
	(v2sf) =	vpush v2, $0xD;
	s7 =	sand.u32 $0x1C00, s7  }
0x21c: {  	s3 =	sor.u32 s4, s3;
	s15 =	sshll.u32 s8, $0x3;
	s16 =	sand.u32 $0x70, s8  }
0x21d: {  	s17 =	spop (v2sf);
	(v2sf) =	vpush v2, $0xE;
	s9 =	sor.u32 s6, s7;
	s6 =	sand.u32 $0x1C00, s15  }
0x21e: {  	s18 =	sshll.u32 s17, $0x3;
	s11 =	spop (v2sf);
	(v2sf) =	vpush v2, $0xF;
	s8 =	sand.u32 $0x70, s17  }
0x21f: {  	s6 =	sor.u32 s16, s6;
	s7 =	sand.u32 $0x1C00, s18;
	s15 =	sshll.u32 s11, $0x3  }
0x220: {  	s11 =	sand.u32 $0x70, s11;
	s16 =	spop (v2sf);
	s15 =	sand.u32 $0x1C00, s15  }
0x221: {  	[tilespmem:s0+$0x8680] =	vst v0;
	s7 =	sor.u32 s8, s7;
	s20 =	sshll.u32 s16, $0x3;
	s22 =	spop (v2sf)  }
0x222: {  	[tilespmem:s1+$0x8700] =	vst v0;
	s21 =	sand.u32 $0x70, s16;
	s19 =	sor.u32 s11, s15;
	s23 =	sshll.u32 s22, $0x3  }
0x223: {  	[tilespmem:s3+$0x8780] =	vst v0;
	s11 =	sand.u32 $0x1C00, s20;
	s25 =	sand.u32 $0x70, s22;
	s1 =	sand.u32 $0x1C00, s23  }
0x224: {  	[tilespmem:s9+$0x8800] =	vst v0;
	s0 =	sor.u32 s21, s11;
	s1 =	sor.u32 s25, s1;
	s24 =	spop (v2sf)  }
0x225: {  	[tilespmem:s6+$0x8880] =	vst v0;
	s26 =	sshll.u32 s24, $0x3;
	s28 =	sand.u32 $0x70, s24;
	s30 =	spop (v2sf)  }
0x226: {  	[tilespmem:s7+$0x8900] =	vst v0;
	s29 =	sand.u32 $0x1C00, s26;
	s6 =	sshll.u32 s30, $0x3;
	s7 =	sand.u32 $0x70, s30  }
0x227: {  	s9 =	spop (v2sf);
	s31 =	sor.u32 s28, s29;
	s4 =	sand.u32 $0x1C00, s6  }
0x228: {  	[tilespmem:s19+$0x8980] =	vst v0;
	s11 =	sshll.u32 s9, $0x3;
	s15 =	spop (v2sf);
	s16 =	sand.u32 $0x70, s9  }
0x229: {  	[tilespmem:s0+$0x8A00] =	vst v0;
	s4 =	sor.u32 s7, s4;
	s6 =	sand.u32 $0x1C00, s11;
	s17 =	sshll.u32 s15, $0x3  }
0x22a: {  	[tilespmem:s1+$0xA680] =	vst v0;
	s18 =	sand.u32 $0x70, s15;
	s19 =	spop (v2sf);
	s7 =	sand.u32 $0x1C00, s17  }
0x22b: {  	[tilespmem:s31+$0xA700] =	vst v0;
	s0 =	sor.u32 s16, s6;
	s20 =	sshll.u32 s19, $0x3;
	s21 =	sand.u32 $0x70, s19  }
0x22c: {  	[tilespmem:s4+$0xA780] =	vst v0;
	s22 =	spop (v2sf);
	s1 =	sor.u32 s18, s7;
	s3 =	sand.u32 $0x1C00, s20  }
0x22d: {  	[tilespmem:s0+$0xA800] =	vst v0;
	s24 =	sshll.u32 s22, $0x3;
	s25 =	spop (v2sf);
	s26 =	sand.u32 $0x70, s22  }
0x22e: {  	s23 =	sor.u32 s21, s3;
	[tilespmem:s1+$0xA880] =	vst v0;
	s3 =	sand.u32 $0x1C00, s24;
	s28 =	sshll.u32 s25, $0x3  }
0x22f: {  	s30 =	sand.u32 $0x70, s25;
	[tilespmem:s23+$0xA900] =	vst v0;
	s29 =	sor.u32 s26, s3;
	s31 =	sand.u32 $0x1C00, s28  }
0x230: {  	[tilespmem:s29+$0xA980] =	vst v0;
	s3 =	sor.u32 s30, s31  }
0x231: {  	[tilespmem:s3+$0xAA00] =	vst v0  }
0x232: {  	v2 =	vld [tilespmem:s12+$0xFFFFFFF0];
	_ =	sdelay $0x4  }
0x233: {  	vm15 =	vgt.s32 v2, $0x0  }
0x234: {  	v2 =	vnsel vm15, $0x0, v2  }
0x235: {  	v2 =	vmin.u32 v2, $0x3E7  }
0x236: {  	(v2sf) =	vpush v2, $0x0  }
0x237: {  	(v2sf) =	vpush v2, $0x1  }
0x238: {  	(v2sf) =	vpush v2, $0x2;
	_ =	sdelay $0x1  }
0x239: {  	(v2sf) =	vpush v2, $0x3  }
0x23a: {  	(v2sf) =	vpush v2, $0x4;
	_ =	sdelay $0x1  }
0x23b: {  	(v2sf) =	vpush v2, $0x5;
	_ =	sdelay $0x1  }
0x23c: {  	(v2sf) =	vpush v2, $0x6  }
0x23d: {  	(v2sf) =	vpush v2, $0x7;
	_ =	sdelay $0x1  }
0x23e: {  	(v2sf) =	vpush v2, $0x8;
	_ =	sdelay $0x1  }
0x23f: {  	(v2sf) =	vpush v2, $0x9  }
0x240: {  	(v2sf) =	vpush v2, $0xA;
	s4 =	spop (v2sf)  }
0x241: {  	s6 =	spop (v2sf)  }
0x242: {  	s19 =	sshll.u32 s4, $0x3;
	s0 =	sand.u32 $0x70, s4;
	s7 =	spop (v2sf)  }
0x243: {  	s8 =	sand.u32 $0x1C00, s19;
	s21 =	sshll.u32 s6, $0x3;
	s1 =	sand.u32 $0x70, s6  }
0x244: {  	(v2sf) =	vpush v2, $0xB;
	s9 =	spop (v2sf);
	s0 =	sor.u32 s0, s8;
	s8 =	sand.u32 $0x1C00, s21  }
0x245: {  	(v2sf) =	vpush v2, $0xC;
	s23 =	sshll.u32 s7, $0x3;
	s3 =	sand.u32 $0x70, s7;
	s11 =	spop (v2sf)  }
0x246: {  	(v2sf) =	vpush v2, $0xD;
	s1 =	sor.u32 s1, s8;
	s24 =	sand.u32 $0x1C00, s23;
	s25 =	sand.u32 $0x70, s9  }
0x247: {  	s4 =	sshll.u32 s9, $0x3;
	s15 =	spop (v2sf);
	s3 =	sor.u32 s3, s24  }
0x248: {  	(v2sf) =	vpush v2, $0xE;
	s4 =	sand.u32 $0x1C00, s4;
	s26 =	sshll.u32 s11, $0x3;
	s6 =	sand.u32 $0x70, s11  }
0x249: {  	s20 =	spop (v2sf);
	s16 =	sand.u32 $0x1C00, s26;
	s4 =	sor.u32 s25, s4  }
0x24a: {  	(v2sf) =	vpush v2, $0xF;
	s28 =	sand.u32 $0x70, s15;
	s7 =	sshll.u32 s15, $0x3;
	s22 =	spop (v2sf)  }
0x24b: {  	s6 =	sor.u32 s6, s16;
	s29 =	sshll.u32 s20, $0x3;
	s7 =	sand.u32 $0x1C00, s7  }
0x24c: {  	s11 =	sand.u32 $0x70, s20;
	s17 =	spop (v2sf);
	s16 =	sand.u32 $0x1C00, s29  }
0x24d: {  	[tilespmem:s0+$0xC680] =	vst v0;
	s30 =	sor.u32 s28, s7;
	s9 =	sand.u32 $0x70, s22;
	s15 =	sshll.u32 s22, $0x3  }
0x24e: {  	[tilespmem:s1+$0xC700] =	vst v0;
	s18 =	spop (v2sf);
	s31 =	sor.u32 s11, s16;
	s16 =	sshll.u32 s17, $0x3  }
0x24f: {  	[tilespmem:s3+$0xC780] =	vst v0;
	s20 =	sand.u32 $0x1C00, s15;
	s21 =	sand.u32 $0x70, s17;
	s19 =	spop (v2sf)  }
0x250: {  	[tilespmem:s4+$0xC800] =	vst v0;
	s15 =	sand.u32 $0x1C00, s16;
	s1 =	sor.u32 s9, s20;
	s24 =	sand.u32 $0x70, s18  }
0x251: {  	[tilespmem:s6+$0xC880] =	vst v0;
	s25 =	sshll.u32 s18, $0x3;
	s23 =	sor.u32 s21, s15;
	s26 =	sshll.u32 s19, $0x3  }
0x252: {  	[tilespmem:s30+$0xC900] =	vst v0;
	s28 =	sand.u32 $0x1C00, s25;
	s29 =	sand.u32 $0x70, s19;
	s15 =	sand.u32 $0x1C00, s26  }
0x253: {  	[tilespmem:s31+$0xC980] =	vst v0;
	s0 =	sor.u32 s24, s28;
	s31 =	sor.u32 s29, s15;
	s7 =	spop (v2sf)  }
0x254: {  	s22 =	spop (v2sf);
	s9 =	sand.u32 $0x70, s7;
	s7 =	sshll.u32 s7, $0x3  }
0x255: {  	[tilespmem:s1+$0xCA00] =	vst v0;
	s30 =	spop (v2sf);
	s15 =	sshll.u32 s22, $0x3;
	s16 =	sand.u32 $0x1C00, s7  }
0x256: {  	[tilespmem:s23+$0xE680] =	vst v0;
	s3 =	sand.u32 $0x70, s22;
	s17 =	sand.u32 $0x1C00, s15;
	s18 =	sor.u32 s9, s16  }
0x257: {  	[tilespmem:s0+$0xE700] =	vst v0;
	s20 =	sshll.u32 s30, $0x3;
	s21 =	spop (v2sf);
	s6 =	sand.u32 $0x70, s30  }
0x258: {  	[tilespmem:s31+$0xE780] =	vst v0;
	s19 =	sor.u32 s3, s17;
	s3 =	sand.u32 $0x1C00, s20;
	s23 =	sshll.u32 s21, $0x3  }
.Ltmp7:
0x259: {  	[tilespmem:s18+$0xE800] =	vst v0;
	s24 =	spop (v2sf);
	s25 =	sand.u32 $0x70, s21;
	(pc) =	sbr.rel .LBB2_8-.Ltmp7, $4  }
0x25a: {  	s22 =	sor.u32 s6, s3;
	[tilespmem:s19+$0xE880] =	vst v0;
	s3 =	sand.u32 $0x1C00, s23;
	s26 =	sshll.u32 s24, $0x3  }
0x25b: {  	s29 =	sand.u32 $0x70, s24;
	[tilespmem:s22+$0xE900] =	vst v0;
	s28 =	sor.u32 s25, s3;
	s30 =	sand.u32 $0x1C00, s26  }
0x25c: {  	[tilespmem:s28+$0xE980] =	vst v0;
	s31 =	sor.u32 s29, s30  }
0x25d: {  	[tilespmem:s31+$0xEA00] =	vst v0  }
.LBB2_10:
0x25e: {  	_ =	sfence.sel $0x180000  }
0x25f: {  	[bflag:$0x0] =	sbarrier.arrive $0xFFFF  }
0x260: {  	_ =	strace $0x90000047  }
0x261: {  	s0 =	stileid.u32;
	[bflag:$0x2] =	sbarrier.arrive $0xFFFF  }
0x262: {  	p0 =	sne.s32 s0, $0x0;
	s0 =	rddreg [dreg:$0x2]  }
0x263: {  	s0 =	sadd.s32 @!p0 $0x100000, s0  }
0x264: {  	[sflag:s0] =	ssyncadd.tile.s32 @!p0 $0x1;
	_ =	shalt  }
.Lfunc_end2:
_tile_overlayer_lowered:
.L_overlay_start_2:
0x265: {  	(tag) =	ssettag $0x2  }
0x266: {  	s0 =	rddreg [dreg:$0x0];
	s2 =	stileid.u32  }
0x267: {  	s1 =	rddreg [dreg:$0x1];
	p0 =	sne.s32 s2, $0x0  }
0x268: {  	s3 =	rddreg [dreg:$0x2];
	[bflag:$0x3] =	sbarrier.arrive $0xFFFF;
	s2 =	simm.s32 @!p0 $0x1C03  }
0x269: {  	[timem:s3], [sflag:s2] =	dma.local @!p0 [hbm:s0], s1  }
0x26a: {  	s0 =	simm.s32 @!p0 $0x3  }
0x26b: {  	_ =	swait.ge @!p0 [sflag:s0], s1  }
0x26c: {  	s1 =	ssub.s32 @!p0 $0x0, s1;
	[sflag:s0] =	ssyncset.done @!p0 $0x0  }
0x26d: {  	[sflag:s0] =	ssyncadd.s32 @!p0 s1  }
0x26e: {  	[bflag:$0x3] =	sbarrier.arrive $0xFFFF  }
0x26f: {  	_ =	shalt  }

// kernel: sparse-core-data-format-call.cloned.1.call-start
scs
called_computation_lowered:
.L_overlay_start_0:
0x0: {  	s2 =	sld [smem:$0x3FD9]  }
0x1: {  	s3 =	sld [smem:$0x3FFE];
	_ =	sdelay $0x1  }
0x2: {  	s1 =	srdreg.scid  }
0x3: {  	s0 =	sand.u32 $0x1, s1  }
0x4: {  	s18 =	sshll.u32 s0, $0xA;
	s2 =	sadd.s32 s3, s2  }
0x5: {  	s2 =	sadd.s32 s2, s18  }
0x6: {  	[smem:$0x3FC7] =	sst s2  }
0x7: {  	_ = 	snop  }
0x8: {  	s2 =	sld [smem:$0x3FD0];
	(tm) =	ssettm $0x1  }
0x9: {  	s19 =	sld [smem:$0x3FFB];
	_ =	sdelay $0x3  }
0xa: {  	_ =	strace s19  }
0xb: {  	s3 =	sld [smem:$0x3FFC];
	_ =	sdelay $0x3  }
0xc: {  	_ =	strace s3  }
0xd: {  	s3 =	sld [smem:$0x3FFD];
	_ =	sdelay $0x3  }
0xe: {  	_ =	strace s3  }
0xf: {  	_ =	strace $0x8FFFFFFF  }
0x10: {  	s20 =	sld [smem:$0x3FDB];
	_ =	sdelay $0x1  }
0x11: {  	s4 =	simm.s32 $_scs_section_size  }
0x12: {  	s5 =	simm.s32 $_size__tile_overlayer_lowered;
	s6 =	simm.s32 $_tile_overlayer_lowered  }
0x13: {  	s23 =	simm.s32 $0x1BFF;
	s22 =	sshll.u32 s6, $0x1;
	s3 =	sadd.s32 s4, s20  }
0x14: {  	s7 =	simm.s32 $0x0;
	s21 =	sshll.u32 s5, $0x1;
	s5 =	sadd.s32 s22, s3  }
0x15: {  	[timem:s7], [sflag:s23] =	dma.local [hbm:s5], s21  }
0x16: {  	_ =	swait.ge [sflag:s23], s21  }
0x17: {  	s4 =	ssub.s32 $0x0, s21;
	[sflag:s23] =	ssyncset.done $0x0  }
0x18: {  	[sflag:s23] =	ssyncadd.s32 s4;
	_ =	sdelay $0x1  }
0x19: {  	s24 =	simm.s32 $0x1B8B  }
0x1a: {  	_ =	swait.ge [sflag:s24], $0x1  }
0x1b: {  	[sflag:s24] =	ssyncset.done $0x0  }
0x1c: {  	s26 =	simm.s32 $0x1B8E;
	s25 =	sld [smem:$0x3FFE];
	[sflag:s24] =	ssyncadd.s32 $0xFFFFFFFF  }
0x1d: {  	s27 =	simm.s32 $execute0_lowered;
	[smem:$0x3FD2] =	sst s26  }
0x1e: {  	s5 =	sshll.u32 s27, $0x1;
	_ =	strace $0x80000049;
	[dreg:$0x1] =	wrdreg $0xFFFFFFFF  }
0x1f: {  	s28 =	simm.s32 $_size_execute0_lowered;
	s3 =	sadd.s32 s3, s5;
	[dreg:$0x0] =	wrdreg $0x0  }
0x20: {  	s5 =	sshll.u32 s28, $0x1;
	[dreg:$0x2] =	wrdreg s3  }
0x21: {  	[dreg:$0x3] =	wrdreg s5  }
0x22: {  	[dreg:$0x4] =	wrdreg $0xC0  }
0x23: {  	_ =	task [dreg:s7], $0x5FFFF  }
0x24: {  	[dreg:$0x1] =	wrdreg $0xFFFFFFFF  }
0x25: {  	[dreg:$0x0] =	wrdreg $0x60  }
0x26: {  	[dreg:$0x2] =	wrdreg s25  }
0x27: {  	[dreg:$0x3] =	wrdreg s2  }
0x28: {  	[dreg:$0x4] =	wrdreg $0x9  }
0x29: {  	_ =	task.clear_ibuf [dreg:s7], $0x5FFFF;
	_ =	strace $0x90000049  }
0x2a: {  	s29 =	simm.s32 $0x9;
	_ =	strace $0x8000004B  }
0x2b: {  	_ =	swait.ge [sflag:s29], $0x1  }
0x2c: {  	[sflag:s29] =	ssyncadd.s32 $0xFFFFFFFF  }
0x2d: {  	_ =	strace $0x9000004B  }
0x2e: {  	_ =	sfence  }
0x2f: {  	s30 =	sld [smem:$0x0];
	_ =	sdelay $0x2  }
0x30: {  	s31 =	sshll.u32 s1, $0xD;
	s1 =	sshrl.u32 s1, $0x2  }
0x31: {  	s3 =	sand.u32 $0x4000, s31;
	s1 =	sadd.s32 s1, s30  }
0x32: {  	s0 =	sor.u32 s3, s0;
	s1 =	sshll.u32 s1, $0x11  }
0x33: {  	s0 =	sor.u32 s1, s0  }
0x34: {  	s0 =	sadd.s32 $0x8F2B, s0  }
0x35: {  	[sflag:s0] =	ssyncadd.remote.s32 $0x1  }
0x36: {  	_ =	sfence.sel $0xFFFF  }
0x37: {  	[dreg:$0x0] =	wrdreg $0xFFFFFFFF;
	(pc) =	sbr.abs _section_cstart, $3  }
0x38: {  	[dreg:$0x1] =	wrdreg $0xFFFFFFFF  }
0x39: {  	_ =	task.clear_ibuf [dreg:s7], $0x2FFFF;
	_ =	strace $0x9FFFFFFF  }
0x3a: {  	(tm) =	ssettm $0x7FFFFFFF  }
0x3b: {  	_ =	shalt  }
tec
execute0_lowered:
.L_overlay_start_1:
0x0: {  	(tag) =	ssettag $0x1  }
0x1: {  	s4 =	rddreg [dreg:$0x0]  }
0x2: {  	s0 =	stileid.u32;
	s2 =	rddreg [dreg:$0x1]  }
0x3: {  	s7 =	srdreg.scid;
	s31 =	simm.s32 $0x2;
	s17 =	simm.s32 $0x0  }
0x4: {  	s9 =	simm.s32 $0x2000;
	s19 =	simm.s32 $0x0;
	s18 =	simm.s32 $0x0  }
0x5: {  	s10 =	simm.s32 $0x0;
	s11 =	simm.s32 $0x0;
	s1 =	sshll.u32 s0, $0x7  }
0x6: {  	s12 =	simm.s32 $0x0;
	s14 =	simm.s32 $0x0;
	s3 =	sand.u32 $0x380, s1  }
0x7: {  	s16 =	simm.s32 $0x0;
	s4 =	sadd.s32 $0x640800, s4;
	s5 =	ssub.s32 $0x400, s3  }
0x8: {  	s8 =	sshll.u32 s0, $0x4;
	s7 =	sshll.u32 s7, $0x8;
	s6 =	sand.u32 $0x380, s5  }
0x9: {  	s1 =	rddreg [dreg:$0x2];
	p0 =	sne.s32 s6, $0x0;
	s6 =	simm.s32 $0x1  }
.Ltmp0:
0xa: {  	s5 =	sshrl.u32 s5, $0xA;
	s6 =	simm.s32 @!p0 $0x0;
	(pc) =	sbr.rel .LBB1_1-.Ltmp0, $4  }
0xb: {  	_ =	strace $0x8000004A;
	s7 =	sor.u32 s8, s7;
	s6 =	sadd.s32 s6, s5  }
0xc: {  	s7 =	sand.u32 $0x180, s7;
	s5 =	simm.s32 $0x1;
	s6 =	smul.u32 $0x64, s6  }
0xd: {  	s15 =	smov.u32 s3;
	s13 =	smov.u32 s7;
	[sflag:s5] =	ssyncpa.u1 $0x0  }
0xe: {  	p0 =	por $0x0, $0x0;
	[sflag:s31] =	ssyncpa.u1 $0x0;
	s8 =	sor.u32 $0x1, s6  }
.LBB1_4:
0xf: {  	s25 =	sshll.u32 s10, $0xA;
	s24 =	sshra.s32 s24, $0x2;
	s26 =	sshll.u32 s12, $0x3  }
0x10: {  	p1 =	sgt.s32 s11, $0x31;
	s27 =	smov.u32 s11;
	s28 =	sshra.s32 s11, $0x1F  }
0x11: {  	p2 =	sgt.s32 s12, $0x380;
	s31 =	sshra.s32 s12, $0x1F;
	s25 =	sand.u32 $0xFFFFE000, s25  }
0x12: {  	s26 =	sand.u32 $0xFFFFFC00, s26;
	s27 =	simm.s32 @!p1 $0x31;
	s28 =	sand.u32 s28, s11  }
0x13: {  	[tilespmem:s22+$0x2040 ss:$0x81] =	vst.msk $0xffff, v4;
	s23 =	sadd.s32 s24, s23;
	s29 =	sadd.s32 s26, s25;
	s25 =	ssub.s32 s27, s28  }
0x14: {  	[tilespmem:s22+$0x2850 ss:$0x81] =	vst.msk $0xffff, v3;
	s27 =	smov.u32 s12;
	s28 =	smov.u32 s10;
	s26 =	sand.u32 s31, s12  }
0x15: {  	[tilespmem:s22+$0x3060 ss:$0x81] =	vst.msk $0xffff, v2;
	s24 =	sshrl.u32 s29, $0xA;
	s30 =	sadd.s32 $0xFFFFFFCF, s25;
	s27 =	simm.s32 @!p2 $0x380  }
0x16: {  	v5 =	vld [tilespmem:s21+$0xFFFFFFD0];
	[tilespmem:s22+$0x0 ss:$0x81] =	vst.msk $0xffff, v1;
	p2 =	sgt.s32 s10, $0x368;
	s29 =	sshra.s32 s10, $0x1F;
	s22 =	ssub.s32 $0x32, s25  }
0x17: {  	v58 =	vld [tilespmem:s21+$0xFFFFFFE0];
	p1 =	sgt.s32 s30, $0x0;
	s28 =	simm.s32 @!p2 $0x368;
	s29 =	sand.u32 s29, s10  }
0x18: {  	v59 =	vld [tilespmem:s21+$0xFFFFFFF0];
	s26 =	ssub.s32 s27, s26;
	s27 =	smulhi.u32 $0x418938, s24;
	s28 =	ssub.s32 s28, s29  }
0x19: {  	v60 =	vld [tilespmem:s21+$0x0];
	s30 =	sadd.s32 $0xFFFFFC80, s26;
	s25 =	ssub.s32 $0x400, s26;
	s22 =	simm.s32 @p1 $0x0  }
0x1a: {  	v61 =	vld [tilespmem:s21+$0x10];
	[tilespmem:s23+$0x3870 ss:$0x81] =	vst.msk $0xffff, v0;
	s29 =	sand.u32 $0x78, s12;
	p2 =	sgt.s32 s30, $0x7F;
	s31 =	sadd.s32 $0xFFFFFC98, s28  }
0x1b: {  	v62 =	vld [tilespmem:s21+$0x20];
	[tilespmem:s23+$0x810 ss:$0x81] =	vst.msk $0xffff, v5;
	s27 =	smul.u32 $0x3E8, s27;
	s30 =	sshll.u32 s10, $0x7;
	s28 =	ssub.s32 $0x3E8, s28  }
0x1c: {  	v63 =	vld [tilespmem:s21+$0xFFFFFFC0];
	[tilespmem:s23+$0x1020 ss:$0x81] =	vst.msk $0xffff, v58;
	s25 =	simm.s32 @p2 $0x0;
	p1 =	sgt.s32 s31, $0x7F;
	s31 =	smul.u32 $0x1F400, s11  }
0x1d: {  	[tilespmem:s23+$0x1830 ss:$0x81] =	vst.msk $0xffff, v59;
	s21 =	sand.u32 $0x380, s30;
	s22 =	smul.u32 s25, s22;
	s28 =	simm.s32 @p1 $0x0  }
0x1e: {  	[tilespmem:s23+$0x2040 ss:$0x81] =	vst.msk $0xffff, v60;
	s21 =	sor.u32 s29, s21;
	s24 =	ssub.s32 s24, s27;
	s29 =	sand.u32 $0x7, s12  }
0x1f: {  	[tilespmem:s23+$0x2850 ss:$0x81] =	vst.msk $0xffff, v61;
	s21 =	sshrl.u32 s21, $0x3;
	s25 =	sadd.s32 s2, s31;
	s22 =	smul.u32 s28, s22  }
0x20: {  	[tilespmem:s23+$0x3060 ss:$0x81] =	vst.msk $0xffff, v62;
	s24 =	sshll.u32 s24, $0x7;
	s30 =	sshll.u32 s29, $0x12;
	s21 =	sadd.s32 s21, s25  }
0x21: {  	[tilespmem:s23+$0x0 ss:$0x81] =	vst.msk $0xffff, v63;
	s31 =	sor.u32 $0x400, s30;
	s21 =	sadd.s32 s24, s21;
	s22 =	sand.u32 $0x3FFFFFFF, s22  }
0x22: {  	[hbm4b:s21+s31] =	stream.strided.scatter [tilespmem:s20], [sflag:$0x2], s22, s9, s31, $0x20;
	[tilespmem:$0x10100] =	vst v63  }
.LBB1_5:
0x23: {  	p1 =	slt.u32 s16, $0x2  }
0x24: {  	p2 =	sgt.s32 @!p1 s19, $0x31  }
0x25: {  	s20 =	smov.u32 s19;
	s21 =	sshra.s32 @!p1 s19, $0x1F;
	p2 =	por !p2, p1  }
0x26: {  	s19 =	sand.u32 @!p1 s21, s19;
	s20 =	simm.s32 @p2 $0x31  }
0x27: {  	p3 =	sgt.s32 @!p1 s17, $0x368;
	s19 =	ssub.s32 @!p1 s20, s19  }
0x28: {  	p4 =	sgt.s32 @!p1 s18, $0x380;
	s22 =	sshra.s32 @!p1 s18, $0x1F;
	s20 =	sadd.s32 @!p1 $0xFFFFFFCF, s19  }
0x29: {  	s21 =	smov.u32 s17;
	p2 =	sgt.s32 @!p1 s20, $0x0;
	s20 =	sshra.s32 @!p1 s17, $0x1F  }
0x2a: {  	p4 =	por !p4, p1;
	s17 =	sand.u32 @!p1 s20, s17;
	s20 =	smov.u32 s18  }
0x2b: {  	p3 =	por !p3, p1;
	s18 =	sand.u32 @!p1 s22, s18;
	s20 =	simm.s32 @p4 $0x380  }
0x2c: {  	s21 =	simm.s32 @p3 $0x368;
	s19 =	ssub.s32 @!p1 $0x32, s19;
	s18 =	ssub.s32 @!p1 s20, s18  }
0x2d: {  	p2 =	por !p2, p1;
	s17 =	ssub.s32 @!p1 s21, s17;
	s21 =	sadd.s32 @!p1 $0xFFFFFC80, s18  }
0x2e: {  	s19 =	simm.s32 @!p2 $0x0;
	p3 =	sgt.s32 @!p1 s21, $0x7F  }
0x2f: {  	s20 =	sadd.s32 @!p1 $0xFFFFFC98, s17;
	s18 =	ssub.s32 @!p1 $0x400, s18;
	p3 =	por !p3, p1  }
0x30: {  	p2 =	sgt.s32 @!p1 s20, $0x7F;
	s20 =	sadd.s32 $0x200, s13;
	s18 =	simm.s32 @!p3 $0x0  }
0x31: {  	p3 =	sgt.s32 s20, $0x3E7;
	s18 =	smul.u32 @!p1 s18, s19;
	s19 =	simm.s32 $0x1  }
0x32: {  	s17 =	ssub.s32 @!p1 $0x3E8, s17;
	p2 =	por !p2, p1;
	s19 =	simm.s32 @!p3 $0x0  }
0x33: {  	s22 =	smov.u32 s15;
	s17 =	simm.s32 @!p2 $0x0;
	s21 =	sadd.s32 s19, s14  }
0x34: {  	s17 =	smul.u32 @!p1 s17, s18;
	s18 =	sadd.s32 $0x400, s15;
	p2 =	sgt.s32 s21, $0x31  }
0x35: {  	p0 =	por !p0, !p0;
	s23 =	simm.s32 @!p1 $0x2;
	s22 =	smov.u32 @p2 s18  }
0x36: {  	s20 =	smov.u32 @p3 s7;
	s21 =	simm.s32 @p2 $0x0;
	p2 =	sgt.s32 s22, $0x3FF  }
0x37: {  	s19 =	smov.u32 s11;
	s22 =	smov.u32 @p2 s3;
	p2 =	sne.s32 s16, s8  }
.Ltmp1:
0x38: {  	s11 =	smov.u32 s14;
	s17 =	sand.u32 @!p1 $0x3FFFFFFF, s17;
	(pc) =	sbr.rel @!p2 .LBB1_6-.Ltmp1, $4  }
0x39: {  	s18 =	smov.u32 s12;
	s12 =	smov.u32 s15;
	_ =	swait.ge @!p1 [sflag:s23], s17  }
0x3a: {  	s24 =	ssub.s32 @!p1 $0x0, s17;
	s17 =	smov.u32 s10;
	s10 =	smov.u32 s13  }
0x3b: {  	s13 =	smov.u32 s20;
	s14 =	smov.u32 s21;
	[sflag:s23] =	ssyncset.done @!p1 $0x0  }
0x3c: {  	s16 =	sadd.s32 $0x1, s16;
	[sflag:s23] =	ssyncadd.s32 @!p1 s24;
	s15 =	smov.u32 s22  }
.LBB1_1:
0x3d: {  	p1 =	sge.u32 s16, s6  }
0x3e: {  	s20 =	sshll.u32 @!p1 s14, $0xA  }
0x3f: {  	s21 =	sshll.u32 @!p1 s13, $0x3;
	s20 =	sand.u32 @!p1 $0xFFFFE000, s20  }
0x40: {  	s20 =	sadd.s32 @!p1 s20, s21  }
0x41: {  	s20 =	sshrl.u32 @!p1 s20, $0xA  }
0x42: {  	s21 =	smulhi.u32 @!p1 $0x4924925, s20  }
0x43: {  	s22 =	sshll.u32 @!p1 s14, $0x7;
	s24 =	smul.u32 @!p1 $0x1C00, s15  }
0x44: {  	s23 =	sand.u32 @!p1 $0x78, s13;
	s22 =	sand.u32 @!p1 $0x380, s22;
	s21 =	smul.u32 @!p1 $0x38, s21  }
0x45: {  	s31 =	sadd.s32 $0xFFFFFFFF, s16;
	s22 =	sor.u32 @!p1 s23, s22;
	s23 =	sadd.s32 @!p1 s4, s24  }
0x46: {  	s22 =	sshrl.u32 @!p1 s22, $0x3;
	s20 =	ssub.s32 @!p1 s20, s21;
	s21 =	sxor.u32 @!p1 $0xFFFFFFFF, s16  }
0x47: {  	s22 =	sadd.s32 @!p1 s22, s23;
	s23 =	sand.u32 @!p1 $0x7, s13;
	s21 =	sshll.u32 @!p1 s21, $0xE  }
0x48: {  	s23 =	sshll.u32 @!p1 s23, $0x12;
	s20 =	sshll.u32 @!p1 s20, $0x7;
	s21 =	sand.u32 @!p1 $0x4000, s21  }
0x49: {  	s20 =	sadd.s32 @!p1 s20, s22;
	s22 =	sor.u32 @!p1 $0x80, s23;
	s23 =	simm.s32 @!p1 $0xE000  }
0x4a: {  	[tilespmem:s21], [sflag:$0x1] =	stream.strided.gather @!p1 [hbm4b:s20+s22], $0x4000, s23, s22, $0x38;
	[tilespmem:$0x10100] =	vst v63  }
0x4b: {  	p1 =	sge.u32 s31, s6  }
.Ltmp2:
0x4c: {  	_ = 	snop;
	(pc) =	sbr.rel @p1 .LBB1_5-.Ltmp2, $1  }
0x4d: {  	_ =	sdelay $0x3  }
0x4e: {  	s20 =	simm.s32 $0x1  }
0x4f: {  	_ =	swait.ge [sflag:s5], $0x4000;
	s20 =	simm.s32 @!p0 $0x0  }
0x50: {  	[sflag:s5] =	ssyncset.done $0x0;
	s21 =	sshll.u32 s20, $0xE  }
0x51: {  	[sflag:s5] =	ssyncadd.s32 $0xFFFFC000;
	s21 =	sor.u32 $0x40, s21  }
0x52: {  	s20 =	smul.u32 $0x10200, s20;
	v0 =	vld [tilespmem:s21+$0x30]  }
0x53: {  	v1 =	vld [tilespmem:s21+$0xFFFFFFD0]  }
0x54: {  	s20 =	sshrl.u32 s20, $0x2;
	v5 =	vld [tilespmem:s21+$0xFFFFFFE0]  }
0x55: {  	v6 =	vld [tilespmem:s21+$0xFFFFFFF0];
	s23 =	sor.u32 $0x8000, s20  }
0x56: {  	s31 =	sand.u32 $0x1, s16;
	v4 =	vld [tilespmem:s21+$0x0];
	s22 =	sadd.s32 $0x0, s23  }
0x57: {  	v3 =	vld [tilespmem:s21+$0x10];
	s20 =	smul.u32 $0x10200, s31;
	[tilespmem:s22+$0x3870 ss:$0x81] =	vst.msk $0xffff, v0  }
0x58: {  	v2 =	vld [tilespmem:s21+$0x20];
	[tilespmem:s22+$0x810 ss:$0x81] =	vst.msk $0xffff, v1  }
0x59: {  	s20 =	sshrl.u32 s20, $0x2;
	v1 =	vld [tilespmem:s21+$0xFFFFFFC0];
	[tilespmem:s22+$0x1020 ss:$0x81] =	vst.msk $0xffff, v5;
	s21 =	sadd.s32 $0x80, s21  }
0x5a: {  	s24 =	simm.s32 $0x4;
	s25 =	simm.s32 $0x8;
	s20 =	sor.u32 $0x8000, s20;
	[tilespmem:s22+$0x1830 ss:$0x81] =	vst.msk $0xffff, v6;
	v0 =	vld [tilespmem:s21+$0x30]  }
.LBB1_3:
0x5b: {  	p1 =	sne.s32 s25, $0x1FC;
	v5 =	vld [tilespmem:s21+$0xFFFFFFD0];
	[tilespmem:s22+$0x2040 ss:$0x81] =	vst.msk $0xffff, v4  }
0x5c: {  	v6 =	vld [tilespmem:s21+$0xFFFFFFE0];
	[tilespmem:s22+$0x2850 ss:$0x81] =	vst.msk $0xffff, v3  }
0x5d: {  	s26 =	sshra.s32 s24, $0x2;
	s24 =	smov.u32 s25;
	v7 =	vld [tilespmem:s21+$0xFFFFFFF0];
	[tilespmem:s22+$0x3060 ss:$0x81] =	vst.msk $0xffff, v2  }
.Ltmp3:
0x5e: {  	v4 =	vld [tilespmem:s21+$0x0];
	[tilespmem:s22+$0x0 ss:$0x81] =	vst.msk $0xffff, v1;
	s22 =	sadd.s32 s26, s23;
	(pc) =	sbr.rel @p1 .LBB1_3-.Ltmp3, $4  }
0x5f: {  	v3 =	vld [tilespmem:s21+$0x10];
	[tilespmem:s22+$0x3870 ss:$0x81] =	vst.msk $0xffff, v0  }
0x60: {  	[tilespmem:s22+$0x810 ss:$0x81] =	vst.msk $0xffff, v5;
	v2 =	vld [tilespmem:s21+$0x20]  }
0x61: {  	v1 =	vld [tilespmem:s21+$0xFFFFFFC0];
	[tilespmem:s22+$0x1020 ss:$0x81] =	vst.msk $0xffff, v6;
	s21 =	sadd.s32 $0x80, s21  }
0x62: {  	s25 =	sadd.s32 $0x4, s25;
	v0 =	vld [tilespmem:s21+$0x30];
	[tilespmem:s22+$0x1830 ss:$0x81] =	vst.msk $0xffff, v7  }
.Ltmp4:
0x63: {  	_ = 	snop;
	(pc) =	sbr.rel .LBB1_4-.Ltmp4, $1  }
0x64: {  	_ =	sdelay $0x3  }
.LBB1_6:
0x65: {  	_ =	sfence.sel $0x180000  }
0x66: {  	s2 =	simm.s32 $0x1;
	[bflag:$0x0] =	sbarrier.arrive $0xFFFF  }
0x67: {  	s31 =	simm.s32 $0x2;
	[sflag:s2] =	ssyncpa.u1 $0x1  }
0x68: {  	[sflag:s31] =	ssyncpa.u1 $0x1  }
0x69: {  	p0 =	sne.s32 s0, $0x0;
	_ =	strace $0x9000004A  }
0x6a: {  	s0 =	sadd.s32 @!p0 $0x100000, s1;
	[bflag:$0x2] =	sbarrier.arrive $0xFFFF  }
0x6b: {  	[sflag:s0] =	ssyncadd.tile.s32 @!p0 $0x1;
	_ =	shalt  }
.Lfunc_end1:
_tile_overlayer_lowered:
.L_overlay_start_2:
0x6c: {  	(tag) =	ssettag $0x2  }
0x6d: {  	s0 =	rddreg [dreg:$0x0];
	s2 =	stileid.u32  }
0x6e: {  	s1 =	rddreg [dreg:$0x1];
	p0 =	sne.s32 s2, $0x0  }
0x6f: {  	s3 =	rddreg [dreg:$0x2];
	[bflag:$0x3] =	sbarrier.arrive $0xFFFF;
	s2 =	simm.s32 @!p0 $0x1C01  }
0x70: {  	[timem:s3], [sflag:s2] =	dma.local @!p0 [hbm:s0], s1  }
0x71: {  	s0 =	simm.s32 @!p0 $0x1  }
0x72: {  	_ =	swait.ge @!p0 [sflag:s0], s1  }
0x73: {  	s1 =	ssub.s32 @!p0 $0x0, s1;
	[sflag:s0] =	ssyncset.done @!p0 $0x0  }
0x74: {  	[sflag:s0] =	ssyncadd.s32 @!p0 s1  }
0x75: {  	[bflag:$0x3] =	sbarrier.arrive $0xFFFF  }
0x76: {  	_ =	shalt  }

</sc_bundles>
